<compile_context>
chip_gen: v7x
topology: tpu7x:2x2x1
jax: 0.10.2.dev20260603
libtpu: 0.0.44.dev20260713+nightly
codegen_flags: <defaults>
</compile_context>

<pallas_src>
import functools

import jax
import jax.numpy as jnp
from jax import lax
from jax.experimental import pallas as pl
from jax.experimental.pallas import tpu as pltpu
from jax.experimental.pallas import tpu_sc as plsc

NC = 2
NS = 16
L = 16
NW = NC * NS

f32 = jnp.float32
i32 = jnp.int32

_SC_PARAMS = pltpu.CompilerParams(use_tc_tiling_on_sc=False,
                                  needs_layout_passes=False)


def _rsqrt16(x):
    xi = plsc.bitcast(x, i32)
    yi = jnp.int32(0x5F3759DF) - (xi >> 1)
    y = plsc.bitcast(yi, f32)
    for _ in range(3):
        y = y * (1.5 - 0.5 * x * y * y)
    return y


def _tanh16(x):
    e = jnp.exp(x * 2.0)
    return 1.0 - 2.0 / (e + 1.0)


def _edge_pass(g_v, acc_v, ev, w, ept, jc):
    @pl.loop(0, ept // L, unroll=5)
    def _(i):
        e16 = ev[pl.ds(i * L, L)]
        s16 = e16 & 0x3FFF
        dlo = (e16 >> 14) & 15
        dhi = e16 >> 18
        ms = [plsc.load_gather(g_v, [jc[j], s16]) for j in range(w)]
        for j in range(w):
            plsc.addupdate_scatter(acc_v, [dlo, jc[j], dhi], ms[j])


def _zero_acc(acc_v, w, cols):
    z = jnp.zeros((L,), f32)

    @pl.loop(0, cols // L)
    def _(i):
        sl = pl.ds(i * L, L)
        for r in range(NS):
            for j in range(w):
                acc_v[r, j, sl] = z


def _make_l1_kernel(np_, ept):
    npt = np_ // NS
    npc = np_ // L
    cpt = npc // NS
    w = 4
    mesh = plsc.VectorSubcoreMesh(core_axis_name="c", subcore_axis_name="s")

    @functools.partial(
        pl.kernel,
        out_type=(
            jax.ShapeDtypeStruct((NC, NS, L, w, cpt), f32),
            jax.ShapeDtypeStruct((np_,), f32),
        ),
        mesh=mesh,
        compiler_params=_SC_PARAMS,
        scratch_types=[
            pltpu.VMEM_SHARED((w, np_), f32),
            pltpu.VMEM_SHARED((L, w, npc), f32),
            pltpu.VMEM_SHARED((L, npc), f32),
            pltpu.VMEM((w, np_), f32),
            pltpu.VMEM((L, w, npc), f32),
            pltpu.VMEM((L, npc), f32),
            pltpu.VMEM((ept,), i32),
            pltpu.VMEM((npt, w), f32),
            pltpu.VMEM((npt,), f32),
            pltpu.VMEM((w, npt), f32),
            pltpu.VMEM((L, w, cpt), f32),
            pltpu.SemaphoreType.DMA,
            pltpu.SemaphoreType.DMA,
        ],
    )
    def l1_kernel(hp1_hbm, ev_hbm,
                  accp_out, dinv_out,
                  g_sh, acc_sh, cnt_sh, g_v, acc_v, cnt, ev,
                  hp_v, dinv_v, gbuf, ibuf, sem0, sem1):
        c = lax.axis_index("c")
        s = lax.axis_index("s")
        base_n = s * npt
        csl = pl.ds(s * cpt, cpt)
        half = ((s < NS // 2) & (c == 0)) | ((s >= NS // 2) & (c == 1))
        fcond = jnp.where(half, 1.0, 0.0)
        eb = s * (2 * ept)
        own = eb + c * ept
        other = eb + (1 - c) * ept

        cp_hp = pltpu.async_copy(hp1_hbm.at[pl.ds(base_n, npt), :], hp_v, sem0)
        cp_e1 = pltpu.async_copy(ev_hbm.at[pl.ds(other, ept)], ev, sem1)

        z = jnp.zeros((L,), f32)
        lanes = lax.iota(i32, L)
        zi = jnp.zeros((L,), i32)
        jc = [jnp.full((L,), j, i32) for j in range(w)]
        iot = lax.iota(i32, L)

        @pl.loop(0, npc // L)
        def _(i):
            sl = pl.ds(i * L, L)
            for r in range(L):
                cnt[r, sl] = z

        pltpu.sync_copy(cnt.at[:, csl], cnt_sh.at[:, csl])
        plsc.subcore_barrier()

        ones = jnp.ones((L,), f32)
        cp_e1.wait()

        @pl.loop(0, ept // L, unroll=5)
        def _(i):
            e16 = ev[pl.ds(i * L, L)]
            plsc.addupdate_scatter(cnt, [(e16 >> 14) & 15, e16 >> 18], ones)

        cp_e2 = pltpu.async_copy(ev_hbm.at[pl.ds(own, ept)], ev, sem1)
        cp_e2.wait()

        @pl.loop(0, ept // L, unroll=5)
        def _(i):
            e16 = ev[pl.ds(i * L, L)]
            plsc.addupdate_scatter(cnt, [(e16 >> 14) & 15, e16 >> 18], ones)

        pltpu.sync_copy(cnt, cnt_sh.at[iot], add=True)
        plsc.subcore_barrier()
        plsc.subcore_barrier()
        pltpu.sync_copy(cnt_sh.at[:, csl], cnt.at[:, pl.ds(0, cpt)])

        cp_hp.wait()

        @pl.loop(0, npt // L)
        def _(i):
            sl = pl.ds(i * L, L)
            rows = lanes + i * L
            ifull = zi + i
            deg = plsc.load_gather(cnt, [lanes, ifull]) + 1.0
            dv = _rsqrt16(deg)
            dinv_v[sl] = dv
            for j in range(w):
                gj = dv * plsc.load_gather(hp_v, [rows, jc[j]])
                gbuf[j, sl] = gj
                plsc.store_scatter(ibuf, [lanes, jc[j], ifull], gj * fcond)

        for j in range(w):
            pltpu.sync_copy(gbuf.at[j], g_sh.at[j, pl.ds(base_n, npt)])
        pltpu.sync_copy(ibuf, acc_sh.at[:, :, csl])

        @pl.when(c == 0)
        def _():
            pltpu.sync_copy(dinv_v, dinv_out.at[pl.ds(base_n, npt)])

        plsc.subcore_barrier()
        plsc.subcore_barrier()
        cp_g = pltpu.async_copy(g_sh, g_v, sem0)
        _zero_acc(acc_v, w, npc)
        cp_g.wait()
        _edge_pass(g_v, acc_v, ev, w, ept, jc)
        pltpu.sync_copy(acc_v, acc_sh.at[iot], add=True)
        plsc.subcore_barrier()
        plsc.subcore_barrier()
        pltpu.sync_copy(acc_sh.at[:, :, csl], accp_out.at[c, s])

    return l1_kernel


def _make_mid_kernel(np_, ept, w_in, w_out, b_off, w_off):
    npt = np_ // NS
    npc = np_ // L
    cpt = npc // NS
    mesh = plsc.VectorSubcoreMesh(core_axis_name="c", subcore_axis_name="s")

    @functools.partial(
        pl.kernel,
        out_type=jax.ShapeDtypeStruct((NC, NS, L, w_out, cpt), f32),
        mesh=mesh,
        compiler_params=_SC_PARAMS,
        scratch_types=[
            pltpu.VMEM_SHARED((w_out, np_), f32),
            pltpu.VMEM_SHARED((L, w_out, npc), f32),
            pltpu.VMEM((w_out, np_), f32),
            pltpu.VMEM((L, w_out, npc), f32),
            pltpu.VMEM((ept,), i32),
            pltpu.VMEM((L, w_in, cpt), f32),
            pltpu.VMEM((L, w_in, cpt), f32),
            pltpu.VMEM((npt,), f32),
            pltpu.VMEM((w_out, npt), f32),
            pltpu.VMEM((L, w_out, cpt), f32),
            pltpu.VMEM((64,), f32),
            pltpu.SemaphoreType.DMA,
            pltpu.SemaphoreType.DMA,
            pltpu.SemaphoreType.DMA,
            pltpu.SemaphoreType.DMA,
            pltpu.SemaphoreType.DMA,
        ],
    )
    def mid_kernel(accp_in, dinv_hbm, pbuf_hbm, ev_hbm,
                   accp_out,
                   g_sh, acc_sh, g_v, acc_v, ev,
                   a0, a1, dinv_v, gbuf, ibuf, pv,
                   sem0, sem1, sem2, sem3, sem4):
        c = lax.axis_index("c")
        s = lax.axis_index("s")
        wid = s * NC + c
        base_n = s * npt
        csl = pl.ds(s * cpt, cpt)
        half = ((s < NS // 2) & (c == 0)) | ((s >= NS // 2) & (c == 1))
        fcond = jnp.where(half, 1.0, 0.0)

        cp_a0 = pltpu.async_copy(accp_in.at[0, s], a0, sem0)
        cp_a1 = pltpu.async_copy(accp_in.at[1, s], a1, sem1)
        cp_dv = pltpu.async_copy(dinv_hbm.at[pl.ds(base_n, npt)], dinv_v, sem2)
        cp_pv = pltpu.async_copy(pbuf_hbm, pv, sem3)
        cp_ev = pltpu.async_copy(ev_hbm.at[pl.ds(wid * ept, ept)], ev, sem4)

        jci = [jnp.full((L,), j, i32) for j in range(w_in)]
        jco = [jnp.full((L,), j, i32) for j in range(w_out)]
        lanes = lax.iota(i32, L)
        zi = jnp.zeros((L,), i32)
        iot = lax.iota(i32, L)

        cp_pv.wait()
        pvecs = [pv[pl.ds(16 * t, L)] for t in range(4)]

        def _p(off):
            return pvecs[off // L][off % L]

        bias = [_p(b_off + j) for j in range(w_in)]
        wmat = [[_p(w_off + j * w_out + k) for k in range(w_out)]
                for j in range(w_in)]

        cp_a0.wait()
        cp_a1.wait()
        cp_dv.wait()

        @pl.loop(0, npt // L)
        def _(i):
            sl = pl.ds(i * L, L)
            ifull = zi + i
            dv = dinv_v[sl]
            h = []
            for j in range(w_in):
                pre = (plsc.load_gather(a0, [lanes, jci[j], ifull])
                       + plsc.load_gather(a1, [lanes, jci[j], ifull]))
                h.append(_tanh16(dv * pre + bias[j]))
            for k in range(w_out):
                acc = h[0] * wmat[0][k]
                for j in range(1, w_in):
                    acc = acc + h[j] * wmat[j][k]
                gk = dv * acc
                gbuf[k, sl] = gk
                plsc.store_scatter(ibuf, [lanes, jco[k], ifull], gk * fcond)

        for k in range(w_out):
            pltpu.sync_copy(gbuf.at[k], g_sh.at[k, pl.ds(base_n, npt)])
        pltpu.sync_copy(ibuf, acc_sh.at[:, :, csl])

        plsc.subcore_barrier()
        plsc.subcore_barrier()
        cp_g = pltpu.async_copy(g_sh, g_v, sem0)
        _zero_acc(acc_v, w_out, npc)
        cp_g.wait()
        cp_ev.wait()
        _edge_pass(g_v, acc_v, ev, w_out, ept, jco)
        pltpu.sync_copy(acc_v, acc_sh.at[iot], add=True)
        plsc.subcore_barrier()
        plsc.subcore_barrier()
        pltpu.sync_copy(acc_sh.at[:, :, csl], accp_out.at[c, s])

    return mid_kernel


def _mm_body(x_ref, w_ref, o_ref):
    o_ref[...] = jnp.dot(x_ref[...], w_ref[...],
                         preferred_element_type=f32,
                         precision=lax.Precision.HIGHEST)


def _pack_body(e_ref, o_ref):
    sv = e_ref[0]
    dv = e_ref[1]
    o_ref[...] = sv | ((dv & 15) << 14) | ((dv >> 4) << 18)


def _fin_body(a0_ref, a1_ref, dinv_ref, b3_ref, wc_ref, bc_ref,
              lo_ref, h_ref):
    dv = dinv_ref[...]
    hs = []
    for j in range(2):
        pre = dv * (a0_ref[j] + a1_ref[j]) + b3_ref[j]
        hj = jnp.tanh(pre)
        h_ref[j] = hj
        hs.append(hj)
    for k in range(7):
        lo_ref[k] = hs[0] * wc_ref[0, k] + hs[1] * wc_ref[1, k] + bc_ref[k]


def kernel(x, edge_index, W1, b1, W2, b2, W3, b3, Wc, bc):
    n, df = x.shape
    e = edge_index.shape[1]
    np_ = ((n + NS * L - 1) // (NS * L)) * NS * L
    ep = ((e + NW * L - 1) // (NW * L)) * NW * L
    ept = ep // NW
    rows2d = np_ // 128

    ei = edge_index
    if ep != e:
        ei = jnp.concatenate([ei, jnp.full((2, ep - e), n, i32)], axis=1)
    pbuf = jnp.concatenate([
        b1, W2.reshape(-1), b2, W3.reshape(-1), b3, Wc.reshape(-1), bc,
    ])
    pbuf = jnp.pad(pbuf, (0, 64 - pbuf.shape[0]))

    ev = pl.pallas_call(
        _pack_body,
        out_shape=jax.ShapeDtypeStruct((ep // 128, 128), i32),
    )(ei.reshape(2, ep // 128, 128)).reshape(ep)

    blk = 2000 if n % 2000 == 0 else n
    hp1 = pl.pallas_call(
        _mm_body,
        grid=(n // blk,),
        in_specs=[
            pl.BlockSpec((blk, df), lambda i: (i, 0)),
            pl.BlockSpec((df, 4), lambda i: (0, 0)),
        ],
        out_specs=pl.BlockSpec((blk, 4), lambda i: (i, 0)),
        out_shape=jax.ShapeDtypeStruct((n, 4), f32),
    )(x, W1)
    hp1 = jnp.pad(hp1, ((0, np_ - n), (0, 0)))

    accp1, dinv = _make_l1_kernel(np_, ept)(hp1, ev)
    accp2 = _make_mid_kernel(np_, ept, 4, 4, 0, 4)(accp1, dinv, pbuf, ev)
    accp3 = _make_mid_kernel(np_, ept, 4, 2, 20, 24)(accp2, dinv, pbuf, ev)

    a_lin = accp3.transpose(0, 3, 1, 4, 2).reshape(NC, 2, np_)
    a0 = a_lin[0].reshape(2, rows2d, 128)
    a1 = a_lin[1].reshape(2, rows2d, 128)
    dinv2d = dinv.reshape(rows2d, 128)
    lo, h = pl.pallas_call(
        _fin_body,
        in_specs=[
            pl.BlockSpec(memory_space=pltpu.VMEM),
            pl.BlockSpec(memory_space=pltpu.VMEM),
            pl.BlockSpec(memory_space=pltpu.VMEM),
            pl.BlockSpec(memory_space=pltpu.SMEM),
            pl.BlockSpec(memory_space=pltpu.SMEM),
            pl.BlockSpec(memory_space=pltpu.SMEM),
        ],
        out_shape=(
            jax.ShapeDtypeStruct((7, rows2d, 128), f32),
            jax.ShapeDtypeStruct((2, rows2d, 128), f32),
        ),
    )(a0, a1, dinv2d, b3, Wc, bc)

    logits = jnp.moveaxis(lo, 0, -1).reshape(np_, 7)[:n]
    hout = jnp.moveaxis(h, 0, -1).reshape(np_, 2)[:n]
    return (logits, hout)

# --- scband reference (transcript-rebuilt; emitter-appended) ---
"""Pipeline reference for scband-gcn-15204184228224 (READ-ONLY COPY).

The authoritative reference and input builder live on the scoring server;
editing this copy changes nothing except your own understanding.
"""

import jax, jax.numpy as jnp
import numpy as np

N = 10000
E = 320000
DF = 128
NC = 7


def setup_inputs(seed: int = 0) -> dict:
    key = jax.random.key(seed)
    ks = jax.random.split(key, 10)
    x = jax.random.normal(ks[0], (N, DF), dtype=jnp.float32)
    edge_index = jax.random.randint(ks[1], (2, E), 0, N, dtype=jnp.int32)
    def glorot(k, fan_in, fan_out):
        lim = float(np.sqrt(6.0 / (fan_in + fan_out)))
        return jax.random.uniform(k, (fan_in, fan_out), minval=-lim, maxval=lim, dtype=jnp.float32)
    W1 = glorot(ks[2], DF, 4)
    b1 = jnp.zeros((4,), dtype=jnp.float32)
    W2 = glorot(ks[3], 4, 4)
    b2 = jnp.zeros((4,), dtype=jnp.float32)
    W3 = glorot(ks[4], 4, 2)
    b3 = jnp.zeros((2,), dtype=jnp.float32)
    Wc = glorot(ks[5], 2, NC)
    bc = jnp.zeros((NC,), dtype=jnp.float32)
    return {"x": x, "edge_index": edge_index, "W1": W1, "b1": b1, "W2": W2, "b2": b2, "W3": W3, "b3": b3, "Wc": Wc, "bc": bc}


def _gcn_conv(x, src, dst, W, b):
    # PyG GCNConv: D^{-1/2} (A + I) D^{-1/2} X W + b (self loops already in src/dst)
    deg = jnp.zeros((N,), dtype=x.dtype).at[dst].add(1.0)
    dinv = jax.lax.rsqrt(jnp.maximum(deg, 1.0))
    norm = dinv[src] * dinv[dst]
    h = x @ W
    msg = h[src] * norm[:, None]
    out = jnp.zeros((N, W.shape[1]), dtype=x.dtype).at[dst].add(msg)
    return out + b


def reference(x, edge_index, W1, b1, W2, b2, W3, b3, Wc, bc):
    loop = jnp.arange(N, dtype=edge_index.dtype)
    src = jnp.concatenate([edge_index[0], loop])
    dst = jnp.concatenate([edge_index[1], loop])
    h = jnp.tanh(_gcn_conv(x, src, dst, W1, b1))
    h = jnp.tanh(_gcn_conv(h, src, dst, W2, b2))
    h = jnp.tanh(_gcn_conv(h, src, dst, W3, b3))
    logits = h @ Wc + bc
    return (logits, h)

if __name__ == "__main__":
    import jax
    _d = setup_inputs()
    print(jax.jit(kernel)(*tuple(_d.values())))

</pallas_src>

<mosaic_0001>
#map = affine_map<(d0, d1) -> (0, 0, 0, 0, 0)>
#map1 = affine_map<(d0, d1) -> (0)>
module attributes {stable_mosaic.version = 14 : i64} {
  func.func @mid_kernel(%arg0: i32, %arg1: i32, %arg2: memref<7x16x16x4x40xf32, #tpu.memory_space<hbm>>, %arg3: memref<10240xf32, #tpu.memory_space<hbm>>, %arg4: memref<64xf32, #tpu.memory_space<hbm>>, %arg5: memref<320000xi32, #tpu.memory_space<hbm>>, %arg6: memref<7x16x16x4x40xf32, #tpu.memory_space<hbm>>, %arg7: memref<4x10240xf32, #tpu.memory_space<vmem_shared>>, %arg8: memref<16x4x640xf32, #tpu.memory_space<vmem_shared>>, %arg9: memref<4x10240xf32, #tpu.memory_space<vmem>>, %arg10: memref<16x4x640xf32, #tpu.memory_space<vmem>>, %arg11: memref<10000xi32, #tpu.memory_space<vmem>>, %arg12: memref<16x4x40xf32, #tpu.memory_space<vmem>>, %arg13: memref<16x4x40xf32, #tpu.memory_space<vmem>>, %arg14: memref<640xf32, #tpu.memory_space<vmem>>, %arg15: memref<4x640xf32, #tpu.memory_space<vmem>>, %arg16: memref<16x4x40xf32, #tpu.memory_space<vmem>>, %arg17: memref<64xf32, #tpu.memory_space<vmem>>, %arg18: memref<!tpu.dma_semaphore, #tpu.memory_space<semaphore_mem>>, %arg19: memref<!tpu.dma_semaphore, #tpu.memory_space<semaphore_mem>>, %arg20: memref<!tpu.dma_semaphore, #tpu.memory_space<semaphore_mem>>, %arg21: memref<!tpu.dma_semaphore, #tpu.memory_space<semaphore_mem>>, %arg22: memref<!tpu.dma_semaphore, #tpu.memory_space<semaphore_mem>>) attributes {dimension_semantics = [#tpu.dimension_semantics<core_parallel>, #tpu.dimension_semantics<subcore_parallel>], iteration_bounds = array<i64: 2, 16>, scalar_prefetch = 0 : i64, scratch_operands = 16 : i64, tpu.core_type = #tpu.core_type<sc_vector_subcore>, window_params = [{transform_indices = #map}, {transform_indices = #map1}, {transform_indices = #map1}, {transform_indices = #map1}, {transform_indices = #map}]} {
    %mul3A = arith.constant 7 : i32
    %mul3A_0 = arith.muli %arg1, %mul3A : i32
    %add3A = arith.addi %mul3A_0, %arg0 : i32
    %mul3A_1 = arith.constant 640 : i32
    %mul3A_2 = arith.muli %arg1, %mul3A_1 : i32
    %mul3A_3 = arith.constant 40 : i32
    %mul3A_4 = arith.muli %arg1, %mul3A_3 : i32
    %lt3A = arith.constant 8 : i32
    %lt3A_5 = arith.cmpi slt, %arg1, %lt3A : i32
    %eq3A = arith.constant 0 : i32
    %eq3A_6 = arith.cmpi eq, %arg0, %eq3A : i32
    %and3A = arith.andi %lt3A_5, %eq3A_6 : i1
    %ge3A = arith.constant 8 : i32
    %ge3A_7 = arith.cmpi sge, %arg1, %ge3A : i32
    %eq3A_8 = arith.constant 1 : i32
    %eq3A_9 = arith.cmpi eq, %arg0, %eq3A_8 : i32
    %and3A_10 = arith.andi %ge3A_7, %eq3A_9 : i1
    %or3A = arith.ori %and3A, %and3A_10 : i1
    %jit3A = arith.constant 1.000000e+00 : f32
    %jit3A_11 = arith.constant 0.000000e+00 : f32
    %select_n3A = arith.select %or3A, %jit3A, %jit3A_11 : f32
    %dma_start3A = arith.constant 0 : i32
    %dma_start3A_12 = arith.constant 0 : i32
    %dma_start3A_13 = arith.constant 0 : i32
    %dma_start3A_14 = arith.constant 0 : i32
    %dma_start3A_15 = tpu.memref_slice %arg2[%dma_start3A, %arg1, %dma_start3A_12, %dma_start3A_13, %dma_start3A_14] : memref<7x16x16x4x40xf32, #tpu.memory_space<hbm>> -> memref<1x1x16x4x40xf32, #tpu.memory_space<hbm>>
    %dma_start3A_16 = tpu.memref_squeeze %dma_start3A_15 : memref<1x1x16x4x40xf32, #tpu.memory_space<hbm>> -> memref<16x4x40xf32, #tpu.memory_space<hbm>>
    %dma_start3A_17 = arith.constant 0 : i32
    %dma_start3A_18 = arith.constant 0 : i32
    %dma_start3A_19 = arith.constant 0 : i32
    %dma_start3A_20 = tpu.memref_slice %arg2[%dma_start3A, %arg1, %dma_start3A_17, %dma_start3A_18, %dma_start3A_19] : memref<7x16x16x4x40xf32, #tpu.memory_space<hbm>> -> memref<1x1x16x4x40xf32, #tpu.memory_space<hbm>>
    %dma_start3A_21 = tpu.memref_squeeze %dma_start3A_20 : memref<1x1x16x4x40xf32, #tpu.memory_space<hbm>> -> memref<16x4x40xf32, #tpu.memory_space<hbm>>
    tpu.enqueue_dma source(%dma_start3A_21 : memref<16x4x40xf32, #tpu.memory_space<hbm>>) target(%arg12 : memref<16x4x40xf32, #tpu.memory_space<vmem>>) target_semaphore(%arg18 : memref<!tpu.dma_semaphore, #tpu.memory_space<semaphore_mem>>)
    %dma_start3A_22 = arith.constant 1 : i32
    %dma_start3A_23 = arith.constant 0 : i32
    %dma_start3A_24 = arith.constant 0 : i32
    %dma_start3A_25 = arith.constant 0 : i32
    %dma_start3A_26 = tpu.memref_slice %arg2[%dma_start3A_22, %arg1, %dma_start3A_23, %dma_start3A_24, %dma_start3A_25] : memref<7x16x16x4x40xf32, #tpu.memory_space<hbm>> -> memref<1x1x16x4x40xf32, #tpu.memory_space<hbm>>
    %dma_start3A_27 = tpu.memref_squeeze %dma_start3A_26 : memref<1x1x16x4x40xf32, #tpu.memory_space<hbm>> -> memref<16x4x40xf32, #tpu.memory_space<hbm>>
    %dma_start3A_28 = arith.constant 0 : i32
    %dma_start3A_29 = arith.constant 0 : i32
    %dma_start3A_30 = arith.constant 0 : i32
    %dma_start3A_31 = tpu.memref_slice %arg2[%dma_start3A_22, %arg1, %dma_start3A_28, %dma_start3A_29, %dma_start3A_30] : memref<7x16x16x4x40xf32, #tpu.memory_space<hbm>> -> memref<1x1x16x4x40xf32, #tpu.memory_space<hbm>>
    %dma_start3A_32 = tpu.memref_squeeze %dma_start3A_31 : memref<1x1x16x4x40xf32, #tpu.memory_space<hbm>> -> memref<16x4x40xf32, #tpu.memory_space<hbm>>
    tpu.enqueue_dma source(%dma_start3A_32 : memref<16x4x40xf32, #tpu.memory_space<hbm>>) target(%arg13 : memref<16x4x40xf32, #tpu.memory_space<vmem>>) target_semaphore(%arg19 : memref<!tpu.dma_semaphore, #tpu.memory_space<semaphore_mem>>)
    %dma_start3A_33 = tpu.memref_slice %arg3[%mul3A_2] : memref<10240xf32, #tpu.memory_space<hbm>> -> memref<640xf32, #tpu.memory_space<hbm>>
    %dma_start3A_34 = tpu.memref_slice %arg3[%mul3A_2] : memref<10240xf32, #tpu.memory_space<hbm>> -> memref<640xf32, #tpu.memory_space<hbm>>
    tpu.enqueue_dma source(%dma_start3A_34 : memref<640xf32, #tpu.memory_space<hbm>>) target(%arg14 : memref<640xf32, #tpu.memory_space<vmem>>) target_semaphore(%arg20 : memref<!tpu.dma_semaphore, #tpu.memory_space<semaphore_mem>>)
    tpu.enqueue_dma source(%arg4 : memref<64xf32, #tpu.memory_space<hbm>>) target(%arg17 : memref<64xf32, #tpu.memory_space<vmem>>) target_semaphore(%arg21 : memref<!tpu.dma_semaphore, #tpu.memory_space<semaphore_mem>>)
    %mul3A_35 = arith.constant 10000 : i32
    %mul3A_36 = arith.muli %add3A, %mul3A_35 : i32
    %dma_start3A_37 = tpu.memref_slice %arg5[%mul3A_36] : memref<320000xi32, #tpu.memory_space<hbm>> -> memref<10000xi32, #tpu.memory_space<hbm>>
    %dma_start3A_38 = tpu.memref_slice %arg5[%mul3A_36] : memref<320000xi32, #tpu.memory_space<hbm>> -> memref<10000xi32, #tpu.memory_space<hbm>>
    tpu.enqueue_dma source(%dma_start3A_38 : memref<10000xi32, #tpu.memory_space<hbm>>) target(%arg11 : memref<10000xi32, #tpu.memory_space<vmem>>) target_semaphore(%arg22 : memref<!tpu.dma_semaphore, #tpu.memory_space<semaphore_mem>>)
    %broadcast_in_dim3A = arith.constant 0 : i32
    %broadcast_in_dim3A_39 = vector.broadcast %broadcast_in_dim3A : i32 to vector<16xi32>
    %broadcast_in_dim3A_40 = arith.constant 1 : i32
    %broadcast_in_dim3A_41 = vector.broadcast %broadcast_in_dim3A_40 : i32 to vector<16xi32>
    %broadcast_in_dim3A_42 = arith.constant 2 : i32
    %broadcast_in_dim3A_43 = vector.broadcast %broadcast_in_dim3A_42 : i32 to vector<16xi32>
    %broadcast_in_dim3A_44 = arith.constant 3 : i32
    %broadcast_in_dim3A_45 = vector.broadcast %broadcast_in_dim3A_44 : i32 to vector<16xi32>
    %broadcast_in_dim3A_46 = arith.constant 0 : i32
    %broadcast_in_dim3A_47 = vector.broadcast %broadcast_in_dim3A_46 : i32 to vector<16xi32>
    %broadcast_in_dim3A_48 = arith.constant 1 : i32
    %broadcast_in_dim3A_49 = vector.broadcast %broadcast_in_dim3A_48 : i32 to vector<16xi32>
    %broadcast_in_dim3A_50 = arith.constant 2 : i32
    %broadcast_in_dim3A_51 = vector.broadcast %broadcast_in_dim3A_50 : i32 to vector<16xi32>
    %broadcast_in_dim3A_52 = arith.constant 3 : i32
    %broadcast_in_dim3A_53 = vector.broadcast %broadcast_in_dim3A_52 : i32 to vector<16xi32>
    %iota3A = tpu.iota {dimensions = array<i32: 0>} : vector<16xi32>
    %broadcast_in_dim3A_54 = arith.constant 0 : i32
    %broadcast_in_dim3A_55 = vector.broadcast %broadcast_in_dim3A_54 : i32 to vector<16xi32>
    %iota3A_56 = tpu.iota {dimensions = array<i32: 0>} : vector<16xi32>
    tpu.wait_dma2 semaphore(%arg21 : memref<!tpu.dma_semaphore, #tpu.memory_space<semaphore_mem>>) src(%arg4 : memref<64xf32, #tpu.memory_space<hbm>>) dst(%arg17 : memref<64xf32, #tpu.memory_space<vmem>>)
    %get3A = arith.constant 0 : index
    %get3A_57 = tpu.vector_load %arg17[%get3A] {strides = array<i32>} : memref<64xf32, #tpu.memory_space<vmem>>, vector<16xf32>,
    %get3A_58 = arith.constant 16 : index
    %get3A_59 = tpu.vector_load %arg17[%get3A_58] {strides = array<i32>} : memref<64xf32, #tpu.memory_space<vmem>>, vector<16xf32>,
    %get3A_60 = arith.constant 32 : index
    %get3A_61 = tpu.vector_load %arg17[%get3A_60] {strides = array<i32>} : memref<64xf32, #tpu.memory_space<vmem>>, vector<16xf32>,
    %get3A_62 = arith.constant 48 : index
    %get3A_63 = tpu.vector_load %arg17[%get3A_62] {strides = array<i32>} : memref<64xf32, #tpu.memory_space<vmem>>, vector<16xf32>,
    %slice3A = vector.extract_strided_slice %get3A_57 {offsets = [0], sizes = [1], strides = [1]} : vector<16xf32> to vector<1xf32>
    %squeeze3A = vector.extract %slice3A[0] : f32 from vector<1xf32>
    %slice3A_64 = vector.extract_strided_slice %get3A_57 {offsets = [1], sizes = [1], strides = [1]} : vector<16xf32> to vector<1xf32>
    %squeeze3A_65 = vector.extract %slice3A_64[0] : f32 from vector<1xf32>
    %slice3A_66 = vector.extract_strided_slice %get3A_57 {offsets = [2], sizes = [1], strides = [1]} : vector<16xf32> to vector<1xf32>
    %squeeze3A_67 = vector.extract %slice3A_66[0] : f32 from vector<1xf32>
    %slice3A_68 = vector.extract_strided_slice %get3A_57 {offsets = [3], sizes = [1], strides = [1]} : vector<16xf32> to vector<1xf32>
    %squeeze3A_69 = vector.extract %slice3A_68[0] : f32 from vector<1xf32>
    %slice3A_70 = vector.extract_strided_slice %get3A_57 {offsets = [4], sizes = [1], strides = [1]} : vector<16xf32> to vector<1xf32>
    %squeeze3A_71 = vector.extract %slice3A_70[0] : f32 from vector<1xf32>
    %slice3A_72 = vector.extract_strided_slice %get3A_57 {offsets = [5], sizes = [1], strides = [1]} : vector<16xf32> to vector<1xf32>
    %squeeze3A_73 = vector.extract %slice3A_72[0] : f32 from vector<1xf32>
    %slice3A_74 = vector.extract_strided_slice %get3A_57 {offsets = [6], sizes = [1], strides = [1]} : vector<16xf32> to vector<1xf32>
    %squeeze3A_75 = vector.extract %slice3A_74[0] : f32 from vector<1xf32>
    %slice3A_76 = vector.extract_strided_slice %get3A_57 {offsets = [7], sizes = [1], strides = [1]} : vector<16xf32> to vector<1xf32>
    %squeeze3A_77 = vector.extract %slice3A_76[0] : f32 from vector<1xf32>
    %slice3A_78 = vector.extract_strided_slice %get3A_57 {offsets = [8], sizes = [1], strides = [1]} : vector<16xf32> to vector<1xf32>
    %squeeze3A_79 = vector.extract %slice3A_78[0] : f32 from vector<1xf32>
    %slice3A_80 = vector.extract_strided_slice %get3A_57 {offsets = [9], sizes = [1], strides = [1]} : vector<16xf32> to vector<1xf32>
    %squeeze3A_81 = vector.extract %slice3A_80[0] : f32 from vector<1xf32>
    %slice3A_82 = vector.extract_strided_slice %get3A_57 {offsets = [10], sizes = [1], strides = [1]} : vector<16xf32> to vector<1xf32>
    %squeeze3A_83 = vector.extract %slice3A_82[0] : f32 from vector<1xf32>
    %slice3A_84 = vector.extract_strided_slice %get3A_57 {offsets = [11], sizes = [1], strides = [1]} : vector<16xf32> to vector<1xf32>
    %squeeze3A_85 = vector.extract %slice3A_84[0] : f32 from vector<1xf32>
    %slice3A_86 = vector.extract_strided_slice %get3A_57 {offsets = [12], sizes = [1], strides = [1]} : vector<16xf32> to vector<1xf32>
    %squeeze3A_87 = vector.extract %slice3A_86[0] : f32 from vector<1xf32>
    %slice3A_88 = vector.extract_strided_slice %get3A_57 {offsets = [13], sizes = [1], strides = [1]} : vector<16xf32> to vector<1xf32>
    %squeeze3A_89 = vector.extract %slice3A_88[0] : f32 from vector<1xf32>
    %slice3A_90 = vector.extract_strided_slice %get3A_57 {offsets = [14], sizes = [1], strides = [1]} : vector<16xf32> to vector<1xf32>
    %squeeze3A_91 = vector.extract %slice3A_90[0] : f32 from vector<1xf32>
    %slice3A_92 = vector.extract_strided_slice %get3A_57 {offsets = [15], sizes = [1], strides = [1]} : vector<16xf32> to vector<1xf32>
    %squeeze3A_93 = vector.extract %slice3A_92[0] : f32 from vector<1xf32>
    %slice3A_94 = vector.extract_strided_slice %get3A_59 {offsets = [0], sizes = [1], strides = [1]} : vector<16xf32> to vector<1xf32>
    %squeeze3A_95 = vector.extract %slice3A_94[0] : f32 from vector<1xf32>
    %slice3A_96 = vector.extract_strided_slice %get3A_59 {offsets = [1], sizes = [1], strides = [1]} : vector<16xf32> to vector<1xf32>
    %squeeze3A_97 = vector.extract %slice3A_96[0] : f32 from vector<1xf32>
    %slice3A_98 = vector.extract_strided_slice %get3A_59 {offsets = [2], sizes = [1], strides = [1]} : vector<16xf32> to vector<1xf32>
    %squeeze3A_99 = vector.extract %slice3A_98[0] : f32 from vector<1xf32>
    %slice3A_100 = vector.extract_strided_slice %get3A_59 {offsets = [3], sizes = [1], strides = [1]} : vector<16xf32> to vector<1xf32>
    %squeeze3A_101 = vector.extract %slice3A_100[0] : f32 from vector<1xf32>
    %dma_wait3A = arith.constant 0 : i32
    %dma_wait3A_102 = arith.constant 0 : i32
    %dma_wait3A_103 = arith.constant 0 : i32
    %dma_wait3A_104 = arith.constant 0 : i32
    %dma_wait3A_105 = tpu.memref_slice %arg2[%dma_wait3A, %arg1, %dma_wait3A_102, %dma_wait3A_103, %dma_wait3A_104] : memref<7x16x16x4x40xf32, #tpu.memory_space<hbm>> -> memref<1x1x16x4x40xf32, #tpu.memory_space<hbm>>
    %dma_wait3A_106 = tpu.memref_squeeze %dma_wait3A_105 : memref<1x1x16x4x40xf32, #tpu.memory_space<hbm>> -> memref<16x4x40xf32, #tpu.memory_space<hbm>>
    %dma_wait3A_107 = arith.constant 0 : i32
    %dma_wait3A_108 = arith.constant 0 : i32
    %dma_wait3A_109 = arith.constant 0 : i32
    %dma_wait3A_110 = tpu.memref_slice %arg2[%dma_wait3A, %arg1, %dma_wait3A_107, %dma_wait3A_108, %dma_wait3A_109] : memref<7x16x16x4x40xf32, #tpu.memory_space<hbm>> -> memref<1x1x16x4x40xf32, #tpu.memory_space<hbm>>
    %dma_wait3A_111 = tpu.memref_squeeze %dma_wait3A_110 : memref<1x1x16x4x40xf32, #tpu.memory_space<hbm>> -> memref<16x4x40xf32, #tpu.memory_space<hbm>>
    tpu.wait_dma2 semaphore(%arg18 : memref<!tpu.dma_semaphore, #tpu.memory_space<semaphore_mem>>) src(%dma_wait3A_111 : memref<16x4x40xf32, #tpu.memory_space<hbm>>) dst(%arg12 : memref<16x4x40xf32, #tpu.memory_space<vmem>>)
    %dma_wait3A_112 = arith.constant 1 : i32
    %dma_wait3A_113 = arith.constant 0 : i32
    %dma_wait3A_114 = arith.constant 0 : i32
    %dma_wait3A_115 = arith.constant 0 : i32
    %dma_wait3A_116 = tpu.memref_slice %arg2[%dma_wait3A_112, %arg1, %dma_wait3A_113, %dma_wait3A_114, %dma_wait3A_115] : memref<7x16x16x4x40xf32, #tpu.memory_space<hbm>> -> memref<1x1x16x4x40xf32, #tpu.memory_space<hbm>>
    %dma_wait3A_117 = tpu.memref_squeeze %dma_wait3A_116 : memref<1x1x16x4x40xf32, #tpu.memory_space<hbm>> -> memref<16x4x40xf32, #tpu.memory_space<hbm>>
    %dma_wait3A_118 = arith.constant 0 : i32
    %dma_wait3A_119 = arith.constant 0 : i32
    %dma_wait3A_120 = arith.constant 0 : i32
    %dma_wait3A_121 = tpu.memref_slice %arg2[%dma_wait3A_112, %arg1, %dma_wait3A_118, %dma_wait3A_119, %dma_wait3A_120] : memref<7x16x16x4x40xf32, #tpu.memory_space<hbm>> -> memref<1x1x16x4x40xf32, #tpu.memory_space<hbm>>
    %dma_wait3A_122 = tpu.memref_squeeze %dma_wait3A_121 : memref<1x1x16x4x40xf32, #tpu.memory_space<hbm>> -> memref<16x4x40xf32, #tpu.memory_space<hbm>>
    tpu.wait_dma2 semaphore(%arg19 : memref<!tpu.dma_semaphore, #tpu.memory_space<semaphore_mem>>) src(%dma_wait3A_122 : memref<16x4x40xf32, #tpu.memory_space<hbm>>) dst(%arg13 : memref<16x4x40xf32, #tpu.memory_space<vmem>>)
    %dma_wait3A_123 = tpu.memref_slice %arg3[%mul3A_2] : memref<10240xf32, #tpu.memory_space<hbm>> -> memref<640xf32, #tpu.memory_space<hbm>>
    %dma_wait3A_124 = tpu.memref_slice %arg3[%mul3A_2] : memref<10240xf32, #tpu.memory_space<hbm>> -> memref<640xf32, #tpu.memory_space<hbm>>
    tpu.wait_dma2 semaphore(%arg20 : memref<!tpu.dma_semaphore, #tpu.memory_space<semaphore_mem>>) src(%dma_wait3A_124 : memref<640xf32, #tpu.memory_space<hbm>>) dst(%arg14 : memref<640xf32, #tpu.memory_space<vmem>>)
    %scan3A = arith.constant 0 : i32
    %scan3A_125 = arith.constant 40 : i32
    %scan3A_126 = arith.addi %scan3A, %scan3A_125 : i32
    %scan3A_127 = arith.constant 1 : i32
    scf.for %scan3A_153 = %scan3A to %scan3A_126 step %scan3A_127  : i32 {
      %mul3A_154 = arith.constant 1 : i32
      %mul3A_155 = arith.muli %scan3A_153, %mul3A_154 : i32
      %add3A_156 = arith.constant 0 : i32
      %add3A_157 = arith.addi %add3A_156, %mul3A_155 : i32
      %mul3A_158 = arith.constant 16 : i32
      %mul3A_159 = arith.muli %add3A_157, %mul3A_158 : i32
      %add3A_160 = vector.broadcast %add3A_157 : i32 to vector<16xi32>
      %add3A_161 = arith.addi %broadcast_in_dim3A_55, %add3A_160 : vector<16xi32>
      %get3A_162 = arith.index_cast %mul3A_159 : i32 to index
      %get3A_163 = tpu.vector_load %arg14[%get3A_162] {strides = array<i32>} : memref<640xf32, #tpu.memory_space<vmem>>, vector<16xf32>,
      %gather3A = tpu.vector_load_idx %arg12[%iota3A, %broadcast_in_dim3A_39, %add3A_161] : memref<16x4x40xf32, #tpu.memory_space<vmem>>[vector<16xi32>, vector<16xi32>, vector<16xi32>], vector<16xf32>,
      %gather3A_164 = tpu.vector_load_idx %arg13[%iota3A, %broadcast_in_dim3A_39, %add3A_161] : memref<16x4x40xf32, #tpu.memory_space<vmem>>[vector<16xi32>, vector<16xi32>, vector<16xi32>], vector<16xf32>,
      %add3A_165 = arith.addf %gather3A, %gather3A_164 : vector<16xf32>
      %mul3A_166 = arith.mulf %get3A_163, %add3A_165 : vector<16xf32>
      %add3A_167 = vector.broadcast %squeeze3A : f32 to vector<16xf32>
      %add3A_168 = arith.addf %mul3A_166, %add3A_167 : vector<16xf32>
      %mul3A_169 = arith.constant 2.000000e+00 : f32
      %mul3A_170 = vector.broadcast %mul3A_169 : f32 to vector<16xf32>
      %mul3A_171 = arith.mulf %add3A_168, %mul3A_170 : vector<16xf32>
      %exp3A = math.exp %mul3A_171 : vector<16xf32>
      %add3A_172 = arith.constant 1.000000e+00 : f32
      %add3A_173 = vector.broadcast %add3A_172 : f32 to vector<16xf32>
      %add3A_174 = arith.addf %exp3A, %add3A_173 : vector<16xf32>
      %div3A = arith.constant 2.000000e+00 : f32
      %div3A_175 = vector.broadcast %div3A : f32 to vector<16xf32>
      %div3A_176 = arith.divf %div3A_175, %add3A_174 : vector<16xf32>
      %sub3A = arith.constant 1.000000e+00 : f32
      %sub3A_177 = vector.broadcast %sub3A : f32 to vector<16xf32>
      %sub3A_178 = arith.subf %sub3A_177, %div3A_176 : vector<16xf32>
      %gather3A_179 = tpu.vector_load_idx %arg12[%iota3A, %broadcast_in_dim3A_41, %add3A_161] : memref<16x4x40xf32, #tpu.memory_space<vmem>>[vector<16xi32>, vector<16xi32>, vector<16xi32>], vector<16xf32>,
      %gather3A_180 = tpu.vector_load_idx %arg13[%iota3A, %broadcast_in_dim3A_41, %add3A_161] : memref<16x4x40xf32, #tpu.memory_space<vmem>>[vector<16xi32>, vector<16xi32>, vector<16xi32>], vector<16xf32>,
      %add3A_181 = arith.addf %gather3A_179, %gather3A_180 : vector<16xf32>
      %mul3A_182 = arith.mulf %get3A_163, %add3A_181 : vector<16xf32>
      %add3A_183 = vector.broadcast %squeeze3A_65 : f32 to vector<16xf32>
      %add3A_184 = arith.addf %mul3A_182, %add3A_183 : vector<16xf32>
      %mul3A_185 = arith.constant 2.000000e+00 : f32
      %mul3A_186 = vector.broadcast %mul3A_185 : f32 to vector<16xf32>
      %mul3A_187 = arith.mulf %add3A_184, %mul3A_186 : vector<16xf32>
      %exp3A_188 = math.exp %mul3A_187 : vector<16xf32>
      %add3A_189 = arith.constant 1.000000e+00 : f32
      %add3A_190 = vector.broadcast %add3A_189 : f32 to vector<16xf32>
      %add3A_191 = arith.addf %exp3A_188, %add3A_190 : vector<16xf32>
      %div3A_192 = arith.constant 2.000000e+00 : f32
      %div3A_193 = vector.broadcast %div3A_192 : f32 to vector<16xf32>
      %div3A_194 = arith.divf %div3A_193, %add3A_191 : vector<16xf32>
      %sub3A_195 = arith.constant 1.000000e+00 : f32
      %sub3A_196 = vector.broadcast %sub3A_195 : f32 to vector<16xf32>
      %sub3A_197 = arith.subf %sub3A_196, %div3A_194 : vector<16xf32>
      %gather3A_198 = tpu.vector_load_idx %arg12[%iota3A, %broadcast_in_dim3A_43, %add3A_161] : memref<16x4x40xf32, #tpu.memory_space<vmem>>[vector<16xi32>, vector<16xi32>, vector<16xi32>], vector<16xf32>,
      %gather3A_199 = tpu.vector_load_idx %arg13[%iota3A, %broadcast_in_dim3A_43, %add3A_161] : memref<16x4x40xf32, #tpu.memory_space<vmem>>[vector<16xi32>, vector<16xi32>, vector<16xi32>], vector<16xf32>,
      %add3A_200 = arith.addf %gather3A_198, %gather3A_199 : vector<16xf32>
      %mul3A_201 = arith.mulf %get3A_163, %add3A_200 : vector<16xf32>
      %add3A_202 = vector.broadcast %squeeze3A_67 : f32 to vector<16xf32>
      %add3A_203 = arith.addf %mul3A_201, %add3A_202 : vector<16xf32>
      %mul3A_204 = arith.constant 2.000000e+00 : f32
      %mul3A_205 = vector.broadcast %mul3A_204 : f32 to vector<16xf32>
      %mul3A_206 = arith.mulf %add3A_203, %mul3A_205 : vector<16xf32>
      %exp3A_207 = math.exp %mul3A_206 : vector<16xf32>
      %add3A_208 = arith.constant 1.000000e+00 : f32
      %add3A_209 = vector.broadcast %add3A_208 : f32 to vector<16xf32>
      %add3A_210 = arith.addf %exp3A_207, %add3A_209 : vector<16xf32>
      %div3A_211 = arith.constant 2.000000e+00 : f32
      %div3A_212 = vector.broadcast %div3A_211 : f32 to vector<16xf32>
      %div3A_213 = arith.divf %div3A_212, %add3A_210 : vector<16xf32>
      %sub3A_214 = arith.constant 1.000000e+00 : f32
      %sub3A_215 = vector.broadcast %sub3A_214 : f32 to vector<16xf32>
      %sub3A_216 = arith.subf %sub3A_215, %div3A_213 : vector<16xf32>
      %gather3A_217 = tpu.vector_load_idx %arg12[%iota3A, %broadcast_in_dim3A_45, %add3A_161] : memref<16x4x40xf32, #tpu.memory_space<vmem>>[vector<16xi32>, vector<16xi32>, vector<16xi32>], vector<16xf32>,
      %gather3A_218 = tpu.vector_load_idx %arg13[%iota3A, %broadcast_in_dim3A_45, %add3A_161] : memref<16x4x40xf32, #tpu.memory_space<vmem>>[vector<16xi32>, vector<16xi32>, vector<16xi32>], vector<16xf32>,
      %add3A_219 = arith.addf %gather3A_217, %gather3A_218 : vector<16xf32>
      %mul3A_220 = arith.mulf %get3A_163, %add3A_219 : vector<16xf32>
      %add3A_221 = vector.broadcast %squeeze3A_69 : f32 to vector<16xf32>
      %add3A_222 = arith.addf %mul3A_220, %add3A_221 : vector<16xf32>
      %mul3A_223 = arith.constant 2.000000e+00 : f32
      %mul3A_224 = vector.broadcast %mul3A_223 : f32 to vector<16xf32>
      %mul3A_225 = arith.mulf %add3A_222, %mul3A_224 : vector<16xf32>
      %exp3A_226 = math.exp %mul3A_225 : vector<16xf32>
      %add3A_227 = arith.constant 1.000000e+00 : f32
      %add3A_228 = vector.broadcast %add3A_227 : f32 to vector<16xf32>
      %add3A_229 = arith.addf %exp3A_226, %add3A_228 : vector<16xf32>
      %div3A_230 = arith.constant 2.000000e+00 : f32
      %div3A_231 = vector.broadcast %div3A_230 : f32 to vector<16xf32>
      %div3A_232 = arith.divf %div3A_231, %add3A_229 : vector<16xf32>
      %sub3A_233 = arith.constant 1.000000e+00 : f32
      %sub3A_234 = vector.broadcast %sub3A_233 : f32 to vector<16xf32>
      %sub3A_235 = arith.subf %sub3A_234, %div3A_232 : vector<16xf32>
      %mul3A_236 = vector.broadcast %squeeze3A_71 : f32 to vector<16xf32>
      %mul3A_237 = arith.mulf %sub3A_178, %mul3A_236 : vector<16xf32>
      %mul3A_238 = vector.broadcast %squeeze3A_79 : f32 to vector<16xf32>
      %mul3A_239 = arith.mulf %sub3A_197, %mul3A_238 : vector<16xf32>
      %add3A_240 = arith.addf %mul3A_237, %mul3A_239 : vector<16xf32>
      %mul3A_241 = vector.broadcast %squeeze3A_87 : f32 to vector<16xf32>
      %mul3A_242 = arith.mulf %sub3A_216, %mul3A_241 : vector<16xf32>
      %add3A_243 = arith.addf %add3A_240, %mul3A_242 : vector<16xf32>
      %mul3A_244 = vector.broadcast %squeeze3A_95 : f32 to vector<16xf32>
      %mul3A_245 = arith.mulf %sub3A_235, %mul3A_244 : vector<16xf32>
      %add3A_246 = arith.addf %add3A_243, %mul3A_245 : vector<16xf32>
      %mul3A_247 = arith.mulf %get3A_163, %add3A_246 : vector<16xf32>
      %swap3A = arith.constant 0 : i32
      %swap3A_248 = arith.index_cast %swap3A : i32 to index
      %swap3A_249 = arith.index_cast %mul3A_159 : i32 to index
      %swap3A_250 = tpu.vector_load %arg15[%swap3A_248, %swap3A_249] {strides = array<i32>} : memref<4x640xf32, #tpu.memory_space<vmem>>, vector<16xf32>,
      tpu.vector_store %arg15[%swap3A_248, %swap3A_249], %mul3A_247 {strides = array<i32>} : memref<4x640xf32, #tpu.memory_space<vmem>>, vector<16xf32>,
      %mul3A_251 = vector.broadcast %select_n3A : f32 to vector<16xf32>
      %mul3A_252 = arith.mulf %mul3A_247, %mul3A_251 : vector<16xf32>
      tpu.vector_store_idx %arg16[%iota3A, %broadcast_in_dim3A_47, %add3A_161], %mul3A_252 : memref<16x4x40xf32, #tpu.memory_space<vmem>>[vector<16xi32>, vector<16xi32>, vector<16xi32>], vector<16xf32>,
      %mul3A_253 = vector.broadcast %squeeze3A_73 : f32 to vector<16xf32>
      %mul3A_254 = arith.mulf %sub3A_178, %mul3A_253 : vector<16xf32>
      %mul3A_255 = vector.broadcast %squeeze3A_81 : f32 to vector<16xf32>
      %mul3A_256 = arith.mulf %sub3A_197, %mul3A_255 : vector<16xf32>
      %add3A_257 = arith.addf %mul3A_254, %mul3A_256 : vector<16xf32>
      %mul3A_258 = vector.broadcast %squeeze3A_89 : f32 to vector<16xf32>
      %mul3A_259 = arith.mulf %sub3A_216, %mul3A_258 : vector<16xf32>
      %add3A_260 = arith.addf %add3A_257, %mul3A_259 : vector<16xf32>
      %mul3A_261 = vector.broadcast %squeeze3A_97 : f32 to vector<16xf32>
      %mul3A_262 = arith.mulf %sub3A_235, %mul3A_261 : vector<16xf32>
      %add3A_263 = arith.addf %add3A_260, %mul3A_262 : vector<16xf32>
      %mul3A_264 = arith.mulf %get3A_163, %add3A_263 : vector<16xf32>
      %swap3A_265 = arith.constant 1 : i32
      %swap3A_266 = arith.index_cast %swap3A_265 : i32 to index
      %swap3A_267 = arith.index_cast %mul3A_159 : i32 to index
      %swap3A_268 = tpu.vector_load %arg15[%swap3A_266, %swap3A_267] {strides = array<i32>} : memref<4x640xf32, #tpu.memory_space<vmem>>, vector<16xf32>,
      tpu.vector_store %arg15[%swap3A_266, %swap3A_267], %mul3A_264 {strides = array<i32>} : memref<4x640xf32, #tpu.memory_space<vmem>>, vector<16xf32>,
      %mul3A_269 = vector.broadcast %select_n3A : f32 to vector<16xf32>
      %mul3A_270 = arith.mulf %mul3A_264, %mul3A_269 : vector<16xf32>
      tpu.vector_store_idx %arg16[%iota3A, %broadcast_in_dim3A_49, %add3A_161], %mul3A_270 : memref<16x4x40xf32, #tpu.memory_space<vmem>>[vector<16xi32>, vector<16xi32>, vector<16xi32>], vector<16xf32>,
      %mul3A_271 = vector.broadcast %squeeze3A_75 : f32 to vector<16xf32>
      %mul3A_272 = arith.mulf %sub3A_178, %mul3A_271 : vector<16xf32>
      %mul3A_273 = vector.broadcast %squeeze3A_83 : f32 to vector<16xf32>
      %mul3A_274 = arith.mulf %sub3A_197, %mul3A_273 : vector<16xf32>
      %add3A_275 = arith.addf %mul3A_272, %mul3A_274 : vector<16xf32>
      %mul3A_276 = vector.broadcast %squeeze3A_91 : f32 to vector<16xf32>
      %mul3A_277 = arith.mulf %sub3A_216, %mul3A_276 : vector<16xf32>
      %add3A_278 = arith.addf %add3A_275, %mul3A_277 : vector<16xf32>
      %mul3A_279 = vector.broadcast %squeeze3A_99 : f32 to vector<16xf32>
      %mul3A_280 = arith.mulf %sub3A_235, %mul3A_279 : vector<16xf32>
      %add3A_281 = arith.addf %add3A_278, %mul3A_280 : vector<16xf32>
      %mul3A_282 = arith.mulf %get3A_163, %add3A_281 : vector<16xf32>
      %swap3A_283 = arith.constant 2 : i32
      %swap3A_284 = arith.index_cast %swap3A_283 : i32 to index
      %swap3A_285 = arith.index_cast %mul3A_159 : i32 to index
      %swap3A_286 = tpu.vector_load %arg15[%swap3A_284, %swap3A_285] {strides = array<i32>} : memref<4x640xf32, #tpu.memory_space<vmem>>, vector<16xf32>,
      tpu.vector_store %arg15[%swap3A_284, %swap3A_285], %mul3A_282 {strides = array<i32>} : memref<4x640xf32, #tpu.memory_space<vmem>>, vector<16xf32>,
      %mul3A_287 = vector.broadcast %select_n3A : f32 to vector<16xf32>
      %mul3A_288 = arith.mulf %mul3A_282, %mul3A_287 : vector<16xf32>
      tpu.vector_store_idx %arg16[%iota3A, %broadcast_in_dim3A_51, %add3A_161], %mul3A_288 : memref<16x4x40xf32, #tpu.memory_space<vmem>>[vector<16xi32>, vector<16xi32>, vector<16xi32>], vector<16xf32>,
      %mul3A_289 = vector.broadcast %squeeze3A_77 : f32 to vector<16xf32>
      %mul3A_290 = arith.mulf %sub3A_178, %mul3A_289 : vector<16xf32>
      %mul3A_291 = vector.broadcast %squeeze3A_85 : f32 to vector<16xf32>
      %mul3A_292 = arith.mulf %sub3A_197, %mul3A_291 : vector<16xf32>
      %add3A_293 = arith.addf %mul3A_290, %mul3A_292 : vector<16xf32>
      %mul3A_294 = vector.broadcast %squeeze3A_93 : f32 to vector<16xf32>
      %mul3A_295 = arith.mulf %sub3A_216, %mul3A_294 : vector<16xf32>
      %add3A_296 = arith.addf %add3A_293, %mul3A_295 : vector<16xf32>
      %mul3A_297 = vector.broadcast %squeeze3A_101 : f32 to vector<16xf32>
      %mul3A_298 = arith.mulf %sub3A_235, %mul3A_297 : vector<16xf32>
      %add3A_299 = arith.addf %add3A_296, %mul3A_298 : vector<16xf32>
      %mul3A_300 = arith.mulf %get3A_163, %add3A_299 : vector<16xf32>
      %swap3A_301 = arith.constant 3 : i32
      %swap3A_302 = arith.index_cast %swap3A_301 : i32 to index
      %swap3A_303 = arith.index_cast %mul3A_159 : i32 to index
      %swap3A_304 = tpu.vector_load %arg15[%swap3A_302, %swap3A_303] {strides = array<i32>} : memref<4x640xf32, #tpu.memory_space<vmem>>, vector<16xf32>,
      tpu.vector_store %arg15[%swap3A_302, %swap3A_303], %mul3A_300 {strides = array<i32>} : memref<4x640xf32, #tpu.memory_space<vmem>>, vector<16xf32>,
      %mul3A_305 = vector.broadcast %select_n3A : f32 to vector<16xf32>
      %mul3A_306 = arith.mulf %mul3A_300, %mul3A_305 : vector<16xf32>
      tpu.vector_store_idx %arg16[%iota3A, %broadcast_in_dim3A_53, %add3A_161], %mul3A_306 : memref<16x4x40xf32, #tpu.memory_space<vmem>>[vector<16xi32>, vector<16xi32>, vector<16xi32>], vector<16xf32>,
    }
    %scan3A_128 = arith.constant 40 : i32
    %run_scoped3A = arith.constant 0 : i32
    %run_scoped3A_129 = arith.constant 0 : i32
    "tpu.region"() ({
      %run_scoped3A_153 = tpu.sem_alloc : memref<!tpu.dma_semaphore, #tpu.memory_space<semaphore_mem>>
      %dma_start3A_154 = arith.constant 0 : i32
      %dma_start3A_155 = tpu.memref_slice %arg15[%run_scoped3A, %dma_start3A_154] : memref<4x640xf32, #tpu.memory_space<vmem>> -> memref<1x640xf32, #tpu.memory_space<vmem>>
      %dma_start3A_156 = tpu.memref_squeeze %dma_start3A_155 : memref<1x640xf32, #tpu.memory_space<vmem>> -> memref<640xf32, #tpu.memory_space<vmem>>
      %dma_start3A_157 = tpu.memref_slice %arg7[%run_scoped3A_129, %mul3A_2] : memref<4x10240xf32, #tpu.memory_space<vmem_shared>> -> memref<1x640xf32, #tpu.memory_space<vmem_shared>>
      %dma_start3A_158 = tpu.memref_squeeze %dma_start3A_157 : memref<1x640xf32, #tpu.memory_space<vmem_shared>> -> memref<640xf32, #tpu.memory_space<vmem_shared>>
      %dma_start3A_159 = tpu.memref_slice %arg7[%run_scoped3A_129, %mul3A_2] : memref<4x10240xf32, #tpu.memory_space<vmem_shared>> -> memref<1x640xf32, #tpu.memory_space<vmem_shared>>
      %dma_start3A_160 = tpu.memref_squeeze %dma_start3A_159 : memref<1x640xf32, #tpu.memory_space<vmem_shared>> -> memref<640xf32, #tpu.memory_space<vmem_shared>>
      %dma_start3A_161 = arith.constant 0 : i32
      %dma_start3A_162 = tpu.memref_slice %arg15[%run_scoped3A, %dma_start3A_161] : memref<4x640xf32, #tpu.memory_space<vmem>> -> memref<1x640xf32, #tpu.memory_space<vmem>>
      %dma_start3A_163 = tpu.memref_squeeze %dma_start3A_162 : memref<1x640xf32, #tpu.memory_space<vmem>> -> memref<640xf32, #tpu.memory_space<vmem>>
      tpu.enqueue_dma source(%dma_start3A_163 : memref<640xf32, #tpu.memory_space<vmem>>) target(%dma_start3A_160 : memref<640xf32, #tpu.memory_space<vmem_shared>>) target_semaphore(%run_scoped3A_153 : memref<!tpu.dma_semaphore, #tpu.memory_space<semaphore_mem>>)
      %dma_wait3A_164 = arith.constant 0 : i32
      %dma_wait3A_165 = tpu.memref_slice %arg15[%run_scoped3A, %dma_wait3A_164] : memref<4x640xf32, #tpu.memory_space<vmem>> -> memref<1x640xf32, #tpu.memory_space<vmem>>
      %dma_wait3A_166 = tpu.memref_squeeze %dma_wait3A_165 : memref<1x640xf32, #tpu.memory_space<vmem>> -> memref<640xf32, #tpu.memory_space<vmem>>
      %dma_wait3A_167 = tpu.memref_slice %arg7[%run_scoped3A_129, %mul3A_2] : memref<4x10240xf32, #tpu.memory_space<vmem_shared>> -> memref<1x640xf32, #tpu.memory_space<vmem_shared>>
      %dma_wait3A_168 = tpu.memref_squeeze %dma_wait3A_167 : memref<1x640xf32, #tpu.memory_space<vmem_shared>> -> memref<640xf32, #tpu.memory_space<vmem_shared>>
      %dma_wait3A_169 = tpu.memref_slice %arg7[%run_scoped3A_129, %mul3A_2] : memref<4x10240xf32, #tpu.memory_space<vmem_shared>> -> memref<1x640xf32, #tpu.memory_space<vmem_shared>>
      %dma_wait3A_170 = tpu.memref_squeeze %dma_wait3A_169 : memref<1x640xf32, #tpu.memory_space<vmem_shared>> -> memref<640xf32, #tpu.memory_space<vmem_shared>>
      %dma_wait3A_171 = arith.constant 0 : i32
      %dma_wait3A_172 = tpu.memref_slice %arg15[%run_scoped3A, %dma_wait3A_171] : memref<4x640xf32, #tpu.memory_space<vmem>> -> memref<1x640xf32, #tpu.memory_space<vmem>>
      %dma_wait3A_173 = tpu.memref_squeeze %dma_wait3A_172 : memref<1x640xf32, #tpu.memory_space<vmem>> -> memref<640xf32, #tpu.memory_space<vmem>>
      tpu.wait_dma2 semaphore(%run_scoped3A_153 : memref<!tpu.dma_semaphore, #tpu.memory_space<semaphore_mem>>) src(%dma_wait3A_173 : memref<640xf32, #tpu.memory_space<vmem>>) dst(%dma_wait3A_170 : memref<640xf32, #tpu.memory_space<vmem_shared>>)
      tpu.yield
    }) : () -> ()
    %run_scoped3A_130 = arith.constant 1 : i32
    %run_scoped3A_131 = arith.constant 1 : i32
    "tpu.region"() ({
      %run_scoped3A_153 = tpu.sem_alloc : memref<!tpu.dma_semaphore, #tpu.memory_space<semaphore_mem>>
      %dma_start3A_154 = arith.constant 0 : i32
      %dma_start3A_155 = tpu.memref_slice %arg15[%run_scoped3A_130, %dma_start3A_154] : memref<4x640xf32, #tpu.memory_space<vmem>> -> memref<1x640xf32, #tpu.memory_space<vmem>>
      %dma_start3A_156 = tpu.memref_squeeze %dma_start3A_155 : memref<1x640xf32, #tpu.memory_space<vmem>> -> memref<640xf32, #tpu.memory_space<vmem>>
      %dma_start3A_157 = tpu.memref_slice %arg7[%run_scoped3A_131, %mul3A_2] : memref<4x10240xf32, #tpu.memory_space<vmem_shared>> -> memref<1x640xf32, #tpu.memory_space<vmem_shared>>
      %dma_start3A_158 = tpu.memref_squeeze %dma_start3A_157 : memref<1x640xf32, #tpu.memory_space<vmem_shared>> -> memref<640xf32, #tpu.memory_space<vmem_shared>>
      %dma_start3A_159 = tpu.memref_slice %arg7[%run_scoped3A_131, %mul3A_2] : memref<4x10240xf32, #tpu.memory_space<vmem_shared>> -> memref<1x640xf32, #tpu.memory_space<vmem_shared>>
      %dma_start3A_160 = tpu.memref_squeeze %dma_start3A_159 : memref<1x640xf32, #tpu.memory_space<vmem_shared>> -> memref<640xf32, #tpu.memory_space<vmem_shared>>
      %dma_start3A_161 = arith.constant 0 : i32
      %dma_start3A_162 = tpu.memref_slice %arg15[%run_scoped3A_130, %dma_start3A_161] : memref<4x640xf32, #tpu.memory_space<vmem>> -> memref<1x640xf32, #tpu.memory_space<vmem>>
      %dma_start3A_163 = tpu.memref_squeeze %dma_start3A_162 : memref<1x640xf32, #tpu.memory_space<vmem>> -> memref<640xf32, #tpu.memory_space<vmem>>
      tpu.enqueue_dma source(%dma_start3A_163 : memref<640xf32, #tpu.memory_space<vmem>>) target(%dma_start3A_160 : memref<640xf32, #tpu.memory_space<vmem_shared>>) target_semaphore(%run_scoped3A_153 : memref<!tpu.dma_semaphore, #tpu.memory_space<semaphore_mem>>)
      %dma_wait3A_164 = arith.constant 0 : i32
      %dma_wait3A_165 = tpu.memref_slice %arg15[%run_scoped3A_130, %dma_wait3A_164] : memref<4x640xf32, #tpu.memory_space<vmem>> -> memref<1x640xf32, #tpu.memory_space<vmem>>
      %dma_wait3A_166 = tpu.memref_squeeze %dma_wait3A_165 : memref<1x640xf32, #tpu.memory_space<vmem>> -> memref<640xf32, #tpu.memory_space<vmem>>
      %dma_wait3A_167 = tpu.memref_slice %arg7[%run_scoped3A_131, %mul3A_2] : memref<4x10240xf32, #tpu.memory_space<vmem_shared>> -> memref<1x640xf32, #tpu.memory_space<vmem_shared>>
      %dma_wait3A_168 = tpu.memref_squeeze %dma_wait3A_167 : memref<1x640xf32, #tpu.memory_space<vmem_shared>> -> memref<640xf32, #tpu.memory_space<vmem_shared>>
      %dma_wait3A_169 = tpu.memref_slice %arg7[%run_scoped3A_131, %mul3A_2] : memref<4x10240xf32, #tpu.memory_space<vmem_shared>> -> memref<1x640xf32, #tpu.memory_space<vmem_shared>>
      %dma_wait3A_170 = tpu.memref_squeeze %dma_wait3A_169 : memref<1x640xf32, #tpu.memory_space<vmem_shared>> -> memref<640xf32, #tpu.memory_space<vmem_shared>>
      %dma_wait3A_171 = arith.constant 0 : i32
      %dma_wait3A_172 = tpu.memref_slice %arg15[%run_scoped3A_130, %dma_wait3A_171] : memref<4x640xf32, #tpu.memory_space<vmem>> -> memref<1x640xf32, #tpu.memory_space<vmem>>
      %dma_wait3A_173 = tpu.memref_squeeze %dma_wait3A_172 : memref<1x640xf32, #tpu.memory_space<vmem>> -> memref<640xf32, #tpu.memory_space<vmem>>
      tpu.wait_dma2 semaphore(%run_scoped3A_153 : memref<!tpu.dma_semaphore, #tpu.memory_space<semaphore_mem>>) src(%dma_wait3A_173 : memref<640xf32, #tpu.memory_space<vmem>>) dst(%dma_wait3A_170 : memref<640xf32, #tpu.memory_space<vmem_shared>>)
      tpu.yield
    }) : () -> ()
    %run_scoped3A_132 = arith.constant 2 : i32
    %run_scoped3A_133 = arith.constant 2 : i32
    "tpu.region"() ({
      %run_scoped3A_153 = tpu.sem_alloc : memref<!tpu.dma_semaphore, #tpu.memory_space<semaphore_mem>>
      %dma_start3A_154 = arith.constant 0 : i32
      %dma_start3A_155 = tpu.memref_slice %arg15[%run_scoped3A_132, %dma_start3A_154] : memref<4x640xf32, #tpu.memory_space<vmem>> -> memref<1x640xf32, #tpu.memory_space<vmem>>
      %dma_start3A_156 = tpu.memref_squeeze %dma_start3A_155 : memref<1x640xf32, #tpu.memory_space<vmem>> -> memref<640xf32, #tpu.memory_space<vmem>>
      %dma_start3A_157 = tpu.memref_slice %arg7[%run_scoped3A_133, %mul3A_2] : memref<4x10240xf32, #tpu.memory_space<vmem_shared>> -> memref<1x640xf32, #tpu.memory_space<vmem_shared>>
      %dma_start3A_158 = tpu.memref_squeeze %dma_start3A_157 : memref<1x640xf32, #tpu.memory_space<vmem_shared>> -> memref<640xf32, #tpu.memory_space<vmem_shared>>
      %dma_start3A_159 = tpu.memref_slice %arg7[%run_scoped3A_133, %mul3A_2] : memref<4x10240xf32, #tpu.memory_space<vmem_shared>> -> memref<1x640xf32, #tpu.memory_space<vmem_shared>>
      %dma_start3A_160 = tpu.memref_squeeze %dma_start3A_159 : memref<1x640xf32, #tpu.memory_space<vmem_shared>> -> memref<640xf32, #tpu.memory_space<vmem_shared>>
      %dma_start3A_161 = arith.constant 0 : i32
      %dma_start3A_162 = tpu.memref_slice %arg15[%run_scoped3A_132, %dma_start3A_161] : memref<4x640xf32, #tpu.memory_space<vmem>> -> memref<1x640xf32, #tpu.memory_space<vmem>>
      %dma_start3A_163 = tpu.memref_squeeze %dma_start3A_162 : memref<1x640xf32, #tpu.memory_space<vmem>> -> memref<640xf32, #tpu.memory_space<vmem>>
      tpu.enqueue_dma source(%dma_start3A_163 : memref<640xf32, #tpu.memory_space<vmem>>) target(%dma_start3A_160 : memref<640xf32, #tpu.memory_space<vmem_shared>>) target_semaphore(%run_scoped3A_153 : memref<!tpu.dma_semaphore, #tpu.memory_space<semaphore_mem>>)
      %dma_wait3A_164 = arith.constant 0 : i32
      %dma_wait3A_165 = tpu.memref_slice %arg15[%run_scoped3A_132, %dma_wait3A_164] : memref<4x640xf32, #tpu.memory_space<vmem>> -> memref<1x640xf32, #tpu.memory_space<vmem>>
      %dma_wait3A_166 = tpu.memref_squeeze %dma_wait3A_165 : memref<1x640xf32, #tpu.memory_space<vmem>> -> memref<640xf32, #tpu.memory_space<vmem>>
      %dma_wait3A_167 = tpu.memref_slice %arg7[%run_scoped3A_133, %mul3A_2] : memref<4x10240xf32, #tpu.memory_space<vmem_shared>> -> memref<1x640xf32, #tpu.memory_space<vmem_shared>>
      %dma_wait3A_168 = tpu.memref_squeeze %dma_wait3A_167 : memref<1x640xf32, #tpu.memory_space<vmem_shared>> -> memref<640xf32, #tpu.memory_space<vmem_shared>>
      %dma_wait3A_169 = tpu.memref_slice %arg7[%run_scoped3A_133, %mul3A_2] : memref<4x10240xf32, #tpu.memory_space<vmem_shared>> -> memref<1x640xf32, #tpu.memory_space<vmem_shared>>
      %dma_wait3A_170 = tpu.memref_squeeze %dma_wait3A_169 : memref<1x640xf32, #tpu.memory_space<vmem_shared>> -> memref<640xf32, #tpu.memory_space<vmem_shared>>
      %dma_wait3A_171 = arith.constant 0 : i32
      %dma_wait3A_172 = tpu.memref_slice %arg15[%run_scoped3A_132, %dma_wait3A_171] : memref<4x640xf32, #tpu.memory_space<vmem>> -> memref<1x640xf32, #tpu.memory_space<vmem>>
      %dma_wait3A_173 = tpu.memref_squeeze %dma_wait3A_172 : memref<1x640xf32, #tpu.memory_space<vmem>> -> memref<640xf32, #tpu.memory_space<vmem>>
      tpu.wait_dma2 semaphore(%run_scoped3A_153 : memref<!tpu.dma_semaphore, #tpu.memory_space<semaphore_mem>>) src(%dma_wait3A_173 : memref<640xf32, #tpu.memory_space<vmem>>) dst(%dma_wait3A_170 : memref<640xf32, #tpu.memory_space<vmem_shared>>)
      tpu.yield
    }) : () -> ()
    %run_scoped3A_134 = arith.constant 3 : i32
    %run_scoped3A_135 = arith.constant 3 : i32
    "tpu.region"() ({
      %run_scoped3A_153 = tpu.sem_alloc : memref<!tpu.dma_semaphore, #tpu.memory_space<semaphore_mem>>
      %dma_start3A_154 = arith.constant 0 : i32
      %dma_start3A_155 = tpu.memref_slice %arg15[%run_scoped3A_134, %dma_start3A_154] : memref<4x640xf32, #tpu.memory_space<vmem>> -> memref<1x640xf32, #tpu.memory_space<vmem>>
      %dma_start3A_156 = tpu.memref_squeeze %dma_start3A_155 : memref<1x640xf32, #tpu.memory_space<vmem>> -> memref<640xf32, #tpu.memory_space<vmem>>
      %dma_start3A_157 = tpu.memref_slice %arg7[%run_scoped3A_135, %mul3A_2] : memref<4x10240xf32, #tpu.memory_space<vmem_shared>> -> memref<1x640xf32, #tpu.memory_space<vmem_shared>>
      %dma_start3A_158 = tpu.memref_squeeze %dma_start3A_157 : memref<1x640xf32, #tpu.memory_space<vmem_shared>> -> memref<640xf32, #tpu.memory_space<vmem_shared>>
      %dma_start3A_159 = tpu.memref_slice %arg7[%run_scoped3A_135, %mul3A_2] : memref<4x10240xf32, #tpu.memory_space<vmem_shared>> -> memref<1x640xf32, #tpu.memory_space<vmem_shared>>
      %dma_start3A_160 = tpu.memref_squeeze %dma_start3A_159 : memref<1x640xf32, #tpu.memory_space<vmem_shared>> -> memref<640xf32, #tpu.memory_space<vmem_shared>>
      %dma_start3A_161 = arith.constant 0 : i32
      %dma_start3A_162 = tpu.memref_slice %arg15[%run_scoped3A_134, %dma_start3A_161] : memref<4x640xf32, #tpu.memory_space<vmem>> -> memref<1x640xf32, #tpu.memory_space<vmem>>
      %dma_start3A_163 = tpu.memref_squeeze %dma_start3A_162 : memref<1x640xf32, #tpu.memory_space<vmem>> -> memref<640xf32, #tpu.memory_space<vmem>>
      tpu.enqueue_dma source(%dma_start3A_163 : memref<640xf32, #tpu.memory_space<vmem>>) target(%dma_start3A_160 : memref<640xf32, #tpu.memory_space<vmem_shared>>) target_semaphore(%run_scoped3A_153 : memref<!tpu.dma_semaphore, #tpu.memory_space<semaphore_mem>>)
      %dma_wait3A_164 = arith.constant 0 : i32
      %dma_wait3A_165 = tpu.memref_slice %arg15[%run_scoped3A_134, %dma_wait3A_164] : memref<4x640xf32, #tpu.memory_space<vmem>> -> memref<1x640xf32, #tpu.memory_space<vmem>>
      %dma_wait3A_166 = tpu.memref_squeeze %dma_wait3A_165 : memref<1x640xf32, #tpu.memory_space<vmem>> -> memref<640xf32, #tpu.memory_space<vmem>>
      %dma_wait3A_167 = tpu.memref_slice %arg7[%run_scoped3A_135, %mul3A_2] : memref<4x10240xf32, #tpu.memory_space<vmem_shared>> -> memref<1x640xf32, #tpu.memory_space<vmem_shared>>
      %dma_wait3A_168 = tpu.memref_squeeze %dma_wait3A_167 : memref<1x640xf32, #tpu.memory_space<vmem_shared>> -> memref<640xf32, #tpu.memory_space<vmem_shared>>
      %dma_wait3A_169 = tpu.memref_slice %arg7[%run_scoped3A_135, %mul3A_2] : memref<4x10240xf32, #tpu.memory_space<vmem_shared>> -> memref<1x640xf32, #tpu.memory_space<vmem_shared>>
      %dma_wait3A_170 = tpu.memref_squeeze %dma_wait3A_169 : memref<1x640xf32, #tpu.memory_space<vmem_shared>> -> memref<640xf32, #tpu.memory_space<vmem_shared>>
      %dma_wait3A_171 = arith.constant 0 : i32
      %dma_wait3A_172 = tpu.memref_slice %arg15[%run_scoped3A_134, %dma_wait3A_171] : memref<4x640xf32, #tpu.memory_space<vmem>> -> memref<1x640xf32, #tpu.memory_space<vmem>>
      %dma_wait3A_173 = tpu.memref_squeeze %dma_wait3A_172 : memref<1x640xf32, #tpu.memory_space<vmem>> -> memref<640xf32, #tpu.memory_space<vmem>>
      tpu.wait_dma2 semaphore(%run_scoped3A_153 : memref<!tpu.dma_semaphore, #tpu.memory_space<semaphore_mem>>) src(%dma_wait3A_173 : memref<640xf32, #tpu.memory_space<vmem>>) dst(%dma_wait3A_170 : memref<640xf32, #tpu.memory_space<vmem_shared>>)
      tpu.yield
    }) : () -> ()
    "tpu.region"() ({
      %run_scoped3A_153 = tpu.sem_alloc : memref<!tpu.dma_semaphore, #tpu.memory_space<semaphore_mem>>
      %dma_start3A_154 = arith.constant 0 : i32
      %dma_start3A_155 = arith.constant 0 : i32
      %dma_start3A_156 = tpu.memref_slice %arg8[%dma_start3A_154, %dma_start3A_155, %mul3A_4] : memref<16x4x640xf32, #tpu.memory_space<vmem_shared>> -> memref<16x4x40xf32, #tpu.memory_space<vmem_shared>>
      %dma_start3A_157 = arith.constant 0 : i32
      %dma_start3A_158 = arith.constant 0 : i32
      %dma_start3A_159 = tpu.memref_slice %arg8[%dma_start3A_157, %dma_start3A_158, %mul3A_4] : memref<16x4x640xf32, #tpu.memory_space<vmem_shared>> -> memref<16x4x40xf32, #tpu.memory_space<vmem_shared>>
      tpu.enqueue_dma source(%arg16 : memref<16x4x40xf32, #tpu.memory_space<vmem>>) target(%dma_start3A_159 : memref<16x4x40xf32, #tpu.memory_space<vmem_shared>>) target_semaphore(%run_scoped3A_153 : memref<!tpu.dma_semaphore, #tpu.memory_space<semaphore_mem>>)
      %dma_wait3A_160 = arith.constant 0 : i32
      %dma_wait3A_161 = arith.constant 0 : i32
      %dma_wait3A_162 = tpu.memref_slice %arg8[%dma_wait3A_160, %dma_wait3A_161, %mul3A_4] : memref<16x4x640xf32, #tpu.memory_space<vmem_shared>> -> memref<16x4x40xf32, #tpu.memory_space<vmem_shared>>
      %dma_wait3A_163 = arith.constant 0 : i32
      %dma_wait3A_164 = arith.constant 0 : i32
      %dma_wait3A_165 = tpu.memref_slice %arg8[%dma_wait3A_163, %dma_wait3A_164, %mul3A_4] : memref<16x4x640xf32, #tpu.memory_space<vmem_shared>> -> memref<16x4x40xf32, #tpu.memory_space<vmem_shared>>
      tpu.wait_dma2 semaphore(%run_scoped3A_153 : memref<!tpu.dma_semaphore, #tpu.memory_space<semaphore_mem>>) src(%arg16 : memref<16x4x40xf32, #tpu.memory_space<vmem>>) dst(%dma_wait3A_165 : memref<16x4x40xf32, #tpu.memory_space<vmem_shared>>)
      tpu.yield
    }) : () -> ()
    %barrier3A = arith.constant 0 : index
    tpu.barrier barrier_id(%barrier3A)
    %barrier3A_136 = arith.constant 0 : index
    tpu.barrier barrier_id(%barrier3A_136)
    tpu.enqueue_dma source(%arg7 : memref<4x10240xf32, #tpu.memory_space<vmem_shared>>) target(%arg9 : memref<4x10240xf32, #tpu.memory_space<vmem>>) target_semaphore(%arg18 : memref<!tpu.dma_semaphore, #tpu.memory_space<semaphore_mem>>)
    %broadcast_in_dim3A_137 = arith.constant 0.000000e+00 : f32
    %broadcast_in_dim3A_138 = vector.broadcast %broadcast_in_dim3A_137 : f32 to vector<16xf32>
    %scan3A_139 = arith.constant 0 : i32
    %scan3A_140 = arith.constant 40 : i32
    %scan3A_141 = arith.addi %scan3A_139, %scan3A_140 : i32
    %scan3A_142 = arith.constant 1 : i32
    scf.for %scan3A_153 = %scan3A_139 to %scan3A_141 step %scan3A_142  : i32 {
      %mul3A_154 = arith.constant 1 : i32
      %mul3A_155 = arith.muli %scan3A_153, %mul3A_154 : i32
      %add3A_156 = arith.constant 0 : i32
      %add3A_157 = arith.addi %add3A_156, %mul3A_155 : i32
      %mul3A_158 = arith.constant 16 : i32
      %mul3A_159 = arith.muli %add3A_157, %mul3A_158 : i32
      %swap3A = arith.constant 0 : i32
      %swap3A_160 = arith.constant 0 : i32
      %swap3A_161 = arith.index_cast %swap3A : i32 to index
      %swap3A_162 = arith.index_cast %swap3A_160 : i32 to index
      %swap3A_163 = arith.index_cast %mul3A_159 : i32 to index
      %swap3A_164 = tpu.vector_load %arg10[%swap3A_161, %swap3A_162, %swap3A_163] {strides = array<i32>} : memref<16x4x640xf32, #tpu.memory_space<vmem>>, vector<16xf32>,
      tpu.vector_store %arg10[%swap3A_161, %swap3A_162, %swap3A_163], %broadcast_in_dim3A_138 {strides = array<i32>} : memref<16x4x640xf32, #tpu.memory_space<vmem>>, vector<16xf32>,
      %swap3A_165 = arith.constant 0 : i32
      %swap3A_166 = arith.constant 1 : i32
      %swap3A_167 = arith.index_cast %swap3A_165 : i32 to index
      %swap3A_168 = arith.index_cast %swap3A_166 : i32 to index
      %swap3A_169 = arith.index_cast %mul3A_159 : i32 to index
      %swap3A_170 = tpu.vector_load %arg10[%swap3A_167, %swap3A_168, %swap3A_169] {strides = array<i32>} : memref<16x4x640xf32, #tpu.memory_space<vmem>>, vector<16xf32>,
      tpu.vector_store %arg10[%swap3A_167, %swap3A_168, %swap3A_169], %broadcast_in_dim3A_138 {strides = array<i32>} : memref<16x4x640xf32, #tpu.memory_space<vmem>>, vector<16xf32>,
      %swap3A_171 = arith.constant 0 : i32
      %swap3A_172 = arith.constant 2 : i32
      %swap3A_173 = arith.index_cast %swap3A_171 : i32 to index
      %swap3A_174 = arith.index_cast %swap3A_172 : i32 to index
      %swap3A_175 = arith.index_cast %mul3A_159 : i32 to index
      %swap3A_176 = tpu.vector_load %arg10[%swap3A_173, %swap3A_174, %swap3A_175] {strides = array<i32>} : memref<16x4x640xf32, #tpu.memory_space<vmem>>, vector<16xf32>,
      tpu.vector_store %arg10[%swap3A_173, %swap3A_174, %swap3A_175], %broadcast_in_dim3A_138 {strides = array<i32>} : memref<16x4x640xf32, #tpu.memory_space<vmem>>, vector<16xf32>,
      %swap3A_177 = arith.constant 0 : i32
      %swap3A_178 = arith.constant 3 : i32
      %swap3A_179 = arith.index_cast %swap3A_177 : i32 to index
      %swap3A_180 = arith.index_cast %swap3A_178 : i32 to index
      %swap3A_181 = arith.index_cast %mul3A_159 : i32 to index
      %swap3A_182 = tpu.vector_load %arg10[%swap3A_179, %swap3A_180, %swap3A_181] {strides = array<i32>} : memref<16x4x640xf32, #tpu.memory_space<vmem>>, vector<16xf32>,
      tpu.vector_store %arg10[%swap3A_179, %swap3A_180, %swap3A_181], %broadcast_in_dim3A_138 {strides = array<i32>} : memref<16x4x640xf32, #tpu.memory_space<vmem>>, vector<16xf32>,
      %swap3A_183 = arith.constant 1 : i32
      %swap3A_184 = arith.constant 0 : i32
      %swap3A_185 = arith.index_cast %swap3A_183 : i32 to index
      %swap3A_186 = arith.index_cast %swap3A_184 : i32 to index
      %swap3A_187 = arith.index_cast %mul3A_159 : i32 to index
      %swap3A_188 = tpu.vector_load %arg10[%swap3A_185, %swap3A_186, %swap3A_187] {strides = array<i32>} : memref<16x4x640xf32, #tpu.memory_space<vmem>>, vector<16xf32>,
      tpu.vector_store %arg10[%swap3A_185, %swap3A_186, %swap3A_187], %broadcast_in_dim3A_138 {strides = array<i32>} : memref<16x4x640xf32, #tpu.memory_space<vmem>>, vector<16xf32>,
      %swap3A_189 = arith.constant 1 : i32
      %swap3A_190 = arith.constant 1 : i32
      %swap3A_191 = arith.index_cast %swap3A_189 : i32 to index
      %swap3A_192 = arith.index_cast %swap3A_190 : i32 to index
      %swap3A_193 = arith.index_cast %mul3A_159 : i32 to index
      %swap3A_194 = tpu.vector_load %arg10[%swap3A_191, %swap3A_192, %swap3A_193] {strides = array<i32>} : memref<16x4x640xf32, #tpu.memory_space<vmem>>, vector<16xf32>,
      tpu.vector_store %arg10[%swap3A_191, %swap3A_192, %swap3A_193], %broadcast_in_dim3A_138 {strides = array<i32>} : memref<16x4x640xf32, #tpu.memory_space<vmem>>, vector<16xf32>,
      %swap3A_195 = arith.constant 1 : i32
      %swap3A_196 = arith.constant 2 : i32
      %swap3A_197 = arith.index_cast %swap3A_195 : i32 to index
      %swap3A_198 = arith.index_cast %swap3A_196 : i32 to index
      %swap3A_199 = arith.index_cast %mul3A_159 : i32 to index
      %swap3A_200 = tpu.vector_load %arg10[%swap3A_197, %swap3A_198, %swap3A_199] {strides = array<i32>} : memref<16x4x640xf32, #tpu.memory_space<vmem>>, vector<16xf32>,
      tpu.vector_store %arg10[%swap3A_197, %swap3A_198, %swap3A_199], %broadcast_in_dim3A_138 {strides = array<i32>} : memref<16x4x640xf32, #tpu.memory_space<vmem>>, vector<16xf32>,
      %swap3A_201 = arith.constant 1 : i32
      %swap3A_202 = arith.constant 3 : i32
      %swap3A_203 = arith.index_cast %swap3A_201 : i32 to index
      %swap3A_204 = arith.index_cast %swap3A_202 : i32 to index
      %swap3A_205 = arith.index_cast %mul3A_159 : i32 to index
      %swap3A_206 = tpu.vector_load %arg10[%swap3A_203, %swap3A_204, %swap3A_205] {strides = array<i32>} : memref<16x4x640xf32, #tpu.memory_space<vmem>>, vector<16xf32>,
      tpu.vector_store %arg10[%swap3A_203, %swap3A_204, %swap3A_205], %broadcast_in_dim3A_138 {strides = array<i32>} : memref<16x4x640xf32, #tpu.memory_space<vmem>>, vector<16xf32>,
      %swap3A_207 = arith.constant 2 : i32
      %swap3A_208 = arith.constant 0 : i32
      %swap3A_209 = arith.index_cast %swap3A_207 : i32 to index
      %swap3A_210 = arith.index_cast %swap3A_208 : i32 to index
      %swap3A_211 = arith.index_cast %mul3A_159 : i32 to index
      %swap3A_212 = tpu.vector_load %arg10[%swap3A_209, %swap3A_210, %swap3A_211] {strides = array<i32>} : memref<16x4x640xf32, #tpu.memory_space<vmem>>, vector<16xf32>,
      tpu.vector_store %arg10[%swap3A_209, %swap3A_210, %swap3A_211], %broadcast_in_dim3A_138 {strides = array<i32>} : memref<16x4x640xf32, #tpu.memory_space<vmem>>, vector<16xf32>,
      %swap3A_213 = arith.constant 2 : i32
      %swap3A_214 = arith.constant 1 : i32
      %swap3A_215 = arith.index_cast %swap3A_213 : i32 to index
      %swap3A_216 = arith.index_cast %swap3A_214 : i32 to index
      %swap3A_217 = arith.index_cast %mul3A_159 : i32 to index
      %swap3A_218 = tpu.vector_load %arg10[%swap3A_215, %swap3A_216, %swap3A_217] {strides = array<i32>} : memref<16x4x640xf32, #tpu.memory_space<vmem>>, vector<16xf32>,
      tpu.vector_store %arg10[%swap3A_215, %swap3A_216, %swap3A_217], %broadcast_in_dim3A_138 {strides = array<i32>} : memref<16x4x640xf32, #tpu.memory_space<vmem>>, vector<16xf32>,
      %swap3A_219 = arith.constant 2 : i32
      %swap3A_220 = arith.constant 2 : i32
      %swap3A_221 = arith.index_cast %swap3A_219 : i32 to index
      %swap3A_222 = arith.index_cast %swap3A_220 : i32 to index
      %swap3A_223 = arith.index_cast %mul3A_159 : i32 to index
      %swap3A_224 = tpu.vector_load %arg10[%swap3A_221, %swap3A_222, %swap3A_223] {strides = array<i32>} : memref<16x4x640xf32, #tpu.memory_space<vmem>>, vector<16xf32>,
      tpu.vector_store %arg10[%swap3A_221, %swap3A_222, %swap3A_223], %broadcast_in_dim3A_138 {strides = array<i32>} : memref<16x4x640xf32, #tpu.memory_space<vmem>>, vector<16xf32>,
      %swap3A_225 = arith.constant 2 : i32
      %swap3A_226 = arith.constant 3 : i32
      %swap3A_227 = arith.index_cast %swap3A_225 : i32 to index
      %swap3A_228 = arith.index_cast %swap3A_226 : i32 to index
      %swap3A_229 = arith.index_cast %mul3A_159 : i32 to index
      %swap3A_230 = tpu.vector_load %arg10[%swap3A_227, %swap3A_228, %swap3A_229] {strides = array<i32>} : memref<16x4x640xf32, #tpu.memory_space<vmem>>, vector<16xf32>,
      tpu.vector_store %arg10[%swap3A_227, %swap3A_228, %swap3A_229], %broadcast_in_dim3A_138 {strides = array<i32>} : memref<16x4x640xf32, #tpu.memory_space<vmem>>, vector<16xf32>,
      %swap3A_231 = arith.constant 3 : i32
      %swap3A_232 = arith.constant 0 : i32
      %swap3A_233 = arith.index_cast %swap3A_231 : i32 to index
      %swap3A_234 = arith.index_cast %swap3A_232 : i32 to index
      %swap3A_235 = arith.index_cast %mul3A_159 : i32 to index
      %swap3A_236 = tpu.vector_load %arg10[%swap3A_233, %swap3A_234, %swap3A_235] {strides = array<i32>} : memref<16x4x640xf32, #tpu.memory_space<vmem>>, vector<16xf32>,
      tpu.vector_store %arg10[%swap3A_233, %swap3A_234, %swap3A_235], %broadcast_in_dim3A_138 {strides = array<i32>} : memref<16x4x640xf32, #tpu.memory_space<vmem>>, vector<16xf32>,
      %swap3A_237 = arith.constant 3 : i32
      %swap3A_238 = arith.constant 1 : i32
      %swap3A_239 = arith.index_cast %swap3A_237 : i32 to index
      %swap3A_240 = arith.index_cast %swap3A_238 : i32 to index
      %swap3A_241 = arith.index_cast %mul3A_159 : i32 to index
      %swap3A_242 = tpu.vector_load %arg10[%swap3A_239, %swap3A_240, %swap3A_241] {strides = array<i32>} : memref<16x4x640xf32, #tpu.memory_space<vmem>>, vector<16xf32>,
      tpu.vector_store %arg10[%swap3A_239, %swap3A_240, %swap3A_241], %broadcast_in_dim3A_138 {strides = array<i32>} : memref<16x4x640xf32, #tpu.memory_space<vmem>>, vector<16xf32>,
      %swap3A_243 = arith.constant 3 : i32
      %swap3A_244 = arith.constant 2 : i32
      %swap3A_245 = arith.index_cast %swap3A_243 : i32 to index
      %swap3A_246 = arith.index_cast %swap3A_244 : i32 to index
      %swap3A_247 = arith.index_cast %mul3A_159 : i32 to index
      %swap3A_248 = tpu.vector_load %arg10[%swap3A_245, %swap3A_246, %swap3A_247] {strides = array<i32>} : memref<16x4x640xf32, #tpu.memory_space<vmem>>, vector<16xf32>,
      tpu.vector_store %arg10[%swap3A_245, %swap3A_246, %swap3A_247], %broadcast_in_dim3A_138 {strides = array<i32>} : memref<16x4x640xf32, #tpu.memory_space<vmem>>, vector<16xf32>,
      %swap3A_249 = arith.constant 3 : i32
      %swap3A_250 = arith.constant 3 : i32
      %swap3A_251 = arith.index_cast %swap3A_249 : i32 to index
      %swap3A_252 = arith.index_cast %swap3A_250 : i32 to index
      %swap3A_253 = arith.index_cast %mul3A_159 : i32 to index
      %swap3A_254 = tpu.vector_load %arg10[%swap3A_251, %swap3A_252, %swap3A_253] {strides = array<i32>} : memref<16x4x640xf32, #tpu.memory_space<vmem>>, vector<16xf32>,
      tpu.vector_store %arg10[%swap3A_251, %swap3A_252, %swap3A_253], %broadcast_in_dim3A_138 {strides = array<i32>} : memref<16x4x640xf32, #tpu.memory_space<vmem>>, vector<16xf32>,
      %swap3A_255 = arith.constant 4 : i32
      %swap3A_256 = arith.constant 0 : i32
      %swap3A_257 = arith.index_cast %swap3A_255 : i32 to index
      %swap3A_258 = arith.index_cast %swap3A_256 : i32 to index
      %swap3A_259 = arith.index_cast %mul3A_159 : i32 to index
      %swap3A_260 = tpu.vector_load %arg10[%swap3A_257, %swap3A_258, %swap3A_259] {strides = array<i32>} : memref<16x4x640xf32, #tpu.memory_space<vmem>>, vector<16xf32>,
      tpu.vector_store %arg10[%swap3A_257, %swap3A_258, %swap3A_259], %broadcast_in_dim3A_138 {strides = array<i32>} : memref<16x4x640xf32, #tpu.memory_space<vmem>>, vector<16xf32>,
      %swap3A_261 = arith.constant 4 : i32
      %swap3A_262 = arith.constant 1 : i32
      %swap3A_263 = arith.index_cast %swap3A_261 : i32 to index
      %swap3A_264 = arith.index_cast %swap3A_262 : i32 to index
      %swap3A_265 = arith.index_cast %mul3A_159 : i32 to index
      %swap3A_266 = tpu.vector_load %arg10[%swap3A_263, %swap3A_264, %swap3A_265] {strides = array<i32>} : memref<16x4x640xf32, #tpu.memory_space<vmem>>, vector<16xf32>,
      tpu.vector_store %arg10[%swap3A_263, %swap3A_264, %swap3A_265], %broadcast_in_dim3A_138 {strides = array<i32>} : memref<16x4x640xf32, #tpu.memory_space<vmem>>, vector<16xf32>,
      %swap3A_267 = arith.constant 4 : i32
      %swap3A_268 = arith.constant 2 : i32
      %swap3A_269 = arith.index_cast %swap3A_267 : i32 to index
      %swap3A_270 = arith.index_cast %swap3A_268 : i32 to index
      %swap3A_271 = arith.index_cast %mul3A_159 : i32 to index
      %swap3A_272 = tpu.vector_load %arg10[%swap3A_269, %swap3A_270, %swap3A_271] {strides = array<i32>} : memref<16x4x640xf32, #tpu.memory_space<vmem>>, vector<16xf32>,
      tpu.vector_store %arg10[%swap3A_269, %swap3A_270, %swap3A_271], %broadcast_in_dim3A_138 {strides = array<i32>} : memref<16x4x640xf32, #tpu.memory_space<vmem>>, vector<16xf32>,
      %swap3A_273 = arith.constant 4 : i32
      %swap3A_274 = arith.constant 3 : i32
      %swap3A_275 = arith.index_cast %swap3A_273 : i32 to index
      %swap3A_276 = arith.index_cast %swap3A_274 : i32 to index
      %swap3A_277 = arith.index_cast %mul3A_159 : i32 to index
      %swap3A_278 = tpu.vector_load %arg10[%swap3A_275, %swap3A_276, %swap3A_277] {strides = array<i32>} : memref<16x4x640xf32, #tpu.memory_space<vmem>>, vector<16xf32>,
      tpu.vector_store %arg10[%swap3A_275, %swap3A_276, %swap3A_277], %broadcast_in_dim3A_138 {strides = array<i32>} : memref<16x4x640xf32, #tpu.memory_space<vmem>>, vector<16xf32>,
      %swap3A_279 = arith.constant 5 : i32
      %swap3A_280 = arith.constant 0 : i32
      %swap3A_281 = arith.index_cast %swap3A_279 : i32 to index
      %swap3A_282 = arith.index_cast %swap3A_280 : i32 to index
      %swap3A_283 = arith.index_cast %mul3A_159 : i32 to index
      %swap3A_284 = tpu.vector_load %arg10[%swap3A_281, %swap3A_282, %swap3A_283] {strides = array<i32>} : memref<16x4x640xf32, #tpu.memory_space<vmem>>, vector<16xf32>,
      tpu.vector_store %arg10[%swap3A_281, %swap3A_282, %swap3A_283], %broadcast_in_dim3A_138 {strides = array<i32>} : memref<16x4x640xf32, #tpu.memory_space<vmem>>, vector<16xf32>,
      %swap3A_285 = arith.constant 5 : i32
      %swap3A_286 = arith.constant 1 : i32
      %swap3A_287 = arith.index_cast %swap3A_285 : i32 to index
      %swap3A_288 = arith.index_cast %swap3A_286 : i32 to index
      %swap3A_289 = arith.index_cast %mul3A_159 : i32 to index
      %swap3A_290 = tpu.vector_load %arg10[%swap3A_287, %swap3A_288, %swap3A_289] {strides = array<i32>} : memref<16x4x640xf32, #tpu.memory_space<vmem>>, vector<16xf32>,
      tpu.vector_store %arg10[%swap3A_287, %swap3A_288, %swap3A_289], %broadcast_in_dim3A_138 {strides = array<i32>} : memref<16x4x640xf32, #tpu.memory_space<vmem>>, vector<16xf32>,
      %swap3A_291 = arith.constant 5 : i32
      %swap3A_292 = arith.constant 2 : i32
      %swap3A_293 = arith.index_cast %swap3A_291 : i32 to index
      %swap3A_294 = arith.index_cast %swap3A_292 : i32 to index
      %swap3A_295 = arith.index_cast %mul3A_159 : i32 to index
      %swap3A_296 = tpu.vector_load %arg10[%swap3A_293, %swap3A_294, %swap3A_295] {strides = array<i32>} : memref<16x4x640xf32, #tpu.memory_space<vmem>>, vector<16xf32>,
      tpu.vector_store %arg10[%swap3A_293, %swap3A_294, %swap3A_295], %broadcast_in_dim3A_138 {strides = array<i32>} : memref<16x4x640xf32, #tpu.memory_space<vmem>>, vector<16xf32>,
      %swap3A_297 = arith.constant 5 : i32
      %swap3A_298 = arith.constant 3 : i32
      %swap3A_299 = arith.index_cast %swap3A_297 : i32 to index
      %swap3A_300 = arith.index_cast %swap3A_298 : i32 to index
      %swap3A_301 = arith.index_cast %mul3A_159 : i32 to index
      %swap3A_302 = tpu.vector_load %arg10[%swap3A_299, %swap3A_300, %swap3A_301] {strides = array<i32>} : memref<16x4x640xf32, #tpu.memory_space<vmem>>, vector<16xf32>,
      tpu.vector_store %arg10[%swap3A_299, %swap3A_300, %swap3A_301], %broadcast_in_dim3A_138 {strides = array<i32>} : memref<16x4x640xf32, #tpu.memory_space<vmem>>, vector<16xf32>,
      %swap3A_303 = arith.constant 6 : i32
      %swap3A_304 = arith.constant 0 : i32
      %swap3A_305 = arith.index_cast %swap3A_303 : i32 to index
      %swap3A_306 = arith.index_cast %swap3A_304 : i32 to index
      %swap3A_307 = arith.index_cast %mul3A_159 : i32 to index
      %swap3A_308 = tpu.vector_load %arg10[%swap3A_305, %swap3A_306, %swap3A_307] {strides = array<i32>} : memref<16x4x640xf32, #tpu.memory_space<vmem>>, vector<16xf32>,
      tpu.vector_store %arg10[%swap3A_305, %swap3A_306, %swap3A_307], %broadcast_in_dim3A_138 {strides = array<i32>} : memref<16x4x640xf32, #tpu.memory_space<vmem>>, vector<16xf32>,
      %swap3A_309 = arith.constant 6 : i32
      %swap3A_310 = arith.constant 1 : i32
      %swap3A_311 = arith.index_cast %swap3A_309 : i32 to index
      %swap3A_312 = arith.index_cast %swap3A_310 : i32 to index
      %swap3A_313 = arith.index_cast %mul3A_159 : i32 to index
      %swap3A_314 = tpu.vector_load %arg10[%swap3A_311, %swap3A_312, %swap3A_313] {strides = array<i32>} : memref<16x4x640xf32, #tpu.memory_space<vmem>>, vector<16xf32>,
      tpu.vector_store %arg10[%swap3A_311, %swap3A_312, %swap3A_313], %broadcast_in_dim3A_138 {strides = array<i32>} : memref<16x4x640xf32, #tpu.memory_space<vmem>>, vector<16xf32>,
      %swap3A_315 = arith.constant 6 : i32
      %swap3A_316 = arith.constant 2 : i32
      %swap3A_317 = arith.index_cast %swap3A_315 : i32 to index
      %swap3A_318 = arith.index_cast %swap3A_316 : i32 to index
      %swap3A_319 = arith.index_cast %mul3A_159 : i32 to index
      %swap3A_320 = tpu.vector_load %arg10[%swap3A_317, %swap3A_318, %swap3A_319] {strides = array<i32>} : memref<16x4x640xf32, #tpu.memory_space<vmem>>, vector<16xf32>,
      tpu.vector_store %arg10[%swap3A_317, %swap3A_318, %swap3A_319], %broadcast_in_dim3A_138 {strides = array<i32>} : memref<16x4x640xf32, #tpu.memory_space<vmem>>, vector<16xf32>,
      %swap3A_321 = arith.constant 6 : i32
      %swap3A_322 = arith.constant 3 : i32
      %swap3A_323 = arith.index_cast %swap3A_321 : i32 to index
      %swap3A_324 = arith.index_cast %swap3A_322 : i32 to index
      %swap3A_325 = arith.index_cast %mul3A_159 : i32 to index
      %swap3A_326 = tpu.vector_load %arg10[%swap3A_323, %swap3A_324, %swap3A_325] {strides = array<i32>} : memref<16x4x640xf32, #tpu.memory_space<vmem>>, vector<16xf32>,
      tpu.vector_store %arg10[%swap3A_323, %swap3A_324, %swap3A_325], %broadcast_in_dim3A_138 {strides = array<i32>} : memref<16x4x640xf32, #tpu.memory_space<vmem>>, vector<16xf32>,
      %swap3A_327 = arith.constant 7 : i32
      %swap3A_328 = arith.constant 0 : i32
      %swap3A_329 = arith.index_cast %swap3A_327 : i32 to index
      %swap3A_330 = arith.index_cast %swap3A_328 : i32 to index
      %swap3A_331 = arith.index_cast %mul3A_159 : i32 to index
      %swap3A_332 = tpu.vector_load %arg10[%swap3A_329, %swap3A_330, %swap3A_331] {strides = array<i32>} : memref<16x4x640xf32, #tpu.memory_space<vmem>>, vector<16xf32>,
      tpu.vector_store %arg10[%swap3A_329, %swap3A_330, %swap3A_331], %broadcast_in_dim3A_138 {strides = array<i32>} : memref<16x4x640xf32, #tpu.memory_space<vmem>>, vector<16xf32>,
      %swap3A_333 = arith.constant 7 : i32
      %swap3A_334 = arith.constant 1 : i32
      %swap3A_335 = arith.index_cast %swap3A_333 : i32 to index
      %swap3A_336 = arith.index_cast %swap3A_334 : i32 to index
      %swap3A_337 = arith.index_cast %mul3A_159 : i32 to index
      %swap3A_338 = tpu.vector_load %arg10[%swap3A_335, %swap3A_336, %swap3A_337] {strides = array<i32>} : memref<16x4x640xf32, #tpu.memory_space<vmem>>, vector<16xf32>,
      tpu.vector_store %arg10[%swap3A_335, %swap3A_336, %swap3A_337], %broadcast_in_dim3A_138 {strides = array<i32>} : memref<16x4x640xf32, #tpu.memory_space<vmem>>, vector<16xf32>,
      %swap3A_339 = arith.constant 7 : i32
      %swap3A_340 = arith.constant 2 : i32
      %swap3A_341 = arith.index_cast %swap3A_339 : i32 to index
      %swap3A_342 = arith.index_cast %swap3A_340 : i32 to index
      %swap3A_343 = arith.index_cast %mul3A_159 : i32 to index
      %swap3A_344 = tpu.vector_load %arg10[%swap3A_341, %swap3A_342, %swap3A_343] {strides = array<i32>} : memref<16x4x640xf32, #tpu.memory_space<vmem>>, vector<16xf32>,
      tpu.vector_store %arg10[%swap3A_341, %swap3A_342, %swap3A_343], %broadcast_in_dim3A_138 {strides = array<i32>} : memref<16x4x640xf32, #tpu.memory_space<vmem>>, vector<16xf32>,
      %swap3A_345 = arith.constant 7 : i32
      %swap3A_346 = arith.constant 3 : i32
      %swap3A_347 = arith.index_cast %swap3A_345 : i32 to index
      %swap3A_348 = arith.index_cast %swap3A_346 : i32 to index
      %swap3A_349 = arith.index_cast %mul3A_159 : i32 to index
      %swap3A_350 = tpu.vector_load %arg10[%swap3A_347, %swap3A_348, %swap3A_349] {strides = array<i32>} : memref<16x4x640xf32, #tpu.memory_space<vmem>>, vector<16xf32>,
      tpu.vector_store %arg10[%swap3A_347, %swap3A_348, %swap3A_349], %broadcast_in_dim3A_138 {strides = array<i32>} : memref<16x4x640xf32, #tpu.memory_space<vmem>>, vector<16xf32>,
      %swap3A_351 = arith.constant 8 : i32
      %swap3A_352 = arith.constant 0 : i32
      %swap3A_353 = arith.index_cast %swap3A_351 : i32 to index
      %swap3A_354 = arith.index_cast %swap3A_352 : i32 to index
      %swap3A_355 = arith.index_cast %mul3A_159 : i32 to index
      %swap3A_356 = tpu.vector_load %arg10[%swap3A_353, %swap3A_354, %swap3A_355] {strides = array<i32>} : memref<16x4x640xf32, #tpu.memory_space<vmem>>, vector<16xf32>,
      tpu.vector_store %arg10[%swap3A_353, %swap3A_354, %swap3A_355], %broadcast_in_dim3A_138 {strides = array<i32>} : memref<16x4x640xf32, #tpu.memory_space<vmem>>, vector<16xf32>,
      %swap3A_357 = arith.constant 8 : i32
      %swap3A_358 = arith.constant 1 : i32
      %swap3A_359 = arith.index_cast %swap3A_357 : i32 to index
      %swap3A_360 = arith.index_cast %swap3A_358 : i32 to index
      %swap3A_361 = arith.index_cast %mul3A_159 : i32 to index
      %swap3A_362 = tpu.vector_load %arg10[%swap3A_359, %swap3A_360, %swap3A_361] {strides = array<i32>} : memref<16x4x640xf32, #tpu.memory_space<vmem>>, vector<16xf32>,
      tpu.vector_store %arg10[%swap3A_359, %swap3A_360, %swap3A_361], %broadcast_in_dim3A_138 {strides = array<i32>} : memref<16x4x640xf32, #tpu.memory_space<vmem>>, vector<16xf32>,
      %swap3A_363 = arith.constant 8 : i32
      %swap3A_364 = arith.constant 2 : i32
      %swap3A_365 = arith.index_cast %swap3A_363 : i32 to index
      %swap3A_366 = arith.index_cast %swap3A_364 : i32 to index
      %swap3A_367 = arith.index_cast %mul3A_159 : i32 to index
      %swap3A_368 = tpu.vector_load %arg10[%swap3A_365, %swap3A_366, %swap3A_367] {strides = array<i32>} : memref<16x4x640xf32, #tpu.memory_space<vmem>>, vector<16xf32>,
      tpu.vector_store %arg10[%swap3A_365, %swap3A_366, %swap3A_367], %broadcast_in_dim3A_138 {strides = array<i32>} : memref<16x4x640xf32, #tpu.memory_space<vmem>>, vector<16xf32>,
      %swap3A_369 = arith.constant 8 : i32
      %swap3A_370 = arith.constant 3 : i32
      %swap3A_371 = arith.index_cast %swap3A_369 : i32 to index
      %swap3A_372 = arith.index_cast %swap3A_370 : i32 to index
      %swap3A_373 = arith.index_cast %mul3A_159 : i32 to index
      %swap3A_374 = tpu.vector_load %arg10[%swap3A_371, %swap3A_372, %swap3A_373] {strides = array<i32>} : memref<16x4x640xf32, #tpu.memory_space<vmem>>, vector<16xf32>,
      tpu.vector_store %arg10[%swap3A_371, %swap3A_372, %swap3A_373], %broadcast_in_dim3A_138 {strides = array<i32>} : memref<16x4x640xf32, #tpu.memory_space<vmem>>, vector<16xf32>,
      %swap3A_375 = arith.constant 9 : i32
      %swap3A_376 = arith.constant 0 : i32
      %swap3A_377 = arith.index_cast %swap3A_375 : i32 to index
      %swap3A_378 = arith.index_cast %swap3A_376 : i32 to index
      %swap3A_379 = arith.index_cast %mul3A_159 : i32 to index
      %swap3A_380 = tpu.vector_load %arg10[%swap3A_377, %swap3A_378, %swap3A_379] {strides = array<i32>} : memref<16x4x640xf32, #tpu.memory_space<vmem>>, vector<16xf32>,
      tpu.vector_store %arg10[%swap3A_377, %swap3A_378, %swap3A_379], %broadcast_in_dim3A_138 {strides = array<i32>} : memref<16x4x640xf32, #tpu.memory_space<vmem>>, vector<16xf32>,
      %swap3A_381 = arith.constant 9 : i32
      %swap3A_382 = arith.constant 1 : i32
      %swap3A_383 = arith.index_cast %swap3A_381 : i32 to index
      %swap3A_384 = arith.index_cast %swap3A_382 : i32 to index
      %swap3A_385 = arith.index_cast %mul3A_159 : i32 to index
      %swap3A_386 = tpu.vector_load %arg10[%swap3A_383, %swap3A_384, %swap3A_385] {strides = array<i32>} : memref<16x4x640xf32, #tpu.memory_space<vmem>>, vector<16xf32>,
      tpu.vector_store %arg10[%swap3A_383, %swap3A_384, %swap3A_385], %broadcast_in_dim3A_138 {strides = array<i32>} : memref<16x4x640xf32, #tpu.memory_space<vmem>>, vector<16xf32>,
      %swap3A_387 = arith.constant 9 : i32
      %swap3A_388 = arith.constant 2 : i32
      %swap3A_389 = arith.index_cast %swap3A_387 : i32 to index
      %swap3A_390 = arith.index_cast %swap3A_388 : i32 to index
      %swap3A_391 = arith.index_cast %mul3A_159 : i32 to index
      %swap3A_392 = tpu.vector_load %arg10[%swap3A_389, %swap3A_390, %swap3A_391] {strides = array<i32>} : memref<16x4x640xf32, #tpu.memory_space<vmem>>, vector<16xf32>,
      tpu.vector_store %arg10[%swap3A_389, %swap3A_390, %swap3A_391], %broadcast_in_dim3A_138 {strides = array<i32>} : memref<16x4x640xf32, #tpu.memory_space<vmem>>, vector<16xf32>,
      %swap3A_393 = arith.constant 9 : i32
      %swap3A_394 = arith.constant 3 : i32
      %swap3A_395 = arith.index_cast %swap3A_393 : i32 to index
      %swap3A_396 = arith.index_cast %swap3A_394 : i32 to index
      %swap3A_397 = arith.index_cast %mul3A_159 : i32 to index
      %swap3A_398 = tpu.vector_load %arg10[%swap3A_395, %swap3A_396, %swap3A_397] {strides = array<i32>} : memref<16x4x640xf32, #tpu.memory_space<vmem>>, vector<16xf32>,
      tpu.vector_store %arg10[%swap3A_395, %swap3A_396, %swap3A_397], %broadcast_in_dim3A_138 {strides = array<i32>} : memref<16x4x640xf32, #tpu.memory_space<vmem>>, vector<16xf32>,
      %swap3A_399 = arith.constant 10 : i32
      %swap3A_400 = arith.constant 0 : i32
      %swap3A_401 = arith.index_cast %swap3A_399 : i32 to index
      %swap3A_402 = arith.index_cast %swap3A_400 : i32 to index
      %swap3A_403 = arith.index_cast %mul3A_159 : i32 to index
      %swap3A_404 = tpu.vector_load %arg10[%swap3A_401, %swap3A_402, %swap3A_403] {strides = array<i32>} : memref<16x4x640xf32, #tpu.memory_space<vmem>>, vector<16xf32>,
      tpu.vector_store %arg10[%swap3A_401, %swap3A_402, %swap3A_403], %broadcast_in_dim3A_138 {strides = array<i32>} : memref<16x4x640xf32, #tpu.memory_space<vmem>>, vector<16xf32>,
      %swap3A_405 = arith.constant 10 : i32
      %swap3A_406 = arith.constant 1 : i32
      %swap3A_407 = arith.index_cast %swap3A_405 : i32 to index
      %swap3A_408 = arith.index_cast %swap3A_406 : i32 to index
      %swap3A_409 = arith.index_cast %mul3A_159 : i32 to index
      %swap3A_410 = tpu.vector_load %arg10[%swap3A_407, %swap3A_408, %swap3A_409] {strides = array<i32>} : memref<16x4x640xf32, #tpu.memory_space<vmem>>, vector<16xf32>,
      tpu.vector_store %arg10[%swap3A_407, %swap3A_408, %swap3A_409], %broadcast_in_dim3A_138 {strides = array<i32>} : memref<16x4x640xf32, #tpu.memory_space<vmem>>, vector<16xf32>,
      %swap3A_411 = arith.constant 10 : i32
      %swap3A_412 = arith.constant 2 : i32
      %swap3A_413 = arith.index_cast %swap3A_411 : i32 to index
      %swap3A_414 = arith.index_cast %swap3A_412 : i32 to index
      %swap3A_415 = arith.index_cast %mul3A_159 : i32 to index
      %swap3A_416 = tpu.vector_load %arg10[%swap3A_413, %swap3A_414, %swap3A_415] {strides = array<i32>} : memref<16x4x640xf32, #tpu.memory_space<vmem>>, vector<16xf32>,
      tpu.vector_store %arg10[%swap3A_413, %swap3A_414, %swap3A_415], %broadcast_in_dim3A_138 {strides = array<i32>} : memref<16x4x640xf32, #tpu.memory_space<vmem>>, vector<16xf32>,
      %swap3A_417 = arith.constant 10 : i32
      %swap3A_418 = arith.constant 3 : i32
      %swap3A_419 = arith.index_cast %swap3A_417 : i32 to index
      %swap3A_420 = arith.index_cast %swap3A_418 : i32 to index
      %swap3A_421 = arith.index_cast %mul3A_159 : i32 to index
      %swap3A_422 = tpu.vector_load %arg10[%swap3A_419, %swap3A_420, %swap3A_421] {strides = array<i32>} : memref<16x4x640xf32, #tpu.memory_space<vmem>>, vector<16xf32>,
      tpu.vector_store %arg10[%swap3A_419, %swap3A_420, %swap3A_421], %broadcast_in_dim3A_138 {strides = array<i32>} : memref<16x4x640xf32, #tpu.memory_space<vmem>>, vector<16xf32>,
      %swap3A_423 = arith.constant 11 : i32
      %swap3A_424 = arith.constant 0 : i32
      %swap3A_425 = arith.index_cast %swap3A_423 : i32 to index
      %swap3A_426 = arith.index_cast %swap3A_424 : i32 to index
      %swap3A_427 = arith.index_cast %mul3A_159 : i32 to index
      %swap3A_428 = tpu.vector_load %arg10[%swap3A_425, %swap3A_426, %swap3A_427] {strides = array<i32>} : memref<16x4x640xf32, #tpu.memory_space<vmem>>, vector<16xf32>,
      tpu.vector_store %arg10[%swap3A_425, %swap3A_426, %swap3A_427], %broadcast_in_dim3A_138 {strides = array<i32>} : memref<16x4x640xf32, #tpu.memory_space<vmem>>, vector<16xf32>,
      %swap3A_429 = arith.constant 11 : i32
      %swap3A_430 = arith.constant 1 : i32
      %swap3A_431 = arith.index_cast %swap3A_429 : i32 to index
      %swap3A_432 = arith.index_cast %swap3A_430 : i32 to index
      %swap3A_433 = arith.index_cast %mul3A_159 : i32 to index
      %swap3A_434 = tpu.vector_load %arg10[%swap3A_431, %swap3A_432, %swap3A_433] {strides = array<i32>} : memref<16x4x640xf32, #tpu.memory_space<vmem>>, vector<16xf32>,
      tpu.vector_store %arg10[%swap3A_431, %swap3A_432, %swap3A_433], %broadcast_in_dim3A_138 {strides = array<i32>} : memref<16x4x640xf32, #tpu.memory_space<vmem>>, vector<16xf32>,
      %swap3A_435 = arith.constant 11 : i32
      %swap3A_436 = arith.constant 2 : i32
      %swap3A_437 = arith.index_cast %swap3A_435 : i32 to index
      %swap3A_438 = arith.index_cast %swap3A_436 : i32 to index
      %swap3A_439 = arith.index_cast %mul3A_159 : i32 to index
      %swap3A_440 = tpu.vector_load %arg10[%swap3A_437, %swap3A_438, %swap3A_439] {strides = array<i32>} : memref<16x4x640xf32, #tpu.memory_space<vmem>>, vector<16xf32>,
      tpu.vector_store %arg10[%swap3A_437, %swap3A_438, %swap3A_439], %broadcast_in_dim3A_138 {strides = array<i32>} : memref<16x4x640xf32, #tpu.memory_space<vmem>>, vector<16xf32>,
      %swap3A_441 = arith.constant 11 : i32
      %swap3A_442 = arith.constant 3 : i32
      %swap3A_443 = arith.index_cast %swap3A_441 : i32 to index
      %swap3A_444 = arith.index_cast %swap3A_442 : i32 to index
      %swap3A_445 = arith.index_cast %mul3A_159 : i32 to index
      %swap3A_446 = tpu.vector_load %arg10[%swap3A_443, %swap3A_444, %swap3A_445] {strides = array<i32>} : memref<16x4x640xf32, #tpu.memory_space<vmem>>, vector<16xf32>,
      tpu.vector_store %arg10[%swap3A_443, %swap3A_444, %swap3A_445], %broadcast_in_dim3A_138 {strides = array<i32>} : memref<16x4x640xf32, #tpu.memory_space<vmem>>, vector<16xf32>,
      %swap3A_447 = arith.constant 12 : i32
      %swap3A_448 = arith.constant 0 : i32
      %swap3A_449 = arith.index_cast %swap3A_447 : i32 to index
      %swap3A_450 = arith.index_cast %swap3A_448 : i32 to index
      %swap3A_451 = arith.index_cast %mul3A_159 : i32 to index
      %swap3A_452 = tpu.vector_load %arg10[%swap3A_449, %swap3A_450, %swap3A_451] {strides = array<i32>} : memref<16x4x640xf32, #tpu.memory_space<vmem>>, vector<16xf32>,
      tpu.vector_store %arg10[%swap3A_449, %swap3A_450, %swap3A_451], %broadcast_in_dim3A_138 {strides = array<i32>} : memref<16x4x640xf32, #tpu.memory_space<vmem>>, vector<16xf32>,
      %swap3A_453 = arith.constant 12 : i32
      %swap3A_454 = arith.constant 1 : i32
      %swap3A_455 = arith.index_cast %swap3A_453 : i32 to index
      %swap3A_456 = arith.index_cast %swap3A_454 : i32 to index
      %swap3A_457 = arith.index_cast %mul3A_159 : i32 to index
      %swap3A_458 = tpu.vector_load %arg10[%swap3A_455, %swap3A_456, %swap3A_457] {strides = array<i32>} : memref<16x4x640xf32, #tpu.memory_space<vmem>>, vector<16xf32>,
      tpu.vector_store %arg10[%swap3A_455, %swap3A_456, %swap3A_457], %broadcast_in_dim3A_138 {strides = array<i32>} : memref<16x4x640xf32, #tpu.memory_space<vmem>>, vector<16xf32>,
      %swap3A_459 = arith.constant 12 : i32
      %swap3A_460 = arith.constant 2 : i32
      %swap3A_461 = arith.index_cast %swap3A_459 : i32 to index
      %swap3A_462 = arith.index_cast %swap3A_460 : i32 to index
      %swap3A_463 = arith.index_cast %mul3A_159 : i32 to index
      %swap3A_464 = tpu.vector_load %arg10[%swap3A_461, %swap3A_462, %swap3A_463] {strides = array<i32>} : memref<16x4x640xf32, #tpu.memory_space<vmem>>, vector<16xf32>,
      tpu.vector_store %arg10[%swap3A_461, %swap3A_462, %swap3A_463], %broadcast_in_dim3A_138 {strides = array<i32>} : memref<16x4x640xf32, #tpu.memory_space<vmem>>, vector<16xf32>,
      %swap3A_465 = arith.constant 12 : i32
      %swap3A_466 = arith.constant 3 : i32
      %swap3A_467 = arith.index_cast %swap3A_465 : i32 to index
      %swap3A_468 = arith.index_cast %swap3A_466 : i32 to index
      %swap3A_469 = arith.index_cast %mul3A_159 : i32 to index
      %swap3A_470 = tpu.vector_load %arg10[%swap3A_467, %swap3A_468, %swap3A_469] {strides = array<i32>} : memref<16x4x640xf32, #tpu.memory_space<vmem>>, vector<16xf32>,
      tpu.vector_store %arg10[%swap3A_467, %swap3A_468, %swap3A_469], %broadcast_in_dim3A_138 {strides = array<i32>} : memref<16x4x640xf32, #tpu.memory_space<vmem>>, vector<16xf32>,
      %swap3A_471 = arith.constant 13 : i32
      %swap3A_472 = arith.constant 0 : i32
      %swap3A_473 = arith.index_cast %swap3A_471 : i32 to index
      %swap3A_474 = arith.index_cast %swap3A_472 : i32 to index
      %swap3A_475 = arith.index_cast %mul3A_159 : i32 to index
      %swap3A_476 = tpu.vector_load %arg10[%swap3A_473, %swap3A_474, %swap3A_475] {strides = array<i32>} : memref<16x4x640xf32, #tpu.memory_space<vmem>>, vector<16xf32>,
      tpu.vector_store %arg10[%swap3A_473, %swap3A_474, %swap3A_475], %broadcast_in_dim3A_138 {strides = array<i32>} : memref<16x4x640xf32, #tpu.memory_space<vmem>>, vector<16xf32>,
      %swap3A_477 = arith.constant 13 : i32
      %swap3A_478 = arith.constant 1 : i32
      %swap3A_479 = arith.index_cast %swap3A_477 : i32 to index
      %swap3A_480 = arith.index_cast %swap3A_478 : i32 to index
      %swap3A_481 = arith.index_cast %mul3A_159 : i32 to index
      %swap3A_482 = tpu.vector_load %arg10[%swap3A_479, %swap3A_480, %swap3A_481] {strides = array<i32>} : memref<16x4x640xf32, #tpu.memory_space<vmem>>, vector<16xf32>,
      tpu.vector_store %arg10[%swap3A_479, %swap3A_480, %swap3A_481], %broadcast_in_dim3A_138 {strides = array<i32>} : memref<16x4x640xf32, #tpu.memory_space<vmem>>, vector<16xf32>,
      %swap3A_483 = arith.constant 13 : i32
      %swap3A_484 = arith.constant 2 : i32
      %swap3A_485 = arith.index_cast %swap3A_483 : i32 to index
      %swap3A_486 = arith.index_cast %swap3A_484 : i32 to index
      %swap3A_487 = arith.index_cast %mul3A_159 : i32 to index
      %swap3A_488 = tpu.vector_load %arg10[%swap3A_485, %swap3A_486, %swap3A_487] {strides = array<i32>} : memref<16x4x640xf32, #tpu.memory_space<vmem>>, vector<16xf32>,
      tpu.vector_store %arg10[%swap3A_485, %swap3A_486, %swap3A_487], %broadcast_in_dim3A_138 {strides = array<i32>} : memref<16x4x640xf32, #tpu.memory_space<vmem>>, vector<16xf32>,
      %swap3A_489 = arith.constant 13 : i32
      %swap3A_490 = arith.constant 3 : i32
      %swap3A_491 = arith.index_cast %swap3A_489 : i32 to index
      %swap3A_492 = arith.index_cast %swap3A_490 : i32 to index
      %swap3A_493 = arith.index_cast %mul3A_159 : i32 to index
      %swap3A_494 = tpu.vector_load %arg10[%swap3A_491, %swap3A_492, %swap3A_493] {strides = array<i32>} : memref<16x4x640xf32, #tpu.memory_space<vmem>>, vector<16xf32>,
      tpu.vector_store %arg10[%swap3A_491, %swap3A_492, %swap3A_493], %broadcast_in_dim3A_138 {strides = array<i32>} : memref<16x4x640xf32, #tpu.memory_space<vmem>>, vector<16xf32>,
      %swap3A_495 = arith.constant 14 : i32
      %swap3A_496 = arith.constant 0 : i32
      %swap3A_497 = arith.index_cast %swap3A_495 : i32 to index
      %swap3A_498 = arith.index_cast %swap3A_496 : i32 to index
      %swap3A_499 = arith.index_cast %mul3A_159 : i32 to index
      %swap3A_500 = tpu.vector_load %arg10[%swap3A_497, %swap3A_498, %swap3A_499] {strides = array<i32>} : memref<16x4x640xf32, #tpu.memory_space<vmem>>, vector<16xf32>,
      tpu.vector_store %arg10[%swap3A_497, %swap3A_498, %swap3A_499], %broadcast_in_dim3A_138 {strides = array<i32>} : memref<16x4x640xf32, #tpu.memory_space<vmem>>, vector<16xf32>,
      %swap3A_501 = arith.constant 14 : i32
      %swap3A_502 = arith.constant 1 : i32
      %swap3A_503 = arith.index_cast %swap3A_501 : i32 to index
      %swap3A_504 = arith.index_cast %swap3A_502 : i32 to index
      %swap3A_505 = arith.index_cast %mul3A_159 : i32 to index
      %swap3A_506 = tpu.vector_load %arg10[%swap3A_503, %swap3A_504, %swap3A_505] {strides = array<i32>} : memref<16x4x640xf32, #tpu.memory_space<vmem>>, vector<16xf32>,
      tpu.vector_store %arg10[%swap3A_503, %swap3A_504, %swap3A_505], %broadcast_in_dim3A_138 {strides = array<i32>} : memref<16x4x640xf32, #tpu.memory_space<vmem>>, vector<16xf32>,
      %swap3A_507 = arith.constant 14 : i32
      %swap3A_508 = arith.constant 2 : i32
      %swap3A_509 = arith.index_cast %swap3A_507 : i32 to index
      %swap3A_510 = arith.index_cast %swap3A_508 : i32 to index
      %swap3A_511 = arith.index_cast %mul3A_159 : i32 to index
      %swap3A_512 = tpu.vector_load %arg10[%swap3A_509, %swap3A_510, %swap3A_511] {strides = array<i32>} : memref<16x4x640xf32, #tpu.memory_space<vmem>>, vector<16xf32>,
      tpu.vector_store %arg10[%swap3A_509, %swap3A_510, %swap3A_511], %broadcast_in_dim3A_138 {strides = array<i32>} : memref<16x4x640xf32, #tpu.memory_space<vmem>>, vector<16xf32>,
      %swap3A_513 = arith.constant 14 : i32
      %swap3A_514 = arith.constant 3 : i32
      %swap3A_515 = arith.index_cast %swap3A_513 : i32 to index
      %swap3A_516 = arith.index_cast %swap3A_514 : i32 to index
      %swap3A_517 = arith.index_cast %mul3A_159 : i32 to index
      %swap3A_518 = tpu.vector_load %arg10[%swap3A_515, %swap3A_516, %swap3A_517] {strides = array<i32>} : memref<16x4x640xf32, #tpu.memory_space<vmem>>, vector<16xf32>,
      tpu.vector_store %arg10[%swap3A_515, %swap3A_516, %swap3A_517], %broadcast_in_dim3A_138 {strides = array<i32>} : memref<16x4x640xf32, #tpu.memory_space<vmem>>, vector<16xf32>,
      %swap3A_519 = arith.constant 15 : i32
      %swap3A_520 = arith.constant 0 : i32
      %swap3A_521 = arith.index_cast %swap3A_519 : i32 to index
      %swap3A_522 = arith.index_cast %swap3A_520 : i32 to index
      %swap3A_523 = arith.index_cast %mul3A_159 : i32 to index
      %swap3A_524 = tpu.vector_load %arg10[%swap3A_521, %swap3A_522, %swap3A_523] {strides = array<i32>} : memref<16x4x640xf32, #tpu.memory_space<vmem>>, vector<16xf32>,
      tpu.vector_store %arg10[%swap3A_521, %swap3A_522, %swap3A_523], %broadcast_in_dim3A_138 {strides = array<i32>} : memref<16x4x640xf32, #tpu.memory_space<vmem>>, vector<16xf32>,
      %swap3A_525 = arith.constant 15 : i32
      %swap3A_526 = arith.constant 1 : i32
      %swap3A_527 = arith.index_cast %swap3A_525 : i32 to index
      %swap3A_528 = arith.index_cast %swap3A_526 : i32 to index
      %swap3A_529 = arith.index_cast %mul3A_159 : i32 to index
      %swap3A_530 = tpu.vector_load %arg10[%swap3A_527, %swap3A_528, %swap3A_529] {strides = array<i32>} : memref<16x4x640xf32, #tpu.memory_space<vmem>>, vector<16xf32>,
      tpu.vector_store %arg10[%swap3A_527, %swap3A_528, %swap3A_529], %broadcast_in_dim3A_138 {strides = array<i32>} : memref<16x4x640xf32, #tpu.memory_space<vmem>>, vector<16xf32>,
      %swap3A_531 = arith.constant 15 : i32
      %swap3A_532 = arith.constant 2 : i32
      %swap3A_533 = arith.index_cast %swap3A_531 : i32 to index
      %swap3A_534 = arith.index_cast %swap3A_532 : i32 to index
      %swap3A_535 = arith.index_cast %mul3A_159 : i32 to index
      %swap3A_536 = tpu.vector_load %arg10[%swap3A_533, %swap3A_534, %swap3A_535] {strides = array<i32>} : memref<16x4x640xf32, #tpu.memory_space<vmem>>, vector<16xf32>,
      tpu.vector_store %arg10[%swap3A_533, %swap3A_534, %swap3A_535], %broadcast_in_dim3A_138 {strides = array<i32>} : memref<16x4x640xf32, #tpu.memory_space<vmem>>, vector<16xf32>,
      %swap3A_537 = arith.constant 15 : i32
      %swap3A_538 = arith.constant 3 : i32
      %swap3A_539 = arith.index_cast %swap3A_537 : i32 to index
      %swap3A_540 = arith.index_cast %swap3A_538 : i32 to index
      %swap3A_541 = arith.index_cast %mul3A_159 : i32 to index
      %swap3A_542 = tpu.vector_load %arg10[%swap3A_539, %swap3A_540, %swap3A_541] {strides = array<i32>} : memref<16x4x640xf32, #tpu.memory_space<vmem>>, vector<16xf32>,
      tpu.vector_store %arg10[%swap3A_539, %swap3A_540, %swap3A_541], %broadcast_in_dim3A_138 {strides = array<i32>} : memref<16x4x640xf32, #tpu.memory_space<vmem>>, vector<16xf32>,
    }
    %scan3A_143 = arith.constant 40 : i32
    tpu.wait_dma2 semaphore(%arg18 : memref<!tpu.dma_semaphore, #tpu.memory_space<semaphore_mem>>) src(%arg7 : memref<4x10240xf32, #tpu.memory_space<vmem_shared>>) dst(%arg9 : memref<4x10240xf32, #tpu.memory_space<vmem>>)
    %dma_wait3A_144 = tpu.memref_slice %arg5[%mul3A_36] : memref<320000xi32, #tpu.memory_space<hbm>> -> memref<10000xi32, #tpu.memory_space<hbm>>
    %dma_wait3A_145 = tpu.memref_slice %arg5[%mul3A_36] : memref<320000xi32, #tpu.memory_space<hbm>> -> memref<10000xi32, #tpu.memory_space<hbm>>
    tpu.wait_dma2 semaphore(%arg22 : memref<!tpu.dma_semaphore, #tpu.memory_space<semaphore_mem>>) src(%dma_wait3A_145 : memref<10000xi32, #tpu.memory_space<hbm>>) dst(%arg11 : memref<10000xi32, #tpu.memory_space<vmem>>)
    %scan3A_146 = arith.constant 0 : i32
    %scan3A_147 = arith.constant 625 : i32
    %scan3A_148 = arith.addi %scan3A_146, %scan3A_147 : i32
    %scan3A_149 = arith.constant 5 : i32
    scf.for %scan3A_153 = %scan3A_146 to %scan3A_148 step %scan3A_149  : i32 {
      %mul3A_154 = arith.constant 1 : i32
      %mul3A_155 = arith.muli %scan3A_153, %mul3A_154 : i32
      %add3A_156 = arith.constant 0 : i32
      %add3A_157 = arith.addi %add3A_156, %mul3A_155 : i32
      %mul3A_158 = arith.constant 16 : i32
      %mul3A_159 = arith.muli %add3A_157, %mul3A_158 : i32
      %get3A_160 = arith.index_cast %mul3A_159 : i32 to index
      %get3A_161 = tpu.vector_load %arg11[%get3A_160] {strides = array<i32>} : memref<10000xi32, #tpu.memory_space<vmem>>, vector<16xi32>,
      %and3A_162 = arith.constant 16383 : i32
      %and3A_163 = vector.broadcast %and3A_162 : i32 to vector<16xi32>
      %and3A_164 = arith.andi %get3A_161, %and3A_163 : vector<16xi32>
      %shift_right_arithmetic3A = arith.constant 14 : i32
      %shift_right_arithmetic3A_165 = vector.broadcast %shift_right_arithmetic3A : i32 to vector<16xi32>
      %shift_right_arithmetic3A_166 = arith.shrsi %get3A_161, %shift_right_arithmetic3A_165 : vector<16xi32>
      %and3A_167 = arith.constant 15 : i32
      %and3A_168 = vector.broadcast %and3A_167 : i32 to vector<16xi32>
      %and3A_169 = arith.andi %shift_right_arithmetic3A_166, %and3A_168 : vector<16xi32>
      %shift_right_arithmetic3A_170 = arith.constant 18 : i32
      %shift_right_arithmetic3A_171 = vector.broadcast %shift_right_arithmetic3A_170 : i32 to vector<16xi32>
      %shift_right_arithmetic3A_172 = arith.shrsi %get3A_161, %shift_right_arithmetic3A_171 : vector<16xi32>
      %gather3A = tpu.vector_load_idx %arg9[%broadcast_in_dim3A_47, %and3A_164] : memref<4x10240xf32, #tpu.memory_space<vmem>>[vector<16xi32>, vector<16xi32>], vector<16xf32>,
      %gather3A_173 = tpu.vector_load_idx %arg9[%broadcast_in_dim3A_49, %and3A_164] : memref<4x10240xf32, #tpu.memory_space<vmem>>[vector<16xi32>, vector<16xi32>], vector<16xf32>,
      %gather3A_174 = tpu.vector_load_idx %arg9[%broadcast_in_dim3A_51, %and3A_164] : memref<4x10240xf32, #tpu.memory_space<vmem>>[vector<16xi32>, vector<16xi32>], vector<16xf32>,
      %gather3A_175 = tpu.vector_load_idx %arg9[%broadcast_in_dim3A_53, %and3A_164] : memref<4x10240xf32, #tpu.memory_space<vmem>>[vector<16xi32>, vector<16xi32>], vector<16xf32>,
      tpu.vector_store_idx %arg10[%and3A_169, %broadcast_in_dim3A_47, %shift_right_arithmetic3A_172], %gather3A {add = true} : memref<16x4x640xf32, #tpu.memory_space<vmem>>[vector<16xi32>, vector<16xi32>, vector<16xi32>], vector<16xf32>,
      tpu.vector_store_idx %arg10[%and3A_169, %broadcast_in_dim3A_49, %shift_right_arithmetic3A_172], %gather3A_173 {add = true} : memref<16x4x640xf32, #tpu.memory_space<vmem>>[vector<16xi32>, vector<16xi32>, vector<16xi32>], vector<16xf32>,
      tpu.vector_store_idx %arg10[%and3A_169, %broadcast_in_dim3A_51, %shift_right_arithmetic3A_172], %gather3A_174 {add = true} : memref<16x4x640xf32, #tpu.memory_space<vmem>>[vector<16xi32>, vector<16xi32>, vector<16xi32>], vector<16xf32>,
      tpu.vector_store_idx %arg10[%and3A_169, %broadcast_in_dim3A_53, %shift_right_arithmetic3A_172], %gather3A_175 {add = true} : memref<16x4x640xf32, #tpu.memory_space<vmem>>[vector<16xi32>, vector<16xi32>, vector<16xi32>], vector<16xf32>,
      %scan3A_176 = arith.constant 1 : i32
      %scan3A_177 = arith.addi %scan3A_153, %scan3A_176 : i32
      %mul3A_178 = arith.constant 1 : i32
      %mul3A_179 = arith.muli %scan3A_177, %mul3A_178 : i32
      %add3A_180 = arith.constant 0 : i32
      %add3A_181 = arith.addi %add3A_180, %mul3A_179 : i32
      %mul3A_182 = arith.constant 16 : i32
      %mul3A_183 = arith.muli %add3A_181, %mul3A_182 : i32
      %get3A_184 = arith.index_cast %mul3A_183 : i32 to index
      %get3A_185 = tpu.vector_load %arg11[%get3A_184] {strides = array<i32>} : memref<10000xi32, #tpu.memory_space<vmem>>, vector<16xi32>,
      %and3A_186 = arith.constant 16383 : i32
      %and3A_187 = vector.broadcast %and3A_186 : i32 to vector<16xi32>
      %and3A_188 = arith.andi %get3A_185, %and3A_187 : vector<16xi32>
      %shift_right_arithmetic3A_189 = arith.constant 14 : i32
      %shift_right_arithmetic3A_190 = vector.broadcast %shift_right_arithmetic3A_189 : i32 to vector<16xi32>
      %shift_right_arithmetic3A_191 = arith.shrsi %get3A_185, %shift_right_arithmetic3A_190 : vector<16xi32>
      %and3A_192 = arith.constant 15 : i32
      %and3A_193 = vector.broadcast %and3A_192 : i32 to vector<16xi32>
      %and3A_194 = arith.andi %shift_right_arithmetic3A_191, %and3A_193 : vector<16xi32>
      %shift_right_arithmetic3A_195 = arith.constant 18 : i32
      %shift_right_arithmetic3A_196 = vector.broadcast %shift_right_arithmetic3A_195 : i32 to vector<16xi32>
      %shift_right_arithmetic3A_197 = arith.shrsi %get3A_185, %shift_right_arithmetic3A_196 : vector<16xi32>
      %gather3A_198 = tpu.vector_load_idx %arg9[%broadcast_in_dim3A_47, %and3A_188] : memref<4x10240xf32, #tpu.memory_space<vmem>>[vector<16xi32>, vector<16xi32>], vector<16xf32>,
      %gather3A_199 = tpu.vector_load_idx %arg9[%broadcast_in_dim3A_49, %and3A_188] : memref<4x10240xf32, #tpu.memory_space<vmem>>[vector<16xi32>, vector<16xi32>], vector<16xf32>,
      %gather3A_200 = tpu.vector_load_idx %arg9[%broadcast_in_dim3A_51, %and3A_188] : memref<4x10240xf32, #tpu.memory_space<vmem>>[vector<16xi32>, vector<16xi32>], vector<16xf32>,
      %gather3A_201 = tpu.vector_load_idx %arg9[%broadcast_in_dim3A_53, %and3A_188] : memref<4x10240xf32, #tpu.memory_space<vmem>>[vector<16xi32>, vector<16xi32>], vector<16xf32>,
      tpu.vector_store_idx %arg10[%and3A_194, %broadcast_in_dim3A_47, %shift_right_arithmetic3A_197], %gather3A_198 {add = true} : memref<16x4x640xf32, #tpu.memory_space<vmem>>[vector<16xi32>, vector<16xi32>, vector<16xi32>], vector<16xf32>,
      tpu.vector_store_idx %arg10[%and3A_194, %broadcast_in_dim3A_49, %shift_right_arithmetic3A_197], %gather3A_199 {add = true} : memref<16x4x640xf32, #tpu.memory_space<vmem>>[vector<16xi32>, vector<16xi32>, vector<16xi32>], vector<16xf32>,
      tpu.vector_store_idx %arg10[%and3A_194, %broadcast_in_dim3A_51, %shift_right_arithmetic3A_197], %gather3A_200 {add = true} : memref<16x4x640xf32, #tpu.memory_space<vmem>>[vector<16xi32>, vector<16xi32>, vector<16xi32>], vector<16xf32>,
      tpu.vector_store_idx %arg10[%and3A_194, %broadcast_in_dim3A_53, %shift_right_arithmetic3A_197], %gather3A_201 {add = true} : memref<16x4x640xf32, #tpu.memory_space<vmem>>[vector<16xi32>, vector<16xi32>, vector<16xi32>], vector<16xf32>,
      %scan3A_202 = arith.constant 2 : i32
      %scan3A_203 = arith.addi %scan3A_153, %scan3A_202 : i32
      %mul3A_204 = arith.constant 1 : i32
      %mul3A_205 = arith.muli %scan3A_203, %mul3A_204 : i32
      %add3A_206 = arith.constant 0 : i32
      %add3A_207 = arith.addi %add3A_206, %mul3A_205 : i32
      %mul3A_208 = arith.constant 16 : i32
      %mul3A_209 = arith.muli %add3A_207, %mul3A_208 : i32
      %get3A_210 = arith.index_cast %mul3A_209 : i32 to index
      %get3A_211 = tpu.vector_load %arg11[%get3A_210] {strides = array<i32>} : memref<10000xi32, #tpu.memory_space<vmem>>, vector<16xi32>,
      %and3A_212 = arith.constant 16383 : i32
      %and3A_213 = vector.broadcast %and3A_212 : i32 to vector<16xi32>
      %and3A_214 = arith.andi %get3A_211, %and3A_213 : vector<16xi32>
      %shift_right_arithmetic3A_215 = arith.constant 14 : i32
      %shift_right_arithmetic3A_216 = vector.broadcast %shift_right_arithmetic3A_215 : i32 to vector<16xi32>
      %shift_right_arithmetic3A_217 = arith.shrsi %get3A_211, %shift_right_arithmetic3A_216 : vector<16xi32>
      %and3A_218 = arith.constant 15 : i32
      %and3A_219 = vector.broadcast %and3A_218 : i32 to vector<16xi32>
      %and3A_220 = arith.andi %shift_right_arithmetic3A_217, %and3A_219 : vector<16xi32>
      %shift_right_arithmetic3A_221 = arith.constant 18 : i32
      %shift_right_arithmetic3A_222 = vector.broadcast %shift_right_arithmetic3A_221 : i32 to vector<16xi32>
      %shift_right_arithmetic3A_223 = arith.shrsi %get3A_211, %shift_right_arithmetic3A_222 : vector<16xi32>
      %gather3A_224 = tpu.vector_load_idx %arg9[%broadcast_in_dim3A_47, %and3A_214] : memref<4x10240xf32, #tpu.memory_space<vmem>>[vector<16xi32>, vector<16xi32>], vector<16xf32>,
      %gather3A_225 = tpu.vector_load_idx %arg9[%broadcast_in_dim3A_49, %and3A_214] : memref<4x10240xf32, #tpu.memory_space<vmem>>[vector<16xi32>, vector<16xi32>], vector<16xf32>,
      %gather3A_226 = tpu.vector_load_idx %arg9[%broadcast_in_dim3A_51, %and3A_214] : memref<4x10240xf32, #tpu.memory_space<vmem>>[vector<16xi32>, vector<16xi32>], vector<16xf32>,
      %gather3A_227 = tpu.vector_load_idx %arg9[%broadcast_in_dim3A_53, %and3A_214] : memref<4x10240xf32, #tpu.memory_space<vmem>>[vector<16xi32>, vector<16xi32>], vector<16xf32>,
      tpu.vector_store_idx %arg10[%and3A_220, %broadcast_in_dim3A_47, %shift_right_arithmetic3A_223], %gather3A_224 {add = true} : memref<16x4x640xf32, #tpu.memory_space<vmem>>[vector<16xi32>, vector<16xi32>, vector<16xi32>], vector<16xf32>,
      tpu.vector_store_idx %arg10[%and3A_220, %broadcast_in_dim3A_49, %shift_right_arithmetic3A_223], %gather3A_225 {add = true} : memref<16x4x640xf32, #tpu.memory_space<vmem>>[vector<16xi32>, vector<16xi32>, vector<16xi32>], vector<16xf32>,
      tpu.vector_store_idx %arg10[%and3A_220, %broadcast_in_dim3A_51, %shift_right_arithmetic3A_223], %gather3A_226 {add = true} : memref<16x4x640xf32, #tpu.memory_space<vmem>>[vector<16xi32>, vector<16xi32>, vector<16xi32>], vector<16xf32>,
      tpu.vector_store_idx %arg10[%and3A_220, %broadcast_in_dim3A_53, %shift_right_arithmetic3A_223], %gather3A_227 {add = true} : memref<16x4x640xf32, #tpu.memory_space<vmem>>[vector<16xi32>, vector<16xi32>, vector<16xi32>], vector<16xf32>,
      %scan3A_228 = arith.constant 3 : i32
      %scan3A_229 = arith.addi %scan3A_153, %scan3A_228 : i32
      %mul3A_230 = arith.constant 1 : i32
      %mul3A_231 = arith.muli %scan3A_229, %mul3A_230 : i32
      %add3A_232 = arith.constant 0 : i32
      %add3A_233 = arith.addi %add3A_232, %mul3A_231 : i32
      %mul3A_234 = arith.constant 16 : i32
      %mul3A_235 = arith.muli %add3A_233, %mul3A_234 : i32
      %get3A_236 = arith.index_cast %mul3A_235 : i32 to index
      %get3A_237 = tpu.vector_load %arg11[%get3A_236] {strides = array<i32>} : memref<10000xi32, #tpu.memory_space<vmem>>, vector<16xi32>,
      %and3A_238 = arith.constant 16383 : i32
      %and3A_239 = vector.broadcast %and3A_238 : i32 to vector<16xi32>
      %and3A_240 = arith.andi %get3A_237, %and3A_239 : vector<16xi32>
      %shift_right_arithmetic3A_241 = arith.constant 14 : i32
      %shift_right_arithmetic3A_242 = vector.broadcast %shift_right_arithmetic3A_241 : i32 to vector<16xi32>
      %shift_right_arithmetic3A_243 = arith.shrsi %get3A_237, %shift_right_arithmetic3A_242 : vector<16xi32>
      %and3A_244 = arith.constant 15 : i32
      %and3A_245 = vector.broadcast %and3A_244 : i32 to vector<16xi32>
      %and3A_246 = arith.andi %shift_right_arithmetic3A_243, %and3A_245 : vector<16xi32>
      %shift_right_arithmetic3A_247 = arith.constant 18 : i32
      %shift_right_arithmetic3A_248 = vector.broadcast %shift_right_arithmetic3A_247 : i32 to vector<16xi32>
      %shift_right_arithmetic3A_249 = arith.shrsi %get3A_237, %shift_right_arithmetic3A_248 : vector<16xi32>
      %gather3A_250 = tpu.vector_load_idx %arg9[%broadcast_in_dim3A_47, %and3A_240] : memref<4x10240xf32, #tpu.memory_space<vmem>>[vector<16xi32>, vector<16xi32>], vector<16xf32>,
      %gather3A_251 = tpu.vector_load_idx %arg9[%broadcast_in_dim3A_49, %and3A_240] : memref<4x10240xf32, #tpu.memory_space<vmem>>[vector<16xi32>, vector<16xi32>], vector<16xf32>,
      %gather3A_252 = tpu.vector_load_idx %arg9[%broadcast_in_dim3A_51, %and3A_240] : memref<4x10240xf32, #tpu.memory_space<vmem>>[vector<16xi32>, vector<16xi32>], vector<16xf32>,
      %gather3A_253 = tpu.vector_load_idx %arg9[%broadcast_in_dim3A_53, %and3A_240] : memref<4x10240xf32, #tpu.memory_space<vmem>>[vector<16xi32>, vector<16xi32>], vector<16xf32>,
      tpu.vector_store_idx %arg10[%and3A_246, %broadcast_in_dim3A_47, %shift_right_arithmetic3A_249], %gather3A_250 {add = true} : memref<16x4x640xf32, #tpu.memory_space<vmem>>[vector<16xi32>, vector<16xi32>, vector<16xi32>], vector<16xf32>,
      tpu.vector_store_idx %arg10[%and3A_246, %broadcast_in_dim3A_49, %shift_right_arithmetic3A_249], %gather3A_251 {add = true} : memref<16x4x640xf32, #tpu.memory_space<vmem>>[vector<16xi32>, vector<16xi32>, vector<16xi32>], vector<16xf32>,
      tpu.vector_store_idx %arg10[%and3A_246, %broadcast_in_dim3A_51, %shift_right_arithmetic3A_249], %gather3A_252 {add = true} : memref<16x4x640xf32, #tpu.memory_space<vmem>>[vector<16xi32>, vector<16xi32>, vector<16xi32>], vector<16xf32>,
      tpu.vector_store_idx %arg10[%and3A_246, %broadcast_in_dim3A_53, %shift_right_arithmetic3A_249], %gather3A_253 {add = true} : memref<16x4x640xf32, #tpu.memory_space<vmem>>[vector<16xi32>, vector<16xi32>, vector<16xi32>], vector<16xf32>,
      %scan3A_254 = arith.constant 4 : i32
      %scan3A_255 = arith.addi %scan3A_153, %scan3A_254 : i32
      %mul3A_256 = arith.constant 1 : i32
      %mul3A_257 = arith.muli %scan3A_255, %mul3A_256 : i32
      %add3A_258 = arith.constant 0 : i32
      %add3A_259 = arith.addi %add3A_258, %mul3A_257 : i32
      %mul3A_260 = arith.constant 16 : i32
      %mul3A_261 = arith.muli %add3A_259, %mul3A_260 : i32
      %get3A_262 = arith.index_cast %mul3A_261 : i32 to index
      %get3A_263 = tpu.vector_load %arg11[%get3A_262] {strides = array<i32>} : memref<10000xi32, #tpu.memory_space<vmem>>, vector<16xi32>,
      %and3A_264 = arith.constant 16383 : i32
      %and3A_265 = vector.broadcast %and3A_264 : i32 to vector<16xi32>
      %and3A_266 = arith.andi %get3A_263, %and3A_265 : vector<16xi32>
      %shift_right_arithmetic3A_267 = arith.constant 14 : i32
      %shift_right_arithmetic3A_268 = vector.broadcast %shift_right_arithmetic3A_267 : i32 to vector<16xi32>
      %shift_right_arithmetic3A_269 = arith.shrsi %get3A_263, %shift_right_arithmetic3A_268 : vector<16xi32>
      %and3A_270 = arith.constant 15 : i32
      %and3A_271 = vector.broadcast %and3A_270 : i32 to vector<16xi32>
      %and3A_272 = arith.andi %shift_right_arithmetic3A_269, %and3A_271 : vector<16xi32>
      %shift_right_arithmetic3A_273 = arith.constant 18 : i32
      %shift_right_arithmetic3A_274 = vector.broadcast %shift_right_arithmetic3A_273 : i32 to vector<16xi32>
      %shift_right_arithmetic3A_275 = arith.shrsi %get3A_263, %shift_right_arithmetic3A_274 : vector<16xi32>
      %gather3A_276 = tpu.vector_load_idx %arg9[%broadcast_in_dim3A_47, %and3A_266] : memref<4x10240xf32, #tpu.memory_space<vmem>>[vector<16xi32>, vector<16xi32>], vector<16xf32>,
      %gather3A_277 = tpu.vector_load_idx %arg9[%broadcast_in_dim3A_49, %and3A_266] : memref<4x10240xf32, #tpu.memory_space<vmem>>[vector<16xi32>, vector<16xi32>], vector<16xf32>,
      %gather3A_278 = tpu.vector_load_idx %arg9[%broadcast_in_dim3A_51, %and3A_266] : memref<4x10240xf32, #tpu.memory_space<vmem>>[vector<16xi32>, vector<16xi32>], vector<16xf32>,
      %gather3A_279 = tpu.vector_load_idx %arg9[%broadcast_in_dim3A_53, %and3A_266] : memref<4x10240xf32, #tpu.memory_space<vmem>>[vector<16xi32>, vector<16xi32>], vector<16xf32>,
      tpu.vector_store_idx %arg10[%and3A_272, %broadcast_in_dim3A_47, %shift_right_arithmetic3A_275], %gather3A_276 {add = true} : memref<16x4x640xf32, #tpu.memory_space<vmem>>[vector<16xi32>, vector<16xi32>, vector<16xi32>], vector<16xf32>,
      tpu.vector_store_idx %arg10[%and3A_272, %broadcast_in_dim3A_49, %shift_right_arithmetic3A_275], %gather3A_277 {add = true} : memref<16x4x640xf32, #tpu.memory_space<vmem>>[vector<16xi32>, vector<16xi32>, vector<16xi32>], vector<16xf32>,
      tpu.vector_store_idx %arg10[%and3A_272, %broadcast_in_dim3A_51, %shift_right_arithmetic3A_275], %gather3A_278 {add = true} : memref<16x4x640xf32, #tpu.memory_space<vmem>>[vector<16xi32>, vector<16xi32>, vector<16xi32>], vector<16xf32>,
      tpu.vector_store_idx %arg10[%and3A_272, %broadcast_in_dim3A_53, %shift_right_arithmetic3A_275], %gather3A_279 {add = true} : memref<16x4x640xf32, #tpu.memory_space<vmem>>[vector<16xi32>, vector<16xi32>, vector<16xi32>], vector<16xf32>,
    }
    %scan3A_150 = arith.constant 625 : i32
    "tpu.region"() ({
      %run_scoped3A_153 = tpu.sem_alloc : memref<!tpu.dma_semaphore, #tpu.memory_space<semaphore_mem>>
      %dma_start3A_154 = arith.constant 0 : i32
      %dma_start3A_155 = arith.constant 0 : i32
      %dma_start3A_156 = arith.constant 0 : i32
      %dma_start3A_157 = tpu.memref_slice %arg8[%dma_start3A_154, %dma_start3A_155, %dma_start3A_156] : memref<16x4x640xf32, #tpu.memory_space<vmem_shared>> -> memref<16x4x640xf32, #tpu.memory_space<vmem_shared>>
      tpu.enqueue_indirect_dma source(%arg10 : memref<16x4x640xf32, #tpu.memory_space<vmem>>) target(%dma_start3A_157 : memref<16x4x640xf32, #tpu.memory_space<vmem_shared>>) offsets(%iota3A_56 : vector<16xi32>) semaphore(%run_scoped3A_153 : memref<!tpu.dma_semaphore, #tpu.memory_space<semaphore_mem>>) {add = true}
      %dma_wait3A_158 = arith.constant 0 : i32
      %dma_wait3A_159 = arith.constant 0 : i32
      %dma_wait3A_160 = arith.constant 0 : i32
      %dma_wait3A_161 = tpu.memref_slice %arg8[%dma_wait3A_158, %dma_wait3A_159, %dma_wait3A_160] : memref<16x4x640xf32, #tpu.memory_space<vmem_shared>> -> memref<16x4x640xf32, #tpu.memory_space<vmem_shared>>
      tpu.wait_indirect_dma semaphore(%run_scoped3A_153 : memref<!tpu.dma_semaphore, #tpu.memory_space<semaphore_mem>>) src(%arg10 : memref<16x4x640xf32, #tpu.memory_space<vmem>>) dst(%dma_wait3A_161 : memref<16x4x640xf32, #tpu.memory_space<vmem_shared>>)
      tpu.yield
    }) : () -> ()
    %barrier3A_151 = arith.constant 0 : index
    tpu.barrier barrier_id(%barrier3A_151)
    %barrier3A_152 = arith.constant 0 : index
    tpu.barrier barrier_id(%barrier3A_152)
    "tpu.region"() ({
      %run_scoped3A_153 = tpu.sem_alloc : memref<!tpu.dma_semaphore, #tpu.memory_space<semaphore_mem>>
      %dma_start3A_154 = arith.constant 0 : i32
      %dma_start3A_155 = arith.constant 0 : i32
      %dma_start3A_156 = arith.constant 0 : i32
      %dma_start3A_157 = tpu.memref_slice %arg6[%arg0, %arg1, %dma_start3A_154, %dma_start3A_155, %dma_start3A_156] : memref<7x16x16x4x40xf32, #tpu.memory_space<hbm>> -> memref<1x1x16x4x40xf32, #tpu.memory_space<hbm>>
      %dma_start3A_158 = tpu.memref_squeeze %dma_start3A_157 : memref<1x1x16x4x40xf32, #tpu.memory_space<hbm>> -> memref<16x4x40xf32, #tpu.memory_space<hbm>>
      %dma_start3A_159 = arith.constant 0 : i32
      %dma_start3A_160 = arith.constant 0 : i32
      %dma_start3A_161 = tpu.memref_slice %arg8[%dma_start3A_159, %dma_start3A_160, %mul3A_4] : memref<16x4x640xf32, #tpu.memory_space<vmem_shared>> -> memref<16x4x40xf32, #tpu.memory_space<vmem_shared>>
      tpu.enqueue_dma source(%dma_start3A_161 : memref<16x4x40xf32, #tpu.memory_space<vmem_shared>>) target(%dma_start3A_158 : memref<16x4x40xf32, #tpu.memory_space<hbm>>) target_semaphore(%run_scoped3A_153 : memref<!tpu.dma_semaphore, #tpu.memory_space<semaphore_mem>>)
      %dma_wait3A_162 = arith.constant 0 : i32
      %dma_wait3A_163 = arith.constant 0 : i32
      %dma_wait3A_164 = arith.constant 0 : i32
      %dma_wait3A_165 = tpu.memref_slice %arg6[%arg0, %arg1, %dma_wait3A_162, %dma_wait3A_163, %dma_wait3A_164] : memref<7x16x16x4x40xf32, #tpu.memory_space<hbm>> -> memref<1x1x16x4x40xf32, #tpu.memory_space<hbm>>
      %dma_wait3A_166 = tpu.memref_squeeze %dma_wait3A_165 : memref<1x1x16x4x40xf32, #tpu.memory_space<hbm>> -> memref<16x4x40xf32, #tpu.memory_space<hbm>>
      %dma_wait3A_167 = arith.constant 0 : i32
      %dma_wait3A_168 = arith.constant 0 : i32
      %dma_wait3A_169 = tpu.memref_slice %arg8[%dma_wait3A_167, %dma_wait3A_168, %mul3A_4] : memref<16x4x640xf32, #tpu.memory_space<vmem_shared>> -> memref<16x4x40xf32, #tpu.memory_space<vmem_shared>>
      tpu.wait_dma2 semaphore(%run_scoped3A_153 : memref<!tpu.dma_semaphore, #tpu.memory_space<semaphore_mem>>) src(%dma_wait3A_169 : memref<16x4x40xf32, #tpu.memory_space<vmem_shared>>) dst(%dma_wait3A_166 : memref<16x4x40xf32, #tpu.memory_space<hbm>>)
      tpu.yield
    }) : () -> ()
    return
  }
}

#map = affine_map<(d0, d1) -> (0, 0)>
#map1 = affine_map<(d0, d1) -> (0)>
#map2 = affine_map<(d0, d1) -> (0, 0, 0, 0, 0)>
module attributes {stable_mosaic.version = 14 : i64} {
  func.func @l1_kernel(%arg0: i32, %arg1: i32, %arg2: memref<10240x4xf32, #tpu.memory_space<hbm>>, %arg3: memref<320000xi32, #tpu.memory_space<hbm>>, %arg4: memref<7x16x16x4x40xf32, #tpu.memory_space<hbm>>, %arg5: memref<10240xf32, #tpu.memory_space<hbm>>, %arg6: memref<4x10240xf32, #tpu.memory_space<vmem_shared>>, %arg7: memref<16x4x640xf32, #tpu.memory_space<vmem_shared>>, %arg8: memref<16x640xf32, #tpu.memory_space<vmem_shared>>, %arg9: memref<4x10240xf32, #tpu.memory_space<vmem>>, %arg10: memref<16x4x640xf32, #tpu.memory_space<vmem>>, %arg11: memref<16x640xf32, #tpu.memory_space<vmem>>, %arg12: memref<10000xi32, #tpu.memory_space<vmem>>, %arg13: memref<640x4xf32, #tpu.memory_space<vmem>>, %arg14: memref<640xf32, #tpu.memory_space<vmem>>, %arg15: memref<4x640xf32, #tpu.memory_space<vmem>>, %arg16: memref<16x4x40xf32, #tpu.memory_space<vmem>>, %arg17: memref<!tpu.dma_semaphore, #tpu.memory_space<semaphore_mem>>, %arg18: memref<!tpu.dma_semaphore, #tpu.memory_space<semaphore_mem>>) attributes {dimension_semantics = [#tpu.dimension_semantics<core_parallel>, #tpu.dimension_semantics<subcore_parallel>], iteration_bounds = array<i64: 2, 16>, scalar_prefetch = 0 : i64, scratch_operands = 13 : i64, tpu.core_type = #tpu.core_type<sc_vector_subcore>, window_params = [{transform_indices = #map}, {transform_indices = #map1}, {transform_indices = #map2}, {transform_indices = #map1}]} {
    %mul3A = arith.constant 640 : i32
    %mul3A_0 = arith.muli %arg1, %mul3A : i32
    %mul3A_1 = arith.constant 40 : i32
    %mul3A_2 = arith.muli %arg1, %mul3A_1 : i32
    %lt3A = arith.constant 8 : i32
    %lt3A_3 = arith.cmpi slt, %arg1, %lt3A : i32
    %eq3A = arith.constant 0 : i32
    %eq3A_4 = arith.cmpi eq, %arg0, %eq3A : i32
    %and3A = arith.andi %lt3A_3, %eq3A_4 : i1
    %ge3A = arith.constant 8 : i32
    %ge3A_5 = arith.cmpi sge, %arg1, %ge3A : i32
    %eq3A_6 = arith.constant 1 : i32
    %eq3A_7 = arith.cmpi eq, %arg0, %eq3A_6 : i32
    %and3A_8 = arith.andi %ge3A_5, %eq3A_7 : i1
    %or3A = arith.ori %and3A, %and3A_8 : i1
    %jit3A = arith.constant 1.000000e+00 : f32
    %jit3A_9 = arith.constant 0.000000e+00 : f32
    %select_n3A = arith.select %or3A, %jit3A, %jit3A_9 : f32
    %mul3A_10 = arith.constant 20000 : i32
    %mul3A_11 = arith.muli %arg1, %mul3A_10 : i32
    %mul3A_12 = arith.constant 10000 : i32
    %mul3A_13 = arith.muli %arg0, %mul3A_12 : i32
    %add3A = arith.addi %mul3A_11, %mul3A_13 : i32
    %sub3A = arith.constant 1 : i32
    %sub3A_14 = arith.subi %sub3A, %arg0 : i32
    %mul3A_15 = arith.constant 10000 : i32
    %mul3A_16 = arith.muli %sub3A_14, %mul3A_15 : i32
    %add3A_17 = arith.addi %mul3A_11, %mul3A_16 : i32
    %dma_start3A = arith.constant 0 : i32
    %dma_start3A_18 = tpu.memref_slice %arg2[%mul3A_0, %dma_start3A] : memref<10240x4xf32, #tpu.memory_space<hbm>> -> memref<640x4xf32, #tpu.memory_space<hbm>>
    %dma_start3A_19 = arith.constant 0 : i32
    %dma_start3A_20 = tpu.memref_slice %arg2[%mul3A_0, %dma_start3A_19] : memref<10240x4xf32, #tpu.memory_space<hbm>> -> memref<640x4xf32, #tpu.memory_space<hbm>>
    tpu.enqueue_dma source(%dma_start3A_20 : memref<640x4xf32, #tpu.memory_space<hbm>>) target(%arg13 : memref<640x4xf32, #tpu.memory_space<vmem>>) target_semaphore(%arg17 : memref<!tpu.dma_semaphore, #tpu.memory_space<semaphore_mem>>)
    %dma_start3A_21 = tpu.memref_slice %arg3[%add3A_17] : memref<320000xi32, #tpu.memory_space<hbm>> -> memref<10000xi32, #tpu.memory_space<hbm>>
    %dma_start3A_22 = tpu.memref_slice %arg3[%add3A_17] : memref<320000xi32, #tpu.memory_space<hbm>> -> memref<10000xi32, #tpu.memory_space<hbm>>
    tpu.enqueue_dma source(%dma_start3A_22 : memref<10000xi32, #tpu.memory_space<hbm>>) target(%arg12 : memref<10000xi32, #tpu.memory_space<vmem>>) target_semaphore(%arg18 : memref<!tpu.dma_semaphore, #tpu.memory_space<semaphore_mem>>)
    %broadcast_in_dim3A = arith.constant 0.000000e+00 : f32
    %broadcast_in_dim3A_23 = vector.broadcast %broadcast_in_dim3A : f32 to vector<16xf32>
    %iota3A = tpu.iota {dimensions = array<i32: 0>} : vector<16xi32>
    %broadcast_in_dim3A_24 = arith.constant 0 : i32
    %broadcast_in_dim3A_25 = vector.broadcast %broadcast_in_dim3A_24 : i32 to vector<16xi32>
    %broadcast_in_dim3A_26 = arith.constant 0 : i32
    %broadcast_in_dim3A_27 = vector.broadcast %broadcast_in_dim3A_26 : i32 to vector<16xi32>
    %broadcast_in_dim3A_28 = arith.constant 1 : i32
    %broadcast_in_dim3A_29 = vector.broadcast %broadcast_in_dim3A_28 : i32 to vector<16xi32>
    %broadcast_in_dim3A_30 = arith.constant 2 : i32
    %broadcast_in_dim3A_31 = vector.broadcast %broadcast_in_dim3A_30 : i32 to vector<16xi32>
    %broadcast_in_dim3A_32 = arith.constant 3 : i32
    %broadcast_in_dim3A_33 = vector.broadcast %broadcast_in_dim3A_32 : i32 to vector<16xi32>
    %iota3A_34 = tpu.iota {dimensions = array<i32: 0>} : vector<16xi32>
    %scan3A = arith.constant 0 : i32
    %scan3A_35 = arith.constant 40 : i32
    %scan3A_36 = arith.addi %scan3A, %scan3A_35 : i32
    %scan3A_37 = arith.constant 1 : i32
    scf.for %scan3A_93 = %scan3A to %scan3A_36 step %scan3A_37  : i32 {
      %mul3A_94 = arith.constant 1 : i32
      %mul3A_95 = arith.muli %scan3A_93, %mul3A_94 : i32
      %add3A_96 = arith.constant 0 : i32
      %add3A_97 = arith.addi %add3A_96, %mul3A_95 : i32
      %mul3A_98 = arith.constant 16 : i32
      %mul3A_99 = arith.muli %add3A_97, %mul3A_98 : i32
      %swap3A = arith.constant 0 : i32
      %swap3A_100 = arith.index_cast %swap3A : i32 to index
      %swap3A_101 = arith.index_cast %mul3A_99 : i32 to index
      %swap3A_102 = tpu.vector_load %arg11[%swap3A_100, %swap3A_101] {strides = array<i32>} : memref<16x640xf32, #tpu.memory_space<vmem>>, vector<16xf32>,
      tpu.vector_store %arg11[%swap3A_100, %swap3A_101], %broadcast_in_dim3A_23 {strides = array<i32>} : memref<16x640xf32, #tpu.memory_space<vmem>>, vector<16xf32>,
      %swap3A_103 = arith.constant 1 : i32
      %swap3A_104 = arith.index_cast %swap3A_103 : i32 to index
      %swap3A_105 = arith.index_cast %mul3A_99 : i32 to index
      %swap3A_106 = tpu.vector_load %arg11[%swap3A_104, %swap3A_105] {strides = array<i32>} : memref<16x640xf32, #tpu.memory_space<vmem>>, vector<16xf32>,
      tpu.vector_store %arg11[%swap3A_104, %swap3A_105], %broadcast_in_dim3A_23 {strides = array<i32>} : memref<16x640xf32, #tpu.memory_space<vmem>>, vector<16xf32>,
      %swap3A_107 = arith.constant 2 : i32
      %swap3A_108 = arith.index_cast %swap3A_107 : i32 to index
      %swap3A_109 = arith.index_cast %mul3A_99 : i32 to index
      %swap3A_110 = tpu.vector_load %arg11[%swap3A_108, %swap3A_109] {strides = array<i32>} : memref<16x640xf32, #tpu.memory_space<vmem>>, vector<16xf32>,
      tpu.vector_store %arg11[%swap3A_108, %swap3A_109], %broadcast_in_dim3A_23 {strides = array<i32>} : memref<16x640xf32, #tpu.memory_space<vmem>>, vector<16xf32>,
      %swap3A_111 = arith.constant 3 : i32
      %swap3A_112 = arith.index_cast %swap3A_111 : i32 to index
      %swap3A_113 = arith.index_cast %mul3A_99 : i32 to index
      %swap3A_114 = tpu.vector_load %arg11[%swap3A_112, %swap3A_113] {strides = array<i32>} : memref<16x640xf32, #tpu.memory_space<vmem>>, vector<16xf32>,
      tpu.vector_store %arg11[%swap3A_112, %swap3A_113], %broadcast_in_dim3A_23 {strides = array<i32>} : memref<16x640xf32, #tpu.memory_space<vmem>>, vector<16xf32>,
      %swap3A_115 = arith.constant 4 : i32
      %swap3A_116 = arith.index_cast %swap3A_115 : i32 to index
      %swap3A_117 = arith.index_cast %mul3A_99 : i32 to index
      %swap3A_118 = tpu.vector_load %arg11[%swap3A_116, %swap3A_117] {strides = array<i32>} : memref<16x640xf32, #tpu.memory_space<vmem>>, vector<16xf32>,
      tpu.vector_store %arg11[%swap3A_116, %swap3A_117], %broadcast_in_dim3A_23 {strides = array<i32>} : memref<16x640xf32, #tpu.memory_space<vmem>>, vector<16xf32>,
      %swap3A_119 = arith.constant 5 : i32
      %swap3A_120 = arith.index_cast %swap3A_119 : i32 to index
      %swap3A_121 = arith.index_cast %mul3A_99 : i32 to index
      %swap3A_122 = tpu.vector_load %arg11[%swap3A_120, %swap3A_121] {strides = array<i32>} : memref<16x640xf32, #tpu.memory_space<vmem>>, vector<16xf32>,
      tpu.vector_store %arg11[%swap3A_120, %swap3A_121], %broadcast_in_dim3A_23 {strides = array<i32>} : memref<16x640xf32, #tpu.memory_space<vmem>>, vector<16xf32>,
      %swap3A_123 = arith.constant 6 : i32
      %swap3A_124 = arith.index_cast %swap3A_123 : i32 to index
      %swap3A_125 = arith.index_cast %mul3A_99 : i32 to index
      %swap3A_126 = tpu.vector_load %arg11[%swap3A_124, %swap3A_125] {strides = array<i32>} : memref<16x640xf32, #tpu.memory_space<vmem>>, vector<16xf32>,
      tpu.vector_store %arg11[%swap3A_124, %swap3A_125], %broadcast_in_dim3A_23 {strides = array<i32>} : memref<16x640xf32, #tpu.memory_space<vmem>>, vector<16xf32>,
      %swap3A_127 = arith.constant 7 : i32
      %swap3A_128 = arith.index_cast %swap3A_127 : i32 to index
      %swap3A_129 = arith.index_cast %mul3A_99 : i32 to index
      %swap3A_130 = tpu.vector_load %arg11[%swap3A_128, %swap3A_129] {strides = array<i32>} : memref<16x640xf32, #tpu.memory_space<vmem>>, vector<16xf32>,
      tpu.vector_store %arg11[%swap3A_128, %swap3A_129], %broadcast_in_dim3A_23 {strides = array<i32>} : memref<16x640xf32, #tpu.memory_space<vmem>>, vector<16xf32>,
      %swap3A_131 = arith.constant 8 : i32
      %swap3A_132 = arith.index_cast %swap3A_131 : i32 to index
      %swap3A_133 = arith.index_cast %mul3A_99 : i32 to index
      %swap3A_134 = tpu.vector_load %arg11[%swap3A_132, %swap3A_133] {strides = array<i32>} : memref<16x640xf32, #tpu.memory_space<vmem>>, vector<16xf32>,
      tpu.vector_store %arg11[%swap3A_132, %swap3A_133], %broadcast_in_dim3A_23 {strides = array<i32>} : memref<16x640xf32, #tpu.memory_space<vmem>>, vector<16xf32>,
      %swap3A_135 = arith.constant 9 : i32
      %swap3A_136 = arith.index_cast %swap3A_135 : i32 to index
      %swap3A_137 = arith.index_cast %mul3A_99 : i32 to index
      %swap3A_138 = tpu.vector_load %arg11[%swap3A_136, %swap3A_137] {strides = array<i32>} : memref<16x640xf32, #tpu.memory_space<vmem>>, vector<16xf32>,
      tpu.vector_store %arg11[%swap3A_136, %swap3A_137], %broadcast_in_dim3A_23 {strides = array<i32>} : memref<16x640xf32, #tpu.memory_space<vmem>>, vector<16xf32>,
      %swap3A_139 = arith.constant 10 : i32
      %swap3A_140 = arith.index_cast %swap3A_139 : i32 to index
      %swap3A_141 = arith.index_cast %mul3A_99 : i32 to index
      %swap3A_142 = tpu.vector_load %arg11[%swap3A_140, %swap3A_141] {strides = array<i32>} : memref<16x640xf32, #tpu.memory_space<vmem>>, vector<16xf32>,
      tpu.vector_store %arg11[%swap3A_140, %swap3A_141], %broadcast_in_dim3A_23 {strides = array<i32>} : memref<16x640xf32, #tpu.memory_space<vmem>>, vector<16xf32>,
      %swap3A_143 = arith.constant 11 : i32
      %swap3A_144 = arith.index_cast %swap3A_143 : i32 to index
      %swap3A_145 = arith.index_cast %mul3A_99 : i32 to index
      %swap3A_146 = tpu.vector_load %arg11[%swap3A_144, %swap3A_145] {strides = array<i32>} : memref<16x640xf32, #tpu.memory_space<vmem>>, vector<16xf32>,
      tpu.vector_store %arg11[%swap3A_144, %swap3A_145], %broadcast_in_dim3A_23 {strides = array<i32>} : memref<16x640xf32, #tpu.memory_space<vmem>>, vector<16xf32>,
      %swap3A_147 = arith.constant 12 : i32
      %swap3A_148 = arith.index_cast %swap3A_147 : i32 to index
      %swap3A_149 = arith.index_cast %mul3A_99 : i32 to index
      %swap3A_150 = tpu.vector_load %arg11[%swap3A_148, %swap3A_149] {strides = array<i32>} : memref<16x640xf32, #tpu.memory_space<vmem>>, vector<16xf32>,
      tpu.vector_store %arg11[%swap3A_148, %swap3A_149], %broadcast_in_dim3A_23 {strides = array<i32>} : memref<16x640xf32, #tpu.memory_space<vmem>>, vector<16xf32>,
      %swap3A_151 = arith.constant 13 : i32
      %swap3A_152 = arith.index_cast %swap3A_151 : i32 to index
      %swap3A_153 = arith.index_cast %mul3A_99 : i32 to index
      %swap3A_154 = tpu.vector_load %arg11[%swap3A_152, %swap3A_153] {strides = array<i32>} : memref<16x640xf32, #tpu.memory_space<vmem>>, vector<16xf32>,
      tpu.vector_store %arg11[%swap3A_152, %swap3A_153], %broadcast_in_dim3A_23 {strides = array<i32>} : memref<16x640xf32, #tpu.memory_space<vmem>>, vector<16xf32>,
      %swap3A_155 = arith.constant 14 : i32
      %swap3A_156 = arith.index_cast %swap3A_155 : i32 to index
      %swap3A_157 = arith.index_cast %mul3A_99 : i32 to index
      %swap3A_158 = tpu.vector_load %arg11[%swap3A_156, %swap3A_157] {strides = array<i32>} : memref<16x640xf32, #tpu.memory_space<vmem>>, vector<16xf32>,
      tpu.vector_store %arg11[%swap3A_156, %swap3A_157], %broadcast_in_dim3A_23 {strides = array<i32>} : memref<16x640xf32, #tpu.memory_space<vmem>>, vector<16xf32>,
      %swap3A_159 = arith.constant 15 : i32
      %swap3A_160 = arith.index_cast %swap3A_159 : i32 to index
      %swap3A_161 = arith.index_cast %mul3A_99 : i32 to index
      %swap3A_162 = tpu.vector_load %arg11[%swap3A_160, %swap3A_161] {strides = array<i32>} : memref<16x640xf32, #tpu.memory_space<vmem>>, vector<16xf32>,
      tpu.vector_store %arg11[%swap3A_160, %swap3A_161], %broadcast_in_dim3A_23 {strides = array<i32>} : memref<16x640xf32, #tpu.memory_space<vmem>>, vector<16xf32>,
    }
    %scan3A_38 = arith.constant 40 : i32
    "tpu.region"() ({
      %run_scoped3A_93 = tpu.sem_alloc : memref<!tpu.dma_semaphore, #tpu.memory_space<semaphore_mem>>
      %dma_start3A_94 = arith.constant 0 : i32
      %dma_start3A_95 = tpu.memref_slice %arg11[%dma_start3A_94, %mul3A_2] : memref<16x640xf32, #tpu.memory_space<vmem>> -> memref<16x40xf32, #tpu.memory_space<vmem>>
      %dma_start3A_96 = arith.constant 0 : i32
      %dma_start3A_97 = tpu.memref_slice %arg8[%dma_start3A_96, %mul3A_2] : memref<16x640xf32, #tpu.memory_space<vmem_shared>> -> memref<16x40xf32, #tpu.memory_space<vmem_shared>>
      %dma_start3A_98 = arith.constant 0 : i32
      %dma_start3A_99 = tpu.memref_slice %arg8[%dma_start3A_98, %mul3A_2] : memref<16x640xf32, #tpu.memory_space<vmem_shared>> -> memref<16x40xf32, #tpu.memory_space<vmem_shared>>
      %dma_start3A_100 = arith.constant 0 : i32
      %dma_start3A_101 = tpu.memref_slice %arg11[%dma_start3A_100, %mul3A_2] : memref<16x640xf32, #tpu.memory_space<vmem>> -> memref<16x40xf32, #tpu.memory_space<vmem>>
      tpu.enqueue_dma source(%dma_start3A_101 : memref<16x40xf32, #tpu.memory_space<vmem>>) target(%dma_start3A_99 : memref<16x40xf32, #tpu.memory_space<vmem_shared>>) target_semaphore(%run_scoped3A_93 : memref<!tpu.dma_semaphore, #tpu.memory_space<semaphore_mem>>)
      %dma_wait3A_102 = arith.constant 0 : i32
      %dma_wait3A_103 = tpu.memref_slice %arg11[%dma_wait3A_102, %mul3A_2] : memref<16x640xf32, #tpu.memory_space<vmem>> -> memref<16x40xf32, #tpu.memory_space<vmem>>
      %dma_wait3A_104 = arith.constant 0 : i32
      %dma_wait3A_105 = tpu.memref_slice %arg8[%dma_wait3A_104, %mul3A_2] : memref<16x640xf32, #tpu.memory_space<vmem_shared>> -> memref<16x40xf32, #tpu.memory_space<vmem_shared>>
      %dma_wait3A_106 = arith.constant 0 : i32
      %dma_wait3A_107 = tpu.memref_slice %arg8[%dma_wait3A_106, %mul3A_2] : memref<16x640xf32, #tpu.memory_space<vmem_shared>> -> memref<16x40xf32, #tpu.memory_space<vmem_shared>>
      %dma_wait3A_108 = arith.constant 0 : i32
      %dma_wait3A_109 = tpu.memref_slice %arg11[%dma_wait3A_108, %mul3A_2] : memref<16x640xf32, #tpu.memory_space<vmem>> -> memref<16x40xf32, #tpu.memory_space<vmem>>
      tpu.wait_dma2 semaphore(%run_scoped3A_93 : memref<!tpu.dma_semaphore, #tpu.memory_space<semaphore_mem>>) src(%dma_wait3A_109 : memref<16x40xf32, #tpu.memory_space<vmem>>) dst(%dma_wait3A_107 : memref<16x40xf32, #tpu.memory_space<vmem_shared>>)
      tpu.yield
    }) : () -> ()
    %barrier3A = arith.constant 0 : index
    tpu.barrier barrier_id(%barrier3A)
    %broadcast_in_dim3A_39 = arith.constant 1.000000e+00 : f32
    %broadcast_in_dim3A_40 = vector.broadcast %broadcast_in_dim3A_39 : f32 to vector<16xf32>
    %dma_wait3A = tpu.memref_slice %arg3[%add3A_17] : memref<320000xi32, #tpu.memory_space<hbm>> -> memref<10000xi32, #tpu.memory_space<hbm>>
    %dma_wait3A_41 = tpu.memref_slice %arg3[%add3A_17] : memref<320000xi32, #tpu.memory_space<hbm>> -> memref<10000xi32, #tpu.memory_space<hbm>>
    tpu.wait_dma2 semaphore(%arg18 : memref<!tpu.dma_semaphore, #tpu.memory_space<semaphore_mem>>) src(%dma_wait3A_41 : memref<10000xi32, #tpu.memory_space<hbm>>) dst(%arg12 : memref<10000xi32, #tpu.memory_space<vmem>>)
    %scan3A_42 = arith.constant 0 : i32
    %scan3A_43 = arith.constant 625 : i32
    %scan3A_44 = arith.addi %scan3A_42, %scan3A_43 : i32
    %scan3A_45 = arith.constant 5 : i32
    scf.for %scan3A_93 = %scan3A_42 to %scan3A_44 step %scan3A_45  : i32 {
      %mul3A_94 = arith.constant 1 : i32
      %mul3A_95 = arith.muli %scan3A_93, %mul3A_94 : i32
      %add3A_96 = arith.constant 0 : i32
      %add3A_97 = arith.addi %add3A_96, %mul3A_95 : i32
      %mul3A_98 = arith.constant 16 : i32
      %mul3A_99 = arith.muli %add3A_97, %mul3A_98 : i32
      %get3A = arith.index_cast %mul3A_99 : i32 to index
      %get3A_100 = tpu.vector_load %arg12[%get3A] {strides = array<i32>} : memref<10000xi32, #tpu.memory_space<vmem>>, vector<16xi32>,
      %shift_right_arithmetic3A = arith.constant 14 : i32
      %shift_right_arithmetic3A_101 = vector.broadcast %shift_right_arithmetic3A : i32 to vector<16xi32>
      %shift_right_arithmetic3A_102 = arith.shrsi %get3A_100, %shift_right_arithmetic3A_101 : vector<16xi32>
      %and3A_103 = arith.constant 15 : i32
      %and3A_104 = vector.broadcast %and3A_103 : i32 to vector<16xi32>
      %and3A_105 = arith.andi %shift_right_arithmetic3A_102, %and3A_104 : vector<16xi32>
      %shift_right_arithmetic3A_106 = arith.constant 18 : i32
      %shift_right_arithmetic3A_107 = vector.broadcast %shift_right_arithmetic3A_106 : i32 to vector<16xi32>
      %shift_right_arithmetic3A_108 = arith.shrsi %get3A_100, %shift_right_arithmetic3A_107 : vector<16xi32>
      tpu.vector_store_idx %arg11[%and3A_105, %shift_right_arithmetic3A_108], %broadcast_in_dim3A_40 {add = true} : memref<16x640xf32, #tpu.memory_space<vmem>>[vector<16xi32>, vector<16xi32>], vector<16xf32>,
      %scan3A_109 = arith.constant 1 : i32
      %scan3A_110 = arith.addi %scan3A_93, %scan3A_109 : i32
      %mul3A_111 = arith.constant 1 : i32
      %mul3A_112 = arith.muli %scan3A_110, %mul3A_111 : i32
      %add3A_113 = arith.constant 0 : i32
      %add3A_114 = arith.addi %add3A_113, %mul3A_112 : i32
      %mul3A_115 = arith.constant 16 : i32
      %mul3A_116 = arith.muli %add3A_114, %mul3A_115 : i32
      %get3A_117 = arith.index_cast %mul3A_116 : i32 to index
      %get3A_118 = tpu.vector_load %arg12[%get3A_117] {strides = array<i32>} : memref<10000xi32, #tpu.memory_space<vmem>>, vector<16xi32>,
      %shift_right_arithmetic3A_119 = arith.constant 14 : i32
      %shift_right_arithmetic3A_120 = vector.broadcast %shift_right_arithmetic3A_119 : i32 to vector<16xi32>
      %shift_right_arithmetic3A_121 = arith.shrsi %get3A_118, %shift_right_arithmetic3A_120 : vector<16xi32>
      %and3A_122 = arith.constant 15 : i32
      %and3A_123 = vector.broadcast %and3A_122 : i32 to vector<16xi32>
      %and3A_124 = arith.andi %shift_right_arithmetic3A_121, %and3A_123 : vector<16xi32>
      %shift_right_arithmetic3A_125 = arith.constant 18 : i32
      %shift_right_arithmetic3A_126 = vector.broadcast %shift_right_arithmetic3A_125 : i32 to vector<16xi32>
      %shift_right_arithmetic3A_127 = arith.shrsi %get3A_118, %shift_right_arithmetic3A_126 : vector<16xi32>
      tpu.vector_store_idx %arg11[%and3A_124, %shift_right_arithmetic3A_127], %broadcast_in_dim3A_40 {add = true} : memref<16x640xf32, #tpu.memory_space<vmem>>[vector<16xi32>, vector<16xi32>], vector<16xf32>,
      %scan3A_128 = arith.constant 2 : i32
      %scan3A_129 = arith.addi %scan3A_93, %scan3A_128 : i32
      %mul3A_130 = arith.constant 1 : i32
      %mul3A_131 = arith.muli %scan3A_129, %mul3A_130 : i32
      %add3A_132 = arith.constant 0 : i32
      %add3A_133 = arith.addi %add3A_132, %mul3A_131 : i32
      %mul3A_134 = arith.constant 16 : i32
      %mul3A_135 = arith.muli %add3A_133, %mul3A_134 : i32
      %get3A_136 = arith.index_cast %mul3A_135 : i32 to index
      %get3A_137 = tpu.vector_load %arg12[%get3A_136] {strides = array<i32>} : memref<10000xi32, #tpu.memory_space<vmem>>, vector<16xi32>,
      %shift_right_arithmetic3A_138 = arith.constant 14 : i32
      %shift_right_arithmetic3A_139 = vector.broadcast %shift_right_arithmetic3A_138 : i32 to vector<16xi32>
      %shift_right_arithmetic3A_140 = arith.shrsi %get3A_137, %shift_right_arithmetic3A_139 : vector<16xi32>
      %and3A_141 = arith.constant 15 : i32
      %and3A_142 = vector.broadcast %and3A_141 : i32 to vector<16xi32>
      %and3A_143 = arith.andi %shift_right_arithmetic3A_140, %and3A_142 : vector<16xi32>
      %shift_right_arithmetic3A_144 = arith.constant 18 : i32
      %shift_right_arithmetic3A_145 = vector.broadcast %shift_right_arithmetic3A_144 : i32 to vector<16xi32>
      %shift_right_arithmetic3A_146 = arith.shrsi %get3A_137, %shift_right_arithmetic3A_145 : vector<16xi32>
      tpu.vector_store_idx %arg11[%and3A_143, %shift_right_arithmetic3A_146], %broadcast_in_dim3A_40 {add = true} : memref<16x640xf32, #tpu.memory_space<vmem>>[vector<16xi32>, vector<16xi32>], vector<16xf32>,
      %scan3A_147 = arith.constant 3 : i32
      %scan3A_148 = arith.addi %scan3A_93, %scan3A_147 : i32
      %mul3A_149 = arith.constant 1 : i32
      %mul3A_150 = arith.muli %scan3A_148, %mul3A_149 : i32
      %add3A_151 = arith.constant 0 : i32
      %add3A_152 = arith.addi %add3A_151, %mul3A_150 : i32
      %mul3A_153 = arith.constant 16 : i32
      %mul3A_154 = arith.muli %add3A_152, %mul3A_153 : i32
      %get3A_155 = arith.index_cast %mul3A_154 : i32 to index
      %get3A_156 = tpu.vector_load %arg12[%get3A_155] {strides = array<i32>} : memref<10000xi32, #tpu.memory_space<vmem>>, vector<16xi32>,
      %shift_right_arithmetic3A_157 = arith.constant 14 : i32
      %shift_right_arithmetic3A_158 = vector.broadcast %shift_right_arithmetic3A_157 : i32 to vector<16xi32>
      %shift_right_arithmetic3A_159 = arith.shrsi %get3A_156, %shift_right_arithmetic3A_158 : vector<16xi32>
      %and3A_160 = arith.constant 15 : i32
      %and3A_161 = vector.broadcast %and3A_160 : i32 to vector<16xi32>
      %and3A_162 = arith.andi %shift_right_arithmetic3A_159, %and3A_161 : vector<16xi32>
      %shift_right_arithmetic3A_163 = arith.constant 18 : i32
      %shift_right_arithmetic3A_164 = vector.broadcast %shift_right_arithmetic3A_163 : i32 to vector<16xi32>
      %shift_right_arithmetic3A_165 = arith.shrsi %get3A_156, %shift_right_arithmetic3A_164 : vector<16xi32>
      tpu.vector_store_idx %arg11[%and3A_162, %shift_right_arithmetic3A_165], %broadcast_in_dim3A_40 {add = true} : memref<16x640xf32, #tpu.memory_space<vmem>>[vector<16xi32>, vector<16xi32>], vector<16xf32>,
      %scan3A_166 = arith.constant 4 : i32
      %scan3A_167 = arith.addi %scan3A_93, %scan3A_166 : i32
      %mul3A_168 = arith.constant 1 : i32
      %mul3A_169 = arith.muli %scan3A_167, %mul3A_168 : i32
      %add3A_170 = arith.constant 0 : i32
      %add3A_171 = arith.addi %add3A_170, %mul3A_169 : i32
      %mul3A_172 = arith.constant 16 : i32
      %mul3A_173 = arith.muli %add3A_171, %mul3A_172 : i32
      %get3A_174 = arith.index_cast %mul3A_173 : i32 to index
      %get3A_175 = tpu.vector_load %arg12[%get3A_174] {strides = array<i32>} : memref<10000xi32, #tpu.memory_space<vmem>>, vector<16xi32>,
      %shift_right_arithmetic3A_176 = arith.constant 14 : i32
      %shift_right_arithmetic3A_177 = vector.broadcast %shift_right_arithmetic3A_176 : i32 to vector<16xi32>
      %shift_right_arithmetic3A_178 = arith.shrsi %get3A_175, %shift_right_arithmetic3A_177 : vector<16xi32>
      %and3A_179 = arith.constant 15 : i32
      %and3A_180 = vector.broadcast %and3A_179 : i32 to vector<16xi32>
      %and3A_181 = arith.andi %shift_right_arithmetic3A_178, %and3A_180 : vector<16xi32>
      %shift_right_arithmetic3A_182 = arith.constant 18 : i32
      %shift_right_arithmetic3A_183 = vector.broadcast %shift_right_arithmetic3A_182 : i32 to vector<16xi32>
      %shift_right_arithmetic3A_184 = arith.shrsi %get3A_175, %shift_right_arithmetic3A_183 : vector<16xi32>
      tpu.vector_store_idx %arg11[%and3A_181, %shift_right_arithmetic3A_184], %broadcast_in_dim3A_40 {add = true} : memref<16x640xf32, #tpu.memory_space<vmem>>[vector<16xi32>, vector<16xi32>], vector<16xf32>,
    }
    %scan3A_46 = arith.constant 625 : i32
    %dma_start3A_47 = tpu.memref_slice %arg3[%add3A] : memref<320000xi32, #tpu.memory_space<hbm>> -> memref<10000xi32, #tpu.memory_space<hbm>>
    %dma_start3A_48 = tpu.memref_slice %arg3[%add3A] : memref<320000xi32, #tpu.memory_space<hbm>> -> memref<10000xi32, #tpu.memory_space<hbm>>
    tpu.enqueue_dma source(%dma_start3A_48 : memref<10000xi32, #tpu.memory_space<hbm>>) target(%arg12 : memref<10000xi32, #tpu.memory_space<vmem>>) target_semaphore(%arg18 : memref<!tpu.dma_semaphore, #tpu.memory_space<semaphore_mem>>)
    %dma_wait3A_49 = tpu.memref_slice %arg3[%add3A] : memref<320000xi32, #tpu.memory_space<hbm>> -> memref<10000xi32, #tpu.memory_space<hbm>>
    %dma_wait3A_50 = tpu.memref_slice %arg3[%add3A] : memref<320000xi32, #tpu.memory_space<hbm>> -> memref<10000xi32, #tpu.memory_space<hbm>>
    tpu.wait_dma2 semaphore(%arg18 : memref<!tpu.dma_semaphore, #tpu.memory_space<semaphore_mem>>) src(%dma_wait3A_50 : memref<10000xi32, #tpu.memory_space<hbm>>) dst(%arg12 : memref<10000xi32, #tpu.memory_space<vmem>>)
    %scan3A_51 = arith.constant 0 : i32
    %scan3A_52 = arith.constant 625 : i32
    %scan3A_53 = arith.addi %scan3A_51, %scan3A_52 : i32
    %scan3A_54 = arith.constant 5 : i32
    scf.for %scan3A_93 = %scan3A_51 to %scan3A_53 step %scan3A_54  : i32 {
      %mul3A_94 = arith.constant 1 : i32
      %mul3A_95 = arith.muli %scan3A_93, %mul3A_94 : i32
      %add3A_96 = arith.constant 0 : i32
      %add3A_97 = arith.addi %add3A_96, %mul3A_95 : i32
      %mul3A_98 = arith.constant 16 : i32
      %mul3A_99 = arith.muli %add3A_97, %mul3A_98 : i32
      %get3A = arith.index_cast %mul3A_99 : i32 to index
      %get3A_100 = tpu.vector_load %arg12[%get3A] {strides = array<i32>} : memref<10000xi32, #tpu.memory_space<vmem>>, vector<16xi32>,
      %shift_right_arithmetic3A = arith.constant 14 : i32
      %shift_right_arithmetic3A_101 = vector.broadcast %shift_right_arithmetic3A : i32 to vector<16xi32>
      %shift_right_arithmetic3A_102 = arith.shrsi %get3A_100, %shift_right_arithmetic3A_101 : vector<16xi32>
      %and3A_103 = arith.constant 15 : i32
      %and3A_104 = vector.broadcast %and3A_103 : i32 to vector<16xi32>
      %and3A_105 = arith.andi %shift_right_arithmetic3A_102, %and3A_104 : vector<16xi32>
      %shift_right_arithmetic3A_106 = arith.constant 18 : i32
      %shift_right_arithmetic3A_107 = vector.broadcast %shift_right_arithmetic3A_106 : i32 to vector<16xi32>
      %shift_right_arithmetic3A_108 = arith.shrsi %get3A_100, %shift_right_arithmetic3A_107 : vector<16xi32>
      tpu.vector_store_idx %arg11[%and3A_105, %shift_right_arithmetic3A_108], %broadcast_in_dim3A_40 {add = true} : memref<16x640xf32, #tpu.memory_space<vmem>>[vector<16xi32>, vector<16xi32>], vector<16xf32>,
      %scan3A_109 = arith.constant 1 : i32
      %scan3A_110 = arith.addi %scan3A_93, %scan3A_109 : i32
      %mul3A_111 = arith.constant 1 : i32
      %mul3A_112 = arith.muli %scan3A_110, %mul3A_111 : i32
      %add3A_113 = arith.constant 0 : i32
      %add3A_114 = arith.addi %add3A_113, %mul3A_112 : i32
      %mul3A_115 = arith.constant 16 : i32
      %mul3A_116 = arith.muli %add3A_114, %mul3A_115 : i32
      %get3A_117 = arith.index_cast %mul3A_116 : i32 to index
      %get3A_118 = tpu.vector_load %arg12[%get3A_117] {strides = array<i32>} : memref<10000xi32, #tpu.memory_space<vmem>>, vector<16xi32>,
      %shift_right_arithmetic3A_119 = arith.constant 14 : i32
      %shift_right_arithmetic3A_120 = vector.broadcast %shift_right_arithmetic3A_119 : i32 to vector<16xi32>
      %shift_right_arithmetic3A_121 = arith.shrsi %get3A_118, %shift_right_arithmetic3A_120 : vector<16xi32>
      %and3A_122 = arith.constant 15 : i32
      %and3A_123 = vector.broadcast %and3A_122 : i32 to vector<16xi32>
      %and3A_124 = arith.andi %shift_right_arithmetic3A_121, %and3A_123 : vector<16xi32>
      %shift_right_arithmetic3A_125 = arith.constant 18 : i32
      %shift_right_arithmetic3A_126 = vector.broadcast %shift_right_arithmetic3A_125 : i32 to vector<16xi32>
      %shift_right_arithmetic3A_127 = arith.shrsi %get3A_118, %shift_right_arithmetic3A_126 : vector<16xi32>
      tpu.vector_store_idx %arg11[%and3A_124, %shift_right_arithmetic3A_127], %broadcast_in_dim3A_40 {add = true} : memref<16x640xf32, #tpu.memory_space<vmem>>[vector<16xi32>, vector<16xi32>], vector<16xf32>,
      %scan3A_128 = arith.constant 2 : i32
      %scan3A_129 = arith.addi %scan3A_93, %scan3A_128 : i32
      %mul3A_130 = arith.constant 1 : i32
      %mul3A_131 = arith.muli %scan3A_129, %mul3A_130 : i32
      %add3A_132 = arith.constant 0 : i32
      %add3A_133 = arith.addi %add3A_132, %mul3A_131 : i32
      %mul3A_134 = arith.constant 16 : i32
      %mul3A_135 = arith.muli %add3A_133, %mul3A_134 : i32
      %get3A_136 = arith.index_cast %mul3A_135 : i32 to index
      %get3A_137 = tpu.vector_load %arg12[%get3A_136] {strides = array<i32>} : memref<10000xi32, #tpu.memory_space<vmem>>, vector<16xi32>,
      %shift_right_arithmetic3A_138 = arith.constant 14 : i32
      %shift_right_arithmetic3A_139 = vector.broadcast %shift_right_arithmetic3A_138 : i32 to vector<16xi32>
      %shift_right_arithmetic3A_140 = arith.shrsi %get3A_137, %shift_right_arithmetic3A_139 : vector<16xi32>
      %and3A_141 = arith.constant 15 : i32
      %and3A_142 = vector.broadcast %and3A_141 : i32 to vector<16xi32>
      %and3A_143 = arith.andi %shift_right_arithmetic3A_140, %and3A_142 : vector<16xi32>
      %shift_right_arithmetic3A_144 = arith.constant 18 : i32
      %shift_right_arithmetic3A_145 = vector.broadcast %shift_right_arithmetic3A_144 : i32 to vector<16xi32>
      %shift_right_arithmetic3A_146 = arith.shrsi %get3A_137, %shift_right_arithmetic3A_145 : vector<16xi32>
      tpu.vector_store_idx %arg11[%and3A_143, %shift_right_arithmetic3A_146], %broadcast_in_dim3A_40 {add = true} : memref<16x640xf32, #tpu.memory_space<vmem>>[vector<16xi32>, vector<16xi32>], vector<16xf32>,
      %scan3A_147 = arith.constant 3 : i32
      %scan3A_148 = arith.addi %scan3A_93, %scan3A_147 : i32
      %mul3A_149 = arith.constant 1 : i32
      %mul3A_150 = arith.muli %scan3A_148, %mul3A_149 : i32
      %add3A_151 = arith.constant 0 : i32
      %add3A_152 = arith.addi %add3A_151, %mul3A_150 : i32
      %mul3A_153 = arith.constant 16 : i32
      %mul3A_154 = arith.muli %add3A_152, %mul3A_153 : i32
      %get3A_155 = arith.index_cast %mul3A_154 : i32 to index
      %get3A_156 = tpu.vector_load %arg12[%get3A_155] {strides = array<i32>} : memref<10000xi32, #tpu.memory_space<vmem>>, vector<16xi32>,
      %shift_right_arithmetic3A_157 = arith.constant 14 : i32
      %shift_right_arithmetic3A_158 = vector.broadcast %shift_right_arithmetic3A_157 : i32 to vector<16xi32>
      %shift_right_arithmetic3A_159 = arith.shrsi %get3A_156, %shift_right_arithmetic3A_158 : vector<16xi32>
      %and3A_160 = arith.constant 15 : i32
      %and3A_161 = vector.broadcast %and3A_160 : i32 to vector<16xi32>
      %and3A_162 = arith.andi %shift_right_arithmetic3A_159, %and3A_161 : vector<16xi32>
      %shift_right_arithmetic3A_163 = arith.constant 18 : i32
      %shift_right_arithmetic3A_164 = vector.broadcast %shift_right_arithmetic3A_163 : i32 to vector<16xi32>
      %shift_right_arithmetic3A_165 = arith.shrsi %get3A_156, %shift_right_arithmetic3A_164 : vector<16xi32>
      tpu.vector_store_idx %arg11[%and3A_162, %shift_right_arithmetic3A_165], %broadcast_in_dim3A_40 {add = true} : memref<16x640xf32, #tpu.memory_space<vmem>>[vector<16xi32>, vector<16xi32>], vector<16xf32>,
      %scan3A_166 = arith.constant 4 : i32
      %scan3A_167 = arith.addi %scan3A_93, %scan3A_166 : i32
      %mul3A_168 = arith.constant 1 : i32
      %mul3A_169 = arith.muli %scan3A_167, %mul3A_168 : i32
      %add3A_170 = arith.constant 0 : i32
      %add3A_171 = arith.addi %add3A_170, %mul3A_169 : i32
      %mul3A_172 = arith.constant 16 : i32
      %mul3A_173 = arith.muli %add3A_171, %mul3A_172 : i32
      %get3A_174 = arith.index_cast %mul3A_173 : i32 to index
      %get3A_175 = tpu.vector_load %arg12[%get3A_174] {strides = array<i32>} : memref<10000xi32, #tpu.memory_space<vmem>>, vector<16xi32>,
      %shift_right_arithmetic3A_176 = arith.constant 14 : i32
      %shift_right_arithmetic3A_177 = vector.broadcast %shift_right_arithmetic3A_176 : i32 to vector<16xi32>
      %shift_right_arithmetic3A_178 = arith.shrsi %get3A_175, %shift_right_arithmetic3A_177 : vector<16xi32>
      %and3A_179 = arith.constant 15 : i32
      %and3A_180 = vector.broadcast %and3A_179 : i32 to vector<16xi32>
      %and3A_181 = arith.andi %shift_right_arithmetic3A_178, %and3A_180 : vector<16xi32>
      %shift_right_arithmetic3A_182 = arith.constant 18 : i32
      %shift_right_arithmetic3A_183 = vector.broadcast %shift_right_arithmetic3A_182 : i32 to vector<16xi32>
      %shift_right_arithmetic3A_184 = arith.shrsi %get3A_175, %shift_right_arithmetic3A_183 : vector<16xi32>
      tpu.vector_store_idx %arg11[%and3A_181, %shift_right_arithmetic3A_184], %broadcast_in_dim3A_40 {add = true} : memref<16x640xf32, #tpu.memory_space<vmem>>[vector<16xi32>, vector<16xi32>], vector<16xf32>,
    }
    %scan3A_55 = arith.constant 625 : i32
    "tpu.region"() ({
      %run_scoped3A_93 = tpu.sem_alloc : memref<!tpu.dma_semaphore, #tpu.memory_space<semaphore_mem>>
      %dma_start3A_94 = arith.constant 0 : i32
      %dma_start3A_95 = arith.constant 0 : i32
      %dma_start3A_96 = tpu.memref_slice %arg8[%dma_start3A_94, %dma_start3A_95] : memref<16x640xf32, #tpu.memory_space<vmem_shared>> -> memref<16x640xf32, #tpu.memory_space<vmem_shared>>
      tpu.enqueue_indirect_dma source(%arg11 : memref<16x640xf32, #tpu.memory_space<vmem>>) target(%dma_start3A_96 : memref<16x640xf32, #tpu.memory_space<vmem_shared>>) offsets(%iota3A_34 : vector<16xi32>) semaphore(%run_scoped3A_93 : memref<!tpu.dma_semaphore, #tpu.memory_space<semaphore_mem>>) {add = true}
      %dma_wait3A_97 = arith.constant 0 : i32
      %dma_wait3A_98 = arith.constant 0 : i32
      %dma_wait3A_99 = tpu.memref_slice %arg8[%dma_wait3A_97, %dma_wait3A_98] : memref<16x640xf32, #tpu.memory_space<vmem_shared>> -> memref<16x640xf32, #tpu.memory_space<vmem_shared>>
      tpu.wait_indirect_dma semaphore(%run_scoped3A_93 : memref<!tpu.dma_semaphore, #tpu.memory_space<semaphore_mem>>) src(%arg11 : memref<16x640xf32, #tpu.memory_space<vmem>>) dst(%dma_wait3A_99 : memref<16x640xf32, #tpu.memory_space<vmem_shared>>)
      tpu.yield
    }) : () -> ()
    %barrier3A_56 = arith.constant 0 : index
    tpu.barrier barrier_id(%barrier3A_56)
    %barrier3A_57 = arith.constant 0 : index
    tpu.barrier barrier_id(%barrier3A_57)
    "tpu.region"() ({
      %run_scoped3A_93 = tpu.sem_alloc : memref<!tpu.dma_semaphore, #tpu.memory_space<semaphore_mem>>
      %dma_start3A_94 = arith.constant 0 : i32
      %dma_start3A_95 = arith.constant 0 : i32
      %dma_start3A_96 = tpu.memref_slice %arg11[%dma_start3A_94, %dma_start3A_95] : memref<16x640xf32, #tpu.memory_space<vmem>> -> memref<16x40xf32, #tpu.memory_space<vmem>>
      %dma_start3A_97 = arith.constant 0 : i32
      %dma_start3A_98 = tpu.memref_slice %arg8[%dma_start3A_97, %mul3A_2] : memref<16x640xf32, #tpu.memory_space<vmem_shared>> -> memref<16x40xf32, #tpu.memory_space<vmem_shared>>
      %dma_start3A_99 = arith.constant 0 : i32
      %dma_start3A_100 = arith.constant 0 : i32
      %dma_start3A_101 = tpu.memref_slice %arg11[%dma_start3A_99, %dma_start3A_100] : memref<16x640xf32, #tpu.memory_space<vmem>> -> memref<16x40xf32, #tpu.memory_space<vmem>>
      %dma_start3A_102 = arith.constant 0 : i32
      %dma_start3A_103 = tpu.memref_slice %arg8[%dma_start3A_102, %mul3A_2] : memref<16x640xf32, #tpu.memory_space<vmem_shared>> -> memref<16x40xf32, #tpu.memory_space<vmem_shared>>
      tpu.enqueue_dma source(%dma_start3A_103 : memref<16x40xf32, #tpu.memory_space<vmem_shared>>) target(%dma_start3A_101 : memref<16x40xf32, #tpu.memory_space<vmem>>) target_semaphore(%run_scoped3A_93 : memref<!tpu.dma_semaphore, #tpu.memory_space<semaphore_mem>>)
      %dma_wait3A_104 = arith.constant 0 : i32
      %dma_wait3A_105 = arith.constant 0 : i32
      %dma_wait3A_106 = tpu.memref_slice %arg11[%dma_wait3A_104, %dma_wait3A_105] : memref<16x640xf32, #tpu.memory_space<vmem>> -> memref<16x40xf32, #tpu.memory_space<vmem>>
      %dma_wait3A_107 = arith.constant 0 : i32
      %dma_wait3A_108 = tpu.memref_slice %arg8[%dma_wait3A_107, %mul3A_2] : memref<16x640xf32, #tpu.memory_space<vmem_shared>> -> memref<16x40xf32, #tpu.memory_space<vmem_shared>>
      %dma_wait3A_109 = arith.constant 0 : i32
      %dma_wait3A_110 = arith.constant 0 : i32
      %dma_wait3A_111 = tpu.memref_slice %arg11[%dma_wait3A_109, %dma_wait3A_110] : memref<16x640xf32, #tpu.memory_space<vmem>> -> memref<16x40xf32, #tpu.memory_space<vmem>>
      %dma_wait3A_112 = arith.constant 0 : i32
      %dma_wait3A_113 = tpu.memref_slice %arg8[%dma_wait3A_112, %mul3A_2] : memref<16x640xf32, #tpu.memory_space<vmem_shared>> -> memref<16x40xf32, #tpu.memory_space<vmem_shared>>
      tpu.wait_dma2 semaphore(%run_scoped3A_93 : memref<!tpu.dma_semaphore, #tpu.memory_space<semaphore_mem>>) src(%dma_wait3A_113 : memref<16x40xf32, #tpu.memory_space<vmem_shared>>) dst(%dma_wait3A_111 : memref<16x40xf32, #tpu.memory_space<vmem>>)
      tpu.yield
    }) : () -> ()
    %dma_wait3A_58 = arith.constant 0 : i32
    %dma_wait3A_59 = tpu.memref_slice %arg2[%mul3A_0, %dma_wait3A_58] : memref<10240x4xf32, #tpu.memory_space<hbm>> -> memref<640x4xf32, #tpu.memory_space<hbm>>
    %dma_wait3A_60 = arith.constant 0 : i32
    %dma_wait3A_61 = tpu.memref_slice %arg2[%mul3A_0, %dma_wait3A_60] : memref<10240x4xf32, #tpu.memory_space<hbm>> -> memref<640x4xf32, #tpu.memory_space<hbm>>
    tpu.wait_dma2 semaphore(%arg17 : memref<!tpu.dma_semaphore, #tpu.memory_space<semaphore_mem>>) src(%dma_wait3A_61 : memref<640x4xf32, #tpu.memory_space<hbm>>) dst(%arg13 : memref<640x4xf32, #tpu.memory_space<vmem>>)
    %scan3A_62 = arith.constant 0 : i32
    %scan3A_63 = arith.constant 40 : i32
    %scan3A_64 = arith.addi %scan3A_62, %scan3A_63 : i32
    %scan3A_65 = arith.constant 1 : i32
    scf.for %scan3A_93 = %scan3A_62 to %scan3A_64 step %scan3A_65  : i32 {
      %mul3A_94 = arith.constant 1 : i32
      %mul3A_95 = arith.muli %scan3A_93, %mul3A_94 : i32
      %add3A_96 = arith.constant 0 : i32
      %add3A_97 = arith.addi %add3A_96, %mul3A_95 : i32
      %mul3A_98 = arith.constant 16 : i32
      %mul3A_99 = arith.muli %add3A_97, %mul3A_98 : i32
      %mul3A_100 = arith.constant 16 : i32
      %mul3A_101 = arith.muli %add3A_97, %mul3A_100 : i32
      %add3A_102 = vector.broadcast %mul3A_101 : i32 to vector<16xi32>
      %add3A_103 = arith.addi %iota3A, %add3A_102 : vector<16xi32>
      %add3A_104 = vector.broadcast %add3A_97 : i32 to vector<16xi32>
      %add3A_105 = arith.addi %broadcast_in_dim3A_25, %add3A_104 : vector<16xi32>
      %gather3A = tpu.vector_load_idx %arg11[%iota3A, %add3A_105] : memref<16x640xf32, #tpu.memory_space<vmem>>[vector<16xi32>, vector<16xi32>], vector<16xf32>,
      %add3A_106 = arith.constant 1.000000e+00 : f32
      %add3A_107 = vector.broadcast %add3A_106 : f32 to vector<16xf32>
      %add3A_108 = arith.addf %gather3A, %add3A_107 : vector<16xf32>
      %bitcast3A = vector.bitcast %add3A_108 : vector<16xf32> to vector<16xi32>
      %shift_right_arithmetic3A = arith.constant 1 : i32
      %shift_right_arithmetic3A_109 = vector.broadcast %shift_right_arithmetic3A : i32 to vector<16xi32>
      %shift_right_arithmetic3A_110 = arith.shrsi %bitcast3A, %shift_right_arithmetic3A_109 : vector<16xi32>
      %sub3A_111 = arith.constant 1597463007 : i32
      %sub3A_112 = vector.broadcast %sub3A_111 : i32 to vector<16xi32>
      %sub3A_113 = arith.subi %sub3A_112, %shift_right_arithmetic3A_110 : vector<16xi32>
      %bitcast3A_114 = vector.bitcast %sub3A_113 : vector<16xi32> to vector<16xf32>
      %mul3A_115 = arith.constant 5.000000e-01 : f32
      %mul3A_116 = vector.broadcast %mul3A_115 : f32 to vector<16xf32>
      %mul3A_117 = arith.mulf %mul3A_116, %add3A_108 : vector<16xf32>
      %mul3A_118 = arith.mulf %mul3A_117, %bitcast3A_114 : vector<16xf32>
      %mul3A_119 = arith.mulf %mul3A_118, %bitcast3A_114 : vector<16xf32>
      %sub3A_120 = arith.constant 1.500000e+00 : f32
      %sub3A_121 = vector.broadcast %sub3A_120 : f32 to vector<16xf32>
      %sub3A_122 = arith.subf %sub3A_121, %mul3A_119 : vector<16xf32>
      %mul3A_123 = arith.mulf %bitcast3A_114, %sub3A_122 : vector<16xf32>
      %mul3A_124 = arith.constant 5.000000e-01 : f32
      %mul3A_125 = vector.broadcast %mul3A_124 : f32 to vector<16xf32>
      %mul3A_126 = arith.mulf %mul3A_125, %add3A_108 : vector<16xf32>
      %mul3A_127 = arith.mulf %mul3A_126, %mul3A_123 : vector<16xf32>
      %mul3A_128 = arith.mulf %mul3A_127, %mul3A_123 : vector<16xf32>
      %sub3A_129 = arith.constant 1.500000e+00 : f32
      %sub3A_130 = vector.broadcast %sub3A_129 : f32 to vector<16xf32>
      %sub3A_131 = arith.subf %sub3A_130, %mul3A_128 : vector<16xf32>
      %mul3A_132 = arith.mulf %mul3A_123, %sub3A_131 : vector<16xf32>
      %mul3A_133 = arith.constant 5.000000e-01 : f32
      %mul3A_134 = vector.broadcast %mul3A_133 : f32 to vector<16xf32>
      %mul3A_135 = arith.mulf %mul3A_134, %add3A_108 : vector<16xf32>
      %mul3A_136 = arith.mulf %mul3A_135, %mul3A_132 : vector<16xf32>
      %mul3A_137 = arith.mulf %mul3A_136, %mul3A_132 : vector<16xf32>
      %sub3A_138 = arith.constant 1.500000e+00 : f32
      %sub3A_139 = vector.broadcast %sub3A_138 : f32 to vector<16xf32>
      %sub3A_140 = arith.subf %sub3A_139, %mul3A_137 : vector<16xf32>
      %mul3A_141 = arith.mulf %mul3A_132, %sub3A_140 : vector<16xf32>
      %swap3A = arith.index_cast %mul3A_99 : i32 to index
      %swap3A_142 = tpu.vector_load %arg14[%swap3A] {strides = array<i32>} : memref<640xf32, #tpu.memory_space<vmem>>, vector<16xf32>,
      tpu.vector_store %arg14[%swap3A], %mul3A_141 {strides = array<i32>} : memref<640xf32, #tpu.memory_space<vmem>>, vector<16xf32>,
      %gather3A_143 = tpu.vector_load_idx %arg13[%add3A_103, %broadcast_in_dim3A_27] : memref<640x4xf32, #tpu.memory_space<vmem>>[vector<16xi32>, vector<16xi32>], vector<16xf32>,
      %mul3A_144 = arith.mulf %mul3A_141, %gather3A_143 : vector<16xf32>
      %swap3A_145 = arith.constant 0 : i32
      %swap3A_146 = arith.index_cast %swap3A_145 : i32 to index
      %swap3A_147 = arith.index_cast %mul3A_99 : i32 to index
      %swap3A_148 = tpu.vector_load %arg15[%swap3A_146, %swap3A_147] {strides = array<i32>} : memref<4x640xf32, #tpu.memory_space<vmem>>, vector<16xf32>,
      tpu.vector_store %arg15[%swap3A_146, %swap3A_147], %mul3A_144 {strides = array<i32>} : memref<4x640xf32, #tpu.memory_space<vmem>>, vector<16xf32>,
      %mul3A_149 = vector.broadcast %select_n3A : f32 to vector<16xf32>
      %mul3A_150 = arith.mulf %mul3A_144, %mul3A_149 : vector<16xf32>
      tpu.vector_store_idx %arg16[%iota3A, %broadcast_in_dim3A_27, %add3A_105], %mul3A_150 : memref<16x4x40xf32, #tpu.memory_space<vmem>>[vector<16xi32>, vector<16xi32>, vector<16xi32>], vector<16xf32>,
      %gather3A_151 = tpu.vector_load_idx %arg13[%add3A_103, %broadcast_in_dim3A_29] : memref<640x4xf32, #tpu.memory_space<vmem>>[vector<16xi32>, vector<16xi32>], vector<16xf32>,
      %mul3A_152 = arith.mulf %mul3A_141, %gather3A_151 : vector<16xf32>
      %swap3A_153 = arith.constant 1 : i32
      %swap3A_154 = arith.index_cast %swap3A_153 : i32 to index
      %swap3A_155 = arith.index_cast %mul3A_99 : i32 to index
      %swap3A_156 = tpu.vector_load %arg15[%swap3A_154, %swap3A_155] {strides = array<i32>} : memref<4x640xf32, #tpu.memory_space<vmem>>, vector<16xf32>,
      tpu.vector_store %arg15[%swap3A_154, %swap3A_155], %mul3A_152 {strides = array<i32>} : memref<4x640xf32, #tpu.memory_space<vmem>>, vector<16xf32>,
      %mul3A_157 = vector.broadcast %select_n3A : f32 to vector<16xf32>
      %mul3A_158 = arith.mulf %mul3A_152, %mul3A_157 : vector<16xf32>
      tpu.vector_store_idx %arg16[%iota3A, %broadcast_in_dim3A_29, %add3A_105], %mul3A_158 : memref<16x4x40xf32, #tpu.memory_space<vmem>>[vector<16xi32>, vector<16xi32>, vector<16xi32>], vector<16xf32>,
      %gather3A_159 = tpu.vector_load_idx %arg13[%add3A_103, %broadcast_in_dim3A_31] : memref<640x4xf32, #tpu.memory_space<vmem>>[vector<16xi32>, vector<16xi32>], vector<16xf32>,
      %mul3A_160 = arith.mulf %mul3A_141, %gather3A_159 : vector<16xf32>
      %swap3A_161 = arith.constant 2 : i32
      %swap3A_162 = arith.index_cast %swap3A_161 : i32 to index
      %swap3A_163 = arith.index_cast %mul3A_99 : i32 to index
      %swap3A_164 = tpu.vector_load %arg15[%swap3A_162, %swap3A_163] {strides = array<i32>} : memref<4x640xf32, #tpu.memory_space<vmem>>, vector<16xf32>,
      tpu.vector_store %arg15[%swap3A_162, %swap3A_163], %mul3A_160 {strides = array<i32>} : memref<4x640xf32, #tpu.memory_space<vmem>>, vector<16xf32>,
      %mul3A_165 = vector.broadcast %select_n3A : f32 to vector<16xf32>
      %mul3A_166 = arith.mulf %mul3A_160, %mul3A_165 : vector<16xf32>
      tpu.vector_store_idx %arg16[%iota3A, %broadcast_in_dim3A_31, %add3A_105], %mul3A_166 : memref<16x4x40xf32, #tpu.memory_space<vmem>>[vector<16xi32>, vector<16xi32>, vector<16xi32>], vector<16xf32>,
      %gather3A_167 = tpu.vector_load_idx %arg13[%add3A_103, %broadcast_in_dim3A_33] : memref<640x4xf32, #tpu.memory_space<vmem>>[vector<16xi32>, vector<16xi32>], vector<16xf32>,
      %mul3A_168 = arith.mulf %mul3A_141, %gather3A_167 : vector<16xf32>
      %swap3A_169 = arith.constant 3 : i32
      %swap3A_170 = arith.index_cast %swap3A_169 : i32 to index
      %swap3A_171 = arith.index_cast %mul3A_99 : i32 to index
      %swap3A_172 = tpu.vector_load %arg15[%swap3A_170, %swap3A_171] {strides = array<i32>} : memref<4x640xf32, #tpu.memory_space<vmem>>, vector<16xf32>,
      tpu.vector_store %arg15[%swap3A_170, %swap3A_171], %mul3A_168 {strides = array<i32>} : memref<4x640xf32, #tpu.memory_space<vmem>>, vector<16xf32>,
      %mul3A_173 = vector.broadcast %select_n3A : f32 to vector<16xf32>
      %mul3A_174 = arith.mulf %mul3A_168, %mul3A_173 : vector<16xf32>
      tpu.vector_store_idx %arg16[%iota3A, %broadcast_in_dim3A_33, %add3A_105], %mul3A_174 : memref<16x4x40xf32, #tpu.memory_space<vmem>>[vector<16xi32>, vector<16xi32>, vector<16xi32>], vector<16xf32>,
    }
    %scan3A_66 = arith.constant 40 : i32
    %run_scoped3A = arith.constant 0 : i32
    %run_scoped3A_67 = arith.constant 0 : i32
    "tpu.region"() ({
      %run_scoped3A_93 = tpu.sem_alloc : memref<!tpu.dma_semaphore, #tpu.memory_space<semaphore_mem>>
      %dma_start3A_94 = arith.constant 0 : i32
      %dma_start3A_95 = tpu.memref_slice %arg15[%run_scoped3A, %dma_start3A_94] : memref<4x640xf32, #tpu.memory_space<vmem>> -> memref<1x640xf32, #tpu.memory_space<vmem>>
      %dma_start3A_96 = tpu.memref_squeeze %dma_start3A_95 : memref<1x640xf32, #tpu.memory_space<vmem>> -> memref<640xf32, #tpu.memory_space<vmem>>
      %dma_start3A_97 = tpu.memref_slice %arg6[%run_scoped3A_67, %mul3A_0] : memref<4x10240xf32, #tpu.memory_space<vmem_shared>> -> memref<1x640xf32, #tpu.memory_space<vmem_shared>>
      %dma_start3A_98 = tpu.memref_squeeze %dma_start3A_97 : memref<1x640xf32, #tpu.memory_space<vmem_shared>> -> memref<640xf32, #tpu.memory_space<vmem_shared>>
      %dma_start3A_99 = tpu.memref_slice %arg6[%run_scoped3A_67, %mul3A_0] : memref<4x10240xf32, #tpu.memory_space<vmem_shared>> -> memref<1x640xf32, #tpu.memory_space<vmem_shared>>
      %dma_start3A_100 = tpu.memref_squeeze %dma_start3A_99 : memref<1x640xf32, #tpu.memory_space<vmem_shared>> -> memref<640xf32, #tpu.memory_space<vmem_shared>>
      %dma_start3A_101 = arith.constant 0 : i32
      %dma_start3A_102 = tpu.memref_slice %arg15[%run_scoped3A, %dma_start3A_101] : memref<4x640xf32, #tpu.memory_space<vmem>> -> memref<1x640xf32, #tpu.memory_space<vmem>>
      %dma_start3A_103 = tpu.memref_squeeze %dma_start3A_102 : memref<1x640xf32, #tpu.memory_space<vmem>> -> memref<640xf32, #tpu.memory_space<vmem>>
      tpu.enqueue_dma source(%dma_start3A_103 : memref<640xf32, #tpu.memory_space<vmem>>) target(%dma_start3A_100 : memref<640xf32, #tpu.memory_space<vmem_shared>>) target_semaphore(%run_scoped3A_93 : memref<!tpu.dma_semaphore, #tpu.memory_space<semaphore_mem>>)
      %dma_wait3A_104 = arith.constant 0 : i32
      %dma_wait3A_105 = tpu.memref_slice %arg15[%run_scoped3A, %dma_wait3A_104] : memref<4x640xf32, #tpu.memory_space<vmem>> -> memref<1x640xf32, #tpu.memory_space<vmem>>
      %dma_wait3A_106 = tpu.memref_squeeze %dma_wait3A_105 : memref<1x640xf32, #tpu.memory_space<vmem>> -> memref<640xf32, #tpu.memory_space<vmem>>
      %dma_wait3A_107 = tpu.memref_slice %arg6[%run_scoped3A_67, %mul3A_0] : memref<4x10240xf32, #tpu.memory_space<vmem_shared>> -> memref<1x640xf32, #tpu.memory_space<vmem_shared>>
      %dma_wait3A_108 = tpu.memref_squeeze %dma_wait3A_107 : memref<1x640xf32, #tpu.memory_space<vmem_shared>> -> memref<640xf32, #tpu.memory_space<vmem_shared>>
      %dma_wait3A_109 = tpu.memref_slice %arg6[%run_scoped3A_67, %mul3A_0] : memref<4x10240xf32, #tpu.memory_space<vmem_shared>> -> memref<1x640xf32, #tpu.memory_space<vmem_shared>>
      %dma_wait3A_110 = tpu.memref_squeeze %dma_wait3A_109 : memref<1x640xf32, #tpu.memory_space<vmem_shared>> -> memref<640xf32, #tpu.memory_space<vmem_shared>>
      %dma_wait3A_111 = arith.constant 0 : i32
      %dma_wait3A_112 = tpu.memref_slice %arg15[%run_scoped3A, %dma_wait3A_111] : memref<4x640xf32, #tpu.memory_space<vmem>> -> memref<1x640xf32, #tpu.memory_space<vmem>>
      %dma_wait3A_113 = tpu.memref_squeeze %dma_wait3A_112 : memref<1x640xf32, #tpu.memory_space<vmem>> -> memref<640xf32, #tpu.memory_space<vmem>>
      tpu.wait_dma2 semaphore(%run_scoped3A_93 : memref<!tpu.dma_semaphore, #tpu.memory_space<semaphore_mem>>) src(%dma_wait3A_113 : memref<640xf32, #tpu.memory_space<vmem>>) dst(%dma_wait3A_110 : memref<640xf32, #tpu.memory_space<vmem_shared>>)
      tpu.yield
    }) : () -> ()
    %run_scoped3A_68 = arith.constant 1 : i32
    %run_scoped3A_69 = arith.constant 1 : i32
    "tpu.region"() ({
      %run_scoped3A_93 = tpu.sem_alloc : memref<!tpu.dma_semaphore, #tpu.memory_space<semaphore_mem>>
      %dma_start3A_94 = arith.constant 0 : i32
      %dma_start3A_95 = tpu.memref_slice %arg15[%run_scoped3A_68, %dma_start3A_94] : memref<4x640xf32, #tpu.memory_space<vmem>> -> memref<1x640xf32, #tpu.memory_space<vmem>>
      %dma_start3A_96 = tpu.memref_squeeze %dma_start3A_95 : memref<1x640xf32, #tpu.memory_space<vmem>> -> memref<640xf32, #tpu.memory_space<vmem>>
      %dma_start3A_97 = tpu.memref_slice %arg6[%run_scoped3A_69, %mul3A_0] : memref<4x10240xf32, #tpu.memory_space<vmem_shared>> -> memref<1x640xf32, #tpu.memory_space<vmem_shared>>
      %dma_start3A_98 = tpu.memref_squeeze %dma_start3A_97 : memref<1x640xf32, #tpu.memory_space<vmem_shared>> -> memref<640xf32, #tpu.memory_space<vmem_shared>>
      %dma_start3A_99 = tpu.memref_slice %arg6[%run_scoped3A_69, %mul3A_0] : memref<4x10240xf32, #tpu.memory_space<vmem_shared>> -> memref<1x640xf32, #tpu.memory_space<vmem_shared>>
      %dma_start3A_100 = tpu.memref_squeeze %dma_start3A_99 : memref<1x640xf32, #tpu.memory_space<vmem_shared>> -> memref<640xf32, #tpu.memory_space<vmem_shared>>
      %dma_start3A_101 = arith.constant 0 : i32
      %dma_start3A_102 = tpu.memref_slice %arg15[%run_scoped3A_68, %dma_start3A_101] : memref<4x640xf32, #tpu.memory_space<vmem>> -> memref<1x640xf32, #tpu.memory_space<vmem>>
      %dma_start3A_103 = tpu.memref_squeeze %dma_start3A_102 : memref<1x640xf32, #tpu.memory_space<vmem>> -> memref<640xf32, #tpu.memory_space<vmem>>
      tpu.enqueue_dma source(%dma_start3A_103 : memref<640xf32, #tpu.memory_space<vmem>>) target(%dma_start3A_100 : memref<640xf32, #tpu.memory_space<vmem_shared>>) target_semaphore(%run_scoped3A_93 : memref<!tpu.dma_semaphore, #tpu.memory_space<semaphore_mem>>)
      %dma_wait3A_104 = arith.constant 0 : i32
      %dma_wait3A_105 = tpu.memref_slice %arg15[%run_scoped3A_68, %dma_wait3A_104] : memref<4x640xf32, #tpu.memory_space<vmem>> -> memref<1x640xf32, #tpu.memory_space<vmem>>
      %dma_wait3A_106 = tpu.memref_squeeze %dma_wait3A_105 : memref<1x640xf32, #tpu.memory_space<vmem>> -> memref<640xf32, #tpu.memory_space<vmem>>
      %dma_wait3A_107 = tpu.memref_slice %arg6[%run_scoped3A_69, %mul3A_0] : memref<4x10240xf32, #tpu.memory_space<vmem_shared>> -> memref<1x640xf32, #tpu.memory_space<vmem_shared>>
      %dma_wait3A_108 = tpu.memref_squeeze %dma_wait3A_107 : memref<1x640xf32, #tpu.memory_space<vmem_shared>> -> memref<640xf32, #tpu.memory_space<vmem_shared>>
      %dma_wait3A_109 = tpu.memref_slice %arg6[%run_scoped3A_69, %mul3A_0] : memref<4x10240xf32, #tpu.memory_space<vmem_shared>> -> memref<1x640xf32, #tpu.memory_space<vmem_shared>>
      %dma_wait3A_110 = tpu.memref_squeeze %dma_wait3A_109 : memref<1x640xf32, #tpu.memory_space<vmem_shared>> -> memref<640xf32, #tpu.memory_space<vmem_shared>>
      %dma_wait3A_111 = arith.constant 0 : i32
      %dma_wait3A_112 = tpu.memref_slice %arg15[%run_scoped3A_68, %dma_wait3A_111] : memref<4x640xf32, #tpu.memory_space<vmem>> -> memref<1x640xf32, #tpu.memory_space<vmem>>
      %dma_wait3A_113 = tpu.memref_squeeze %dma_wait3A_112 : memref<1x640xf32, #tpu.memory_space<vmem>> -> memref<640xf32, #tpu.memory_space<vmem>>
      tpu.wait_dma2 semaphore(%run_scoped3A_93 : memref<!tpu.dma_semaphore, #tpu.memory_space<semaphore_mem>>) src(%dma_wait3A_113 : memref<640xf32, #tpu.memory_space<vmem>>) dst(%dma_wait3A_110 : memref<640xf32, #tpu.memory_space<vmem_shared>>)
      tpu.yield
    }) : () -> ()
    %run_scoped3A_70 = arith.constant 2 : i32
    %run_scoped3A_71 = arith.constant 2 : i32
    "tpu.region"() ({
      %run_scoped3A_93 = tpu.sem_alloc : memref<!tpu.dma_semaphore, #tpu.memory_space<semaphore_mem>>
      %dma_start3A_94 = arith.constant 0 : i32
      %dma_start3A_95 = tpu.memref_slice %arg15[%run_scoped3A_70, %dma_start3A_94] : memref<4x640xf32, #tpu.memory_space<vmem>> -> memref<1x640xf32, #tpu.memory_space<vmem>>
      %dma_start3A_96 = tpu.memref_squeeze %dma_start3A_95 : memref<1x640xf32, #tpu.memory_space<vmem>> -> memref<640xf32, #tpu.memory_space<vmem>>
      %dma_start3A_97 = tpu.memref_slice %arg6[%run_scoped3A_71, %mul3A_0] : memref<4x10240xf32, #tpu.memory_space<vmem_shared>> -> memref<1x640xf32, #tpu.memory_space<vmem_shared>>
      %dma_start3A_98 = tpu.memref_squeeze %dma_start3A_97 : memref<1x640xf32, #tpu.memory_space<vmem_shared>> -> memref<640xf32, #tpu.memory_space<vmem_shared>>
      %dma_start3A_99 = tpu.memref_slice %arg6[%run_scoped3A_71, %mul3A_0] : memref<4x10240xf32, #tpu.memory_space<vmem_shared>> -> memref<1x640xf32, #tpu.memory_space<vmem_shared>>
      %dma_start3A_100 = tpu.memref_squeeze %dma_start3A_99 : memref<1x640xf32, #tpu.memory_space<vmem_shared>> -> memref<640xf32, #tpu.memory_space<vmem_shared>>
      %dma_start3A_101 = arith.constant 0 : i32
      %dma_start3A_102 = tpu.memref_slice %arg15[%run_scoped3A_70, %dma_start3A_101] : memref<4x640xf32, #tpu.memory_space<vmem>> -> memref<1x640xf32, #tpu.memory_space<vmem>>
      %dma_start3A_103 = tpu.memref_squeeze %dma_start3A_102 : memref<1x640xf32, #tpu.memory_space<vmem>> -> memref<640xf32, #tpu.memory_space<vmem>>
      tpu.enqueue_dma source(%dma_start3A_103 : memref<640xf32, #tpu.memory_space<vmem>>) target(%dma_start3A_100 : memref<640xf32, #tpu.memory_space<vmem_shared>>) target_semaphore(%run_scoped3A_93 : memref<!tpu.dma_semaphore, #tpu.memory_space<semaphore_mem>>)
      %dma_wait3A_104 = arith.constant 0 : i32
      %dma_wait3A_105 = tpu.memref_slice %arg15[%run_scoped3A_70, %dma_wait3A_104] : memref<4x640xf32, #tpu.memory_space<vmem>> -> memref<1x640xf32, #tpu.memory_space<vmem>>
      %dma_wait3A_106 = tpu.memref_squeeze %dma_wait3A_105 : memref<1x640xf32, #tpu.memory_space<vmem>> -> memref<640xf32, #tpu.memory_space<vmem>>
      %dma_wait3A_107 = tpu.memref_slice %arg6[%run_scoped3A_71, %mul3A_0] : memref<4x10240xf32, #tpu.memory_space<vmem_shared>> -> memref<1x640xf32, #tpu.memory_space<vmem_shared>>
      %dma_wait3A_108 = tpu.memref_squeeze %dma_wait3A_107 : memref<1x640xf32, #tpu.memory_space<vmem_shared>> -> memref<640xf32, #tpu.memory_space<vmem_shared>>
      %dma_wait3A_109 = tpu.memref_slice %arg6[%run_scoped3A_71, %mul3A_0] : memref<4x10240xf32, #tpu.memory_space<vmem_shared>> -> memref<1x640xf32, #tpu.memory_space<vmem_shared>>
      %dma_wait3A_110 = tpu.memref_squeeze %dma_wait3A_109 : memref<1x640xf32, #tpu.memory_space<vmem_shared>> -> memref<640xf32, #tpu.memory_space<vmem_shared>>
      %dma_wait3A_111 = arith.constant 0 : i32
      %dma_wait3A_112 = tpu.memref_slice %arg15[%run_scoped3A_70, %dma_wait3A_111] : memref<4x640xf32, #tpu.memory_space<vmem>> -> memref<1x640xf32, #tpu.memory_space<vmem>>
      %dma_wait3A_113 = tpu.memref_squeeze %dma_wait3A_112 : memref<1x640xf32, #tpu.memory_space<vmem>> -> memref<640xf32, #tpu.memory_space<vmem>>
      tpu.wait_dma2 semaphore(%run_scoped3A_93 : memref<!tpu.dma_semaphore, #tpu.memory_space<semaphore_mem>>) src(%dma_wait3A_113 : memref<640xf32, #tpu.memory_space<vmem>>) dst(%dma_wait3A_110 : memref<640xf32, #tpu.memory_space<vmem_shared>>)
      tpu.yield
    }) : () -> ()
    %run_scoped3A_72 = arith.constant 3 : i32
    %run_scoped3A_73 = arith.constant 3 : i32
    "tpu.region"() ({
      %run_scoped3A_93 = tpu.sem_alloc : memref<!tpu.dma_semaphore, #tpu.memory_space<semaphore_mem>>
      %dma_start3A_94 = arith.constant 0 : i32
      %dma_start3A_95 = tpu.memref_slice %arg15[%run_scoped3A_72, %dma_start3A_94] : memref<4x640xf32, #tpu.memory_space<vmem>> -> memref<1x640xf32, #tpu.memory_space<vmem>>
      %dma_start3A_96 = tpu.memref_squeeze %dma_start3A_95 : memref<1x640xf32, #tpu.memory_space<vmem>> -> memref<640xf32, #tpu.memory_space<vmem>>
      %dma_start3A_97 = tpu.memref_slice %arg6[%run_scoped3A_73, %mul3A_0] : memref<4x10240xf32, #tpu.memory_space<vmem_shared>> -> memref<1x640xf32, #tpu.memory_space<vmem_shared>>
      %dma_start3A_98 = tpu.memref_squeeze %dma_start3A_97 : memref<1x640xf32, #tpu.memory_space<vmem_shared>> -> memref<640xf32, #tpu.memory_space<vmem_shared>>
      %dma_start3A_99 = tpu.memref_slice %arg6[%run_scoped3A_73, %mul3A_0] : memref<4x10240xf32, #tpu.memory_space<vmem_shared>> -> memref<1x640xf32, #tpu.memory_space<vmem_shared>>
      %dma_start3A_100 = tpu.memref_squeeze %dma_start3A_99 : memref<1x640xf32, #tpu.memory_space<vmem_shared>> -> memref<640xf32, #tpu.memory_space<vmem_shared>>
      %dma_start3A_101 = arith.constant 0 : i32
      %dma_start3A_102 = tpu.memref_slice %arg15[%run_scoped3A_72, %dma_start3A_101] : memref<4x640xf32, #tpu.memory_space<vmem>> -> memref<1x640xf32, #tpu.memory_space<vmem>>
      %dma_start3A_103 = tpu.memref_squeeze %dma_start3A_102 : memref<1x640xf32, #tpu.memory_space<vmem>> -> memref<640xf32, #tpu.memory_space<vmem>>
      tpu.enqueue_dma source(%dma_start3A_103 : memref<640xf32, #tpu.memory_space<vmem>>) target(%dma_start3A_100 : memref<640xf32, #tpu.memory_space<vmem_shared>>) target_semaphore(%run_scoped3A_93 : memref<!tpu.dma_semaphore, #tpu.memory_space<semaphore_mem>>)
      %dma_wait3A_104 = arith.constant 0 : i32
      %dma_wait3A_105 = tpu.memref_slice %arg15[%run_scoped3A_72, %dma_wait3A_104] : memref<4x640xf32, #tpu.memory_space<vmem>> -> memref<1x640xf32, #tpu.memory_space<vmem>>
      %dma_wait3A_106 = tpu.memref_squeeze %dma_wait3A_105 : memref<1x640xf32, #tpu.memory_space<vmem>> -> memref<640xf32, #tpu.memory_space<vmem>>
      %dma_wait3A_107 = tpu.memref_slice %arg6[%run_scoped3A_73, %mul3A_0] : memref<4x10240xf32, #tpu.memory_space<vmem_shared>> -> memref<1x640xf32, #tpu.memory_space<vmem_shared>>
      %dma_wait3A_108 = tpu.memref_squeeze %dma_wait3A_107 : memref<1x640xf32, #tpu.memory_space<vmem_shared>> -> memref<640xf32, #tpu.memory_space<vmem_shared>>
      %dma_wait3A_109 = tpu.memref_slice %arg6[%run_scoped3A_73, %mul3A_0] : memref<4x10240xf32, #tpu.memory_space<vmem_shared>> -> memref<1x640xf32, #tpu.memory_space<vmem_shared>>
      %dma_wait3A_110 = tpu.memref_squeeze %dma_wait3A_109 : memref<1x640xf32, #tpu.memory_space<vmem_shared>> -> memref<640xf32, #tpu.memory_space<vmem_shared>>
      %dma_wait3A_111 = arith.constant 0 : i32
      %dma_wait3A_112 = tpu.memref_slice %arg15[%run_scoped3A_72, %dma_wait3A_111] : memref<4x640xf32, #tpu.memory_space<vmem>> -> memref<1x640xf32, #tpu.memory_space<vmem>>
      %dma_wait3A_113 = tpu.memref_squeeze %dma_wait3A_112 : memref<1x640xf32, #tpu.memory_space<vmem>> -> memref<640xf32, #tpu.memory_space<vmem>>
      tpu.wait_dma2 semaphore(%run_scoped3A_93 : memref<!tpu.dma_semaphore, #tpu.memory_space<semaphore_mem>>) src(%dma_wait3A_113 : memref<640xf32, #tpu.memory_space<vmem>>) dst(%dma_wait3A_110 : memref<640xf32, #tpu.memory_space<vmem_shared>>)
      tpu.yield
    }) : () -> ()
    "tpu.region"() ({
      %run_scoped3A_93 = tpu.sem_alloc : memref<!tpu.dma_semaphore, #tpu.memory_space<semaphore_mem>>
      %dma_start3A_94 = arith.constant 0 : i32
      %dma_start3A_95 = arith.constant 0 : i32
      %dma_start3A_96 = tpu.memref_slice %arg7[%dma_start3A_94, %dma_start3A_95, %mul3A_2] : memref<16x4x640xf32, #tpu.memory_space<vmem_shared>> -> memref<16x4x40xf32, #tpu.memory_space<vmem_shared>>
      %dma_start3A_97 = arith.constant 0 : i32
      %dma_start3A_98 = arith.constant 0 : i32
      %dma_start3A_99 = tpu.memref_slice %arg7[%dma_start3A_97, %dma_start3A_98, %mul3A_2] : memref<16x4x640xf32, #tpu.memory_space<vmem_shared>> -> memref<16x4x40xf32, #tpu.memory_space<vmem_shared>>
      tpu.enqueue_dma source(%arg16 : memref<16x4x40xf32, #tpu.memory_space<vmem>>) target(%dma_start3A_99 : memref<16x4x40xf32, #tpu.memory_space<vmem_shared>>) target_semaphore(%run_scoped3A_93 : memref<!tpu.dma_semaphore, #tpu.memory_space<semaphore_mem>>)
      %dma_wait3A_100 = arith.constant 0 : i32
      %dma_wait3A_101 = arith.constant 0 : i32
      %dma_wait3A_102 = tpu.memref_slice %arg7[%dma_wait3A_100, %dma_wait3A_101, %mul3A_2] : memref<16x4x640xf32, #tpu.memory_space<vmem_shared>> -> memref<16x4x40xf32, #tpu.memory_space<vmem_shared>>
      %dma_wait3A_103 = arith.constant 0 : i32
      %dma_wait3A_104 = arith.constant 0 : i32
      %dma_wait3A_105 = tpu.memref_slice %arg7[%dma_wait3A_103, %dma_wait3A_104, %mul3A_2] : memref<16x4x640xf32, #tpu.memory_space<vmem_shared>> -> memref<16x4x40xf32, #tpu.memory_space<vmem_shared>>
      tpu.wait_dma2 semaphore(%run_scoped3A_93 : memref<!tpu.dma_semaphore, #tpu.memory_space<semaphore_mem>>) src(%arg16 : memref<16x4x40xf32, #tpu.memory_space<vmem>>) dst(%dma_wait3A_105 : memref<16x4x40xf32, #tpu.memory_space<vmem_shared>>)
      tpu.yield
    }) : () -> ()
    %eq3A_74 = arith.constant 0 : i32
    %eq3A_75 = arith.cmpi eq, %arg0, %eq3A_74 : i32
    %convert_element_type3A = arith.extui %eq3A_75 : i1 to i32
    %cond3A = arith.constant 0 : i32
    %cond3A_76 = arith.cmpi ne, %convert_element_type3A, %cond3A : i32
    scf.if %cond3A_76 {
      "tpu.region"() ({
        %run_scoped3A_93 = tpu.sem_alloc : memref<!tpu.dma_semaphore, #tpu.memory_space<semaphore_mem>>
        %dma_start3A_94 = tpu.memref_slice %arg5[%mul3A_0] : memref<10240xf32, #tpu.memory_space<hbm>> -> memref<640xf32, #tpu.memory_space<hbm>>
        %dma_start3A_95 = tpu.memref_slice %arg5[%mul3A_0] : memref<10240xf32, #tpu.memory_space<hbm>> -> memref<640xf32, #tpu.memory_space<hbm>>
        tpu.enqueue_dma source(%arg14 : memref<640xf32, #tpu.memory_space<vmem>>) target(%dma_start3A_95 : memref<640xf32, #tpu.memory_space<hbm>>) target_semaphore(%run_scoped3A_93 : memref<!tpu.dma_semaphore, #tpu.memory_space<semaphore_mem>>)
        %dma_wait3A_96 = tpu.memref_slice %arg5[%mul3A_0] : memref<10240xf32, #tpu.memory_space<hbm>> -> memref<640xf32, #tpu.memory_space<hbm>>
        %dma_wait3A_97 = tpu.memref_slice %arg5[%mul3A_0] : memref<10240xf32, #tpu.memory_space<hbm>> -> memref<640xf32, #tpu.memory_space<hbm>>
        tpu.wait_dma2 semaphore(%run_scoped3A_93 : memref<!tpu.dma_semaphore, #tpu.memory_space<semaphore_mem>>) src(%arg14 : memref<640xf32, #tpu.memory_space<vmem>>) dst(%dma_wait3A_97 : memref<640xf32, #tpu.memory_space<hbm>>)
        tpu.yield
      }) : () -> ()
    } else {
    }
    %barrier3A_77 = arith.constant 0 : index
    tpu.barrier barrier_id(%barrier3A_77)
    %barrier3A_78 = arith.constant 0 : index
    tpu.barrier barrier_id(%barrier3A_78)
    tpu.enqueue_dma source(%arg6 : memref<4x10240xf32, #tpu.memory_space<vmem_shared>>) target(%arg9 : memref<4x10240xf32, #tpu.memory_space<vmem>>) target_semaphore(%arg17 : memref<!tpu.dma_semaphore, #tpu.memory_space<semaphore_mem>>)
    %broadcast_in_dim3A_79 = arith.constant 0.000000e+00 : f32
    %broadcast_in_dim3A_80 = vector.broadcast %broadcast_in_dim3A_79 : f32 to vector<16xf32>
    %scan3A_81 = arith.constant 0 : i32
    %scan3A_82 = arith.constant 40 : i32
    %scan3A_83 = arith.addi %scan3A_81, %scan3A_82 : i32
    %scan3A_84 = arith.constant 1 : i32
    scf.for %scan3A_93 = %scan3A_81 to %scan3A_83 step %scan3A_84  : i32 {
      %mul3A_94 = arith.constant 1 : i32
      %mul3A_95 = arith.muli %scan3A_93, %mul3A_94 : i32
      %add3A_96 = arith.constant 0 : i32
      %add3A_97 = arith.addi %add3A_96, %mul3A_95 : i32
      %mul3A_98 = arith.constant 16 : i32
      %mul3A_99 = arith.muli %add3A_97, %mul3A_98 : i32
      %swap3A = arith.constant 0 : i32
      %swap3A_100 = arith.constant 0 : i32
      %swap3A_101 = arith.index_cast %swap3A : i32 to index
      %swap3A_102 = arith.index_cast %swap3A_100 : i32 to index
      %swap3A_103 = arith.index_cast %mul3A_99 : i32 to index
      %swap3A_104 = tpu.vector_load %arg10[%swap3A_101, %swap3A_102, %swap3A_103] {strides = array<i32>} : memref<16x4x640xf32, #tpu.memory_space<vmem>>, vector<16xf32>,
      tpu.vector_store %arg10[%swap3A_101, %swap3A_102, %swap3A_103], %broadcast_in_dim3A_80 {strides = array<i32>} : memref<16x4x640xf32, #tpu.memory_space<vmem>>, vector<16xf32>,
      %swap3A_105 = arith.constant 0 : i32
      %swap3A_106 = arith.constant 1 : i32
      %swap3A_107 = arith.index_cast %swap3A_105 : i32 to index
      %swap3A_108 = arith.index_cast %swap3A_106 : i32 to index
      %swap3A_109 = arith.index_cast %mul3A_99 : i32 to index
      %swap3A_110 = tpu.vector_load %arg10[%swap3A_107, %swap3A_108, %swap3A_109] {strides = array<i32>} : memref<16x4x640xf32, #tpu.memory_space<vmem>>, vector<16xf32>,
      tpu.vector_store %arg10[%swap3A_107, %swap3A_108, %swap3A_109], %broadcast_in_dim3A_80 {strides = array<i32>} : memref<16x4x640xf32, #tpu.memory_space<vmem>>, vector<16xf32>,
      %swap3A_111 = arith.constant 0 : i32
      %swap3A_112 = arith.constant 2 : i32
      %swap3A_113 = arith.index_cast %swap3A_111 : i32 to index
      %swap3A_114 = arith.index_cast %swap3A_112 : i32 to index
      %swap3A_115 = arith.index_cast %mul3A_99 : i32 to index
      %swap3A_116 = tpu.vector_load %arg10[%swap3A_113, %swap3A_114, %swap3A_115] {strides = array<i32>} : memref<16x4x640xf32, #tpu.memory_space<vmem>>, vector<16xf32>,
      tpu.vector_store %arg10[%swap3A_113, %swap3A_114, %swap3A_115], %broadcast_in_dim3A_80 {strides = array<i32>} : memref<16x4x640xf32, #tpu.memory_space<vmem>>, vector<16xf32>,
      %swap3A_117 = arith.constant 0 : i32
      %swap3A_118 = arith.constant 3 : i32
      %swap3A_119 = arith.index_cast %swap3A_117 : i32 to index
      %swap3A_120 = arith.index_cast %swap3A_118 : i32 to index
      %swap3A_121 = arith.index_cast %mul3A_99 : i32 to index
      %swap3A_122 = tpu.vector_load %arg10[%swap3A_119, %swap3A_120, %swap3A_121] {strides = array<i32>} : memref<16x4x640xf32, #tpu.memory_space<vmem>>, vector<16xf32>,
      tpu.vector_store %arg10[%swap3A_119, %swap3A_120, %swap3A_121], %broadcast_in_dim3A_80 {strides = array<i32>} : memref<16x4x640xf32, #tpu.memory_space<vmem>>, vector<16xf32>,
      %swap3A_123 = arith.constant 1 : i32
      %swap3A_124 = arith.constant 0 : i32
      %swap3A_125 = arith.index_cast %swap3A_123 : i32 to index
      %swap3A_126 = arith.index_cast %swap3A_124 : i32 to index
      %swap3A_127 = arith.index_cast %mul3A_99 : i32 to index
      %swap3A_128 = tpu.vector_load %arg10[%swap3A_125, %swap3A_126, %swap3A_127] {strides = array<i32>} : memref<16x4x640xf32, #tpu.memory_space<vmem>>, vector<16xf32>,
      tpu.vector_store %arg10[%swap3A_125, %swap3A_126, %swap3A_127], %broadcast_in_dim3A_80 {strides = array<i32>} : memref<16x4x640xf32, #tpu.memory_space<vmem>>, vector<16xf32>,
      %swap3A_129 = arith.constant 1 : i32
      %swap3A_130 = arith.constant 1 : i32
      %swap3A_131 = arith.index_cast %swap3A_129 : i32 to index
      %swap3A_132 = arith.index_cast %swap3A_130 : i32 to index
      %swap3A_133 = arith.index_cast %mul3A_99 : i32 to index
      %swap3A_134 = tpu.vector_load %arg10[%swap3A_131, %swap3A_132, %swap3A_133] {strides = array<i32>} : memref<16x4x640xf32, #tpu.memory_space<vmem>>, vector<16xf32>,
      tpu.vector_store %arg10[%swap3A_131, %swap3A_132, %swap3A_133], %broadcast_in_dim3A_80 {strides = array<i32>} : memref<16x4x640xf32, #tpu.memory_space<vmem>>, vector<16xf32>,
      %swap3A_135 = arith.constant 1 : i32
      %swap3A_136 = arith.constant 2 : i32
      %swap3A_137 = arith.index_cast %swap3A_135 : i32 to index
      %swap3A_138 = arith.index_cast %swap3A_136 : i32 to index
      %swap3A_139 = arith.index_cast %mul3A_99 : i32 to index
      %swap3A_140 = tpu.vector_load %arg10[%swap3A_137, %swap3A_138, %swap3A_139] {strides = array<i32>} : memref<16x4x640xf32, #tpu.memory_space<vmem>>, vector<16xf32>,
      tpu.vector_store %arg10[%swap3A_137, %swap3A_138, %swap3A_139], %broadcast_in_dim3A_80 {strides = array<i32>} : memref<16x4x640xf32, #tpu.memory_space<vmem>>, vector<16xf32>,
      %swap3A_141 = arith.constant 1 : i32
      %swap3A_142 = arith.constant 3 : i32
      %swap3A_143 = arith.index_cast %swap3A_141 : i32 to index
      %swap3A_144 = arith.index_cast %swap3A_142 : i32 to index
      %swap3A_145 = arith.index_cast %mul3A_99 : i32 to index
      %swap3A_146 = tpu.vector_load %arg10[%swap3A_143, %swap3A_144, %swap3A_145] {strides = array<i32>} : memref<16x4x640xf32, #tpu.memory_space<vmem>>, vector<16xf32>,
      tpu.vector_store %arg10[%swap3A_143, %swap3A_144, %swap3A_145], %broadcast_in_dim3A_80 {strides = array<i32>} : memref<16x4x640xf32, #tpu.memory_space<vmem>>, vector<16xf32>,
      %swap3A_147 = arith.constant 2 : i32
      %swap3A_148 = arith.constant 0 : i32
      %swap3A_149 = arith.index_cast %swap3A_147 : i32 to index
      %swap3A_150 = arith.index_cast %swap3A_148 : i32 to index
      %swap3A_151 = arith.index_cast %mul3A_99 : i32 to index
      %swap3A_152 = tpu.vector_load %arg10[%swap3A_149, %swap3A_150, %swap3A_151] {strides = array<i32>} : memref<16x4x640xf32, #tpu.memory_space<vmem>>, vector<16xf32>,
      tpu.vector_store %arg10[%swap3A_149, %swap3A_150, %swap3A_151], %broadcast_in_dim3A_80 {strides = array<i32>} : memref<16x4x640xf32, #tpu.memory_space<vmem>>, vector<16xf32>,
      %swap3A_153 = arith.constant 2 : i32
      %swap3A_154 = arith.constant 1 : i32
      %swap3A_155 = arith.index_cast %swap3A_153 : i32 to index
      %swap3A_156 = arith.index_cast %swap3A_154 : i32 to index
      %swap3A_157 = arith.index_cast %mul3A_99 : i32 to index
      %swap3A_158 = tpu.vector_load %arg10[%swap3A_155, %swap3A_156, %swap3A_157] {strides = array<i32>} : memref<16x4x640xf32, #tpu.memory_space<vmem>>, vector<16xf32>,
      tpu.vector_store %arg10[%swap3A_155, %swap3A_156, %swap3A_157], %broadcast_in_dim3A_80 {strides = array<i32>} : memref<16x4x640xf32, #tpu.memory_space<vmem>>, vector<16xf32>,
      %swap3A_159 = arith.constant 2 : i32
      %swap3A_160 = arith.constant 2 : i32
      %swap3A_161 = arith.index_cast %swap3A_159 : i32 to index
      %swap3A_162 = arith.index_cast %swap3A_160 : i32 to index
      %swap3A_163 = arith.index_cast %mul3A_99 : i32 to index
      %swap3A_164 = tpu.vector_load %arg10[%swap3A_161, %swap3A_162, %swap3A_163] {strides = array<i32>} : memref<16x4x640xf32, #tpu.memory_space<vmem>>, vector<16xf32>,
      tpu.vector_store %arg10[%swap3A_161, %swap3A_162, %swap3A_163], %broadcast_in_dim3A_80 {strides = array<i32>} : memref<16x4x640xf32, #tpu.memory_space<vmem>>, vector<16xf32>,
      %swap3A_165 = arith.constant 2 : i32
      %swap3A_166 = arith.constant 3 : i32
      %swap3A_167 = arith.index_cast %swap3A_165 : i32 to index
      %swap3A_168 = arith.index_cast %swap3A_166 : i32 to index
      %swap3A_169 = arith.index_cast %mul3A_99 : i32 to index
      %swap3A_170 = tpu.vector_load %arg10[%swap3A_167, %swap3A_168, %swap3A_169] {strides = array<i32>} : memref<16x4x640xf32, #tpu.memory_space<vmem>>, vector<16xf32>,
      tpu.vector_store %arg10[%swap3A_167, %swap3A_168, %swap3A_169], %broadcast_in_dim3A_80 {strides = array<i32>} : memref<16x4x640xf32, #tpu.memory_space<vmem>>, vector<16xf32>,
      %swap3A_171 = arith.constant 3 : i32
      %swap3A_172 = arith.constant 0 : i32
      %swap3A_173 = arith.index_cast %swap3A_171 : i32 to index
      %swap3A_174 = arith.index_cast %swap3A_172 : i32 to index
      %swap3A_175 = arith.index_cast %mul3A_99 : i32 to index
      %swap3A_176 = tpu.vector_load %arg10[%swap3A_173, %swap3A_174, %swap3A_175] {strides = array<i32>} : memref<16x4x640xf32, #tpu.memory_space<vmem>>, vector<16xf32>,
      tpu.vector_store %arg10[%swap3A_173, %swap3A_174, %swap3A_175], %broadcast_in_dim3A_80 {strides = array<i32>} : memref<16x4x640xf32, #tpu.memory_space<vmem>>, vector<16xf32>,
      %swap3A_177 = arith.constant 3 : i32
      %swap3A_178 = arith.constant 1 : i32
      %swap3A_179 = arith.index_cast %swap3A_177 : i32 to index
      %swap3A_180 = arith.index_cast %swap3A_178 : i32 to index
      %swap3A_181 = arith.index_cast %mul3A_99 : i32 to index
      %swap3A_182 = tpu.vector_load %arg10[%swap3A_179, %swap3A_180, %swap3A_181] {strides = array<i32>} : memref<16x4x640xf32, #tpu.memory_space<vmem>>, vector<16xf32>,
      tpu.vector_store %arg10[%swap3A_179, %swap3A_180, %swap3A_181], %broadcast_in_dim3A_80 {strides = array<i32>} : memref<16x4x640xf32, #tpu.memory_space<vmem>>, vector<16xf32>,
      %swap3A_183 = arith.constant 3 : i32
      %swap3A_184 = arith.constant 2 : i32
      %swap3A_185 = arith.index_cast %swap3A_183 : i32 to index
      %swap3A_186 = arith.index_cast %swap3A_184 : i32 to index
      %swap3A_187 = arith.index_cast %mul3A_99 : i32 to index
      %swap3A_188 = tpu.vector_load %arg10[%swap3A_185, %swap3A_186, %swap3A_187] {strides = array<i32>} : memref<16x4x640xf32, #tpu.memory_space<vmem>>, vector<16xf32>,
      tpu.vector_store %arg10[%swap3A_185, %swap3A_186, %swap3A_187], %broadcast_in_dim3A_80 {strides = array<i32>} : memref<16x4x640xf32, #tpu.memory_space<vmem>>, vector<16xf32>,
      %swap3A_189 = arith.constant 3 : i32
      %swap3A_190 = arith.constant 3 : i32
      %swap3A_191 = arith.index_cast %swap3A_189 : i32 to index
      %swap3A_192 = arith.index_cast %swap3A_190 : i32 to index
      %swap3A_193 = arith.index_cast %mul3A_99 : i32 to index
      %swap3A_194 = tpu.vector_load %arg10[%swap3A_191, %swap3A_192, %swap3A_193] {strides = array<i32>} : memref<16x4x640xf32, #tpu.memory_space<vmem>>, vector<16xf32>,
      tpu.vector_store %arg10[%swap3A_191, %swap3A_192, %swap3A_193], %broadcast_in_dim3A_80 {strides = array<i32>} : memref<16x4x640xf32, #tpu.memory_space<vmem>>, vector<16xf32>,
      %swap3A_195 = arith.constant 4 : i32
      %swap3A_196 = arith.constant 0 : i32
      %swap3A_197 = arith.index_cast %swap3A_195 : i32 to index
      %swap3A_198 = arith.index_cast %swap3A_196 : i32 to index
      %swap3A_199 = arith.index_cast %mul3A_99 : i32 to index
      %swap3A_200 = tpu.vector_load %arg10[%swap3A_197, %swap3A_198, %swap3A_199] {strides = array<i32>} : memref<16x4x640xf32, #tpu.memory_space<vmem>>, vector<16xf32>,
      tpu.vector_store %arg10[%swap3A_197, %swap3A_198, %swap3A_199], %broadcast_in_dim3A_80 {strides = array<i32>} : memref<16x4x640xf32, #tpu.memory_space<vmem>>, vector<16xf32>,
      %swap3A_201 = arith.constant 4 : i32
      %swap3A_202 = arith.constant 1 : i32
      %swap3A_203 = arith.index_cast %swap3A_201 : i32 to index
      %swap3A_204 = arith.index_cast %swap3A_202 : i32 to index
      %swap3A_205 = arith.index_cast %mul3A_99 : i32 to index
      %swap3A_206 = tpu.vector_load %arg10[%swap3A_203, %swap3A_204, %swap3A_205] {strides = array<i32>} : memref<16x4x640xf32, #tpu.memory_space<vmem>>, vector<16xf32>,
      tpu.vector_store %arg10[%swap3A_203, %swap3A_204, %swap3A_205], %broadcast_in_dim3A_80 {strides = array<i32>} : memref<16x4x640xf32, #tpu.memory_space<vmem>>, vector<16xf32>,
      %swap3A_207 = arith.constant 4 : i32
      %swap3A_208 = arith.constant 2 : i32
      %swap3A_209 = arith.index_cast %swap3A_207 : i32 to index
      %swap3A_210 = arith.index_cast %swap3A_208 : i32 to index
      %swap3A_211 = arith.index_cast %mul3A_99 : i32 to index
      %swap3A_212 = tpu.vector_load %arg10[%swap3A_209, %swap3A_210, %swap3A_211] {strides = array<i32>} : memref<16x4x640xf32, #tpu.memory_space<vmem>>, vector<16xf32>,
      tpu.vector_store %arg10[%swap3A_209, %swap3A_210, %swap3A_211], %broadcast_in_dim3A_80 {strides = array<i32>} : memref<16x4x640xf32, #tpu.memory_space<vmem>>, vector<16xf32>,
      %swap3A_213 = arith.constant 4 : i32
      %swap3A_214 = arith.constant 3 : i32
      %swap3A_215 = arith.index_cast %swap3A_213 : i32 to index
      %swap3A_216 = arith.index_cast %swap3A_214 : i32 to index
      %swap3A_217 = arith.index_cast %mul3A_99 : i32 to index
      %swap3A_218 = tpu.vector_load %arg10[%swap3A_215, %swap3A_216, %swap3A_217] {strides = array<i32>} : memref<16x4x640xf32, #tpu.memory_space<vmem>>, vector<16xf32>,
      tpu.vector_store %arg10[%swap3A_215, %swap3A_216, %swap3A_217], %broadcast_in_dim3A_80 {strides = array<i32>} : memref<16x4x640xf32, #tpu.memory_space<vmem>>, vector<16xf32>,
      %swap3A_219 = arith.constant 5 : i32
      %swap3A_220 = arith.constant 0 : i32
      %swap3A_221 = arith.index_cast %swap3A_219 : i32 to index
      %swap3A_222 = arith.index_cast %swap3A_220 : i32 to index
      %swap3A_223 = arith.index_cast %mul3A_99 : i32 to index
      %swap3A_224 = tpu.vector_load %arg10[%swap3A_221, %swap3A_222, %swap3A_223] {strides = array<i32>} : memref<16x4x640xf32, #tpu.memory_space<vmem>>, vector<16xf32>,
      tpu.vector_store %arg10[%swap3A_221, %swap3A_222, %swap3A_223], %broadcast_in_dim3A_80 {strides = array<i32>} : memref<16x4x640xf32, #tpu.memory_space<vmem>>, vector<16xf32>,
      %swap3A_225 = arith.constant 5 : i32
      %swap3A_226 = arith.constant 1 : i32
      %swap3A_227 = arith.index_cast %swap3A_225 : i32 to index
      %swap3A_228 = arith.index_cast %swap3A_226 : i32 to index
      %swap3A_229 = arith.index_cast %mul3A_99 : i32 to index
      %swap3A_230 = tpu.vector_load %arg10[%swap3A_227, %swap3A_228, %swap3A_229] {strides = array<i32>} : memref<16x4x640xf32, #tpu.memory_space<vmem>>, vector<16xf32>,
      tpu.vector_store %arg10[%swap3A_227, %swap3A_228, %swap3A_229], %broadcast_in_dim3A_80 {strides = array<i32>} : memref<16x4x640xf32, #tpu.memory_space<vmem>>, vector<16xf32>,
      %swap3A_231 = arith.constant 5 : i32
      %swap3A_232 = arith.constant 2 : i32
      %swap3A_233 = arith.index_cast %swap3A_231 : i32 to index
      %swap3A_234 = arith.index_cast %swap3A_232 : i32 to index
      %swap3A_235 = arith.index_cast %mul3A_99 : i32 to index
      %swap3A_236 = tpu.vector_load %arg10[%swap3A_233, %swap3A_234, %swap3A_235] {strides = array<i32>} : memref<16x4x640xf32, #tpu.memory_space<vmem>>, vector<16xf32>,
      tpu.vector_store %arg10[%swap3A_233, %swap3A_234, %swap3A_235], %broadcast_in_dim3A_80 {strides = array<i32>} : memref<16x4x640xf32, #tpu.memory_space<vmem>>, vector<16xf32>,
      %swap3A_237 = arith.constant 5 : i32
      %swap3A_238 = arith.constant 3 : i32
      %swap3A_239 = arith.index_cast %swap3A_237 : i32 to index
      %swap3A_240 = arith.index_cast %swap3A_238 : i32 to index
      %swap3A_241 = arith.index_cast %mul3A_99 : i32 to index
      %swap3A_242 = tpu.vector_load %arg10[%swap3A_239, %swap3A_240, %swap3A_241] {strides = array<i32>} : memref<16x4x640xf32, #tpu.memory_space<vmem>>, vector<16xf32>,
      tpu.vector_store %arg10[%swap3A_239, %swap3A_240, %swap3A_241], %broadcast_in_dim3A_80 {strides = array<i32>} : memref<16x4x640xf32, #tpu.memory_space<vmem>>, vector<16xf32>,
      %swap3A_243 = arith.constant 6 : i32
      %swap3A_244 = arith.constant 0 : i32
      %swap3A_245 = arith.index_cast %swap3A_243 : i32 to index
      %swap3A_246 = arith.index_cast %swap3A_244 : i32 to index
      %swap3A_247 = arith.index_cast %mul3A_99 : i32 to index
      %swap3A_248 = tpu.vector_load %arg10[%swap3A_245, %swap3A_246, %swap3A_247] {strides = array<i32>} : memref<16x4x640xf32, #tpu.memory_space<vmem>>, vector<16xf32>,
      tpu.vector_store %arg10[%swap3A_245, %swap3A_246, %swap3A_247], %broadcast_in_dim3A_80 {strides = array<i32>} : memref<16x4x640xf32, #tpu.memory_space<vmem>>, vector<16xf32>,
      %swap3A_249 = arith.constant 6 : i32
      %swap3A_250 = arith.constant 1 : i32
      %swap3A_251 = arith.index_cast %swap3A_249 : i32 to index
      %swap3A_252 = arith.index_cast %swap3A_250 : i32 to index
      %swap3A_253 = arith.index_cast %mul3A_99 : i32 to index
      %swap3A_254 = tpu.vector_load %arg10[%swap3A_251, %swap3A_252, %swap3A_253] {strides = array<i32>} : memref<16x4x640xf32, #tpu.memory_space<vmem>>, vector<16xf32>,
      tpu.vector_store %arg10[%swap3A_251, %swap3A_252, %swap3A_253], %broadcast_in_dim3A_80 {strides = array<i32>} : memref<16x4x640xf32, #tpu.memory_space<vmem>>, vector<16xf32>,
      %swap3A_255 = arith.constant 6 : i32
      %swap3A_256 = arith.constant 2 : i32
      %swap3A_257 = arith.index_cast %swap3A_255 : i32 to index
      %swap3A_258 = arith.index_cast %swap3A_256 : i32 to index
      %swap3A_259 = arith.index_cast %mul3A_99 : i32 to index
      %swap3A_260 = tpu.vector_load %arg10[%swap3A_257, %swap3A_258, %swap3A_259] {strides = array<i32>} : memref<16x4x640xf32, #tpu.memory_space<vmem>>, vector<16xf32>,
      tpu.vector_store %arg10[%swap3A_257, %swap3A_258, %swap3A_259], %broadcast_in_dim3A_80 {strides = array<i32>} : memref<16x4x640xf32, #tpu.memory_space<vmem>>, vector<16xf32>,
      %swap3A_261 = arith.constant 6 : i32
      %swap3A_262 = arith.constant 3 : i32
      %swap3A_263 = arith.index_cast %swap3A_261 : i32 to index
      %swap3A_264 = arith.index_cast %swap3A_262 : i32 to index
      %swap3A_265 = arith.index_cast %mul3A_99 : i32 to index
      %swap3A_266 = tpu.vector_load %arg10[%swap3A_263, %swap3A_264, %swap3A_265] {strides = array<i32>} : memref<16x4x640xf32, #tpu.memory_space<vmem>>, vector<16xf32>,
      tpu.vector_store %arg10[%swap3A_263, %swap3A_264, %swap3A_265], %broadcast_in_dim3A_80 {strides = array<i32>} : memref<16x4x640xf32, #tpu.memory_space<vmem>>, vector<16xf32>,
      %swap3A_267 = arith.constant 7 : i32
      %swap3A_268 = arith.constant 0 : i32
      %swap3A_269 = arith.index_cast %swap3A_267 : i32 to index
      %swap3A_270 = arith.index_cast %swap3A_268 : i32 to index
      %swap3A_271 = arith.index_cast %mul3A_99 : i32 to index
      %swap3A_272 = tpu.vector_load %arg10[%swap3A_269, %swap3A_270, %swap3A_271] {strides = array<i32>} : memref<16x4x640xf32, #tpu.memory_space<vmem>>, vector<16xf32>,
      tpu.vector_store %arg10[%swap3A_269, %swap3A_270, %swap3A_271], %broadcast_in_dim3A_80 {strides = array<i32>} : memref<16x4x640xf32, #tpu.memory_space<vmem>>, vector<16xf32>,
      %swap3A_273 = arith.constant 7 : i32
      %swap3A_274 = arith.constant 1 : i32
      %swap3A_275 = arith.index_cast %swap3A_273 : i32 to index
      %swap3A_276 = arith.index_cast %swap3A_274 : i32 to index
      %swap3A_277 = arith.index_cast %mul3A_99 : i32 to index
      %swap3A_278 = tpu.vector_load %arg10[%swap3A_275, %swap3A_276, %swap3A_277] {strides = array<i32>} : memref<16x4x640xf32, #tpu.memory_space<vmem>>, vector<16xf32>,
      tpu.vector_store %arg10[%swap3A_275, %swap3A_276, %swap3A_277], %broadcast_in_dim3A_80 {strides = array<i32>} : memref<16x4x640xf32, #tpu.memory_space<vmem>>, vector<16xf32>,
      %swap3A_279 = arith.constant 7 : i32
      %swap3A_280 = arith.constant 2 : i32
      %swap3A_281 = arith.index_cast %swap3A_279 : i32 to index
      %swap3A_282 = arith.index_cast %swap3A_280 : i32 to index
      %swap3A_283 = arith.index_cast %mul3A_99 : i32 to index
      %swap3A_284 = tpu.vector_load %arg10[%swap3A_281, %swap3A_282, %swap3A_283] {strides = array<i32>} : memref<16x4x640xf32, #tpu.memory_space<vmem>>, vector<16xf32>,
      tpu.vector_store %arg10[%swap3A_281, %swap3A_282, %swap3A_283], %broadcast_in_dim3A_80 {strides = array<i32>} : memref<16x4x640xf32, #tpu.memory_space<vmem>>, vector<16xf32>,
      %swap3A_285 = arith.constant 7 : i32
      %swap3A_286 = arith.constant 3 : i32
      %swap3A_287 = arith.index_cast %swap3A_285 : i32 to index
      %swap3A_288 = arith.index_cast %swap3A_286 : i32 to index
      %swap3A_289 = arith.index_cast %mul3A_99 : i32 to index
      %swap3A_290 = tpu.vector_load %arg10[%swap3A_287, %swap3A_288, %swap3A_289] {strides = array<i32>} : memref<16x4x640xf32, #tpu.memory_space<vmem>>, vector<16xf32>,
      tpu.vector_store %arg10[%swap3A_287, %swap3A_288, %swap3A_289], %broadcast_in_dim3A_80 {strides = array<i32>} : memref<16x4x640xf32, #tpu.memory_space<vmem>>, vector<16xf32>,
      %swap3A_291 = arith.constant 8 : i32
      %swap3A_292 = arith.constant 0 : i32
      %swap3A_293 = arith.index_cast %swap3A_291 : i32 to index
      %swap3A_294 = arith.index_cast %swap3A_292 : i32 to index
      %swap3A_295 = arith.index_cast %mul3A_99 : i32 to index
      %swap3A_296 = tpu.vector_load %arg10[%swap3A_293, %swap3A_294, %swap3A_295] {strides = array<i32>} : memref<16x4x640xf32, #tpu.memory_space<vmem>>, vector<16xf32>,
      tpu.vector_store %arg10[%swap3A_293, %swap3A_294, %swap3A_295], %broadcast_in_dim3A_80 {strides = array<i32>} : memref<16x4x640xf32, #tpu.memory_space<vmem>>, vector<16xf32>,
      %swap3A_297 = arith.constant 8 : i32
      %swap3A_298 = arith.constant 1 : i32
      %swap3A_299 = arith.index_cast %swap3A_297 : i32 to index
      %swap3A_300 = arith.index_cast %swap3A_298 : i32 to index
      %swap3A_301 = arith.index_cast %mul3A_99 : i32 to index
      %swap3A_302 = tpu.vector_load %arg10[%swap3A_299, %swap3A_300, %swap3A_301] {strides = array<i32>} : memref<16x4x640xf32, #tpu.memory_space<vmem>>, vector<16xf32>,
      tpu.vector_store %arg10[%swap3A_299, %swap3A_300, %swap3A_301], %broadcast_in_dim3A_80 {strides = array<i32>} : memref<16x4x640xf32, #tpu.memory_space<vmem>>, vector<16xf32>,
      %swap3A_303 = arith.constant 8 : i32
      %swap3A_304 = arith.constant 2 : i32
      %swap3A_305 = arith.index_cast %swap3A_303 : i32 to index
      %swap3A_306 = arith.index_cast %swap3A_304 : i32 to index
      %swap3A_307 = arith.index_cast %mul3A_99 : i32 to index
      %swap3A_308 = tpu.vector_load %arg10[%swap3A_305, %swap3A_306, %swap3A_307] {strides = array<i32>} : memref<16x4x640xf32, #tpu.memory_space<vmem>>, vector<16xf32>,
      tpu.vector_store %arg10[%swap3A_305, %swap3A_306, %swap3A_307], %broadcast_in_dim3A_80 {strides = array<i32>} : memref<16x4x640xf32, #tpu.memory_space<vmem>>, vector<16xf32>,
      %swap3A_309 = arith.constant 8 : i32
      %swap3A_310 = arith.constant 3 : i32
      %swap3A_311 = arith.index_cast %swap3A_309 : i32 to index
      %swap3A_312 = arith.index_cast %swap3A_310 : i32 to index
      %swap3A_313 = arith.index_cast %mul3A_99 : i32 to index
      %swap3A_314 = tpu.vector_load %arg10[%swap3A_311, %swap3A_312, %swap3A_313] {strides = array<i32>} : memref<16x4x640xf32, #tpu.memory_space<vmem>>, vector<16xf32>,
      tpu.vector_store %arg10[%swap3A_311, %swap3A_312, %swap3A_313], %broadcast_in_dim3A_80 {strides = array<i32>} : memref<16x4x640xf32, #tpu.memory_space<vmem>>, vector<16xf32>,
      %swap3A_315 = arith.constant 9 : i32
      %swap3A_316 = arith.constant 0 : i32
      %swap3A_317 = arith.index_cast %swap3A_315 : i32 to index
      %swap3A_318 = arith.index_cast %swap3A_316 : i32 to index
      %swap3A_319 = arith.index_cast %mul3A_99 : i32 to index
      %swap3A_320 = tpu.vector_load %arg10[%swap3A_317, %swap3A_318, %swap3A_319] {strides = array<i32>} : memref<16x4x640xf32, #tpu.memory_space<vmem>>, vector<16xf32>,
      tpu.vector_store %arg10[%swap3A_317, %swap3A_318, %swap3A_319], %broadcast_in_dim3A_80 {strides = array<i32>} : memref<16x4x640xf32, #tpu.memory_space<vmem>>, vector<16xf32>,
      %swap3A_321 = arith.constant 9 : i32
      %swap3A_322 = arith.constant 1 : i32
      %swap3A_323 = arith.index_cast %swap3A_321 : i32 to index
      %swap3A_324 = arith.index_cast %swap3A_322 : i32 to index
      %swap3A_325 = arith.index_cast %mul3A_99 : i32 to index
      %swap3A_326 = tpu.vector_load %arg10[%swap3A_323, %swap3A_324, %swap3A_325] {strides = array<i32>} : memref<16x4x640xf32, #tpu.memory_space<vmem>>, vector<16xf32>,
      tpu.vector_store %arg10[%swap3A_323, %swap3A_324, %swap3A_325], %broadcast_in_dim3A_80 {strides = array<i32>} : memref<16x4x640xf32, #tpu.memory_space<vmem>>, vector<16xf32>,
      %swap3A_327 = arith.constant 9 : i32
      %swap3A_328 = arith.constant 2 : i32
      %swap3A_329 = arith.index_cast %swap3A_327 : i32 to index
      %swap3A_330 = arith.index_cast %swap3A_328 : i32 to index
      %swap3A_331 = arith.index_cast %mul3A_99 : i32 to index
      %swap3A_332 = tpu.vector_load %arg10[%swap3A_329, %swap3A_330, %swap3A_331] {strides = array<i32>} : memref<16x4x640xf32, #tpu.memory_space<vmem>>, vector<16xf32>,
      tpu.vector_store %arg10[%swap3A_329, %swap3A_330, %swap3A_331], %broadcast_in_dim3A_80 {strides = array<i32>} : memref<16x4x640xf32, #tpu.memory_space<vmem>>, vector<16xf32>,
      %swap3A_333 = arith.constant 9 : i32
      %swap3A_334 = arith.constant 3 : i32
      %swap3A_335 = arith.index_cast %swap3A_333 : i32 to index
      %swap3A_336 = arith.index_cast %swap3A_334 : i32 to index
      %swap3A_337 = arith.index_cast %mul3A_99 : i32 to index
      %swap3A_338 = tpu.vector_load %arg10[%swap3A_335, %swap3A_336, %swap3A_337] {strides = array<i32>} : memref<16x4x640xf32, #tpu.memory_space<vmem>>, vector<16xf32>,
      tpu.vector_store %arg10[%swap3A_335, %swap3A_336, %swap3A_337], %broadcast_in_dim3A_80 {strides = array<i32>} : memref<16x4x640xf32, #tpu.memory_space<vmem>>, vector<16xf32>,
      %swap3A_339 = arith.constant 10 : i32
      %swap3A_340 = arith.constant 0 : i32
      %swap3A_341 = arith.index_cast %swap3A_339 : i32 to index
      %swap3A_342 = arith.index_cast %swap3A_340 : i32 to index
      %swap3A_343 = arith.index_cast %mul3A_99 : i32 to index
      %swap3A_344 = tpu.vector_load %arg10[%swap3A_341, %swap3A_342, %swap3A_343] {strides = array<i32>} : memref<16x4x640xf32, #tpu.memory_space<vmem>>, vector<16xf32>,
      tpu.vector_store %arg10[%swap3A_341, %swap3A_342, %swap3A_343], %broadcast_in_dim3A_80 {strides = array<i32>} : memref<16x4x640xf32, #tpu.memory_space<vmem>>, vector<16xf32>,
      %swap3A_345 = arith.constant 10 : i32
      %swap3A_346 = arith.constant 1 : i32
      %swap3A_347 = arith.index_cast %swap3A_345 : i32 to index
      %swap3A_348 = arith.index_cast %swap3A_346 : i32 to index
      %swap3A_349 = arith.index_cast %mul3A_99 : i32 to index
      %swap3A_350 = tpu.vector_load %arg10[%swap3A_347, %swap3A_348, %swap3A_349] {strides = array<i32>} : memref<16x4x640xf32, #tpu.memory_space<vmem>>, vector<16xf32>,
      tpu.vector_store %arg10[%swap3A_347, %swap3A_348, %swap3A_349], %broadcast_in_dim3A_80 {strides = array<i32>} : memref<16x4x640xf32, #tpu.memory_space<vmem>>, vector<16xf32>,
      %swap3A_351 = arith.constant 10 : i32
      %swap3A_352 = arith.constant 2 : i32
      %swap3A_353 = arith.index_cast %swap3A_351 : i32 to index
      %swap3A_354 = arith.index_cast %swap3A_352 : i32 to index
      %swap3A_355 = arith.index_cast %mul3A_99 : i32 to index
      %swap3A_356 = tpu.vector_load %arg10[%swap3A_353, %swap3A_354, %swap3A_355] {strides = array<i32>} : memref<16x4x640xf32, #tpu.memory_space<vmem>>, vector<16xf32>,
      tpu.vector_store %arg10[%swap3A_353, %swap3A_354, %swap3A_355], %broadcast_in_dim3A_80 {strides = array<i32>} : memref<16x4x640xf32, #tpu.memory_space<vmem>>, vector<16xf32>,
      %swap3A_357 = arith.constant 10 : i32
      %swap3A_358 = arith.constant 3 : i32
      %swap3A_359 = arith.index_cast %swap3A_357 : i32 to index
      %swap3A_360 = arith.index_cast %swap3A_358 : i32 to index
      %swap3A_361 = arith.index_cast %mul3A_99 : i32 to index
      %swap3A_362 = tpu.vector_load %arg10[%swap3A_359, %swap3A_360, %swap3A_361] {strides = array<i32>} : memref<16x4x640xf32, #tpu.memory_space<vmem>>, vector<16xf32>,
      tpu.vector_store %arg10[%swap3A_359, %swap3A_360, %swap3A_361], %broadcast_in_dim3A_80 {strides = array<i32>} : memref<16x4x640xf32, #tpu.memory_space<vmem>>, vector<16xf32>,
      %swap3A_363 = arith.constant 11 : i32
      %swap3A_364 = arith.constant 0 : i32
      %swap3A_365 = arith.index_cast %swap3A_363 : i32 to index
      %swap3A_366 = arith.index_cast %swap3A_364 : i32 to index
      %swap3A_367 = arith.index_cast %mul3A_99 : i32 to index
      %swap3A_368 = tpu.vector_load %arg10[%swap3A_365, %swap3A_366, %swap3A_367] {strides = array<i32>} : memref<16x4x640xf32, #tpu.memory_space<vmem>>, vector<16xf32>,
      tpu.vector_store %arg10[%swap3A_365, %swap3A_366, %swap3A_367], %broadcast_in_dim3A_80 {strides = array<i32>} : memref<16x4x640xf32, #tpu.memory_space<vmem>>, vector<16xf32>,
      %swap3A_369 = arith.constant 11 : i32
      %swap3A_370 = arith.constant 1 : i32
      %swap3A_371 = arith.index_cast %swap3A_369 : i32 to index
      %swap3A_372 = arith.index_cast %swap3A_370 : i32 to index
      %swap3A_373 = arith.index_cast %mul3A_99 : i32 to index
      %swap3A_374 = tpu.vector_load %arg10[%swap3A_371, %swap3A_372, %swap3A_373] {strides = array<i32>} : memref<16x4x640xf32, #tpu.memory_space<vmem>>, vector<16xf32>,
      tpu.vector_store %arg10[%swap3A_371, %swap3A_372, %swap3A_373], %broadcast_in_dim3A_80 {strides = array<i32>} : memref<16x4x640xf32, #tpu.memory_space<vmem>>, vector<16xf32>,
      %swap3A_375 = arith.constant 11 : i32
      %swap3A_376 = arith.constant 2 : i32
      %swap3A_377 = arith.index_cast %swap3A_375 : i32 to index
      %swap3A_378 = arith.index_cast %swap3A_376 : i32 to index
      %swap3A_379 = arith.index_cast %mul3A_99 : i32 to index
      %swap3A_380 = tpu.vector_load %arg10[%swap3A_377, %swap3A_378, %swap3A_379] {strides = array<i32>} : memref<16x4x640xf32, #tpu.memory_space<vmem>>, vector<16xf32>,
      tpu.vector_store %arg10[%swap3A_377, %swap3A_378, %swap3A_379], %broadcast_in_dim3A_80 {strides = array<i32>} : memref<16x4x640xf32, #tpu.memory_space<vmem>>, vector<16xf32>,
      %swap3A_381 = arith.constant 11 : i32
      %swap3A_382 = arith.constant 3 : i32
      %swap3A_383 = arith.index_cast %swap3A_381 : i32 to index
      %swap3A_384 = arith.index_cast %swap3A_382 : i32 to index
      %swap3A_385 = arith.index_cast %mul3A_99 : i32 to index
      %swap3A_386 = tpu.vector_load %arg10[%swap3A_383, %swap3A_384, %swap3A_385] {strides = array<i32>} : memref<16x4x640xf32, #tpu.memory_space<vmem>>, vector<16xf32>,
      tpu.vector_store %arg10[%swap3A_383, %swap3A_384, %swap3A_385], %broadcast_in_dim3A_80 {strides = array<i32>} : memref<16x4x640xf32, #tpu.memory_space<vmem>>, vector<16xf32>,
      %swap3A_387 = arith.constant 12 : i32
      %swap3A_388 = arith.constant 0 : i32
      %swap3A_389 = arith.index_cast %swap3A_387 : i32 to index
      %swap3A_390 = arith.index_cast %swap3A_388 : i32 to index
      %swap3A_391 = arith.index_cast %mul3A_99 : i32 to index
      %swap3A_392 = tpu.vector_load %arg10[%swap3A_389, %swap3A_390, %swap3A_391] {strides = array<i32>} : memref<16x4x640xf32, #tpu.memory_space<vmem>>, vector<16xf32>,
      tpu.vector_store %arg10[%swap3A_389, %swap3A_390, %swap3A_391], %broadcast_in_dim3A_80 {strides = array<i32>} : memref<16x4x640xf32, #tpu.memory_space<vmem>>, vector<16xf32>,
      %swap3A_393 = arith.constant 12 : i32
      %swap3A_394 = arith.constant 1 : i32
      %swap3A_395 = arith.index_cast %swap3A_393 : i32 to index
      %swap3A_396 = arith.index_cast %swap3A_394 : i32 to index
      %swap3A_397 = arith.index_cast %mul3A_99 : i32 to index
      %swap3A_398 = tpu.vector_load %arg10[%swap3A_395, %swap3A_396, %swap3A_397] {strides = array<i32>} : memref<16x4x640xf32, #tpu.memory_space<vmem>>, vector<16xf32>,
      tpu.vector_store %arg10[%swap3A_395, %swap3A_396, %swap3A_397], %broadcast_in_dim3A_80 {strides = array<i32>} : memref<16x4x640xf32, #tpu.memory_space<vmem>>, vector<16xf32>,
      %swap3A_399 = arith.constant 12 : i32
      %swap3A_400 = arith.constant 2 : i32
      %swap3A_401 = arith.index_cast %swap3A_399 : i32 to index
      %swap3A_402 = arith.index_cast %swap3A_400 : i32 to index
      %swap3A_403 = arith.index_cast %mul3A_99 : i32 to index
      %swap3A_404 = tpu.vector_load %arg10[%swap3A_401, %swap3A_402, %swap3A_403] {strides = array<i32>} : memref<16x4x640xf32, #tpu.memory_space<vmem>>, vector<16xf32>,
      tpu.vector_store %arg10[%swap3A_401, %swap3A_402, %swap3A_403], %broadcast_in_dim3A_80 {strides = array<i32>} : memref<16x4x640xf32, #tpu.memory_space<vmem>>, vector<16xf32>,
      %swap3A_405 = arith.constant 12 : i32
      %swap3A_406 = arith.constant 3 : i32
      %swap3A_407 = arith.index_cast %swap3A_405 : i32 to index
      %swap3A_408 = arith.index_cast %swap3A_406 : i32 to index
      %swap3A_409 = arith.index_cast %mul3A_99 : i32 to index
      %swap3A_410 = tpu.vector_load %arg10[%swap3A_407, %swap3A_408, %swap3A_409] {strides = array<i32>} : memref<16x4x640xf32, #tpu.memory_space<vmem>>, vector<16xf32>,
      tpu.vector_store %arg10[%swap3A_407, %swap3A_408, %swap3A_409], %broadcast_in_dim3A_80 {strides = array<i32>} : memref<16x4x640xf32, #tpu.memory_space<vmem>>, vector<16xf32>,
      %swap3A_411 = arith.constant 13 : i32
      %swap3A_412 = arith.constant 0 : i32
      %swap3A_413 = arith.index_cast %swap3A_411 : i32 to index
      %swap3A_414 = arith.index_cast %swap3A_412 : i32 to index
      %swap3A_415 = arith.index_cast %mul3A_99 : i32 to index
      %swap3A_416 = tpu.vector_load %arg10[%swap3A_413, %swap3A_414, %swap3A_415] {strides = array<i32>} : memref<16x4x640xf32, #tpu.memory_space<vmem>>, vector<16xf32>,
      tpu.vector_store %arg10[%swap3A_413, %swap3A_414, %swap3A_415], %broadcast_in_dim3A_80 {strides = array<i32>} : memref<16x4x640xf32, #tpu.memory_space<vmem>>, vector<16xf32>,
      %swap3A_417 = arith.constant 13 : i32
      %swap3A_418 = arith.constant 1 : i32
      %swap3A_419 = arith.index_cast %swap3A_417 : i32 to index
      %swap3A_420 = arith.index_cast %swap3A_418 : i32 to index
      %swap3A_421 = arith.index_cast %mul3A_99 : i32 to index
      %swap3A_422 = tpu.vector_load %arg10[%swap3A_419, %swap3A_420, %swap3A_421] {strides = array<i32>} : memref<16x4x640xf32, #tpu.memory_space<vmem>>, vector<16xf32>,
      tpu.vector_store %arg10[%swap3A_419, %swap3A_420, %swap3A_421], %broadcast_in_dim3A_80 {strides = array<i32>} : memref<16x4x640xf32, #tpu.memory_space<vmem>>, vector<16xf32>,
      %swap3A_423 = arith.constant 13 : i32
      %swap3A_424 = arith.constant 2 : i32
      %swap3A_425 = arith.index_cast %swap3A_423 : i32 to index
      %swap3A_426 = arith.index_cast %swap3A_424 : i32 to index
      %swap3A_427 = arith.index_cast %mul3A_99 : i32 to index
      %swap3A_428 = tpu.vector_load %arg10[%swap3A_425, %swap3A_426, %swap3A_427] {strides = array<i32>} : memref<16x4x640xf32, #tpu.memory_space<vmem>>, vector<16xf32>,
      tpu.vector_store %arg10[%swap3A_425, %swap3A_426, %swap3A_427], %broadcast_in_dim3A_80 {strides = array<i32>} : memref<16x4x640xf32, #tpu.memory_space<vmem>>, vector<16xf32>,
      %swap3A_429 = arith.constant 13 : i32
      %swap3A_430 = arith.constant 3 : i32
      %swap3A_431 = arith.index_cast %swap3A_429 : i32 to index
      %swap3A_432 = arith.index_cast %swap3A_430 : i32 to index
      %swap3A_433 = arith.index_cast %mul3A_99 : i32 to index
      %swap3A_434 = tpu.vector_load %arg10[%swap3A_431, %swap3A_432, %swap3A_433] {strides = array<i32>} : memref<16x4x640xf32, #tpu.memory_space<vmem>>, vector<16xf32>,
      tpu.vector_store %arg10[%swap3A_431, %swap3A_432, %swap3A_433], %broadcast_in_dim3A_80 {strides = array<i32>} : memref<16x4x640xf32, #tpu.memory_space<vmem>>, vector<16xf32>,
      %swap3A_435 = arith.constant 14 : i32
      %swap3A_436 = arith.constant 0 : i32
      %swap3A_437 = arith.index_cast %swap3A_435 : i32 to index
      %swap3A_438 = arith.index_cast %swap3A_436 : i32 to index
      %swap3A_439 = arith.index_cast %mul3A_99 : i32 to index
      %swap3A_440 = tpu.vector_load %arg10[%swap3A_437, %swap3A_438, %swap3A_439] {strides = array<i32>} : memref<16x4x640xf32, #tpu.memory_space<vmem>>, vector<16xf32>,
      tpu.vector_store %arg10[%swap3A_437, %swap3A_438, %swap3A_439], %broadcast_in_dim3A_80 {strides = array<i32>} : memref<16x4x640xf32, #tpu.memory_space<vmem>>, vector<16xf32>,
      %swap3A_441 = arith.constant 14 : i32
      %swap3A_442 = arith.constant 1 : i32
      %swap3A_443 = arith.index_cast %swap3A_441 : i32 to index
      %swap3A_444 = arith.index_cast %swap3A_442 : i32 to index
      %swap3A_445 = arith.index_cast %mul3A_99 : i32 to index
      %swap3A_446 = tpu.vector_load %arg10[%swap3A_443, %swap3A_444, %swap3A_445] {strides = array<i32>} : memref<16x4x640xf32, #tpu.memory_space<vmem>>, vector<16xf32>,
      tpu.vector_store %arg10[%swap3A_443, %swap3A_444, %swap3A_445], %broadcast_in_dim3A_80 {strides = array<i32>} : memref<16x4x640xf32, #tpu.memory_space<vmem>>, vector<16xf32>,
      %swap3A_447 = arith.constant 14 : i32
      %swap3A_448 = arith.constant 2 : i32
      %swap3A_449 = arith.index_cast %swap3A_447 : i32 to index
      %swap3A_450 = arith.index_cast %swap3A_448 : i32 to index
      %swap3A_451 = arith.index_cast %mul3A_99 : i32 to index
      %swap3A_452 = tpu.vector_load %arg10[%swap3A_449, %swap3A_450, %swap3A_451] {strides = array<i32>} : memref<16x4x640xf32, #tpu.memory_space<vmem>>, vector<16xf32>,
      tpu.vector_store %arg10[%swap3A_449, %swap3A_450, %swap3A_451], %broadcast_in_dim3A_80 {strides = array<i32>} : memref<16x4x640xf32, #tpu.memory_space<vmem>>, vector<16xf32>,
      %swap3A_453 = arith.constant 14 : i32
      %swap3A_454 = arith.constant 3 : i32
      %swap3A_455 = arith.index_cast %swap3A_453 : i32 to index
      %swap3A_456 = arith.index_cast %swap3A_454 : i32 to index
      %swap3A_457 = arith.index_cast %mul3A_99 : i32 to index
      %swap3A_458 = tpu.vector_load %arg10[%swap3A_455, %swap3A_456, %swap3A_457] {strides = array<i32>} : memref<16x4x640xf32, #tpu.memory_space<vmem>>, vector<16xf32>,
      tpu.vector_store %arg10[%swap3A_455, %swap3A_456, %swap3A_457], %broadcast_in_dim3A_80 {strides = array<i32>} : memref<16x4x640xf32, #tpu.memory_space<vmem>>, vector<16xf32>,
      %swap3A_459 = arith.constant 15 : i32
      %swap3A_460 = arith.constant 0 : i32
      %swap3A_461 = arith.index_cast %swap3A_459 : i32 to index
      %swap3A_462 = arith.index_cast %swap3A_460 : i32 to index
      %swap3A_463 = arith.index_cast %mul3A_99 : i32 to index
      %swap3A_464 = tpu.vector_load %arg10[%swap3A_461, %swap3A_462, %swap3A_463] {strides = array<i32>} : memref<16x4x640xf32, #tpu.memory_space<vmem>>, vector<16xf32>,
      tpu.vector_store %arg10[%swap3A_461, %swap3A_462, %swap3A_463], %broadcast_in_dim3A_80 {strides = array<i32>} : memref<16x4x640xf32, #tpu.memory_space<vmem>>, vector<16xf32>,
      %swap3A_465 = arith.constant 15 : i32
      %swap3A_466 = arith.constant 1 : i32
      %swap3A_467 = arith.index_cast %swap3A_465 : i32 to index
      %swap3A_468 = arith.index_cast %swap3A_466 : i32 to index
      %swap3A_469 = arith.index_cast %mul3A_99 : i32 to index
      %swap3A_470 = tpu.vector_load %arg10[%swap3A_467, %swap3A_468, %swap3A_469] {strides = array<i32>} : memref<16x4x640xf32, #tpu.memory_space<vmem>>, vector<16xf32>,
      tpu.vector_store %arg10[%swap3A_467, %swap3A_468, %swap3A_469], %broadcast_in_dim3A_80 {strides = array<i32>} : memref<16x4x640xf32, #tpu.memory_space<vmem>>, vector<16xf32>,
      %swap3A_471 = arith.constant 15 : i32
      %swap3A_472 = arith.constant 2 : i32
      %swap3A_473 = arith.index_cast %swap3A_471 : i32 to index
      %swap3A_474 = arith.index_cast %swap3A_472 : i32 to index
      %swap3A_475 = arith.index_cast %mul3A_99 : i32 to index
      %swap3A_476 = tpu.vector_load %arg10[%swap3A_473, %swap3A_474, %swap3A_475] {strides = array<i32>} : memref<16x4x640xf32, #tpu.memory_space<vmem>>, vector<16xf32>,
      tpu.vector_store %arg10[%swap3A_473, %swap3A_474, %swap3A_475], %broadcast_in_dim3A_80 {strides = array<i32>} : memref<16x4x640xf32, #tpu.memory_space<vmem>>, vector<16xf32>,
      %swap3A_477 = arith.constant 15 : i32
      %swap3A_478 = arith.constant 3 : i32
      %swap3A_479 = arith.index_cast %swap3A_477 : i32 to index
      %swap3A_480 = arith.index_cast %swap3A_478 : i32 to index
      %swap3A_481 = arith.index_cast %mul3A_99 : i32 to index
      %swap3A_482 = tpu.vector_load %arg10[%swap3A_479, %swap3A_480, %swap3A_481] {strides = array<i32>} : memref<16x4x640xf32, #tpu.memory_space<vmem>>, vector<16xf32>,
      tpu.vector_store %arg10[%swap3A_479, %swap3A_480, %swap3A_481], %broadcast_in_dim3A_80 {strides = array<i32>} : memref<16x4x640xf32, #tpu.memory_space<vmem>>, vector<16xf32>,
    }
    %scan3A_85 = arith.constant 40 : i32
    tpu.wait_dma2 semaphore(%arg17 : memref<!tpu.dma_semaphore, #tpu.memory_space<semaphore_mem>>) src(%arg6 : memref<4x10240xf32, #tpu.memory_space<vmem_shared>>) dst(%arg9 : memref<4x10240xf32, #tpu.memory_space<vmem>>)
    %scan3A_86 = arith.constant 0 : i32
    %scan3A_87 = arith.constant 625 : i32
    %scan3A_88 = arith.addi %scan3A_86, %scan3A_87 : i32
    %scan3A_89 = arith.constant 5 : i32
    scf.for %scan3A_93 = %scan3A_86 to %scan3A_88 step %scan3A_89  : i32 {
      %mul3A_94 = arith.constant 1 : i32
      %mul3A_95 = arith.muli %scan3A_93, %mul3A_94 : i32
      %add3A_96 = arith.constant 0 : i32
      %add3A_97 = arith.addi %add3A_96, %mul3A_95 : i32
      %mul3A_98 = arith.constant 16 : i32
      %mul3A_99 = arith.muli %add3A_97, %mul3A_98 : i32
      %get3A = arith.index_cast %mul3A_99 : i32 to index
      %get3A_100 = tpu.vector_load %arg12[%get3A] {strides = array<i32>} : memref<10000xi32, #tpu.memory_space<vmem>>, vector<16xi32>,
      %and3A_101 = arith.constant 16383 : i32
      %and3A_102 = vector.broadcast %and3A_101 : i32 to vector<16xi32>
      %and3A_103 = arith.andi %get3A_100, %and3A_102 : vector<16xi32>
      %shift_right_arithmetic3A = arith.constant 14 : i32
      %shift_right_arithmetic3A_104 = vector.broadcast %shift_right_arithmetic3A : i32 to vector<16xi32>
      %shift_right_arithmetic3A_105 = arith.shrsi %get3A_100, %shift_right_arithmetic3A_104 : vector<16xi32>
      %and3A_106 = arith.constant 15 : i32
      %and3A_107 = vector.broadcast %and3A_106 : i32 to vector<16xi32>
      %and3A_108 = arith.andi %shift_right_arithmetic3A_105, %and3A_107 : vector<16xi32>
      %shift_right_arithmetic3A_109 = arith.constant 18 : i32
      %shift_right_arithmetic3A_110 = vector.broadcast %shift_right_arithmetic3A_109 : i32 to vector<16xi32>
      %shift_right_arithmetic3A_111 = arith.shrsi %get3A_100, %shift_right_arithmetic3A_110 : vector<16xi32>
      %gather3A = tpu.vector_load_idx %arg9[%broadcast_in_dim3A_27, %and3A_103] : memref<4x10240xf32, #tpu.memory_space<vmem>>[vector<16xi32>, vector<16xi32>], vector<16xf32>,
      %gather3A_112 = tpu.vector_load_idx %arg9[%broadcast_in_dim3A_29, %and3A_103] : memref<4x10240xf32, #tpu.memory_space<vmem>>[vector<16xi32>, vector<16xi32>], vector<16xf32>,
      %gather3A_113 = tpu.vector_load_idx %arg9[%broadcast_in_dim3A_31, %and3A_103] : memref<4x10240xf32, #tpu.memory_space<vmem>>[vector<16xi32>, vector<16xi32>], vector<16xf32>,
      %gather3A_114 = tpu.vector_load_idx %arg9[%broadcast_in_dim3A_33, %and3A_103] : memref<4x10240xf32, #tpu.memory_space<vmem>>[vector<16xi32>, vector<16xi32>], vector<16xf32>,
      tpu.vector_store_idx %arg10[%and3A_108, %broadcast_in_dim3A_27, %shift_right_arithmetic3A_111], %gather3A {add = true} : memref<16x4x640xf32, #tpu.memory_space<vmem>>[vector<16xi32>, vector<16xi32>, vector<16xi32>], vector<16xf32>,
      tpu.vector_store_idx %arg10[%and3A_108, %broadcast_in_dim3A_29, %shift_right_arithmetic3A_111], %gather3A_112 {add = true} : memref<16x4x640xf32, #tpu.memory_space<vmem>>[vector<16xi32>, vector<16xi32>, vector<16xi32>], vector<16xf32>,
      tpu.vector_store_idx %arg10[%and3A_108, %broadcast_in_dim3A_31, %shift_right_arithmetic3A_111], %gather3A_113 {add = true} : memref<16x4x640xf32, #tpu.memory_space<vmem>>[vector<16xi32>, vector<16xi32>, vector<16xi32>], vector<16xf32>,
      tpu.vector_store_idx %arg10[%and3A_108, %broadcast_in_dim3A_33, %shift_right_arithmetic3A_111], %gather3A_114 {add = true} : memref<16x4x640xf32, #tpu.memory_space<vmem>>[vector<16xi32>, vector<16xi32>, vector<16xi32>], vector<16xf32>,
      %scan3A_115 = arith.constant 1 : i32
      %scan3A_116 = arith.addi %scan3A_93, %scan3A_115 : i32
      %mul3A_117 = arith.constant 1 : i32
      %mul3A_118 = arith.muli %scan3A_116, %mul3A_117 : i32
      %add3A_119 = arith.constant 0 : i32
      %add3A_120 = arith.addi %add3A_119, %mul3A_118 : i32
      %mul3A_121 = arith.constant 16 : i32
      %mul3A_122 = arith.muli %add3A_120, %mul3A_121 : i32
      %get3A_123 = arith.index_cast %mul3A_122 : i32 to index
      %get3A_124 = tpu.vector_load %arg12[%get3A_123] {strides = array<i32>} : memref<10000xi32, #tpu.memory_space<vmem>>, vector<16xi32>,
      %and3A_125 = arith.constant 16383 : i32
      %and3A_126 = vector.broadcast %and3A_125 : i32 to vector<16xi32>
      %and3A_127 = arith.andi %get3A_124, %and3A_126 : vector<16xi32>
      %shift_right_arithmetic3A_128 = arith.constant 14 : i32
      %shift_right_arithmetic3A_129 = vector.broadcast %shift_right_arithmetic3A_128 : i32 to vector<16xi32>
      %shift_right_arithmetic3A_130 = arith.shrsi %get3A_124, %shift_right_arithmetic3A_129 : vector<16xi32>
      %and3A_131 = arith.constant 15 : i32
      %and3A_132 = vector.broadcast %and3A_131 : i32 to vector<16xi32>
      %and3A_133 = arith.andi %shift_right_arithmetic3A_130, %and3A_132 : vector<16xi32>
      %shift_right_arithmetic3A_134 = arith.constant 18 : i32
      %shift_right_arithmetic3A_135 = vector.broadcast %shift_right_arithmetic3A_134 : i32 to vector<16xi32>
      %shift_right_arithmetic3A_136 = arith.shrsi %get3A_124, %shift_right_arithmetic3A_135 : vector<16xi32>
      %gather3A_137 = tpu.vector_load_idx %arg9[%broadcast_in_dim3A_27, %and3A_127] : memref<4x10240xf32, #tpu.memory_space<vmem>>[vector<16xi32>, vector<16xi32>], vector<16xf32>,
      %gather3A_138 = tpu.vector_load_idx %arg9[%broadcast_in_dim3A_29, %and3A_127] : memref<4x10240xf32, #tpu.memory_space<vmem>>[vector<16xi32>, vector<16xi32>], vector<16xf32>,
      %gather3A_139 = tpu.vector_load_idx %arg9[%broadcast_in_dim3A_31, %and3A_127] : memref<4x10240xf32, #tpu.memory_space<vmem>>[vector<16xi32>, vector<16xi32>], vector<16xf32>,
      %gather3A_140 = tpu.vector_load_idx %arg9[%broadcast_in_dim3A_33, %and3A_127] : memref<4x10240xf32, #tpu.memory_space<vmem>>[vector<16xi32>, vector<16xi32>], vector<16xf32>,
      tpu.vector_store_idx %arg10[%and3A_133, %broadcast_in_dim3A_27, %shift_right_arithmetic3A_136], %gather3A_137 {add = true} : memref<16x4x640xf32, #tpu.memory_space<vmem>>[vector<16xi32>, vector<16xi32>, vector<16xi32>], vector<16xf32>,
      tpu.vector_store_idx %arg10[%and3A_133, %broadcast_in_dim3A_29, %shift_right_arithmetic3A_136], %gather3A_138 {add = true} : memref<16x4x640xf32, #tpu.memory_space<vmem>>[vector<16xi32>, vector<16xi32>, vector<16xi32>], vector<16xf32>,
      tpu.vector_store_idx %arg10[%and3A_133, %broadcast_in_dim3A_31, %shift_right_arithmetic3A_136], %gather3A_139 {add = true} : memref<16x4x640xf32, #tpu.memory_space<vmem>>[vector<16xi32>, vector<16xi32>, vector<16xi32>], vector<16xf32>,
      tpu.vector_store_idx %arg10[%and3A_133, %broadcast_in_dim3A_33, %shift_right_arithmetic3A_136], %gather3A_140 {add = true} : memref<16x4x640xf32, #tpu.memory_space<vmem>>[vector<16xi32>, vector<16xi32>, vector<16xi32>], vector<16xf32>,
      %scan3A_141 = arith.constant 2 : i32
      %scan3A_142 = arith.addi %scan3A_93, %scan3A_141 : i32
      %mul3A_143 = arith.constant 1 : i32
      %mul3A_144 = arith.muli %scan3A_142, %mul3A_143 : i32
      %add3A_145 = arith.constant 0 : i32
      %add3A_146 = arith.addi %add3A_145, %mul3A_144 : i32
      %mul3A_147 = arith.constant 16 : i32
      %mul3A_148 = arith.muli %add3A_146, %mul3A_147 : i32
      %get3A_149 = arith.index_cast %mul3A_148 : i32 to index
      %get3A_150 = tpu.vector_load %arg12[%get3A_149] {strides = array<i32>} : memref<10000xi32, #tpu.memory_space<vmem>>, vector<16xi32>,
      %and3A_151 = arith.constant 16383 : i32
      %and3A_152 = vector.broadcast %and3A_151 : i32 to vector<16xi32>
      %and3A_153 = arith.andi %get3A_150, %and3A_152 : vector<16xi32>
      %shift_right_arithmetic3A_154 = arith.constant 14 : i32
      %shift_right_arithmetic3A_155 = vector.broadcast %shift_right_arithmetic3A_154 : i32 to vector<16xi32>
      %shift_right_arithmetic3A_156 = arith.shrsi %get3A_150, %shift_right_arithmetic3A_155 : vector<16xi32>
      %and3A_157 = arith.constant 15 : i32
      %and3A_158 = vector.broadcast %and3A_157 : i32 to vector<16xi32>
      %and3A_159 = arith.andi %shift_right_arithmetic3A_156, %and3A_158 : vector<16xi32>
      %shift_right_arithmetic3A_160 = arith.constant 18 : i32
      %shift_right_arithmetic3A_161 = vector.broadcast %shift_right_arithmetic3A_160 : i32 to vector<16xi32>
      %shift_right_arithmetic3A_162 = arith.shrsi %get3A_150, %shift_right_arithmetic3A_161 : vector<16xi32>
      %gather3A_163 = tpu.vector_load_idx %arg9[%broadcast_in_dim3A_27, %and3A_153] : memref<4x10240xf32, #tpu.memory_space<vmem>>[vector<16xi32>, vector<16xi32>], vector<16xf32>,
      %gather3A_164 = tpu.vector_load_idx %arg9[%broadcast_in_dim3A_29, %and3A_153] : memref<4x10240xf32, #tpu.memory_space<vmem>>[vector<16xi32>, vector<16xi32>], vector<16xf32>,
      %gather3A_165 = tpu.vector_load_idx %arg9[%broadcast_in_dim3A_31, %and3A_153] : memref<4x10240xf32, #tpu.memory_space<vmem>>[vector<16xi32>, vector<16xi32>], vector<16xf32>,
      %gather3A_166 = tpu.vector_load_idx %arg9[%broadcast_in_dim3A_33, %and3A_153] : memref<4x10240xf32, #tpu.memory_space<vmem>>[vector<16xi32>, vector<16xi32>], vector<16xf32>,
      tpu.vector_store_idx %arg10[%and3A_159, %broadcast_in_dim3A_27, %shift_right_arithmetic3A_162], %gather3A_163 {add = true} : memref<16x4x640xf32, #tpu.memory_space<vmem>>[vector<16xi32>, vector<16xi32>, vector<16xi32>], vector<16xf32>,
      tpu.vector_store_idx %arg10[%and3A_159, %broadcast_in_dim3A_29, %shift_right_arithmetic3A_162], %gather3A_164 {add = true} : memref<16x4x640xf32, #tpu.memory_space<vmem>>[vector<16xi32>, vector<16xi32>, vector<16xi32>], vector<16xf32>,
      tpu.vector_store_idx %arg10[%and3A_159, %broadcast_in_dim3A_31, %shift_right_arithmetic3A_162], %gather3A_165 {add = true} : memref<16x4x640xf32, #tpu.memory_space<vmem>>[vector<16xi32>, vector<16xi32>, vector<16xi32>], vector<16xf32>,
      tpu.vector_store_idx %arg10[%and3A_159, %broadcast_in_dim3A_33, %shift_right_arithmetic3A_162], %gather3A_166 {add = true} : memref<16x4x640xf32, #tpu.memory_space<vmem>>[vector<16xi32>, vector<16xi32>, vector<16xi32>], vector<16xf32>,
      %scan3A_167 = arith.constant 3 : i32
      %scan3A_168 = arith.addi %scan3A_93, %scan3A_167 : i32
      %mul3A_169 = arith.constant 1 : i32
      %mul3A_170 = arith.muli %scan3A_168, %mul3A_169 : i32
      %add3A_171 = arith.constant 0 : i32
      %add3A_172 = arith.addi %add3A_171, %mul3A_170 : i32
      %mul3A_173 = arith.constant 16 : i32
      %mul3A_174 = arith.muli %add3A_172, %mul3A_173 : i32
      %get3A_175 = arith.index_cast %mul3A_174 : i32 to index
      %get3A_176 = tpu.vector_load %arg12[%get3A_175] {strides = array<i32>} : memref<10000xi32, #tpu.memory_space<vmem>>, vector<16xi32>,
      %and3A_177 = arith.constant 16383 : i32
      %and3A_178 = vector.broadcast %and3A_177 : i32 to vector<16xi32>
      %and3A_179 = arith.andi %get3A_176, %and3A_178 : vector<16xi32>
      %shift_right_arithmetic3A_180 = arith.constant 14 : i32
      %shift_right_arithmetic3A_181 = vector.broadcast %shift_right_arithmetic3A_180 : i32 to vector<16xi32>
      %shift_right_arithmetic3A_182 = arith.shrsi %get3A_176, %shift_right_arithmetic3A_181 : vector<16xi32>
      %and3A_183 = arith.constant 15 : i32
      %and3A_184 = vector.broadcast %and3A_183 : i32 to vector<16xi32>
      %and3A_185 = arith.andi %shift_right_arithmetic3A_182, %and3A_184 : vector<16xi32>
      %shift_right_arithmetic3A_186 = arith.constant 18 : i32
      %shift_right_arithmetic3A_187 = vector.broadcast %shift_right_arithmetic3A_186 : i32 to vector<16xi32>
      %shift_right_arithmetic3A_188 = arith.shrsi %get3A_176, %shift_right_arithmetic3A_187 : vector<16xi32>
      %gather3A_189 = tpu.vector_load_idx %arg9[%broadcast_in_dim3A_27, %and3A_179] : memref<4x10240xf32, #tpu.memory_space<vmem>>[vector<16xi32>, vector<16xi32>], vector<16xf32>,
      %gather3A_190 = tpu.vector_load_idx %arg9[%broadcast_in_dim3A_29, %and3A_179] : memref<4x10240xf32, #tpu.memory_space<vmem>>[vector<16xi32>, vector<16xi32>], vector<16xf32>,
      %gather3A_191 = tpu.vector_load_idx %arg9[%broadcast_in_dim3A_31, %and3A_179] : memref<4x10240xf32, #tpu.memory_space<vmem>>[vector<16xi32>, vector<16xi32>], vector<16xf32>,
      %gather3A_192 = tpu.vector_load_idx %arg9[%broadcast_in_dim3A_33, %and3A_179] : memref<4x10240xf32, #tpu.memory_space<vmem>>[vector<16xi32>, vector<16xi32>], vector<16xf32>,
      tpu.vector_store_idx %arg10[%and3A_185, %broadcast_in_dim3A_27, %shift_right_arithmetic3A_188], %gather3A_189 {add = true} : memref<16x4x640xf32, #tpu.memory_space<vmem>>[vector<16xi32>, vector<16xi32>, vector<16xi32>], vector<16xf32>,
      tpu.vector_store_idx %arg10[%and3A_185, %broadcast_in_dim3A_29, %shift_right_arithmetic3A_188], %gather3A_190 {add = true} : memref<16x4x640xf32, #tpu.memory_space<vmem>>[vector<16xi32>, vector<16xi32>, vector<16xi32>], vector<16xf32>,
      tpu.vector_store_idx %arg10[%and3A_185, %broadcast_in_dim3A_31, %shift_right_arithmetic3A_188], %gather3A_191 {add = true} : memref<16x4x640xf32, #tpu.memory_space<vmem>>[vector<16xi32>, vector<16xi32>, vector<16xi32>], vector<16xf32>,
      tpu.vector_store_idx %arg10[%and3A_185, %broadcast_in_dim3A_33, %shift_right_arithmetic3A_188], %gather3A_192 {add = true} : memref<16x4x640xf32, #tpu.memory_space<vmem>>[vector<16xi32>, vector<16xi32>, vector<16xi32>], vector<16xf32>,
      %scan3A_193 = arith.constant 4 : i32
      %scan3A_194 = arith.addi %scan3A_93, %scan3A_193 : i32
      %mul3A_195 = arith.constant 1 : i32
      %mul3A_196 = arith.muli %scan3A_194, %mul3A_195 : i32
      %add3A_197 = arith.constant 0 : i32
      %add3A_198 = arith.addi %add3A_197, %mul3A_196 : i32
      %mul3A_199 = arith.constant 16 : i32
      %mul3A_200 = arith.muli %add3A_198, %mul3A_199 : i32
      %get3A_201 = arith.index_cast %mul3A_200 : i32 to index
      %get3A_202 = tpu.vector_load %arg12[%get3A_201] {strides = array<i32>} : memref<10000xi32, #tpu.memory_space<vmem>>, vector<16xi32>,
      %and3A_203 = arith.constant 16383 : i32
      %and3A_204 = vector.broadcast %and3A_203 : i32 to vector<16xi32>
      %and3A_205 = arith.andi %get3A_202, %and3A_204 : vector<16xi32>
      %shift_right_arithmetic3A_206 = arith.constant 14 : i32
      %shift_right_arithmetic3A_207 = vector.broadcast %shift_right_arithmetic3A_206 : i32 to vector<16xi32>
      %shift_right_arithmetic3A_208 = arith.shrsi %get3A_202, %shift_right_arithmetic3A_207 : vector<16xi32>
      %and3A_209 = arith.constant 15 : i32
      %and3A_210 = vector.broadcast %and3A_209 : i32 to vector<16xi32>
      %and3A_211 = arith.andi %shift_right_arithmetic3A_208, %and3A_210 : vector<16xi32>
      %shift_right_arithmetic3A_212 = arith.constant 18 : i32
      %shift_right_arithmetic3A_213 = vector.broadcast %shift_right_arithmetic3A_212 : i32 to vector<16xi32>
      %shift_right_arithmetic3A_214 = arith.shrsi %get3A_202, %shift_right_arithmetic3A_213 : vector<16xi32>
      %gather3A_215 = tpu.vector_load_idx %arg9[%broadcast_in_dim3A_27, %and3A_205] : memref<4x10240xf32, #tpu.memory_space<vmem>>[vector<16xi32>, vector<16xi32>], vector<16xf32>,
      %gather3A_216 = tpu.vector_load_idx %arg9[%broadcast_in_dim3A_29, %and3A_205] : memref<4x10240xf32, #tpu.memory_space<vmem>>[vector<16xi32>, vector<16xi32>], vector<16xf32>,
      %gather3A_217 = tpu.vector_load_idx %arg9[%broadcast_in_dim3A_31, %and3A_205] : memref<4x10240xf32, #tpu.memory_space<vmem>>[vector<16xi32>, vector<16xi32>], vector<16xf32>,
      %gather3A_218 = tpu.vector_load_idx %arg9[%broadcast_in_dim3A_33, %and3A_205] : memref<4x10240xf32, #tpu.memory_space<vmem>>[vector<16xi32>, vector<16xi32>], vector<16xf32>,
      tpu.vector_store_idx %arg10[%and3A_211, %broadcast_in_dim3A_27, %shift_right_arithmetic3A_214], %gather3A_215 {add = true} : memref<16x4x640xf32, #tpu.memory_space<vmem>>[vector<16xi32>, vector<16xi32>, vector<16xi32>], vector<16xf32>,
      tpu.vector_store_idx %arg10[%and3A_211, %broadcast_in_dim3A_29, %shift_right_arithmetic3A_214], %gather3A_216 {add = true} : memref<16x4x640xf32, #tpu.memory_space<vmem>>[vector<16xi32>, vector<16xi32>, vector<16xi32>], vector<16xf32>,
      tpu.vector_store_idx %arg10[%and3A_211, %broadcast_in_dim3A_31, %shift_right_arithmetic3A_214], %gather3A_217 {add = true} : memref<16x4x640xf32, #tpu.memory_space<vmem>>[vector<16xi32>, vector<16xi32>, vector<16xi32>], vector<16xf32>,
      tpu.vector_store_idx %arg10[%and3A_211, %broadcast_in_dim3A_33, %shift_right_arithmetic3A_214], %gather3A_218 {add = true} : memref<16x4x640xf32, #tpu.memory_space<vmem>>[vector<16xi32>, vector<16xi32>, vector<16xi32>], vector<16xf32>,
    }
    %scan3A_90 = arith.constant 625 : i32
    "tpu.region"() ({
      %run_scoped3A_93 = tpu.sem_alloc : memref<!tpu.dma_semaphore, #tpu.memory_space<semaphore_mem>>
      %dma_start3A_94 = arith.constant 0 : i32
      %dma_start3A_95 = arith.constant 0 : i32
      %dma_start3A_96 = arith.constant 0 : i32
      %dma_start3A_97 = tpu.memref_slice %arg7[%dma_start3A_94, %dma_start3A_95, %dma_start3A_96] : memref<16x4x640xf32, #tpu.memory_space<vmem_shared>> -> memref<16x4x640xf32, #tpu.memory_space<vmem_shared>>
      tpu.enqueue_indirect_dma source(%arg10 : memref<16x4x640xf32, #tpu.memory_space<vmem>>) target(%dma_start3A_97 : memref<16x4x640xf32, #tpu.memory_space<vmem_shared>>) offsets(%iota3A_34 : vector<16xi32>) semaphore(%run_scoped3A_93 : memref<!tpu.dma_semaphore, #tpu.memory_space<semaphore_mem>>) {add = true}
      %dma_wait3A_98 = arith.constant 0 : i32
      %dma_wait3A_99 = arith.constant 0 : i32
      %dma_wait3A_100 = arith.constant 0 : i32
      %dma_wait3A_101 = tpu.memref_slice %arg7[%dma_wait3A_98, %dma_wait3A_99, %dma_wait3A_100] : memref<16x4x640xf32, #tpu.memory_space<vmem_shared>> -> memref<16x4x640xf32, #tpu.memory_space<vmem_shared>>
      tpu.wait_indirect_dma semaphore(%run_scoped3A_93 : memref<!tpu.dma_semaphore, #tpu.memory_space<semaphore_mem>>) src(%arg10 : memref<16x4x640xf32, #tpu.memory_space<vmem>>) dst(%dma_wait3A_101 : memref<16x4x640xf32, #tpu.memory_space<vmem_shared>>)
      tpu.yield
    }) : () -> ()
    %barrier3A_91 = arith.constant 0 : index
    tpu.barrier barrier_id(%barrier3A_91)
    %barrier3A_92 = arith.constant 0 : index
    tpu.barrier barrier_id(%barrier3A_92)
    "tpu.region"() ({
      %run_scoped3A_93 = tpu.sem_alloc : memref<!tpu.dma_semaphore, #tpu.memory_space<semaphore_mem>>
      %dma_start3A_94 = arith.constant 0 : i32
      %dma_start3A_95 = arith.constant 0 : i32
      %dma_start3A_96 = arith.constant 0 : i32
      %dma_start3A_97 = tpu.memref_slice %arg4[%arg0, %arg1, %dma_start3A_94, %dma_start3A_95, %dma_start3A_96] : memref<7x16x16x4x40xf32, #tpu.memory_space<hbm>> -> memref<1x1x16x4x40xf32, #tpu.memory_space<hbm>>
      %dma_start3A_98 = tpu.memref_squeeze %dma_start3A_97 : memref<1x1x16x4x40xf32, #tpu.memory_space<hbm>> -> memref<16x4x40xf32, #tpu.memory_space<hbm>>
      %dma_start3A_99 = arith.constant 0 : i32
      %dma_start3A_100 = arith.constant 0 : i32
      %dma_start3A_101 = tpu.memref_slice %arg7[%dma_start3A_99, %dma_start3A_100, %mul3A_2] : memref<16x4x640xf32, #tpu.memory_space<vmem_shared>> -> memref<16x4x40xf32, #tpu.memory_space<vmem_shared>>
      tpu.enqueue_dma source(%dma_start3A_101 : memref<16x4x40xf32, #tpu.memory_space<vmem_shared>>) target(%dma_start3A_98 : memref<16x4x40xf32, #tpu.memory_space<hbm>>) target_semaphore(%run_scoped3A_93 : memref<!tpu.dma_semaphore, #tpu.memory_space<semaphore_mem>>)
      %dma_wait3A_102 = arith.constant 0 : i32
      %dma_wait3A_103 = arith.constant 0 : i32
      %dma_wait3A_104 = arith.constant 0 : i32
      %dma_wait3A_105 = tpu.memref_slice %arg4[%arg0, %arg1, %dma_wait3A_102, %dma_wait3A_103, %dma_wait3A_104] : memref<7x16x16x4x40xf32, #tpu.memory_space<hbm>> -> memref<1x1x16x4x40xf32, #tpu.memory_space<hbm>>
      %dma_wait3A_106 = tpu.memref_squeeze %dma_wait3A_105 : memref<1x1x16x4x40xf32, #tpu.memory_space<hbm>> -> memref<16x4x40xf32, #tpu.memory_space<hbm>>
      %dma_wait3A_107 = arith.constant 0 : i32
      %dma_wait3A_108 = arith.constant 0 : i32
      %dma_wait3A_109 = tpu.memref_slice %arg7[%dma_wait3A_107, %dma_wait3A_108, %mul3A_2] : memref<16x4x640xf32, #tpu.memory_space<vmem_shared>> -> memref<16x4x40xf32, #tpu.memory_space<vmem_shared>>
      tpu.wait_dma2 semaphore(%run_scoped3A_93 : memref<!tpu.dma_semaphore, #tpu.memory_space<semaphore_mem>>) src(%dma_wait3A_109 : memref<16x4x40xf32, #tpu.memory_space<vmem_shared>>) dst(%dma_wait3A_106 : memref<16x4x40xf32, #tpu.memory_space<hbm>>)
      tpu.yield
    }) : () -> ()
    return
  }
}

#map = affine_map<(d0, d1) -> (0, 0, 0, 0, 0)>
#map1 = affine_map<(d0, d1) -> (0)>
module attributes {stable_mosaic.version = 14 : i64} {
  func.func @mid_kernel(%arg0: i32, %arg1: i32, %arg2: memref<7x16x16x4x40xf32, #tpu.memory_space<hbm>>, %arg3: memref<10240xf32, #tpu.memory_space<hbm>>, %arg4: memref<64xf32, #tpu.memory_space<hbm>>, %arg5: memref<320000xi32, #tpu.memory_space<hbm>>, %arg6: memref<7x16x16x2x40xf32, #tpu.memory_space<hbm>>, %arg7: memref<2x10240xf32, #tpu.memory_space<vmem_shared>>, %arg8: memref<16x2x640xf32, #tpu.memory_space<vmem_shared>>, %arg9: memref<2x10240xf32, #tpu.memory_space<vmem>>, %arg10: memref<16x2x640xf32, #tpu.memory_space<vmem>>, %arg11: memref<10000xi32, #tpu.memory_space<vmem>>, %arg12: memref<16x4x40xf32, #tpu.memory_space<vmem>>, %arg13: memref<16x4x40xf32, #tpu.memory_space<vmem>>, %arg14: memref<640xf32, #tpu.memory_space<vmem>>, %arg15: memref<2x640xf32, #tpu.memory_space<vmem>>, %arg16: memref<16x2x40xf32, #tpu.memory_space<vmem>>, %arg17: memref<64xf32, #tpu.memory_space<vmem>>, %arg18: memref<!tpu.dma_semaphore, #tpu.memory_space<semaphore_mem>>, %arg19: memref<!tpu.dma_semaphore, #tpu.memory_space<semaphore_mem>>, %arg20: memref<!tpu.dma_semaphore, #tpu.memory_space<semaphore_mem>>, %arg21: memref<!tpu.dma_semaphore, #tpu.memory_space<semaphore_mem>>, %arg22: memref<!tpu.dma_semaphore, #tpu.memory_space<semaphore_mem>>) attributes {dimension_semantics = [#tpu.dimension_semantics<core_parallel>, #tpu.dimension_semantics<subcore_parallel>], iteration_bounds = array<i64: 2, 16>, scalar_prefetch = 0 : i64, scratch_operands = 16 : i64, tpu.core_type = #tpu.core_type<sc_vector_subcore>, window_params = [{transform_indices = #map}, {transform_indices = #map1}, {transform_indices = #map1}, {transform_indices = #map1}, {transform_indices = #map}]} {
    %mul3A = arith.constant 7 : i32
    %mul3A_0 = arith.muli %arg1, %mul3A : i32
    %add3A = arith.addi %mul3A_0, %arg0 : i32
    %mul3A_1 = arith.constant 640 : i32
    %mul3A_2 = arith.muli %arg1, %mul3A_1 : i32
    %mul3A_3 = arith.constant 40 : i32
    %mul3A_4 = arith.muli %arg1, %mul3A_3 : i32
    %lt3A = arith.constant 8 : i32
    %lt3A_5 = arith.cmpi slt, %arg1, %lt3A : i32
    %eq3A = arith.constant 0 : i32
    %eq3A_6 = arith.cmpi eq, %arg0, %eq3A : i32
    %and3A = arith.andi %lt3A_5, %eq3A_6 : i1
    %ge3A = arith.constant 8 : i32
    %ge3A_7 = arith.cmpi sge, %arg1, %ge3A : i32
    %eq3A_8 = arith.constant 1 : i32
    %eq3A_9 = arith.cmpi eq, %arg0, %eq3A_8 : i32
    %and3A_10 = arith.andi %ge3A_7, %eq3A_9 : i1
    %or3A = arith.ori %and3A, %and3A_10 : i1
    %jit3A = arith.constant 1.000000e+00 : f32
    %jit3A_11 = arith.constant 0.000000e+00 : f32
    %select_n3A = arith.select %or3A, %jit3A, %jit3A_11 : f32
    %dma_start3A = arith.constant 0 : i32
    %dma_start3A_12 = arith.constant 0 : i32
    %dma_start3A_13 = arith.constant 0 : i32
    %dma_start3A_14 = arith.constant 0 : i32
    %dma_start3A_15 = tpu.memref_slice %arg2[%dma_start3A, %arg1, %dma_start3A_12, %dma_start3A_13, %dma_start3A_14] : memref<7x16x16x4x40xf32, #tpu.memory_space<hbm>> -> memref<1x1x16x4x40xf32, #tpu.memory_space<hbm>>
    %dma_start3A_16 = tpu.memref_squeeze %dma_start3A_15 : memref<1x1x16x4x40xf32, #tpu.memory_space<hbm>> -> memref<16x4x40xf32, #tpu.memory_space<hbm>>
    %dma_start3A_17 = arith.constant 0 : i32
    %dma_start3A_18 = arith.constant 0 : i32
    %dma_start3A_19 = arith.constant 0 : i32
    %dma_start3A_20 = tpu.memref_slice %arg2[%dma_start3A, %arg1, %dma_start3A_17, %dma_start3A_18, %dma_start3A_19] : memref<7x16x16x4x40xf32, #tpu.memory_space<hbm>> -> memref<1x1x16x4x40xf32, #tpu.memory_space<hbm>>
    %dma_start3A_21 = tpu.memref_squeeze %dma_start3A_20 : memref<1x1x16x4x40xf32, #tpu.memory_space<hbm>> -> memref<16x4x40xf32, #tpu.memory_space<hbm>>
    tpu.enqueue_dma source(%dma_start3A_21 : memref<16x4x40xf32, #tpu.memory_space<hbm>>) target(%arg12 : memref<16x4x40xf32, #tpu.memory_space<vmem>>) target_semaphore(%arg18 : memref<!tpu.dma_semaphore, #tpu.memory_space<semaphore_mem>>)
    %dma_start3A_22 = arith.constant 1 : i32
    %dma_start3A_23 = arith.constant 0 : i32
    %dma_start3A_24 = arith.constant 0 : i32
    %dma_start3A_25 = arith.constant 0 : i32
    %dma_start3A_26 = tpu.memref_slice %arg2[%dma_start3A_22, %arg1, %dma_start3A_23, %dma_start3A_24, %dma_start3A_25] : memref<7x16x16x4x40xf32, #tpu.memory_space<hbm>> -> memref<1x1x16x4x40xf32, #tpu.memory_space<hbm>>
    %dma_start3A_27 = tpu.memref_squeeze %dma_start3A_26 : memref<1x1x16x4x40xf32, #tpu.memory_space<hbm>> -> memref<16x4x40xf32, #tpu.memory_space<hbm>>
    %dma_start3A_28 = arith.constant 0 : i32
    %dma_start3A_29 = arith.constant 0 : i32
    %dma_start3A_30 = arith.constant 0 : i32
    %dma_start3A_31 = tpu.memref_slice %arg2[%dma_start3A_22, %arg1, %dma_start3A_28, %dma_start3A_29, %dma_start3A_30] : memref<7x16x16x4x40xf32, #tpu.memory_space<hbm>> -> memref<1x1x16x4x40xf32, #tpu.memory_space<hbm>>
    %dma_start3A_32 = tpu.memref_squeeze %dma_start3A_31 : memref<1x1x16x4x40xf32, #tpu.memory_space<hbm>> -> memref<16x4x40xf32, #tpu.memory_space<hbm>>
    tpu.enqueue_dma source(%dma_start3A_32 : memref<16x4x40xf32, #tpu.memory_space<hbm>>) target(%arg13 : memref<16x4x40xf32, #tpu.memory_space<vmem>>) target_semaphore(%arg19 : memref<!tpu.dma_semaphore, #tpu.memory_space<semaphore_mem>>)
    %dma_start3A_33 = tpu.memref_slice %arg3[%mul3A_2] : memref<10240xf32, #tpu.memory_space<hbm>> -> memref<640xf32, #tpu.memory_space<hbm>>
    %dma_start3A_34 = tpu.memref_slice %arg3[%mul3A_2] : memref<10240xf32, #tpu.memory_space<hbm>> -> memref<640xf32, #tpu.memory_space<hbm>>
    tpu.enqueue_dma source(%dma_start3A_34 : memref<640xf32, #tpu.memory_space<hbm>>) target(%arg14 : memref<640xf32, #tpu.memory_space<vmem>>) target_semaphore(%arg20 : memref<!tpu.dma_semaphore, #tpu.memory_space<semaphore_mem>>)
    tpu.enqueue_dma source(%arg4 : memref<64xf32, #tpu.memory_space<hbm>>) target(%arg17 : memref<64xf32, #tpu.memory_space<vmem>>) target_semaphore(%arg21 : memref<!tpu.dma_semaphore, #tpu.memory_space<semaphore_mem>>)
    %mul3A_35 = arith.constant 10000 : i32
    %mul3A_36 = arith.muli %add3A, %mul3A_35 : i32
    %dma_start3A_37 = tpu.memref_slice %arg5[%mul3A_36] : memref<320000xi32, #tpu.memory_space<hbm>> -> memref<10000xi32, #tpu.memory_space<hbm>>
    %dma_start3A_38 = tpu.memref_slice %arg5[%mul3A_36] : memref<320000xi32, #tpu.memory_space<hbm>> -> memref<10000xi32, #tpu.memory_space<hbm>>
    tpu.enqueue_dma source(%dma_start3A_38 : memref<10000xi32, #tpu.memory_space<hbm>>) target(%arg11 : memref<10000xi32, #tpu.memory_space<vmem>>) target_semaphore(%arg22 : memref<!tpu.dma_semaphore, #tpu.memory_space<semaphore_mem>>)
    %broadcast_in_dim3A = arith.constant 0 : i32
    %broadcast_in_dim3A_39 = vector.broadcast %broadcast_in_dim3A : i32 to vector<16xi32>
    %broadcast_in_dim3A_40 = arith.constant 1 : i32
    %broadcast_in_dim3A_41 = vector.broadcast %broadcast_in_dim3A_40 : i32 to vector<16xi32>
    %broadcast_in_dim3A_42 = arith.constant 2 : i32
    %broadcast_in_dim3A_43 = vector.broadcast %broadcast_in_dim3A_42 : i32 to vector<16xi32>
    %broadcast_in_dim3A_44 = arith.constant 3 : i32
    %broadcast_in_dim3A_45 = vector.broadcast %broadcast_in_dim3A_44 : i32 to vector<16xi32>
    %broadcast_in_dim3A_46 = arith.constant 0 : i32
    %broadcast_in_dim3A_47 = vector.broadcast %broadcast_in_dim3A_46 : i32 to vector<16xi32>
    %broadcast_in_dim3A_48 = arith.constant 1 : i32
    %broadcast_in_dim3A_49 = vector.broadcast %broadcast_in_dim3A_48 : i32 to vector<16xi32>
    %iota3A = tpu.iota {dimensions = array<i32: 0>} : vector<16xi32>
    %broadcast_in_dim3A_50 = arith.constant 0 : i32
    %broadcast_in_dim3A_51 = vector.broadcast %broadcast_in_dim3A_50 : i32 to vector<16xi32>
    %iota3A_52 = tpu.iota {dimensions = array<i32: 0>} : vector<16xi32>
    tpu.wait_dma2 semaphore(%arg21 : memref<!tpu.dma_semaphore, #tpu.memory_space<semaphore_mem>>) src(%arg4 : memref<64xf32, #tpu.memory_space<hbm>>) dst(%arg17 : memref<64xf32, #tpu.memory_space<vmem>>)
    %get3A = arith.constant 0 : index
    %get3A_53 = tpu.vector_load %arg17[%get3A] {strides = array<i32>} : memref<64xf32, #tpu.memory_space<vmem>>, vector<16xf32>,
    %get3A_54 = arith.constant 16 : index
    %get3A_55 = tpu.vector_load %arg17[%get3A_54] {strides = array<i32>} : memref<64xf32, #tpu.memory_space<vmem>>, vector<16xf32>,
    %get3A_56 = arith.constant 32 : index
    %get3A_57 = tpu.vector_load %arg17[%get3A_56] {strides = array<i32>} : memref<64xf32, #tpu.memory_space<vmem>>, vector<16xf32>,
    %get3A_58 = arith.constant 48 : index
    %get3A_59 = tpu.vector_load %arg17[%get3A_58] {strides = array<i32>} : memref<64xf32, #tpu.memory_space<vmem>>, vector<16xf32>,
    %slice3A = vector.extract_strided_slice %get3A_55 {offsets = [4], sizes = [1], strides = [1]} : vector<16xf32> to vector<1xf32>
    %squeeze3A = vector.extract %slice3A[0] : f32 from vector<1xf32>
    %slice3A_60 = vector.extract_strided_slice %get3A_55 {offsets = [5], sizes = [1], strides = [1]} : vector<16xf32> to vector<1xf32>
    %squeeze3A_61 = vector.extract %slice3A_60[0] : f32 from vector<1xf32>
    %slice3A_62 = vector.extract_strided_slice %get3A_55 {offsets = [6], sizes = [1], strides = [1]} : vector<16xf32> to vector<1xf32>
    %squeeze3A_63 = vector.extract %slice3A_62[0] : f32 from vector<1xf32>
    %slice3A_64 = vector.extract_strided_slice %get3A_55 {offsets = [7], sizes = [1], strides = [1]} : vector<16xf32> to vector<1xf32>
    %squeeze3A_65 = vector.extract %slice3A_64[0] : f32 from vector<1xf32>
    %slice3A_66 = vector.extract_strided_slice %get3A_55 {offsets = [8], sizes = [1], strides = [1]} : vector<16xf32> to vector<1xf32>
    %squeeze3A_67 = vector.extract %slice3A_66[0] : f32 from vector<1xf32>
    %slice3A_68 = vector.extract_strided_slice %get3A_55 {offsets = [9], sizes = [1], strides = [1]} : vector<16xf32> to vector<1xf32>
    %squeeze3A_69 = vector.extract %slice3A_68[0] : f32 from vector<1xf32>
    %slice3A_70 = vector.extract_strided_slice %get3A_55 {offsets = [10], sizes = [1], strides = [1]} : vector<16xf32> to vector<1xf32>
    %squeeze3A_71 = vector.extract %slice3A_70[0] : f32 from vector<1xf32>
    %slice3A_72 = vector.extract_strided_slice %get3A_55 {offsets = [11], sizes = [1], strides = [1]} : vector<16xf32> to vector<1xf32>
    %squeeze3A_73 = vector.extract %slice3A_72[0] : f32 from vector<1xf32>
    %slice3A_74 = vector.extract_strided_slice %get3A_55 {offsets = [12], sizes = [1], strides = [1]} : vector<16xf32> to vector<1xf32>
    %squeeze3A_75 = vector.extract %slice3A_74[0] : f32 from vector<1xf32>
    %slice3A_76 = vector.extract_strided_slice %get3A_55 {offsets = [13], sizes = [1], strides = [1]} : vector<16xf32> to vector<1xf32>
    %squeeze3A_77 = vector.extract %slice3A_76[0] : f32 from vector<1xf32>
    %slice3A_78 = vector.extract_strided_slice %get3A_55 {offsets = [14], sizes = [1], strides = [1]} : vector<16xf32> to vector<1xf32>
    %squeeze3A_79 = vector.extract %slice3A_78[0] : f32 from vector<1xf32>
    %slice3A_80 = vector.extract_strided_slice %get3A_55 {offsets = [15], sizes = [1], strides = [1]} : vector<16xf32> to vector<1xf32>
    %squeeze3A_81 = vector.extract %slice3A_80[0] : f32 from vector<1xf32>
    %dma_wait3A = arith.constant 0 : i32
    %dma_wait3A_82 = arith.constant 0 : i32
    %dma_wait3A_83 = arith.constant 0 : i32
    %dma_wait3A_84 = arith.constant 0 : i32
    %dma_wait3A_85 = tpu.memref_slice %arg2[%dma_wait3A, %arg1, %dma_wait3A_82, %dma_wait3A_83, %dma_wait3A_84] : memref<7x16x16x4x40xf32, #tpu.memory_space<hbm>> -> memref<1x1x16x4x40xf32, #tpu.memory_space<hbm>>
    %dma_wait3A_86 = tpu.memref_squeeze %dma_wait3A_85 : memref<1x1x16x4x40xf32, #tpu.memory_space<hbm>> -> memref<16x4x40xf32, #tpu.memory_space<hbm>>
    %dma_wait3A_87 = arith.constant 0 : i32
    %dma_wait3A_88 = arith.constant 0 : i32
    %dma_wait3A_89 = arith.constant 0 : i32
    %dma_wait3A_90 = tpu.memref_slice %arg2[%dma_wait3A, %arg1, %dma_wait3A_87, %dma_wait3A_88, %dma_wait3A_89] : memref<7x16x16x4x40xf32, #tpu.memory_space<hbm>> -> memref<1x1x16x4x40xf32, #tpu.memory_space<hbm>>
    %dma_wait3A_91 = tpu.memref_squeeze %dma_wait3A_90 : memref<1x1x16x4x40xf32, #tpu.memory_space<hbm>> -> memref<16x4x40xf32, #tpu.memory_space<hbm>>
    tpu.wait_dma2 semaphore(%arg18 : memref<!tpu.dma_semaphore, #tpu.memory_space<semaphore_mem>>) src(%dma_wait3A_91 : memref<16x4x40xf32, #tpu.memory_space<hbm>>) dst(%arg12 : memref<16x4x40xf32, #tpu.memory_space<vmem>>)
    %dma_wait3A_92 = arith.constant 1 : i32
    %dma_wait3A_93 = arith.constant 0 : i32
    %dma_wait3A_94 = arith.constant 0 : i32
    %dma_wait3A_95 = arith.constant 0 : i32
    %dma_wait3A_96 = tpu.memref_slice %arg2[%dma_wait3A_92, %arg1, %dma_wait3A_93, %dma_wait3A_94, %dma_wait3A_95] : memref<7x16x16x4x40xf32, #tpu.memory_space<hbm>> -> memref<1x1x16x4x40xf32, #tpu.memory_space<hbm>>
    %dma_wait3A_97 = tpu.memref_squeeze %dma_wait3A_96 : memref<1x1x16x4x40xf32, #tpu.memory_space<hbm>> -> memref<16x4x40xf32, #tpu.memory_space<hbm>>
    %dma_wait3A_98 = arith.constant 0 : i32
    %dma_wait3A_99 = arith.constant 0 : i32
    %dma_wait3A_100 = arith.constant 0 : i32
    %dma_wait3A_101 = tpu.memref_slice %arg2[%dma_wait3A_92, %arg1, %dma_wait3A_98, %dma_wait3A_99, %dma_wait3A_100] : memref<7x16x16x4x40xf32, #tpu.memory_space<hbm>> -> memref<1x1x16x4x40xf32, #tpu.memory_space<hbm>>
    %dma_wait3A_102 = tpu.memref_squeeze %dma_wait3A_101 : memref<1x1x16x4x40xf32, #tpu.memory_space<hbm>> -> memref<16x4x40xf32, #tpu.memory_space<hbm>>
    tpu.wait_dma2 semaphore(%arg19 : memref<!tpu.dma_semaphore, #tpu.memory_space<semaphore_mem>>) src(%dma_wait3A_102 : memref<16x4x40xf32, #tpu.memory_space<hbm>>) dst(%arg13 : memref<16x4x40xf32, #tpu.memory_space<vmem>>)
    %dma_wait3A_103 = tpu.memref_slice %arg3[%mul3A_2] : memref<10240xf32, #tpu.memory_space<hbm>> -> memref<640xf32, #tpu.memory_space<hbm>>
    %dma_wait3A_104 = tpu.memref_slice %arg3[%mul3A_2] : memref<10240xf32, #tpu.memory_space<hbm>> -> memref<640xf32, #tpu.memory_space<hbm>>
    tpu.wait_dma2 semaphore(%arg20 : memref<!tpu.dma_semaphore, #tpu.memory_space<semaphore_mem>>) src(%dma_wait3A_104 : memref<640xf32, #tpu.memory_space<hbm>>) dst(%arg14 : memref<640xf32, #tpu.memory_space<vmem>>)
    %scan3A = arith.constant 0 : i32
    %scan3A_105 = arith.constant 40 : i32
    %scan3A_106 = arith.addi %scan3A, %scan3A_105 : i32
    %scan3A_107 = arith.constant 1 : i32
    scf.for %scan3A_129 = %scan3A to %scan3A_106 step %scan3A_107  : i32 {
      %mul3A_130 = arith.constant 1 : i32
      %mul3A_131 = arith.muli %scan3A_129, %mul3A_130 : i32
      %add3A_132 = arith.constant 0 : i32
      %add3A_133 = arith.addi %add3A_132, %mul3A_131 : i32
      %mul3A_134 = arith.constant 16 : i32
      %mul3A_135 = arith.muli %add3A_133, %mul3A_134 : i32
      %add3A_136 = vector.broadcast %add3A_133 : i32 to vector<16xi32>
      %add3A_137 = arith.addi %broadcast_in_dim3A_51, %add3A_136 : vector<16xi32>
      %get3A_138 = arith.index_cast %mul3A_135 : i32 to index
      %get3A_139 = tpu.vector_load %arg14[%get3A_138] {strides = array<i32>} : memref<640xf32, #tpu.memory_space<vmem>>, vector<16xf32>,
      %gather3A = tpu.vector_load_idx %arg12[%iota3A, %broadcast_in_dim3A_39, %add3A_137] : memref<16x4x40xf32, #tpu.memory_space<vmem>>[vector<16xi32>, vector<16xi32>, vector<16xi32>], vector<16xf32>,
      %gather3A_140 = tpu.vector_load_idx %arg13[%iota3A, %broadcast_in_dim3A_39, %add3A_137] : memref<16x4x40xf32, #tpu.memory_space<vmem>>[vector<16xi32>, vector<16xi32>, vector<16xi32>], vector<16xf32>,
      %add3A_141 = arith.addf %gather3A, %gather3A_140 : vector<16xf32>
      %mul3A_142 = arith.mulf %get3A_139, %add3A_141 : vector<16xf32>
      %add3A_143 = vector.broadcast %squeeze3A : f32 to vector<16xf32>
      %add3A_144 = arith.addf %mul3A_142, %add3A_143 : vector<16xf32>
      %mul3A_145 = arith.constant 2.000000e+00 : f32
      %mul3A_146 = vector.broadcast %mul3A_145 : f32 to vector<16xf32>
      %mul3A_147 = arith.mulf %add3A_144, %mul3A_146 : vector<16xf32>
      %exp3A = math.exp %mul3A_147 : vector<16xf32>
      %add3A_148 = arith.constant 1.000000e+00 : f32
      %add3A_149 = vector.broadcast %add3A_148 : f32 to vector<16xf32>
      %add3A_150 = arith.addf %exp3A, %add3A_149 : vector<16xf32>
      %div3A = arith.constant 2.000000e+00 : f32
      %div3A_151 = vector.broadcast %div3A : f32 to vector<16xf32>
      %div3A_152 = arith.divf %div3A_151, %add3A_150 : vector<16xf32>
      %sub3A = arith.constant 1.000000e+00 : f32
      %sub3A_153 = vector.broadcast %sub3A : f32 to vector<16xf32>
      %sub3A_154 = arith.subf %sub3A_153, %div3A_152 : vector<16xf32>
      %gather3A_155 = tpu.vector_load_idx %arg12[%iota3A, %broadcast_in_dim3A_41, %add3A_137] : memref<16x4x40xf32, #tpu.memory_space<vmem>>[vector<16xi32>, vector<16xi32>, vector<16xi32>], vector<16xf32>,
      %gather3A_156 = tpu.vector_load_idx %arg13[%iota3A, %broadcast_in_dim3A_41, %add3A_137] : memref<16x4x40xf32, #tpu.memory_space<vmem>>[vector<16xi32>, vector<16xi32>, vector<16xi32>], vector<16xf32>,
      %add3A_157 = arith.addf %gather3A_155, %gather3A_156 : vector<16xf32>
      %mul3A_158 = arith.mulf %get3A_139, %add3A_157 : vector<16xf32>
      %add3A_159 = vector.broadcast %squeeze3A_61 : f32 to vector<16xf32>
      %add3A_160 = arith.addf %mul3A_158, %add3A_159 : vector<16xf32>
      %mul3A_161 = arith.constant 2.000000e+00 : f32
      %mul3A_162 = vector.broadcast %mul3A_161 : f32 to vector<16xf32>
      %mul3A_163 = arith.mulf %add3A_160, %mul3A_162 : vector<16xf32>
      %exp3A_164 = math.exp %mul3A_163 : vector<16xf32>
      %add3A_165 = arith.constant 1.000000e+00 : f32
      %add3A_166 = vector.broadcast %add3A_165 : f32 to vector<16xf32>
      %add3A_167 = arith.addf %exp3A_164, %add3A_166 : vector<16xf32>
      %div3A_168 = arith.constant 2.000000e+00 : f32
      %div3A_169 = vector.broadcast %div3A_168 : f32 to vector<16xf32>
      %div3A_170 = arith.divf %div3A_169, %add3A_167 : vector<16xf32>
      %sub3A_171 = arith.constant 1.000000e+00 : f32
      %sub3A_172 = vector.broadcast %sub3A_171 : f32 to vector<16xf32>
      %sub3A_173 = arith.subf %sub3A_172, %div3A_170 : vector<16xf32>
      %gather3A_174 = tpu.vector_load_idx %arg12[%iota3A, %broadcast_in_dim3A_43, %add3A_137] : memref<16x4x40xf32, #tpu.memory_space<vmem>>[vector<16xi32>, vector<16xi32>, vector<16xi32>], vector<16xf32>,
      %gather3A_175 = tpu.vector_load_idx %arg13[%iota3A, %broadcast_in_dim3A_43, %add3A_137] : memref<16x4x40xf32, #tpu.memory_space<vmem>>[vector<16xi32>, vector<16xi32>, vector<16xi32>], vector<16xf32>,
      %add3A_176 = arith.addf %gather3A_174, %gather3A_175 : vector<16xf32>
      %mul3A_177 = arith.mulf %get3A_139, %add3A_176 : vector<16xf32>
      %add3A_178 = vector.broadcast %squeeze3A_63 : f32 to vector<16xf32>
      %add3A_179 = arith.addf %mul3A_177, %add3A_178 : vector<16xf32>
      %mul3A_180 = arith.constant 2.000000e+00 : f32
      %mul3A_181 = vector.broadcast %mul3A_180 : f32 to vector<16xf32>
      %mul3A_182 = arith.mulf %add3A_179, %mul3A_181 : vector<16xf32>
      %exp3A_183 = math.exp %mul3A_182 : vector<16xf32>
      %add3A_184 = arith.constant 1.000000e+00 : f32
      %add3A_185 = vector.broadcast %add3A_184 : f32 to vector<16xf32>
      %add3A_186 = arith.addf %exp3A_183, %add3A_185 : vector<16xf32>
      %div3A_187 = arith.constant 2.000000e+00 : f32
      %div3A_188 = vector.broadcast %div3A_187 : f32 to vector<16xf32>
      %div3A_189 = arith.divf %div3A_188, %add3A_186 : vector<16xf32>
      %sub3A_190 = arith.constant 1.000000e+00 : f32
      %sub3A_191 = vector.broadcast %sub3A_190 : f32 to vector<16xf32>
      %sub3A_192 = arith.subf %sub3A_191, %div3A_189 : vector<16xf32>
      %gather3A_193 = tpu.vector_load_idx %arg12[%iota3A, %broadcast_in_dim3A_45, %add3A_137] : memref<16x4x40xf32, #tpu.memory_space<vmem>>[vector<16xi32>, vector<16xi32>, vector<16xi32>], vector<16xf32>,
      %gather3A_194 = tpu.vector_load_idx %arg13[%iota3A, %broadcast_in_dim3A_45, %add3A_137] : memref<16x4x40xf32, #tpu.memory_space<vmem>>[vector<16xi32>, vector<16xi32>, vector<16xi32>], vector<16xf32>,
      %add3A_195 = arith.addf %gather3A_193, %gather3A_194 : vector<16xf32>
      %mul3A_196 = arith.mulf %get3A_139, %add3A_195 : vector<16xf32>
      %add3A_197 = vector.broadcast %squeeze3A_65 : f32 to vector<16xf32>
      %add3A_198 = arith.addf %mul3A_196, %add3A_197 : vector<16xf32>
      %mul3A_199 = arith.constant 2.000000e+00 : f32
      %mul3A_200 = vector.broadcast %mul3A_199 : f32 to vector<16xf32>
      %mul3A_201 = arith.mulf %add3A_198, %mul3A_200 : vector<16xf32>
      %exp3A_202 = math.exp %mul3A_201 : vector<16xf32>
      %add3A_203 = arith.constant 1.000000e+00 : f32
      %add3A_204 = vector.broadcast %add3A_203 : f32 to vector<16xf32>
      %add3A_205 = arith.addf %exp3A_202, %add3A_204 : vector<16xf32>
      %div3A_206 = arith.constant 2.000000e+00 : f32
      %div3A_207 = vector.broadcast %div3A_206 : f32 to vector<16xf32>
      %div3A_208 = arith.divf %div3A_207, %add3A_205 : vector<16xf32>
      %sub3A_209 = arith.constant 1.000000e+00 : f32
      %sub3A_210 = vector.broadcast %sub3A_209 : f32 to vector<16xf32>
      %sub3A_211 = arith.subf %sub3A_210, %div3A_208 : vector<16xf32>
      %mul3A_212 = vector.broadcast %squeeze3A_67 : f32 to vector<16xf32>
      %mul3A_213 = arith.mulf %sub3A_154, %mul3A_212 : vector<16xf32>
      %mul3A_214 = vector.broadcast %squeeze3A_71 : f32 to vector<16xf32>
      %mul3A_215 = arith.mulf %sub3A_173, %mul3A_214 : vector<16xf32>
      %add3A_216 = arith.addf %mul3A_213, %mul3A_215 : vector<16xf32>
      %mul3A_217 = vector.broadcast %squeeze3A_75 : f32 to vector<16xf32>
      %mul3A_218 = arith.mulf %sub3A_192, %mul3A_217 : vector<16xf32>
      %add3A_219 = arith.addf %add3A_216, %mul3A_218 : vector<16xf32>
      %mul3A_220 = vector.broadcast %squeeze3A_79 : f32 to vector<16xf32>
      %mul3A_221 = arith.mulf %sub3A_211, %mul3A_220 : vector<16xf32>
      %add3A_222 = arith.addf %add3A_219, %mul3A_221 : vector<16xf32>
      %mul3A_223 = arith.mulf %get3A_139, %add3A_222 : vector<16xf32>
      %swap3A = arith.constant 0 : i32
      %swap3A_224 = arith.index_cast %swap3A : i32 to index
      %swap3A_225 = arith.index_cast %mul3A_135 : i32 to index
      %swap3A_226 = tpu.vector_load %arg15[%swap3A_224, %swap3A_225] {strides = array<i32>} : memref<2x640xf32, #tpu.memory_space<vmem>>, vector<16xf32>,
      tpu.vector_store %arg15[%swap3A_224, %swap3A_225], %mul3A_223 {strides = array<i32>} : memref<2x640xf32, #tpu.memory_space<vmem>>, vector<16xf32>,
      %mul3A_227 = vector.broadcast %select_n3A : f32 to vector<16xf32>
      %mul3A_228 = arith.mulf %mul3A_223, %mul3A_227 : vector<16xf32>
      tpu.vector_store_idx %arg16[%iota3A, %broadcast_in_dim3A_47, %add3A_137], %mul3A_228 : memref<16x2x40xf32, #tpu.memory_space<vmem>>[vector<16xi32>, vector<16xi32>, vector<16xi32>], vector<16xf32>,
      %mul3A_229 = vector.broadcast %squeeze3A_69 : f32 to vector<16xf32>
      %mul3A_230 = arith.mulf %sub3A_154, %mul3A_229 : vector<16xf32>
      %mul3A_231 = vector.broadcast %squeeze3A_73 : f32 to vector<16xf32>
      %mul3A_232 = arith.mulf %sub3A_173, %mul3A_231 : vector<16xf32>
      %add3A_233 = arith.addf %mul3A_230, %mul3A_232 : vector<16xf32>
      %mul3A_234 = vector.broadcast %squeeze3A_77 : f32 to vector<16xf32>
      %mul3A_235 = arith.mulf %sub3A_192, %mul3A_234 : vector<16xf32>
      %add3A_236 = arith.addf %add3A_233, %mul3A_235 : vector<16xf32>
      %mul3A_237 = vector.broadcast %squeeze3A_81 : f32 to vector<16xf32>
      %mul3A_238 = arith.mulf %sub3A_211, %mul3A_237 : vector<16xf32>
      %add3A_239 = arith.addf %add3A_236, %mul3A_238 : vector<16xf32>
      %mul3A_240 = arith.mulf %get3A_139, %add3A_239 : vector<16xf32>
      %swap3A_241 = arith.constant 1 : i32
      %swap3A_242 = arith.index_cast %swap3A_241 : i32 to index
      %swap3A_243 = arith.index_cast %mul3A_135 : i32 to index
      %swap3A_244 = tpu.vector_load %arg15[%swap3A_242, %swap3A_243] {strides = array<i32>} : memref<2x640xf32, #tpu.memory_space<vmem>>, vector<16xf32>,
      tpu.vector_store %arg15[%swap3A_242, %swap3A_243], %mul3A_240 {strides = array<i32>} : memref<2x640xf32, #tpu.memory_space<vmem>>, vector<16xf32>,
      %mul3A_245 = vector.broadcast %select_n3A : f32 to vector<16xf32>
      %mul3A_246 = arith.mulf %mul3A_240, %mul3A_245 : vector<16xf32>
      tpu.vector_store_idx %arg16[%iota3A, %broadcast_in_dim3A_49, %add3A_137], %mul3A_246 : memref<16x2x40xf32, #tpu.memory_space<vmem>>[vector<16xi32>, vector<16xi32>, vector<16xi32>], vector<16xf32>,
    }
    %scan3A_108 = arith.constant 40 : i32
    %run_scoped3A = arith.constant 0 : i32
    %run_scoped3A_109 = arith.constant 0 : i32
    "tpu.region"() ({
      %run_scoped3A_129 = tpu.sem_alloc : memref<!tpu.dma_semaphore, #tpu.memory_space<semaphore_mem>>
      %dma_start3A_130 = arith.constant 0 : i32
      %dma_start3A_131 = tpu.memref_slice %arg15[%run_scoped3A, %dma_start3A_130] : memref<2x640xf32, #tpu.memory_space<vmem>> -> memref<1x640xf32, #tpu.memory_space<vmem>>
      %dma_start3A_132 = tpu.memref_squeeze %dma_start3A_131 : memref<1x640xf32, #tpu.memory_space<vmem>> -> memref<640xf32, #tpu.memory_space<vmem>>
      %dma_start3A_133 = tpu.memref_slice %arg7[%run_scoped3A_109, %mul3A_2] : memref<2x10240xf32, #tpu.memory_space<vmem_shared>> -> memref<1x640xf32, #tpu.memory_space<vmem_shared>>
      %dma_start3A_134 = tpu.memref_squeeze %dma_start3A_133 : memref<1x640xf32, #tpu.memory_space<vmem_shared>> -> memref<640xf32, #tpu.memory_space<vmem_shared>>
      %dma_start3A_135 = tpu.memref_slice %arg7[%run_scoped3A_109, %mul3A_2] : memref<2x10240xf32, #tpu.memory_space<vmem_shared>> -> memref<1x640xf32, #tpu.memory_space<vmem_shared>>
      %dma_start3A_136 = tpu.memref_squeeze %dma_start3A_135 : memref<1x640xf32, #tpu.memory_space<vmem_shared>> -> memref<640xf32, #tpu.memory_space<vmem_shared>>
      %dma_start3A_137 = arith.constant 0 : i32
      %dma_start3A_138 = tpu.memref_slice %arg15[%run_scoped3A, %dma_start3A_137] : memref<2x640xf32, #tpu.memory_space<vmem>> -> memref<1x640xf32, #tpu.memory_space<vmem>>
      %dma_start3A_139 = tpu.memref_squeeze %dma_start3A_138 : memref<1x640xf32, #tpu.memory_space<vmem>> -> memref<640xf32, #tpu.memory_space<vmem>>
      tpu.enqueue_dma source(%dma_start3A_139 : memref<640xf32, #tpu.memory_space<vmem>>) target(%dma_start3A_136 : memref<640xf32, #tpu.memory_space<vmem_shared>>) target_semaphore(%run_scoped3A_129 : memref<!tpu.dma_semaphore, #tpu.memory_space<semaphore_mem>>)
      %dma_wait3A_140 = arith.constant 0 : i32
      %dma_wait3A_141 = tpu.memref_slice %arg15[%run_scoped3A, %dma_wait3A_140] : memref<2x640xf32, #tpu.memory_space<vmem>> -> memref<1x640xf32, #tpu.memory_space<vmem>>
      %dma_wait3A_142 = tpu.memref_squeeze %dma_wait3A_141 : memref<1x640xf32, #tpu.memory_space<vmem>> -> memref<640xf32, #tpu.memory_space<vmem>>
      %dma_wait3A_143 = tpu.memref_slice %arg7[%run_scoped3A_109, %mul3A_2] : memref<2x10240xf32, #tpu.memory_space<vmem_shared>> -> memref<1x640xf32, #tpu.memory_space<vmem_shared>>
      %dma_wait3A_144 = tpu.memref_squeeze %dma_wait3A_143 : memref<1x640xf32, #tpu.memory_space<vmem_shared>> -> memref<640xf32, #tpu.memory_space<vmem_shared>>
      %dma_wait3A_145 = tpu.memref_slice %arg7[%run_scoped3A_109, %mul3A_2] : memref<2x10240xf32, #tpu.memory_space<vmem_shared>> -> memref<1x640xf32, #tpu.memory_space<vmem_shared>>
      %dma_wait3A_146 = tpu.memref_squeeze %dma_wait3A_145 : memref<1x640xf32, #tpu.memory_space<vmem_shared>> -> memref<640xf32, #tpu.memory_space<vmem_shared>>
      %dma_wait3A_147 = arith.constant 0 : i32
      %dma_wait3A_148 = tpu.memref_slice %arg15[%run_scoped3A, %dma_wait3A_147] : memref<2x640xf32, #tpu.memory_space<vmem>> -> memref<1x640xf32, #tpu.memory_space<vmem>>
      %dma_wait3A_149 = tpu.memref_squeeze %dma_wait3A_148 : memref<1x640xf32, #tpu.memory_space<vmem>> -> memref<640xf32, #tpu.memory_space<vmem>>
      tpu.wait_dma2 semaphore(%run_scoped3A_129 : memref<!tpu.dma_semaphore, #tpu.memory_space<semaphore_mem>>) src(%dma_wait3A_149 : memref<640xf32, #tpu.memory_space<vmem>>) dst(%dma_wait3A_146 : memref<640xf32, #tpu.memory_space<vmem_shared>>)
      tpu.yield
    }) : () -> ()
    %run_scoped3A_110 = arith.constant 1 : i32
    %run_scoped3A_111 = arith.constant 1 : i32
    "tpu.region"() ({
      %run_scoped3A_129 = tpu.sem_alloc : memref<!tpu.dma_semaphore, #tpu.memory_space<semaphore_mem>>
      %dma_start3A_130 = arith.constant 0 : i32
      %dma_start3A_131 = tpu.memref_slice %arg15[%run_scoped3A_110, %dma_start3A_130] : memref<2x640xf32, #tpu.memory_space<vmem>> -> memref<1x640xf32, #tpu.memory_space<vmem>>
      %dma_start3A_132 = tpu.memref_squeeze %dma_start3A_131 : memref<1x640xf32, #tpu.memory_space<vmem>> -> memref<640xf32, #tpu.memory_space<vmem>>
      %dma_start3A_133 = tpu.memref_slice %arg7[%run_scoped3A_111, %mul3A_2] : memref<2x10240xf32, #tpu.memory_space<vmem_shared>> -> memref<1x640xf32, #tpu.memory_space<vmem_shared>>
      %dma_start3A_134 = tpu.memref_squeeze %dma_start3A_133 : memref<1x640xf32, #tpu.memory_space<vmem_shared>> -> memref<640xf32, #tpu.memory_space<vmem_shared>>
      %dma_start3A_135 = tpu.memref_slice %arg7[%run_scoped3A_111, %mul3A_2] : memref<2x10240xf32, #tpu.memory_space<vmem_shared>> -> memref<1x640xf32, #tpu.memory_space<vmem_shared>>
      %dma_start3A_136 = tpu.memref_squeeze %dma_start3A_135 : memref<1x640xf32, #tpu.memory_space<vmem_shared>> -> memref<640xf32, #tpu.memory_space<vmem_shared>>
      %dma_start3A_137 = arith.constant 0 : i32
      %dma_start3A_138 = tpu.memref_slice %arg15[%run_scoped3A_110, %dma_start3A_137] : memref<2x640xf32, #tpu.memory_space<vmem>> -> memref<1x640xf32, #tpu.memory_space<vmem>>
      %dma_start3A_139 = tpu.memref_squeeze %dma_start3A_138 : memref<1x640xf32, #tpu.memory_space<vmem>> -> memref<640xf32, #tpu.memory_space<vmem>>
      tpu.enqueue_dma source(%dma_start3A_139 : memref<640xf32, #tpu.memory_space<vmem>>) target(%dma_start3A_136 : memref<640xf32, #tpu.memory_space<vmem_shared>>) target_semaphore(%run_scoped3A_129 : memref<!tpu.dma_semaphore, #tpu.memory_space<semaphore_mem>>)
      %dma_wait3A_140 = arith.constant 0 : i32
      %dma_wait3A_141 = tpu.memref_slice %arg15[%run_scoped3A_110, %dma_wait3A_140] : memref<2x640xf32, #tpu.memory_space<vmem>> -> memref<1x640xf32, #tpu.memory_space<vmem>>
      %dma_wait3A_142 = tpu.memref_squeeze %dma_wait3A_141 : memref<1x640xf32, #tpu.memory_space<vmem>> -> memref<640xf32, #tpu.memory_space<vmem>>
      %dma_wait3A_143 = tpu.memref_slice %arg7[%run_scoped3A_111, %mul3A_2] : memref<2x10240xf32, #tpu.memory_space<vmem_shared>> -> memref<1x640xf32, #tpu.memory_space<vmem_shared>>
      %dma_wait3A_144 = tpu.memref_squeeze %dma_wait3A_143 : memref<1x640xf32, #tpu.memory_space<vmem_shared>> -> memref<640xf32, #tpu.memory_space<vmem_shared>>
      %dma_wait3A_145 = tpu.memref_slice %arg7[%run_scoped3A_111, %mul3A_2] : memref<2x10240xf32, #tpu.memory_space<vmem_shared>> -> memref<1x640xf32, #tpu.memory_space<vmem_shared>>
      %dma_wait3A_146 = tpu.memref_squeeze %dma_wait3A_145 : memref<1x640xf32, #tpu.memory_space<vmem_shared>> -> memref<640xf32, #tpu.memory_space<vmem_shared>>
      %dma_wait3A_147 = arith.constant 0 : i32
      %dma_wait3A_148 = tpu.memref_slice %arg15[%run_scoped3A_110, %dma_wait3A_147] : memref<2x640xf32, #tpu.memory_space<vmem>> -> memref<1x640xf32, #tpu.memory_space<vmem>>
      %dma_wait3A_149 = tpu.memref_squeeze %dma_wait3A_148 : memref<1x640xf32, #tpu.memory_space<vmem>> -> memref<640xf32, #tpu.memory_space<vmem>>
      tpu.wait_dma2 semaphore(%run_scoped3A_129 : memref<!tpu.dma_semaphore, #tpu.memory_space<semaphore_mem>>) src(%dma_wait3A_149 : memref<640xf32, #tpu.memory_space<vmem>>) dst(%dma_wait3A_146 : memref<640xf32, #tpu.memory_space<vmem_shared>>)
      tpu.yield
    }) : () -> ()
    "tpu.region"() ({
      %run_scoped3A_129 = tpu.sem_alloc : memref<!tpu.dma_semaphore, #tpu.memory_space<semaphore_mem>>
      %dma_start3A_130 = arith.constant 0 : i32
      %dma_start3A_131 = arith.constant 0 : i32
      %dma_start3A_132 = tpu.memref_slice %arg8[%dma_start3A_130, %dma_start3A_131, %mul3A_4] : memref<16x2x640xf32, #tpu.memory_space<vmem_shared>> -> memref<16x2x40xf32, #tpu.memory_space<vmem_shared>>
      %dma_start3A_133 = arith.constant 0 : i32
      %dma_start3A_134 = arith.constant 0 : i32
      %dma_start3A_135 = tpu.memref_slice %arg8[%dma_start3A_133, %dma_start3A_134, %mul3A_4] : memref<16x2x640xf32, #tpu.memory_space<vmem_shared>> -> memref<16x2x40xf32, #tpu.memory_space<vmem_shared>>
      tpu.enqueue_dma source(%arg16 : memref<16x2x40xf32, #tpu.memory_space<vmem>>) target(%dma_start3A_135 : memref<16x2x40xf32, #tpu.memory_space<vmem_shared>>) target_semaphore(%run_scoped3A_129 : memref<!tpu.dma_semaphore, #tpu.memory_space<semaphore_mem>>)
      %dma_wait3A_136 = arith.constant 0 : i32
      %dma_wait3A_137 = arith.constant 0 : i32
      %dma_wait3A_138 = tpu.memref_slice %arg8[%dma_wait3A_136, %dma_wait3A_137, %mul3A_4] : memref<16x2x640xf32, #tpu.memory_space<vmem_shared>> -> memref<16x2x40xf32, #tpu.memory_space<vmem_shared>>
      %dma_wait3A_139 = arith.constant 0 : i32
      %dma_wait3A_140 = arith.constant 0 : i32
      %dma_wait3A_141 = tpu.memref_slice %arg8[%dma_wait3A_139, %dma_wait3A_140, %mul3A_4] : memref<16x2x640xf32, #tpu.memory_space<vmem_shared>> -> memref<16x2x40xf32, #tpu.memory_space<vmem_shared>>
      tpu.wait_dma2 semaphore(%run_scoped3A_129 : memref<!tpu.dma_semaphore, #tpu.memory_space<semaphore_mem>>) src(%arg16 : memref<16x2x40xf32, #tpu.memory_space<vmem>>) dst(%dma_wait3A_141 : memref<16x2x40xf32, #tpu.memory_space<vmem_shared>>)
      tpu.yield
    }) : () -> ()
    %barrier3A = arith.constant 0 : index
    tpu.barrier barrier_id(%barrier3A)
    %barrier3A_112 = arith.constant 0 : index
    tpu.barrier barrier_id(%barrier3A_112)
    tpu.enqueue_dma source(%arg7 : memref<2x10240xf32, #tpu.memory_space<vmem_shared>>) target(%arg9 : memref<2x10240xf32, #tpu.memory_space<vmem>>) target_semaphore(%arg18 : memref<!tpu.dma_semaphore, #tpu.memory_space<semaphore_mem>>)
    %broadcast_in_dim3A_113 = arith.constant 0.000000e+00 : f32
    %broadcast_in_dim3A_114 = vector.broadcast %broadcast_in_dim3A_113 : f32 to vector<16xf32>
    %scan3A_115 = arith.constant 0 : i32
    %scan3A_116 = arith.constant 40 : i32
    %scan3A_117 = arith.addi %scan3A_115, %scan3A_116 : i32
    %scan3A_118 = arith.constant 1 : i32
    scf.for %scan3A_129 = %scan3A_115 to %scan3A_117 step %scan3A_118  : i32 {
      %mul3A_130 = arith.constant 1 : i32
      %mul3A_131 = arith.muli %scan3A_129, %mul3A_130 : i32
      %add3A_132 = arith.constant 0 : i32
      %add3A_133 = arith.addi %add3A_132, %mul3A_131 : i32
      %mul3A_134 = arith.constant 16 : i32
      %mul3A_135 = arith.muli %add3A_133, %mul3A_134 : i32
      %swap3A = arith.constant 0 : i32
      %swap3A_136 = arith.constant 0 : i32
      %swap3A_137 = arith.index_cast %swap3A : i32 to index
      %swap3A_138 = arith.index_cast %swap3A_136 : i32 to index
      %swap3A_139 = arith.index_cast %mul3A_135 : i32 to index
      %swap3A_140 = tpu.vector_load %arg10[%swap3A_137, %swap3A_138, %swap3A_139] {strides = array<i32>} : memref<16x2x640xf32, #tpu.memory_space<vmem>>, vector<16xf32>,
      tpu.vector_store %arg10[%swap3A_137, %swap3A_138, %swap3A_139], %broadcast_in_dim3A_114 {strides = array<i32>} : memref<16x2x640xf32, #tpu.memory_space<vmem>>, vector<16xf32>,
      %swap3A_141 = arith.constant 0 : i32
      %swap3A_142 = arith.constant 1 : i32
      %swap3A_143 = arith.index_cast %swap3A_141 : i32 to index
      %swap3A_144 = arith.index_cast %swap3A_142 : i32 to index
      %swap3A_145 = arith.index_cast %mul3A_135 : i32 to index
      %swap3A_146 = tpu.vector_load %arg10[%swap3A_143, %swap3A_144, %swap3A_145] {strides = array<i32>} : memref<16x2x640xf32, #tpu.memory_space<vmem>>, vector<16xf32>,
      tpu.vector_store %arg10[%swap3A_143, %swap3A_144, %swap3A_145], %broadcast_in_dim3A_114 {strides = array<i32>} : memref<16x2x640xf32, #tpu.memory_space<vmem>>, vector<16xf32>,
      %swap3A_147 = arith.constant 1 : i32
      %swap3A_148 = arith.constant 0 : i32
      %swap3A_149 = arith.index_cast %swap3A_147 : i32 to index
      %swap3A_150 = arith.index_cast %swap3A_148 : i32 to index
      %swap3A_151 = arith.index_cast %mul3A_135 : i32 to index
      %swap3A_152 = tpu.vector_load %arg10[%swap3A_149, %swap3A_150, %swap3A_151] {strides = array<i32>} : memref<16x2x640xf32, #tpu.memory_space<vmem>>, vector<16xf32>,
      tpu.vector_store %arg10[%swap3A_149, %swap3A_150, %swap3A_151], %broadcast_in_dim3A_114 {strides = array<i32>} : memref<16x2x640xf32, #tpu.memory_space<vmem>>, vector<16xf32>,
      %swap3A_153 = arith.constant 1 : i32
      %swap3A_154 = arith.constant 1 : i32
      %swap3A_155 = arith.index_cast %swap3A_153 : i32 to index
      %swap3A_156 = arith.index_cast %swap3A_154 : i32 to index
      %swap3A_157 = arith.index_cast %mul3A_135 : i32 to index
      %swap3A_158 = tpu.vector_load %arg10[%swap3A_155, %swap3A_156, %swap3A_157] {strides = array<i32>} : memref<16x2x640xf32, #tpu.memory_space<vmem>>, vector<16xf32>,
      tpu.vector_store %arg10[%swap3A_155, %swap3A_156, %swap3A_157], %broadcast_in_dim3A_114 {strides = array<i32>} : memref<16x2x640xf32, #tpu.memory_space<vmem>>, vector<16xf32>,
      %swap3A_159 = arith.constant 2 : i32
      %swap3A_160 = arith.constant 0 : i32
      %swap3A_161 = arith.index_cast %swap3A_159 : i32 to index
      %swap3A_162 = arith.index_cast %swap3A_160 : i32 to index
      %swap3A_163 = arith.index_cast %mul3A_135 : i32 to index
      %swap3A_164 = tpu.vector_load %arg10[%swap3A_161, %swap3A_162, %swap3A_163] {strides = array<i32>} : memref<16x2x640xf32, #tpu.memory_space<vmem>>, vector<16xf32>,
      tpu.vector_store %arg10[%swap3A_161, %swap3A_162, %swap3A_163], %broadcast_in_dim3A_114 {strides = array<i32>} : memref<16x2x640xf32, #tpu.memory_space<vmem>>, vector<16xf32>,
      %swap3A_165 = arith.constant 2 : i32
      %swap3A_166 = arith.constant 1 : i32
      %swap3A_167 = arith.index_cast %swap3A_165 : i32 to index
      %swap3A_168 = arith.index_cast %swap3A_166 : i32 to index
      %swap3A_169 = arith.index_cast %mul3A_135 : i32 to index
      %swap3A_170 = tpu.vector_load %arg10[%swap3A_167, %swap3A_168, %swap3A_169] {strides = array<i32>} : memref<16x2x640xf32, #tpu.memory_space<vmem>>, vector<16xf32>,
      tpu.vector_store %arg10[%swap3A_167, %swap3A_168, %swap3A_169], %broadcast_in_dim3A_114 {strides = array<i32>} : memref<16x2x640xf32, #tpu.memory_space<vmem>>, vector<16xf32>,
      %swap3A_171 = arith.constant 3 : i32
      %swap3A_172 = arith.constant 0 : i32
      %swap3A_173 = arith.index_cast %swap3A_171 : i32 to index
      %swap3A_174 = arith.index_cast %swap3A_172 : i32 to index
      %swap3A_175 = arith.index_cast %mul3A_135 : i32 to index
      %swap3A_176 = tpu.vector_load %arg10[%swap3A_173, %swap3A_174, %swap3A_175] {strides = array<i32>} : memref<16x2x640xf32, #tpu.memory_space<vmem>>, vector<16xf32>,
      tpu.vector_store %arg10[%swap3A_173, %swap3A_174, %swap3A_175], %broadcast_in_dim3A_114 {strides = array<i32>} : memref<16x2x640xf32, #tpu.memory_space<vmem>>, vector<16xf32>,
      %swap3A_177 = arith.constant 3 : i32
      %swap3A_178 = arith.constant 1 : i32
      %swap3A_179 = arith.index_cast %swap3A_177 : i32 to index
      %swap3A_180 = arith.index_cast %swap3A_178 : i32 to index
      %swap3A_181 = arith.index_cast %mul3A_135 : i32 to index
      %swap3A_182 = tpu.vector_load %arg10[%swap3A_179, %swap3A_180, %swap3A_181] {strides = array<i32>} : memref<16x2x640xf32, #tpu.memory_space<vmem>>, vector<16xf32>,
      tpu.vector_store %arg10[%swap3A_179, %swap3A_180, %swap3A_181], %broadcast_in_dim3A_114 {strides = array<i32>} : memref<16x2x640xf32, #tpu.memory_space<vmem>>, vector<16xf32>,
      %swap3A_183 = arith.constant 4 : i32
      %swap3A_184 = arith.constant 0 : i32
      %swap3A_185 = arith.index_cast %swap3A_183 : i32 to index
      %swap3A_186 = arith.index_cast %swap3A_184 : i32 to index
      %swap3A_187 = arith.index_cast %mul3A_135 : i32 to index
      %swap3A_188 = tpu.vector_load %arg10[%swap3A_185, %swap3A_186, %swap3A_187] {strides = array<i32>} : memref<16x2x640xf32, #tpu.memory_space<vmem>>, vector<16xf32>,
      tpu.vector_store %arg10[%swap3A_185, %swap3A_186, %swap3A_187], %broadcast_in_dim3A_114 {strides = array<i32>} : memref<16x2x640xf32, #tpu.memory_space<vmem>>, vector<16xf32>,
      %swap3A_189 = arith.constant 4 : i32
      %swap3A_190 = arith.constant 1 : i32
      %swap3A_191 = arith.index_cast %swap3A_189 : i32 to index
      %swap3A_192 = arith.index_cast %swap3A_190 : i32 to index
      %swap3A_193 = arith.index_cast %mul3A_135 : i32 to index
      %swap3A_194 = tpu.vector_load %arg10[%swap3A_191, %swap3A_192, %swap3A_193] {strides = array<i32>} : memref<16x2x640xf32, #tpu.memory_space<vmem>>, vector<16xf32>,
      tpu.vector_store %arg10[%swap3A_191, %swap3A_192, %swap3A_193], %broadcast_in_dim3A_114 {strides = array<i32>} : memref<16x2x640xf32, #tpu.memory_space<vmem>>, vector<16xf32>,
      %swap3A_195 = arith.constant 5 : i32
      %swap3A_196 = arith.constant 0 : i32
      %swap3A_197 = arith.index_cast %swap3A_195 : i32 to index
      %swap3A_198 = arith.index_cast %swap3A_196 : i32 to index
      %swap3A_199 = arith.index_cast %mul3A_135 : i32 to index
      %swap3A_200 = tpu.vector_load %arg10[%swap3A_197, %swap3A_198, %swap3A_199] {strides = array<i32>} : memref<16x2x640xf32, #tpu.memory_space<vmem>>, vector<16xf32>,
      tpu.vector_store %arg10[%swap3A_197, %swap3A_198, %swap3A_199], %broadcast_in_dim3A_114 {strides = array<i32>} : memref<16x2x640xf32, #tpu.memory_space<vmem>>, vector<16xf32>,
      %swap3A_201 = arith.constant 5 : i32
      %swap3A_202 = arith.constant 1 : i32
      %swap3A_203 = arith.index_cast %swap3A_201 : i32 to index
      %swap3A_204 = arith.index_cast %swap3A_202 : i32 to index
      %swap3A_205 = arith.index_cast %mul3A_135 : i32 to index
      %swap3A_206 = tpu.vector_load %arg10[%swap3A_203, %swap3A_204, %swap3A_205] {strides = array<i32>} : memref<16x2x640xf32, #tpu.memory_space<vmem>>, vector<16xf32>,
      tpu.vector_store %arg10[%swap3A_203, %swap3A_204, %swap3A_205], %broadcast_in_dim3A_114 {strides = array<i32>} : memref<16x2x640xf32, #tpu.memory_space<vmem>>, vector<16xf32>,
      %swap3A_207 = arith.constant 6 : i32
      %swap3A_208 = arith.constant 0 : i32
      %swap3A_209 = arith.index_cast %swap3A_207 : i32 to index
      %swap3A_210 = arith.index_cast %swap3A_208 : i32 to index
      %swap3A_211 = arith.index_cast %mul3A_135 : i32 to index
      %swap3A_212 = tpu.vector_load %arg10[%swap3A_209, %swap3A_210, %swap3A_211] {strides = array<i32>} : memref<16x2x640xf32, #tpu.memory_space<vmem>>, vector<16xf32>,
      tpu.vector_store %arg10[%swap3A_209, %swap3A_210, %swap3A_211], %broadcast_in_dim3A_114 {strides = array<i32>} : memref<16x2x640xf32, #tpu.memory_space<vmem>>, vector<16xf32>,
      %swap3A_213 = arith.constant 6 : i32
      %swap3A_214 = arith.constant 1 : i32
      %swap3A_215 = arith.index_cast %swap3A_213 : i32 to index
      %swap3A_216 = arith.index_cast %swap3A_214 : i32 to index
      %swap3A_217 = arith.index_cast %mul3A_135 : i32 to index
      %swap3A_218 = tpu.vector_load %arg10[%swap3A_215, %swap3A_216, %swap3A_217] {strides = array<i32>} : memref<16x2x640xf32, #tpu.memory_space<vmem>>, vector<16xf32>,
      tpu.vector_store %arg10[%swap3A_215, %swap3A_216, %swap3A_217], %broadcast_in_dim3A_114 {strides = array<i32>} : memref<16x2x640xf32, #tpu.memory_space<vmem>>, vector<16xf32>,
      %swap3A_219 = arith.constant 7 : i32
      %swap3A_220 = arith.constant 0 : i32
      %swap3A_221 = arith.index_cast %swap3A_219 : i32 to index
      %swap3A_222 = arith.index_cast %swap3A_220 : i32 to index
      %swap3A_223 = arith.index_cast %mul3A_135 : i32 to index
      %swap3A_224 = tpu.vector_load %arg10[%swap3A_221, %swap3A_222, %swap3A_223] {strides = array<i32>} : memref<16x2x640xf32, #tpu.memory_space<vmem>>, vector<16xf32>,
      tpu.vector_store %arg10[%swap3A_221, %swap3A_222, %swap3A_223], %broadcast_in_dim3A_114 {strides = array<i32>} : memref<16x2x640xf32, #tpu.memory_space<vmem>>, vector<16xf32>,
      %swap3A_225 = arith.constant 7 : i32
      %swap3A_226 = arith.constant 1 : i32
      %swap3A_227 = arith.index_cast %swap3A_225 : i32 to index
      %swap3A_228 = arith.index_cast %swap3A_226 : i32 to index
      %swap3A_229 = arith.index_cast %mul3A_135 : i32 to index
      %swap3A_230 = tpu.vector_load %arg10[%swap3A_227, %swap3A_228, %swap3A_229] {strides = array<i32>} : memref<16x2x640xf32, #tpu.memory_space<vmem>>, vector<16xf32>,
      tpu.vector_store %arg10[%swap3A_227, %swap3A_228, %swap3A_229], %broadcast_in_dim3A_114 {strides = array<i32>} : memref<16x2x640xf32, #tpu.memory_space<vmem>>, vector<16xf32>,
      %swap3A_231 = arith.constant 8 : i32
      %swap3A_232 = arith.constant 0 : i32
      %swap3A_233 = arith.index_cast %swap3A_231 : i32 to index
      %swap3A_234 = arith.index_cast %swap3A_232 : i32 to index
      %swap3A_235 = arith.index_cast %mul3A_135 : i32 to index
      %swap3A_236 = tpu.vector_load %arg10[%swap3A_233, %swap3A_234, %swap3A_235] {strides = array<i32>} : memref<16x2x640xf32, #tpu.memory_space<vmem>>, vector<16xf32>,
      tpu.vector_store %arg10[%swap3A_233, %swap3A_234, %swap3A_235], %broadcast_in_dim3A_114 {strides = array<i32>} : memref<16x2x640xf32, #tpu.memory_space<vmem>>, vector<16xf32>,
      %swap3A_237 = arith.constant 8 : i32
      %swap3A_238 = arith.constant 1 : i32
      %swap3A_239 = arith.index_cast %swap3A_237 : i32 to index
      %swap3A_240 = arith.index_cast %swap3A_238 : i32 to index
      %swap3A_241 = arith.index_cast %mul3A_135 : i32 to index
      %swap3A_242 = tpu.vector_load %arg10[%swap3A_239, %swap3A_240, %swap3A_241] {strides = array<i32>} : memref<16x2x640xf32, #tpu.memory_space<vmem>>, vector<16xf32>,
      tpu.vector_store %arg10[%swap3A_239, %swap3A_240, %swap3A_241], %broadcast_in_dim3A_114 {strides = array<i32>} : memref<16x2x640xf32, #tpu.memory_space<vmem>>, vector<16xf32>,
      %swap3A_243 = arith.constant 9 : i32
      %swap3A_244 = arith.constant 0 : i32
      %swap3A_245 = arith.index_cast %swap3A_243 : i32 to index
      %swap3A_246 = arith.index_cast %swap3A_244 : i32 to index
      %swap3A_247 = arith.index_cast %mul3A_135 : i32 to index
      %swap3A_248 = tpu.vector_load %arg10[%swap3A_245, %swap3A_246, %swap3A_247] {strides = array<i32>} : memref<16x2x640xf32, #tpu.memory_space<vmem>>, vector<16xf32>,
      tpu.vector_store %arg10[%swap3A_245, %swap3A_246, %swap3A_247], %broadcast_in_dim3A_114 {strides = array<i32>} : memref<16x2x640xf32, #tpu.memory_space<vmem>>, vector<16xf32>,
      %swap3A_249 = arith.constant 9 : i32
      %swap3A_250 = arith.constant 1 : i32
      %swap3A_251 = arith.index_cast %swap3A_249 : i32 to index
      %swap3A_252 = arith.index_cast %swap3A_250 : i32 to index
      %swap3A_253 = arith.index_cast %mul3A_135 : i32 to index
      %swap3A_254 = tpu.vector_load %arg10[%swap3A_251, %swap3A_252, %swap3A_253] {strides = array<i32>} : memref<16x2x640xf32, #tpu.memory_space<vmem>>, vector<16xf32>,
      tpu.vector_store %arg10[%swap3A_251, %swap3A_252, %swap3A_253], %broadcast_in_dim3A_114 {strides = array<i32>} : memref<16x2x640xf32, #tpu.memory_space<vmem>>, vector<16xf32>,
      %swap3A_255 = arith.constant 10 : i32
      %swap3A_256 = arith.constant 0 : i32
      %swap3A_257 = arith.index_cast %swap3A_255 : i32 to index
      %swap3A_258 = arith.index_cast %swap3A_256 : i32 to index
      %swap3A_259 = arith.index_cast %mul3A_135 : i32 to index
      %swap3A_260 = tpu.vector_load %arg10[%swap3A_257, %swap3A_258, %swap3A_259] {strides = array<i32>} : memref<16x2x640xf32, #tpu.memory_space<vmem>>, vector<16xf32>,
      tpu.vector_store %arg10[%swap3A_257, %swap3A_258, %swap3A_259], %broadcast_in_dim3A_114 {strides = array<i32>} : memref<16x2x640xf32, #tpu.memory_space<vmem>>, vector<16xf32>,
      %swap3A_261 = arith.constant 10 : i32
      %swap3A_262 = arith.constant 1 : i32
      %swap3A_263 = arith.index_cast %swap3A_261 : i32 to index
      %swap3A_264 = arith.index_cast %swap3A_262 : i32 to index
      %swap3A_265 = arith.index_cast %mul3A_135 : i32 to index
      %swap3A_266 = tpu.vector_load %arg10[%swap3A_263, %swap3A_264, %swap3A_265] {strides = array<i32>} : memref<16x2x640xf32, #tpu.memory_space<vmem>>, vector<16xf32>,
      tpu.vector_store %arg10[%swap3A_263, %swap3A_264, %swap3A_265], %broadcast_in_dim3A_114 {strides = array<i32>} : memref<16x2x640xf32, #tpu.memory_space<vmem>>, vector<16xf32>,
      %swap3A_267 = arith.constant 11 : i32
      %swap3A_268 = arith.constant 0 : i32
      %swap3A_269 = arith.index_cast %swap3A_267 : i32 to index
      %swap3A_270 = arith.index_cast %swap3A_268 : i32 to index
      %swap3A_271 = arith.index_cast %mul3A_135 : i32 to index
      %swap3A_272 = tpu.vector_load %arg10[%swap3A_269, %swap3A_270, %swap3A_271] {strides = array<i32>} : memref<16x2x640xf32, #tpu.memory_space<vmem>>, vector<16xf32>,
      tpu.vector_store %arg10[%swap3A_269, %swap3A_270, %swap3A_271], %broadcast_in_dim3A_114 {strides = array<i32>} : memref<16x2x640xf32, #tpu.memory_space<vmem>>, vector<16xf32>,
      %swap3A_273 = arith.constant 11 : i32
      %swap3A_274 = arith.constant 1 : i32
      %swap3A_275 = arith.index_cast %swap3A_273 : i32 to index
      %swap3A_276 = arith.index_cast %swap3A_274 : i32 to index
      %swap3A_277 = arith.index_cast %mul3A_135 : i32 to index
      %swap3A_278 = tpu.vector_load %arg10[%swap3A_275, %swap3A_276, %swap3A_277] {strides = array<i32>} : memref<16x2x640xf32, #tpu.memory_space<vmem>>, vector<16xf32>,
      tpu.vector_store %arg10[%swap3A_275, %swap3A_276, %swap3A_277], %broadcast_in_dim3A_114 {strides = array<i32>} : memref<16x2x640xf32, #tpu.memory_space<vmem>>, vector<16xf32>,
      %swap3A_279 = arith.constant 12 : i32
      %swap3A_280 = arith.constant 0 : i32
      %swap3A_281 = arith.index_cast %swap3A_279 : i32 to index
      %swap3A_282 = arith.index_cast %swap3A_280 : i32 to index
      %swap3A_283 = arith.index_cast %mul3A_135 : i32 to index
      %swap3A_284 = tpu.vector_load %arg10[%swap3A_281, %swap3A_282, %swap3A_283] {strides = array<i32>} : memref<16x2x640xf32, #tpu.memory_space<vmem>>, vector<16xf32>,
      tpu.vector_store %arg10[%swap3A_281, %swap3A_282, %swap3A_283], %broadcast_in_dim3A_114 {strides = array<i32>} : memref<16x2x640xf32, #tpu.memory_space<vmem>>, vector<16xf32>,
      %swap3A_285 = arith.constant 12 : i32
      %swap3A_286 = arith.constant 1 : i32
      %swap3A_287 = arith.index_cast %swap3A_285 : i32 to index
      %swap3A_288 = arith.index_cast %swap3A_286 : i32 to index
      %swap3A_289 = arith.index_cast %mul3A_135 : i32 to index
      %swap3A_290 = tpu.vector_load %arg10[%swap3A_287, %swap3A_288, %swap3A_289] {strides = array<i32>} : memref<16x2x640xf32, #tpu.memory_space<vmem>>, vector<16xf32>,
      tpu.vector_store %arg10[%swap3A_287, %swap3A_288, %swap3A_289], %broadcast_in_dim3A_114 {strides = array<i32>} : memref<16x2x640xf32, #tpu.memory_space<vmem>>, vector<16xf32>,
      %swap3A_291 = arith.constant 13 : i32
      %swap3A_292 = arith.constant 0 : i32
      %swap3A_293 = arith.index_cast %swap3A_291 : i32 to index
      %swap3A_294 = arith.index_cast %swap3A_292 : i32 to index
      %swap3A_295 = arith.index_cast %mul3A_135 : i32 to index
      %swap3A_296 = tpu.vector_load %arg10[%swap3A_293, %swap3A_294, %swap3A_295] {strides = array<i32>} : memref<16x2x640xf32, #tpu.memory_space<vmem>>, vector<16xf32>,
      tpu.vector_store %arg10[%swap3A_293, %swap3A_294, %swap3A_295], %broadcast_in_dim3A_114 {strides = array<i32>} : memref<16x2x640xf32, #tpu.memory_space<vmem>>, vector<16xf32>,
      %swap3A_297 = arith.constant 13 : i32
      %swap3A_298 = arith.constant 1 : i32
      %swap3A_299 = arith.index_cast %swap3A_297 : i32 to index
      %swap3A_300 = arith.index_cast %swap3A_298 : i32 to index
      %swap3A_301 = arith.index_cast %mul3A_135 : i32 to index
      %swap3A_302 = tpu.vector_load %arg10[%swap3A_299, %swap3A_300, %swap3A_301] {strides = array<i32>} : memref<16x2x640xf32, #tpu.memory_space<vmem>>, vector<16xf32>,
      tpu.vector_store %arg10[%swap3A_299, %swap3A_300, %swap3A_301], %broadcast_in_dim3A_114 {strides = array<i32>} : memref<16x2x640xf32, #tpu.memory_space<vmem>>, vector<16xf32>,
      %swap3A_303 = arith.constant 14 : i32
      %swap3A_304 = arith.constant 0 : i32
      %swap3A_305 = arith.index_cast %swap3A_303 : i32 to index
      %swap3A_306 = arith.index_cast %swap3A_304 : i32 to index
      %swap3A_307 = arith.index_cast %mul3A_135 : i32 to index
      %swap3A_308 = tpu.vector_load %arg10[%swap3A_305, %swap3A_306, %swap3A_307] {strides = array<i32>} : memref<16x2x640xf32, #tpu.memory_space<vmem>>, vector<16xf32>,
      tpu.vector_store %arg10[%swap3A_305, %swap3A_306, %swap3A_307], %broadcast_in_dim3A_114 {strides = array<i32>} : memref<16x2x640xf32, #tpu.memory_space<vmem>>, vector<16xf32>,
      %swap3A_309 = arith.constant 14 : i32
      %swap3A_310 = arith.constant 1 : i32
      %swap3A_311 = arith.index_cast %swap3A_309 : i32 to index
      %swap3A_312 = arith.index_cast %swap3A_310 : i32 to index
      %swap3A_313 = arith.index_cast %mul3A_135 : i32 to index
      %swap3A_314 = tpu.vector_load %arg10[%swap3A_311, %swap3A_312, %swap3A_313] {strides = array<i32>} : memref<16x2x640xf32, #tpu.memory_space<vmem>>, vector<16xf32>,
      tpu.vector_store %arg10[%swap3A_311, %swap3A_312, %swap3A_313], %broadcast_in_dim3A_114 {strides = array<i32>} : memref<16x2x640xf32, #tpu.memory_space<vmem>>, vector<16xf32>,
      %swap3A_315 = arith.constant 15 : i32
      %swap3A_316 = arith.constant 0 : i32
      %swap3A_317 = arith.index_cast %swap3A_315 : i32 to index
      %swap3A_318 = arith.index_cast %swap3A_316 : i32 to index
      %swap3A_319 = arith.index_cast %mul3A_135 : i32 to index
      %swap3A_320 = tpu.vector_load %arg10[%swap3A_317, %swap3A_318, %swap3A_319] {strides = array<i32>} : memref<16x2x640xf32, #tpu.memory_space<vmem>>, vector<16xf32>,
      tpu.vector_store %arg10[%swap3A_317, %swap3A_318, %swap3A_319], %broadcast_in_dim3A_114 {strides = array<i32>} : memref<16x2x640xf32, #tpu.memory_space<vmem>>, vector<16xf32>,
      %swap3A_321 = arith.constant 15 : i32
      %swap3A_322 = arith.constant 1 : i32
      %swap3A_323 = arith.index_cast %swap3A_321 : i32 to index
      %swap3A_324 = arith.index_cast %swap3A_322 : i32 to index
      %swap3A_325 = arith.index_cast %mul3A_135 : i32 to index
      %swap3A_326 = tpu.vector_load %arg10[%swap3A_323, %swap3A_324, %swap3A_325] {strides = array<i32>} : memref<16x2x640xf32, #tpu.memory_space<vmem>>, vector<16xf32>,
      tpu.vector_store %arg10[%swap3A_323, %swap3A_324, %swap3A_325], %broadcast_in_dim3A_114 {strides = array<i32>} : memref<16x2x640xf32, #tpu.memory_space<vmem>>, vector<16xf32>,
    }
    %scan3A_119 = arith.constant 40 : i32
    tpu.wait_dma2 semaphore(%arg18 : memref<!tpu.dma_semaphore, #tpu.memory_space<semaphore_mem>>) src(%arg7 : memref<2x10240xf32, #tpu.memory_space<vmem_shared>>) dst(%arg9 : memref<2x10240xf32, #tpu.memory_space<vmem>>)
    %dma_wait3A_120 = tpu.memref_slice %arg5[%mul3A_36] : memref<320000xi32, #tpu.memory_space<hbm>> -> memref<10000xi32, #tpu.memory_space<hbm>>
    %dma_wait3A_121 = tpu.memref_slice %arg5[%mul3A_36] : memref<320000xi32, #tpu.memory_space<hbm>> -> memref<10000xi32, #tpu.memory_space<hbm>>
    tpu.wait_dma2 semaphore(%arg22 : memref<!tpu.dma_semaphore, #tpu.memory_space<semaphore_mem>>) src(%dma_wait3A_121 : memref<10000xi32, #tpu.memory_space<hbm>>) dst(%arg11 : memref<10000xi32, #tpu.memory_space<vmem>>)
    %scan3A_122 = arith.constant 0 : i32
    %scan3A_123 = arith.constant 625 : i32
    %scan3A_124 = arith.addi %scan3A_122, %scan3A_123 : i32
    %scan3A_125 = arith.constant 5 : i32
    scf.for %scan3A_129 = %scan3A_122 to %scan3A_124 step %scan3A_125  : i32 {
      %mul3A_130 = arith.constant 1 : i32
      %mul3A_131 = arith.muli %scan3A_129, %mul3A_130 : i32
      %add3A_132 = arith.constant 0 : i32
      %add3A_133 = arith.addi %add3A_132, %mul3A_131 : i32
      %mul3A_134 = arith.constant 16 : i32
      %mul3A_135 = arith.muli %add3A_133, %mul3A_134 : i32
      %get3A_136 = arith.index_cast %mul3A_135 : i32 to index
      %get3A_137 = tpu.vector_load %arg11[%get3A_136] {strides = array<i32>} : memref<10000xi32, #tpu.memory_space<vmem>>, vector<16xi32>,
      %and3A_138 = arith.constant 16383 : i32
      %and3A_139 = vector.broadcast %and3A_138 : i32 to vector<16xi32>
      %and3A_140 = arith.andi %get3A_137, %and3A_139 : vector<16xi32>
      %shift_right_arithmetic3A = arith.constant 14 : i32
      %shift_right_arithmetic3A_141 = vector.broadcast %shift_right_arithmetic3A : i32 to vector<16xi32>
      %shift_right_arithmetic3A_142 = arith.shrsi %get3A_137, %shift_right_arithmetic3A_141 : vector<16xi32>
      %and3A_143 = arith.constant 15 : i32
      %and3A_144 = vector.broadcast %and3A_143 : i32 to vector<16xi32>
      %and3A_145 = arith.andi %shift_right_arithmetic3A_142, %and3A_144 : vector<16xi32>
      %shift_right_arithmetic3A_146 = arith.constant 18 : i32
      %shift_right_arithmetic3A_147 = vector.broadcast %shift_right_arithmetic3A_146 : i32 to vector<16xi32>
      %shift_right_arithmetic3A_148 = arith.shrsi %get3A_137, %shift_right_arithmetic3A_147 : vector<16xi32>
      %gather3A = tpu.vector_load_idx %arg9[%broadcast_in_dim3A_47, %and3A_140] : memref<2x10240xf32, #tpu.memory_space<vmem>>[vector<16xi32>, vector<16xi32>], vector<16xf32>,
      %gather3A_149 = tpu.vector_load_idx %arg9[%broadcast_in_dim3A_49, %and3A_140] : memref<2x10240xf32, #tpu.memory_space<vmem>>[vector<16xi32>, vector<16xi32>], vector<16xf32>,
      tpu.vector_store_idx %arg10[%and3A_145, %broadcast_in_dim3A_47, %shift_right_arithmetic3A_148], %gather3A {add = true} : memref<16x2x640xf32, #tpu.memory_space<vmem>>[vector<16xi32>, vector<16xi32>, vector<16xi32>], vector<16xf32>,
      tpu.vector_store_idx %arg10[%and3A_145, %broadcast_in_dim3A_49, %shift_right_arithmetic3A_148], %gather3A_149 {add = true} : memref<16x2x640xf32, #tpu.memory_space<vmem>>[vector<16xi32>, vector<16xi32>, vector<16xi32>], vector<16xf32>,
      %scan3A_150 = arith.constant 1 : i32
      %scan3A_151 = arith.addi %scan3A_129, %scan3A_150 : i32
      %mul3A_152 = arith.constant 1 : i32
      %mul3A_153 = arith.muli %scan3A_151, %mul3A_152 : i32
      %add3A_154 = arith.constant 0 : i32
      %add3A_155 = arith.addi %add3A_154, %mul3A_153 : i32
      %mul3A_156 = arith.constant 16 : i32
      %mul3A_157 = arith.muli %add3A_155, %mul3A_156 : i32
      %get3A_158 = arith.index_cast %mul3A_157 : i32 to index
      %get3A_159 = tpu.vector_load %arg11[%get3A_158] {strides = array<i32>} : memref<10000xi32, #tpu.memory_space<vmem>>, vector<16xi32>,
      %and3A_160 = arith.constant 16383 : i32
      %and3A_161 = vector.broadcast %and3A_160 : i32 to vector<16xi32>
      %and3A_162 = arith.andi %get3A_159, %and3A_161 : vector<16xi32>
      %shift_right_arithmetic3A_163 = arith.constant 14 : i32
      %shift_right_arithmetic3A_164 = vector.broadcast %shift_right_arithmetic3A_163 : i32 to vector<16xi32>
      %shift_right_arithmetic3A_165 = arith.shrsi %get3A_159, %shift_right_arithmetic3A_164 : vector<16xi32>
      %and3A_166 = arith.constant 15 : i32
      %and3A_167 = vector.broadcast %and3A_166 : i32 to vector<16xi32>
      %and3A_168 = arith.andi %shift_right_arithmetic3A_165, %and3A_167 : vector<16xi32>
      %shift_right_arithmetic3A_169 = arith.constant 18 : i32
      %shift_right_arithmetic3A_170 = vector.broadcast %shift_right_arithmetic3A_169 : i32 to vector<16xi32>
      %shift_right_arithmetic3A_171 = arith.shrsi %get3A_159, %shift_right_arithmetic3A_170 : vector<16xi32>
      %gather3A_172 = tpu.vector_load_idx %arg9[%broadcast_in_dim3A_47, %and3A_162] : memref<2x10240xf32, #tpu.memory_space<vmem>>[vector<16xi32>, vector<16xi32>], vector<16xf32>,
      %gather3A_173 = tpu.vector_load_idx %arg9[%broadcast_in_dim3A_49, %and3A_162] : memref<2x10240xf32, #tpu.memory_space<vmem>>[vector<16xi32>, vector<16xi32>], vector<16xf32>,
      tpu.vector_store_idx %arg10[%and3A_168, %broadcast_in_dim3A_47, %shift_right_arithmetic3A_171], %gather3A_172 {add = true} : memref<16x2x640xf32, #tpu.memory_space<vmem>>[vector<16xi32>, vector<16xi32>, vector<16xi32>], vector<16xf32>,
      tpu.vector_store_idx %arg10[%and3A_168, %broadcast_in_dim3A_49, %shift_right_arithmetic3A_171], %gather3A_173 {add = true} : memref<16x2x640xf32, #tpu.memory_space<vmem>>[vector<16xi32>, vector<16xi32>, vector<16xi32>], vector<16xf32>,
      %scan3A_174 = arith.constant 2 : i32
      %scan3A_175 = arith.addi %scan3A_129, %scan3A_174 : i32
      %mul3A_176 = arith.constant 1 : i32
      %mul3A_177 = arith.muli %scan3A_175, %mul3A_176 : i32
      %add3A_178 = arith.constant 0 : i32
      %add3A_179 = arith.addi %add3A_178, %mul3A_177 : i32
      %mul3A_180 = arith.constant 16 : i32
      %mul3A_181 = arith.muli %add3A_179, %mul3A_180 : i32
      %get3A_182 = arith.index_cast %mul3A_181 : i32 to index
      %get3A_183 = tpu.vector_load %arg11[%get3A_182] {strides = array<i32>} : memref<10000xi32, #tpu.memory_space<vmem>>, vector<16xi32>,
      %and3A_184 = arith.constant 16383 : i32
      %and3A_185 = vector.broadcast %and3A_184 : i32 to vector<16xi32>
      %and3A_186 = arith.andi %get3A_183, %and3A_185 : vector<16xi32>
      %shift_right_arithmetic3A_187 = arith.constant 14 : i32
      %shift_right_arithmetic3A_188 = vector.broadcast %shift_right_arithmetic3A_187 : i32 to vector<16xi32>
      %shift_right_arithmetic3A_189 = arith.shrsi %get3A_183, %shift_right_arithmetic3A_188 : vector<16xi32>
      %and3A_190 = arith.constant 15 : i32
      %and3A_191 = vector.broadcast %and3A_190 : i32 to vector<16xi32>
      %and3A_192 = arith.andi %shift_right_arithmetic3A_189, %and3A_191 : vector<16xi32>
      %shift_right_arithmetic3A_193 = arith.constant 18 : i32
      %shift_right_arithmetic3A_194 = vector.broadcast %shift_right_arithmetic3A_193 : i32 to vector<16xi32>
      %shift_right_arithmetic3A_195 = arith.shrsi %get3A_183, %shift_right_arithmetic3A_194 : vector<16xi32>
      %gather3A_196 = tpu.vector_load_idx %arg9[%broadcast_in_dim3A_47, %and3A_186] : memref<2x10240xf32, #tpu.memory_space<vmem>>[vector<16xi32>, vector<16xi32>], vector<16xf32>,
      %gather3A_197 = tpu.vector_load_idx %arg9[%broadcast_in_dim3A_49, %and3A_186] : memref<2x10240xf32, #tpu.memory_space<vmem>>[vector<16xi32>, vector<16xi32>], vector<16xf32>,
      tpu.vector_store_idx %arg10[%and3A_192, %broadcast_in_dim3A_47, %shift_right_arithmetic3A_195], %gather3A_196 {add = true} : memref<16x2x640xf32, #tpu.memory_space<vmem>>[vector<16xi32>, vector<16xi32>, vector<16xi32>], vector<16xf32>,
      tpu.vector_store_idx %arg10[%and3A_192, %broadcast_in_dim3A_49, %shift_right_arithmetic3A_195], %gather3A_197 {add = true} : memref<16x2x640xf32, #tpu.memory_space<vmem>>[vector<16xi32>, vector<16xi32>, vector<16xi32>], vector<16xf32>,
      %scan3A_198 = arith.constant 3 : i32
      %scan3A_199 = arith.addi %scan3A_129, %scan3A_198 : i32
      %mul3A_200 = arith.constant 1 : i32
      %mul3A_201 = arith.muli %scan3A_199, %mul3A_200 : i32
      %add3A_202 = arith.constant 0 : i32
      %add3A_203 = arith.addi %add3A_202, %mul3A_201 : i32
      %mul3A_204 = arith.constant 16 : i32
      %mul3A_205 = arith.muli %add3A_203, %mul3A_204 : i32
      %get3A_206 = arith.index_cast %mul3A_205 : i32 to index
      %get3A_207 = tpu.vector_load %arg11[%get3A_206] {strides = array<i32>} : memref<10000xi32, #tpu.memory_space<vmem>>, vector<16xi32>,
      %and3A_208 = arith.constant 16383 : i32
      %and3A_209 = vector.broadcast %and3A_208 : i32 to vector<16xi32>
      %and3A_210 = arith.andi %get3A_207, %and3A_209 : vector<16xi32>
      %shift_right_arithmetic3A_211 = arith.constant 14 : i32
      %shift_right_arithmetic3A_212 = vector.broadcast %shift_right_arithmetic3A_211 : i32 to vector<16xi32>
      %shift_right_arithmetic3A_213 = arith.shrsi %get3A_207, %shift_right_arithmetic3A_212 : vector<16xi32>
      %and3A_214 = arith.constant 15 : i32
      %and3A_215 = vector.broadcast %and3A_214 : i32 to vector<16xi32>
      %and3A_216 = arith.andi %shift_right_arithmetic3A_213, %and3A_215 : vector<16xi32>
      %shift_right_arithmetic3A_217 = arith.constant 18 : i32
      %shift_right_arithmetic3A_218 = vector.broadcast %shift_right_arithmetic3A_217 : i32 to vector<16xi32>
      %shift_right_arithmetic3A_219 = arith.shrsi %get3A_207, %shift_right_arithmetic3A_218 : vector<16xi32>
      %gather3A_220 = tpu.vector_load_idx %arg9[%broadcast_in_dim3A_47, %and3A_210] : memref<2x10240xf32, #tpu.memory_space<vmem>>[vector<16xi32>, vector<16xi32>], vector<16xf32>,
      %gather3A_221 = tpu.vector_load_idx %arg9[%broadcast_in_dim3A_49, %and3A_210] : memref<2x10240xf32, #tpu.memory_space<vmem>>[vector<16xi32>, vector<16xi32>], vector<16xf32>,
      tpu.vector_store_idx %arg10[%and3A_216, %broadcast_in_dim3A_47, %shift_right_arithmetic3A_219], %gather3A_220 {add = true} : memref<16x2x640xf32, #tpu.memory_space<vmem>>[vector<16xi32>, vector<16xi32>, vector<16xi32>], vector<16xf32>,
      tpu.vector_store_idx %arg10[%and3A_216, %broadcast_in_dim3A_49, %shift_right_arithmetic3A_219], %gather3A_221 {add = true} : memref<16x2x640xf32, #tpu.memory_space<vmem>>[vector<16xi32>, vector<16xi32>, vector<16xi32>], vector<16xf32>,
      %scan3A_222 = arith.constant 4 : i32
      %scan3A_223 = arith.addi %scan3A_129, %scan3A_222 : i32
      %mul3A_224 = arith.constant 1 : i32
      %mul3A_225 = arith.muli %scan3A_223, %mul3A_224 : i32
      %add3A_226 = arith.constant 0 : i32
      %add3A_227 = arith.addi %add3A_226, %mul3A_225 : i32
      %mul3A_228 = arith.constant 16 : i32
      %mul3A_229 = arith.muli %add3A_227, %mul3A_228 : i32
      %get3A_230 = arith.index_cast %mul3A_229 : i32 to index
      %get3A_231 = tpu.vector_load %arg11[%get3A_230] {strides = array<i32>} : memref<10000xi32, #tpu.memory_space<vmem>>, vector<16xi32>,
      %and3A_232 = arith.constant 16383 : i32
      %and3A_233 = vector.broadcast %and3A_232 : i32 to vector<16xi32>
      %and3A_234 = arith.andi %get3A_231, %and3A_233 : vector<16xi32>
      %shift_right_arithmetic3A_235 = arith.constant 14 : i32
      %shift_right_arithmetic3A_236 = vector.broadcast %shift_right_arithmetic3A_235 : i32 to vector<16xi32>
      %shift_right_arithmetic3A_237 = arith.shrsi %get3A_231, %shift_right_arithmetic3A_236 : vector<16xi32>
      %and3A_238 = arith.constant 15 : i32
      %and3A_239 = vector.broadcast %and3A_238 : i32 to vector<16xi32>
      %and3A_240 = arith.andi %shift_right_arithmetic3A_237, %and3A_239 : vector<16xi32>
      %shift_right_arithmetic3A_241 = arith.constant 18 : i32
      %shift_right_arithmetic3A_242 = vector.broadcast %shift_right_arithmetic3A_241 : i32 to vector<16xi32>
      %shift_right_arithmetic3A_243 = arith.shrsi %get3A_231, %shift_right_arithmetic3A_242 : vector<16xi32>
      %gather3A_244 = tpu.vector_load_idx %arg9[%broadcast_in_dim3A_47, %and3A_234] : memref<2x10240xf32, #tpu.memory_space<vmem>>[vector<16xi32>, vector<16xi32>], vector<16xf32>,
      %gather3A_245 = tpu.vector_load_idx %arg9[%broadcast_in_dim3A_49, %and3A_234] : memref<2x10240xf32, #tpu.memory_space<vmem>>[vector<16xi32>, vector<16xi32>], vector<16xf32>,
      tpu.vector_store_idx %arg10[%and3A_240, %broadcast_in_dim3A_47, %shift_right_arithmetic3A_243], %gather3A_244 {add = true} : memref<16x2x640xf32, #tpu.memory_space<vmem>>[vector<16xi32>, vector<16xi32>, vector<16xi32>], vector<16xf32>,
      tpu.vector_store_idx %arg10[%and3A_240, %broadcast_in_dim3A_49, %shift_right_arithmetic3A_243], %gather3A_245 {add = true} : memref<16x2x640xf32, #tpu.memory_space<vmem>>[vector<16xi32>, vector<16xi32>, vector<16xi32>], vector<16xf32>,
    }
    %scan3A_126 = arith.constant 625 : i32
    "tpu.region"() ({
      %run_scoped3A_129 = tpu.sem_alloc : memref<!tpu.dma_semaphore, #tpu.memory_space<semaphore_mem>>
      %dma_start3A_130 = arith.constant 0 : i32
      %dma_start3A_131 = arith.constant 0 : i32
      %dma_start3A_132 = arith.constant 0 : i32
      %dma_start3A_133 = tpu.memref_slice %arg8[%dma_start3A_130, %dma_start3A_131, %dma_start3A_132] : memref<16x2x640xf32, #tpu.memory_space<vmem_shared>> -> memref<16x2x640xf32, #tpu.memory_space<vmem_shared>>
      tpu.enqueue_indirect_dma source(%arg10 : memref<16x2x640xf32, #tpu.memory_space<vmem>>) target(%dma_start3A_133 : memref<16x2x640xf32, #tpu.memory_space<vmem_shared>>) offsets(%iota3A_52 : vector<16xi32>) semaphore(%run_scoped3A_129 : memref<!tpu.dma_semaphore, #tpu.memory_space<semaphore_mem>>) {add = true}
      %dma_wait3A_134 = arith.constant 0 : i32
      %dma_wait3A_135 = arith.constant 0 : i32
      %dma_wait3A_136 = arith.constant 0 : i32
      %dma_wait3A_137 = tpu.memref_slice %arg8[%dma_wait3A_134, %dma_wait3A_135, %dma_wait3A_136] : memref<16x2x640xf32, #tpu.memory_space<vmem_shared>> -> memref<16x2x640xf32, #tpu.memory_space<vmem_shared>>
      tpu.wait_indirect_dma semaphore(%run_scoped3A_129 : memref<!tpu.dma_semaphore, #tpu.memory_space<semaphore_mem>>) src(%arg10 : memref<16x2x640xf32, #tpu.memory_space<vmem>>) dst(%dma_wait3A_137 : memref<16x2x640xf32, #tpu.memory_space<vmem_shared>>)
      tpu.yield
    }) : () -> ()
    %barrier3A_127 = arith.constant 0 : index
    tpu.barrier barrier_id(%barrier3A_127)
    %barrier3A_128 = arith.constant 0 : index
    tpu.barrier barrier_id(%barrier3A_128)
    "tpu.region"() ({
      %run_scoped3A_129 = tpu.sem_alloc : memref<!tpu.dma_semaphore, #tpu.memory_space<semaphore_mem>>
      %dma_start3A_130 = arith.constant 0 : i32
      %dma_start3A_131 = arith.constant 0 : i32
      %dma_start3A_132 = arith.constant 0 : i32
      %dma_start3A_133 = tpu.memref_slice %arg6[%arg0, %arg1, %dma_start3A_130, %dma_start3A_131, %dma_start3A_132] : memref<7x16x16x2x40xf32, #tpu.memory_space<hbm>> -> memref<1x1x16x2x40xf32, #tpu.memory_space<hbm>>
      %dma_start3A_134 = tpu.memref_squeeze %dma_start3A_133 : memref<1x1x16x2x40xf32, #tpu.memory_space<hbm>> -> memref<16x2x40xf32, #tpu.memory_space<hbm>>
      %dma_start3A_135 = arith.constant 0 : i32
      %dma_start3A_136 = arith.constant 0 : i32
      %dma_start3A_137 = tpu.memref_slice %arg8[%dma_start3A_135, %dma_start3A_136, %mul3A_4] : memref<16x2x640xf32, #tpu.memory_space<vmem_shared>> -> memref<16x2x40xf32, #tpu.memory_space<vmem_shared>>
      tpu.enqueue_dma source(%dma_start3A_137 : memref<16x2x40xf32, #tpu.memory_space<vmem_shared>>) target(%dma_start3A_134 : memref<16x2x40xf32, #tpu.memory_space<hbm>>) target_semaphore(%run_scoped3A_129 : memref<!tpu.dma_semaphore, #tpu.memory_space<semaphore_mem>>)
      %dma_wait3A_138 = arith.constant 0 : i32
      %dma_wait3A_139 = arith.constant 0 : i32
      %dma_wait3A_140 = arith.constant 0 : i32
      %dma_wait3A_141 = tpu.memref_slice %arg6[%arg0, %arg1, %dma_wait3A_138, %dma_wait3A_139, %dma_wait3A_140] : memref<7x16x16x2x40xf32, #tpu.memory_space<hbm>> -> memref<1x1x16x2x40xf32, #tpu.memory_space<hbm>>
      %dma_wait3A_142 = tpu.memref_squeeze %dma_wait3A_141 : memref<1x1x16x2x40xf32, #tpu.memory_space<hbm>> -> memref<16x2x40xf32, #tpu.memory_space<hbm>>
      %dma_wait3A_143 = arith.constant 0 : i32
      %dma_wait3A_144 = arith.constant 0 : i32
      %dma_wait3A_145 = tpu.memref_slice %arg8[%dma_wait3A_143, %dma_wait3A_144, %mul3A_4] : memref<16x2x640xf32, #tpu.memory_space<vmem_shared>> -> memref<16x2x40xf32, #tpu.memory_space<vmem_shared>>
      tpu.wait_dma2 semaphore(%run_scoped3A_129 : memref<!tpu.dma_semaphore, #tpu.memory_space<semaphore_mem>>) src(%dma_wait3A_145 : memref<16x2x40xf32, #tpu.memory_space<vmem_shared>>) dst(%dma_wait3A_142 : memref<16x2x40xf32, #tpu.memory_space<hbm>>)
      tpu.yield
    }) : () -> ()
    return
  }
}

module attributes {stable_mosaic.version = 14 : i64} {
  func.func @_mm_body(%arg0: i32, %arg1: memref<2000x128xf32, #tpu.memory_space<vmem>>, %arg2: memref<128x4xf32, #tpu.memory_space<vmem>>, %arg3: memref<2000x4xf32, #tpu.memory_space<vmem>>) attributes {dimension_semantics = [#tpu.dimension_semantics<arbitrary>], iteration_bounds = array<i64: 5>, scalar_prefetch = 0 : i64, scratch_operands = 0 : i64, tpu.core_type = #tpu.core_type<tc>, window_params = [{transform_indices = @transform_0, window_bounds = array<i64: 2000, 128>}, {pipeline_mode = #tpu.pipeline_mode<synchronous>, transform_indices = @transform_1, window_bounds = array<i64: 128, 4>}, {transform_indices = @transform_2, window_bounds = array<i64: 2000, 4>}]} {
    %get3A = arith.constant 0 : index
    %get3A_0 = arith.constant 0 : index
    %get3A_1 = vector.load %arg1[%get3A, %get3A_0] : memref<2000x128xf32, #tpu.memory_space<vmem>>, vector<2000x128xf32>
    %get3A_2 = arith.constant 0 : index
    %get3A_3 = arith.constant 0 : index
    %get3A_4 = vector.load %arg2[%get3A_2, %get3A_3] : memref<128x4xf32, #tpu.memory_space<vmem>>, vector<128x4xf32>
    %dot_general3A = arith.constant dense<0.000000e+00> : vector<2000x4xf32>
    %dot_general3A_5 = tpu.matmul %get3A_1, %get3A_4, %dot_general3A {dimension_numbers = #tpu.dot_dimension_numbers<[1], [0], [0], [1], [0, 0, 1, 1], [], []>, precision = #tpu.contract_precision<fp32>, transpose_lhs_hint = false} : vector<2000x128xf32>, vector<128x4xf32>, vector<2000x4xf32> -> vector<2000x4xf32>
    %swap3A = arith.constant 0 : index
    %swap3A_6 = arith.constant 0 : index
    %swap3A_7 = vector.load %arg3[%swap3A, %swap3A_6] : memref<2000x4xf32, #tpu.memory_space<vmem>>, vector<2000x4xf32>
    tpu.vector_store %arg3[%swap3A, %swap3A_6], %dot_general3A_5 {strides = array<i32>} : memref<2000x4xf32, #tpu.memory_space<vmem>>, vector<2000x4xf32>,
    return
  }
  func.func @transform_0(%arg0: i32) -> (i32, i32) {
    %c0_i32 = arith.constant 0 : i32
    %c0_i32_0 = arith.constant 0 : i32
    return %arg0, %c0_i32 : i32, i32
  }
  func.func @transform_1(%arg0: i32) -> (i32, i32) {
    %c0_i32 = arith.constant 0 : i32
    %c0_i32_0 = arith.constant 0 : i32
    %c0_i32_1 = arith.constant 0 : i32
    return %c0_i32, %c0_i32_0 : i32, i32
  }
  func.func @transform_2(%arg0: i32) -> (i32, i32) {
    %c0_i32 = arith.constant 0 : i32
    %c0_i32_0 = arith.constant 0 : i32
    return %arg0, %c0_i32 : i32, i32
  }
}

module attributes {stable_mosaic.version = 14 : i64} {
  func.func @_pack_body(%arg0: memref<2x2500x128xi32, #tpu.memory_space<vmem>>, %arg1: memref<2500x128xi32, #tpu.memory_space<vmem>>) attributes {dimension_semantics = [], scalar_prefetch = 0 : i64, scratch_operands = 0 : i64, tpu.core_type = #tpu.core_type<tc>} {
    %get3A = arith.constant 0 : index
    %get3A_0 = arith.constant 0 : index
    %get3A_1 = arith.constant 0 : index
    %get3A_2 = vector.load %arg0[%get3A, %get3A_0, %get3A_1] : memref<2x2500x128xi32, #tpu.memory_space<vmem>>, vector<1x2500x128xi32>
    %get3A_3 = vector.shape_cast %get3A_2 : vector<1x2500x128xi32> to vector<2500x128xi32>
    %get3A_4 = arith.constant 1 : index
    %get3A_5 = arith.constant 0 : index
    %get3A_6 = arith.constant 0 : index
    %get3A_7 = vector.load %arg0[%get3A_4, %get3A_5, %get3A_6] : memref<2x2500x128xi32, #tpu.memory_space<vmem>>, vector<1x2500x128xi32>
    %get3A_8 = vector.shape_cast %get3A_7 : vector<1x2500x128xi32> to vector<2500x128xi32>
    %and3A = arith.constant 15 : i32
    %and3A_9 = vector.broadcast %and3A : i32 to vector<2500x128xi32>
    %and3A_10 = arith.andi %get3A_8, %and3A_9 : vector<2500x128xi32>
    %shift_left3A = arith.constant 14 : i32
    %shift_left3A_11 = vector.broadcast %shift_left3A : i32 to vector<2500x128xi32>
    %shift_left3A_12 = arith.shli %and3A_10, %shift_left3A_11 : vector<2500x128xi32>
    %or3A = arith.ori %get3A_3, %shift_left3A_12 : vector<2500x128xi32>
    %shift_right_arithmetic3A = arith.constant 4 : i32
    %shift_right_arithmetic3A_13 = vector.broadcast %shift_right_arithmetic3A : i32 to vector<2500x128xi32>
    %shift_right_arithmetic3A_14 = arith.shrsi %get3A_8, %shift_right_arithmetic3A_13 : vector<2500x128xi32>
    %shift_left3A_15 = arith.constant 18 : i32
    %shift_left3A_16 = vector.broadcast %shift_left3A_15 : i32 to vector<2500x128xi32>
    %shift_left3A_17 = arith.shli %shift_right_arithmetic3A_14, %shift_left3A_16 : vector<2500x128xi32>
    %or3A_18 = arith.ori %or3A, %shift_left3A_17 : vector<2500x128xi32>
    %swap3A = arith.constant 0 : index
    %swap3A_19 = arith.constant 0 : index
    %swap3A_20 = vector.load %arg1[%swap3A, %swap3A_19] : memref<2500x128xi32, #tpu.memory_space<vmem>>, vector<2500x128xi32>
    tpu.vector_store %arg1[%swap3A, %swap3A_19], %or3A_18 {strides = array<i32>} : memref<2500x128xi32, #tpu.memory_space<vmem>>, vector<2500x128xi32>,
    return
  }
}

module attributes {stable_mosaic.version = 14 : i64} {
  func.func @_fin_body(%arg0: memref<2x80x128xf32, #tpu.memory_space<vmem>>, %arg1: memref<2x80x128xf32, #tpu.memory_space<vmem>>, %arg2: memref<80x128xf32, #tpu.memory_space<vmem>>, %arg3: memref<2xf32, #tpu.memory_space<smem>>, %arg4: memref<2x7xf32, #tpu.memory_space<smem>>, %arg5: memref<7xf32, #tpu.memory_space<smem>>, %arg6: memref<7x80x128xf32, #tpu.memory_space<vmem>>, %arg7: memref<2x80x128xf32, #tpu.memory_space<vmem>>) attributes {dimension_semantics = [], scalar_prefetch = 0 : i64, scratch_operands = 0 : i64, tpu.core_type = #tpu.core_type<tc>} {
    %get3A = arith.constant 0 : index
    %get3A_0 = arith.constant 0 : index
    %get3A_1 = vector.load %arg2[%get3A, %get3A_0] : memref<80x128xf32, #tpu.memory_space<vmem>>, vector<80x128xf32>
    %get3A_2 = arith.constant 0 : index
    %get3A_3 = arith.constant 0 : index
    %get3A_4 = arith.constant 0 : index
    %get3A_5 = vector.load %arg0[%get3A_2, %get3A_3, %get3A_4] : memref<2x80x128xf32, #tpu.memory_space<vmem>>, vector<1x80x128xf32>
    %get3A_6 = vector.shape_cast %get3A_5 : vector<1x80x128xf32> to vector<80x128xf32>
    %get3A_7 = arith.constant 0 : index
    %get3A_8 = arith.constant 0 : index
    %get3A_9 = arith.constant 0 : index
    %get3A_10 = vector.load %arg1[%get3A_7, %get3A_8, %get3A_9] : memref<2x80x128xf32, #tpu.memory_space<vmem>>, vector<1x80x128xf32>
    %get3A_11 = vector.shape_cast %get3A_10 : vector<1x80x128xf32> to vector<80x128xf32>
    %add3A = arith.addf %get3A_6, %get3A_11 : vector<80x128xf32>
    %mul3A = arith.mulf %get3A_1, %add3A : vector<80x128xf32>
    %get3A_12 = arith.constant 0 : index
    %get3A_13 = memref.load %arg3[%get3A_12] : memref<2xf32, #tpu.memory_space<smem>>
    %add3A_14 = vector.broadcast %get3A_13 : f32 to vector<80x128xf32>
    %add3A_15 = arith.addf %mul3A, %add3A_14 : vector<80x128xf32>
    %tanh3A = math.tanh %add3A_15 : vector<80x128xf32>
    %swap3A = arith.constant 0 : index
    %swap3A_16 = arith.constant 0 : index
    %swap3A_17 = arith.constant 0 : index
    %swap3A_18 = vector.load %arg7[%swap3A, %swap3A_16, %swap3A_17] : memref<2x80x128xf32, #tpu.memory_space<vmem>>, vector<1x80x128xf32>
    %swap3A_19 = vector.shape_cast %swap3A_18 : vector<1x80x128xf32> to vector<80x128xf32>
    %swap3A_20 = vector.shape_cast %tanh3A : vector<80x128xf32> to vector<1x80x128xf32>
    tpu.vector_store %arg7[%swap3A, %swap3A_16, %swap3A_17], %swap3A_20 {strides = array<i32>} : memref<2x80x128xf32, #tpu.memory_space<vmem>>, vector<1x80x128xf32>,
    %get3A_21 = arith.constant 1 : index
    %get3A_22 = arith.constant 0 : index
    %get3A_23 = arith.constant 0 : index
    %get3A_24 = vector.load %arg0[%get3A_21, %get3A_22, %get3A_23] : memref<2x80x128xf32, #tpu.memory_space<vmem>>, vector<1x80x128xf32>
    %get3A_25 = vector.shape_cast %get3A_24 : vector<1x80x128xf32> to vector<80x128xf32>
    %get3A_26 = arith.constant 1 : index
    %get3A_27 = arith.constant 0 : index
    %get3A_28 = arith.constant 0 : index
    %get3A_29 = vector.load %arg1[%get3A_26, %get3A_27, %get3A_28] : memref<2x80x128xf32, #tpu.memory_space<vmem>>, vector<1x80x128xf32>
    %get3A_30 = vector.shape_cast %get3A_29 : vector<1x80x128xf32> to vector<80x128xf32>
    %add3A_31 = arith.addf %get3A_25, %get3A_30 : vector<80x128xf32>
    %mul3A_32 = arith.mulf %get3A_1, %add3A_31 : vector<80x128xf32>
    %get3A_33 = arith.constant 1 : index
    %get3A_34 = memref.load %arg3[%get3A_33] : memref<2xf32, #tpu.memory_space<smem>>
    %add3A_35 = vector.broadcast %get3A_34 : f32 to vector<80x128xf32>
    %add3A_36 = arith.addf %mul3A_32, %add3A_35 : vector<80x128xf32>
    %tanh3A_37 = math.tanh %add3A_36 : vector<80x128xf32>
    %swap3A_38 = arith.constant 1 : index
    %swap3A_39 = arith.constant 0 : index
    %swap3A_40 = arith.constant 0 : index
    %swap3A_41 = vector.load %arg7[%swap3A_38, %swap3A_39, %swap3A_40] : memref<2x80x128xf32, #tpu.memory_space<vmem>>, vector<1x80x128xf32>
    %swap3A_42 = vector.shape_cast %swap3A_41 : vector<1x80x128xf32> to vector<80x128xf32>
    %swap3A_43 = vector.shape_cast %tanh3A_37 : vector<80x128xf32> to vector<1x80x128xf32>
    tpu.vector_store %arg7[%swap3A_38, %swap3A_39, %swap3A_40], %swap3A_43 {strides = array<i32>} : memref<2x80x128xf32, #tpu.memory_space<vmem>>, vector<1x80x128xf32>,
    %get3A_44 = arith.constant 0 : index
    %get3A_45 = arith.constant 0 : index
    %get3A_46 = memref.load %arg4[%get3A_44, %get3A_45] : memref<2x7xf32, #tpu.memory_space<smem>>
    %mul3A_47 = vector.broadcast %get3A_46 : f32 to vector<80x128xf32>
    %mul3A_48 = arith.mulf %tanh3A, %mul3A_47 : vector<80x128xf32>
    %get3A_49 = arith.constant 1 : index
    %get3A_50 = arith.constant 0 : index
    %get3A_51 = memref.load %arg4[%get3A_49, %get3A_50] : memref<2x7xf32, #tpu.memory_space<smem>>
    %mul3A_52 = vector.broadcast %get3A_51 : f32 to vector<80x128xf32>
    %mul3A_53 = arith.mulf %tanh3A_37, %mul3A_52 : vector<80x128xf32>
    %add3A_54 = arith.addf %mul3A_48, %mul3A_53 : vector<80x128xf32>
    %get3A_55 = arith.constant 0 : index
    %get3A_56 = memref.load %arg5[%get3A_55] : memref<7xf32, #tpu.memory_space<smem>>
    %add3A_57 = vector.broadcast %get3A_56 : f32 to vector<80x128xf32>
    %add3A_58 = arith.addf %add3A_54, %add3A_57 : vector<80x128xf32>
    %swap3A_59 = arith.constant 0 : index
    %swap3A_60 = arith.constant 0 : index
    %swap3A_61 = arith.constant 0 : index
    %swap3A_62 = vector.load %arg6[%swap3A_59, %swap3A_60, %swap3A_61] : memref<7x80x128xf32, #tpu.memory_space<vmem>>, vector<1x80x128xf32>
    %swap3A_63 = vector.shape_cast %swap3A_62 : vector<1x80x128xf32> to vector<80x128xf32>
    %swap3A_64 = vector.shape_cast %add3A_58 : vector<80x128xf32> to vector<1x80x128xf32>
    tpu.vector_store %arg6[%swap3A_59, %swap3A_60, %swap3A_61], %swap3A_64 {strides = array<i32>} : memref<7x80x128xf32, #tpu.memory_space<vmem>>, vector<1x80x128xf32>,
    %get3A_65 = arith.constant 0 : index
    %get3A_66 = arith.constant 1 : index
    %get3A_67 = memref.load %arg4[%get3A_65, %get3A_66] : memref<2x7xf32, #tpu.memory_space<smem>>
    %mul3A_68 = vector.broadcast %get3A_67 : f32 to vector<80x128xf32>
    %mul3A_69 = arith.mulf %tanh3A, %mul3A_68 : vector<80x128xf32>
    %get3A_70 = arith.constant 1 : index
    %get3A_71 = arith.constant 1 : index
    %get3A_72 = memref.load %arg4[%get3A_70, %get3A_71] : memref<2x7xf32, #tpu.memory_space<smem>>
    %mul3A_73 = vector.broadcast %get3A_72 : f32 to vector<80x128xf32>
    %mul3A_74 = arith.mulf %tanh3A_37, %mul3A_73 : vector<80x128xf32>
    %add3A_75 = arith.addf %mul3A_69, %mul3A_74 : vector<80x128xf32>
    %get3A_76 = arith.constant 1 : index
    %get3A_77 = memref.load %arg5[%get3A_76] : memref<7xf32, #tpu.memory_space<smem>>
    %add3A_78 = vector.broadcast %get3A_77 : f32 to vector<80x128xf32>
    %add3A_79 = arith.addf %add3A_75, %add3A_78 : vector<80x128xf32>
    %swap3A_80 = arith.constant 1 : index
    %swap3A_81 = arith.constant 0 : index
    %swap3A_82 = arith.constant 0 : index
    %swap3A_83 = vector.load %arg6[%swap3A_80, %swap3A_81, %swap3A_82] : memref<7x80x128xf32, #tpu.memory_space<vmem>>, vector<1x80x128xf32>
    %swap3A_84 = vector.shape_cast %swap3A_83 : vector<1x80x128xf32> to vector<80x128xf32>
    %swap3A_85 = vector.shape_cast %add3A_79 : vector<80x128xf32> to vector<1x80x128xf32>
    tpu.vector_store %arg6[%swap3A_80, %swap3A_81, %swap3A_82], %swap3A_85 {strides = array<i32>} : memref<7x80x128xf32, #tpu.memory_space<vmem>>, vector<1x80x128xf32>,
    %get3A_86 = arith.constant 0 : index
    %get3A_87 = arith.constant 2 : index
    %get3A_88 = memref.load %arg4[%get3A_86, %get3A_87] : memref<2x7xf32, #tpu.memory_space<smem>>
    %mul3A_89 = vector.broadcast %get3A_88 : f32 to vector<80x128xf32>
    %mul3A_90 = arith.mulf %tanh3A, %mul3A_89 : vector<80x128xf32>
    %get3A_91 = arith.constant 1 : index
    %get3A_92 = arith.constant 2 : index
    %get3A_93 = memref.load %arg4[%get3A_91, %get3A_92] : memref<2x7xf32, #tpu.memory_space<smem>>
    %mul3A_94 = vector.broadcast %get3A_93 : f32 to vector<80x128xf32>
    %mul3A_95 = arith.mulf %tanh3A_37, %mul3A_94 : vector<80x128xf32>
    %add3A_96 = arith.addf %mul3A_90, %mul3A_95 : vector<80x128xf32>
    %get3A_97 = arith.constant 2 : index
    %get3A_98 = memref.load %arg5[%get3A_97] : memref<7xf32, #tpu.memory_space<smem>>
    %add3A_99 = vector.broadcast %get3A_98 : f32 to vector<80x128xf32>
    %add3A_100 = arith.addf %add3A_96, %add3A_99 : vector<80x128xf32>
    %swap3A_101 = arith.constant 2 : index
    %swap3A_102 = arith.constant 0 : index
    %swap3A_103 = arith.constant 0 : index
    %swap3A_104 = vector.load %arg6[%swap3A_101, %swap3A_102, %swap3A_103] : memref<7x80x128xf32, #tpu.memory_space<vmem>>, vector<1x80x128xf32>
    %swap3A_105 = vector.shape_cast %swap3A_104 : vector<1x80x128xf32> to vector<80x128xf32>
    %swap3A_106 = vector.shape_cast %add3A_100 : vector<80x128xf32> to vector<1x80x128xf32>
    tpu.vector_store %arg6[%swap3A_101, %swap3A_102, %swap3A_103], %swap3A_106 {strides = array<i32>} : memref<7x80x128xf32, #tpu.memory_space<vmem>>, vector<1x80x128xf32>,
    %get3A_107 = arith.constant 0 : index
    %get3A_108 = arith.constant 3 : index
    %get3A_109 = memref.load %arg4[%get3A_107, %get3A_108] : memref<2x7xf32, #tpu.memory_space<smem>>
    %mul3A_110 = vector.broadcast %get3A_109 : f32 to vector<80x128xf32>
    %mul3A_111 = arith.mulf %tanh3A, %mul3A_110 : vector<80x128xf32>
    %get3A_112 = arith.constant 1 : index
    %get3A_113 = arith.constant 3 : index
    %get3A_114 = memref.load %arg4[%get3A_112, %get3A_113] : memref<2x7xf32, #tpu.memory_space<smem>>
    %mul3A_115 = vector.broadcast %get3A_114 : f32 to vector<80x128xf32>
    %mul3A_116 = arith.mulf %tanh3A_37, %mul3A_115 : vector<80x128xf32>
    %add3A_117 = arith.addf %mul3A_111, %mul3A_116 : vector<80x128xf32>
    %get3A_118 = arith.constant 3 : index
    %get3A_119 = memref.load %arg5[%get3A_118] : memref<7xf32, #tpu.memory_space<smem>>
    %add3A_120 = vector.broadcast %get3A_119 : f32 to vector<80x128xf32>
    %add3A_121 = arith.addf %add3A_117, %add3A_120 : vector<80x128xf32>
    %swap3A_122 = arith.constant 3 : index
    %swap3A_123 = arith.constant 0 : index
    %swap3A_124 = arith.constant 0 : index
    %swap3A_125 = vector.load %arg6[%swap3A_122, %swap3A_123, %swap3A_124] : memref<7x80x128xf32, #tpu.memory_space<vmem>>, vector<1x80x128xf32>
    %swap3A_126 = vector.shape_cast %swap3A_125 : vector<1x80x128xf32> to vector<80x128xf32>
    %swap3A_127 = vector.shape_cast %add3A_121 : vector<80x128xf32> to vector<1x80x128xf32>
    tpu.vector_store %arg6[%swap3A_122, %swap3A_123, %swap3A_124], %swap3A_127 {strides = array<i32>} : memref<7x80x128xf32, #tpu.memory_space<vmem>>, vector<1x80x128xf32>,
    %get3A_128 = arith.constant 0 : index
    %get3A_129 = arith.constant 4 : index
    %get3A_130 = memref.load %arg4[%get3A_128, %get3A_129] : memref<2x7xf32, #tpu.memory_space<smem>>
    %mul3A_131 = vector.broadcast %get3A_130 : f32 to vector<80x128xf32>
    %mul3A_132 = arith.mulf %tanh3A, %mul3A_131 : vector<80x128xf32>
    %get3A_133 = arith.constant 1 : index
    %get3A_134 = arith.constant 4 : index
    %get3A_135 = memref.load %arg4[%get3A_133, %get3A_134] : memref<2x7xf32, #tpu.memory_space<smem>>
    %mul3A_136 = vector.broadcast %get3A_135 : f32 to vector<80x128xf32>
    %mul3A_137 = arith.mulf %tanh3A_37, %mul3A_136 : vector<80x128xf32>
    %add3A_138 = arith.addf %mul3A_132, %mul3A_137 : vector<80x128xf32>
    %get3A_139 = arith.constant 4 : index
    %get3A_140 = memref.load %arg5[%get3A_139] : memref<7xf32, #tpu.memory_space<smem>>
    %add3A_141 = vector.broadcast %get3A_140 : f32 to vector<80x128xf32>
    %add3A_142 = arith.addf %add3A_138, %add3A_141 : vector<80x128xf32>
    %swap3A_143 = arith.constant 4 : index
    %swap3A_144 = arith.constant 0 : index
    %swap3A_145 = arith.constant 0 : index
    %swap3A_146 = vector.load %arg6[%swap3A_143, %swap3A_144, %swap3A_145] : memref<7x80x128xf32, #tpu.memory_space<vmem>>, vector<1x80x128xf32>
    %swap3A_147 = vector.shape_cast %swap3A_146 : vector<1x80x128xf32> to vector<80x128xf32>
    %swap3A_148 = vector.shape_cast %add3A_142 : vector<80x128xf32> to vector<1x80x128xf32>
    tpu.vector_store %arg6[%swap3A_143, %swap3A_144, %swap3A_145], %swap3A_148 {strides = array<i32>} : memref<7x80x128xf32, #tpu.memory_space<vmem>>, vector<1x80x128xf32>,
    %get3A_149 = arith.constant 0 : index
    %get3A_150 = arith.constant 5 : index
    %get3A_151 = memref.load %arg4[%get3A_149, %get3A_150] : memref<2x7xf32, #tpu.memory_space<smem>>
    %mul3A_152 = vector.broadcast %get3A_151 : f32 to vector<80x128xf32>
    %mul3A_153 = arith.mulf %tanh3A, %mul3A_152 : vector<80x128xf32>
    %get3A_154 = arith.constant 1 : index
    %get3A_155 = arith.constant 5 : index
    %get3A_156 = memref.load %arg4[%get3A_154, %get3A_155] : memref<2x7xf32, #tpu.memory_space<smem>>
    %mul3A_157 = vector.broadcast %get3A_156 : f32 to vector<80x128xf32>
    %mul3A_158 = arith.mulf %tanh3A_37, %mul3A_157 : vector<80x128xf32>
    %add3A_159 = arith.addf %mul3A_153, %mul3A_158 : vector<80x128xf32>
    %get3A_160 = arith.constant 5 : index
    %get3A_161 = memref.load %arg5[%get3A_160] : memref<7xf32, #tpu.memory_space<smem>>
    %add3A_162 = vector.broadcast %get3A_161 : f32 to vector<80x128xf32>
    %add3A_163 = arith.addf %add3A_159, %add3A_162 : vector<80x128xf32>
    %swap3A_164 = arith.constant 5 : index
    %swap3A_165 = arith.constant 0 : index
    %swap3A_166 = arith.constant 0 : index
    %swap3A_167 = vector.load %arg6[%swap3A_164, %swap3A_165, %swap3A_166] : memref<7x80x128xf32, #tpu.memory_space<vmem>>, vector<1x80x128xf32>
    %swap3A_168 = vector.shape_cast %swap3A_167 : vector<1x80x128xf32> to vector<80x128xf32>
    %swap3A_169 = vector.shape_cast %add3A_163 : vector<80x128xf32> to vector<1x80x128xf32>
    tpu.vector_store %arg6[%swap3A_164, %swap3A_165, %swap3A_166], %swap3A_169 {strides = array<i32>} : memref<7x80x128xf32, #tpu.memory_space<vmem>>, vector<1x80x128xf32>,
    %get3A_170 = arith.constant 0 : index
    %get3A_171 = arith.constant 6 : index
    %get3A_172 = memref.load %arg4[%get3A_170, %get3A_171] : memref<2x7xf32, #tpu.memory_space<smem>>
    %mul3A_173 = vector.broadcast %get3A_172 : f32 to vector<80x128xf32>
    %mul3A_174 = arith.mulf %tanh3A, %mul3A_173 : vector<80x128xf32>
    %get3A_175 = arith.constant 1 : index
    %get3A_176 = arith.constant 6 : index
    %get3A_177 = memref.load %arg4[%get3A_175, %get3A_176] : memref<2x7xf32, #tpu.memory_space<smem>>
    %mul3A_178 = vector.broadcast %get3A_177 : f32 to vector<80x128xf32>
    %mul3A_179 = arith.mulf %tanh3A_37, %mul3A_178 : vector<80x128xf32>
    %add3A_180 = arith.addf %mul3A_174, %mul3A_179 : vector<80x128xf32>
    %get3A_181 = arith.constant 6 : index
    %get3A_182 = memref.load %arg5[%get3A_181] : memref<7xf32, #tpu.memory_space<smem>>
    %add3A_183 = vector.broadcast %get3A_182 : f32 to vector<80x128xf32>
    %add3A_184 = arith.addf %add3A_180, %add3A_183 : vector<80x128xf32>
    %swap3A_185 = arith.constant 6 : index
    %swap3A_186 = arith.constant 0 : index
    %swap3A_187 = arith.constant 0 : index
    %swap3A_188 = vector.load %arg6[%swap3A_185, %swap3A_186, %swap3A_187] : memref<7x80x128xf32, #tpu.memory_space<vmem>>, vector<1x80x128xf32>
    %swap3A_189 = vector.shape_cast %swap3A_188 : vector<1x80x128xf32> to vector<80x128xf32>
    %swap3A_190 = vector.shape_cast %add3A_184 : vector<80x128xf32> to vector<1x80x128xf32>
    tpu.vector_store %arg6[%swap3A_185, %swap3A_186, %swap3A_187], %swap3A_190 {strides = array<i32>} : memref<7x80x128xf32, #tpu.memory_space<vmem>>, vector<1x80x128xf32>,
    return
  }
}

</mosaic_0001>

<sc_bundles>
// kernel: kernel.11.cloned.1.call-start
scs
__scs_entry_jumppad:
0x0: {  	(pc) =	sbr.rel $0x88, $3  }
0x1: {  	(tag) =	ssettag $0x0;
	lr =	simm.s32 $0x1  }
0x2: {  	[smem:$0x3F97] =	sst lr;
	_ =	strace $0xD0000000  }
0x3: {  	_ = 	snop  }
0x4: {  	_ = 	snop  }
0x5: {  	_ = 	snop  }
0x6: {  	_ = 	snop  }
0x7: {  	_ = 	snop  }
__scs_overlays_trampoline_lowered:
0x8: {  	[smem:$0x3FA6] =	sst s0  }
0x9: {  	[smem:$0x3FA7] =	sst s1  }
0xa: {  	[smem:$0x3FA8] =	sst s2  }
0xb: {  	[smem:$0x3FA9] =	sst s3  }
0xc: {  	[smem:$0x3FAA] =	sst s4  }
0xd: {  	[smem:$0x3FAB] =	sst s5  }
0xe: {  	[smem:$0x3FAC] =	sst s6  }
0xf: {  	[smem:$0x3FAD] =	sst s7  }
0x10: {  	[smem:$0x3FAE] =	sst s8  }
0x11: {  	[smem:$0x3FAF] =	sst s9;
	s0 =	simm.s32 @!p0 $0x0  }
0x12: {  	s1 =	sld [smem:$0x3F95];
	s0 =	simm.s32 @p0 $0x1  }
0x13: {  	[smem:$0x3FB0] =	sst s0;
	s0 =	simm.s32 @!p1 $0x0  }
0x14: {  	s2 =	sld [smem:$0x3F94];
	s0 =	simm.s32 @p1 $0x1  }
0x15: {  	[smem:$0x3FB1] =	sst s0;
	s0 =	simm.s32 @!p2 $0x0  }
0x16: {  	s3 =	sld [smem:$0x3FDB];
	s0 =	simm.s32 @p2 $0x1  }
0x17: {  	s4 =	simm.s32 $0x1BF5;
	[smem:$0x3FB3] =	sst s0  }
0x18: {  	s0 =	sld [smem:$0x3F96];
	_ =	swait.ge [sflag:s4], $0x0  }
0x19: {  	s7 =	sld [smem:$0x3F97]  }
0x1a: {  	s8 =	sadd.s32 $0xFFFFE003, lr  }
0x1b: {  	s9 =	sadd.s32 $0xFFFFFEF7, lr;
	s5 =	simm.s32 $0xFFFFFFFF;
	p2 =	slt.u32 s8, $0xFFFFF086  }
0x1c: {  	p1 =	slt.u32 s9, $0xF7A;
	s5 =	simm.s32 @!p2 $0x0  }
0x1d: {  	s5 =	simm.s32 @p1 $0x1;
	p0 =	seq.s32 s7, s2  }
0x1e: {  	s7 =	smul.u32 @!p0 $0xF7A, s2;
	p2 =	seq.s32 @!p0 s5, $0x0  }
0x1f: {  	s9 =	smul.u32 $0xF7A, s1;
	s8 =	simm.s32 @!p0 $0x1BF5;
	p2 =	por !p2, p0  }
0x20: {  	[sflag:s8] =	ssyncset.s32 @!p0 $0xFFFFF086;
	s6 =	sadd.s32 @!p0 s3, s7;
	s7 =	simm.s32 @!p0 $0x108  }
0x21: {  	s3 =	sadd.s32 s3, s9;
	s6 =	sadd.s32 @!p0 $0x88, s6;
	s7 =	simm.s32 @p2 $0x1082  }
0x22: {  	[simem:s7], [sflag:s8] =	dma.local @!p0 [hbm:s6], $0xF7A  }
0x23: {  	s9 =	sor.u32 $0xD0000000, s2;
	s6 =	simm.s32 $0x108;
	_ =	swait.ge @!p0 [sflag:s8], $0x0  }
0x24: {  	s3 =	sadd.s32 $0x88, s3;
	s6 =	simm.s32 @!p1 $0x1082;
	[sflag:s4] =	ssyncset.s32 $0xFFFFF086  }
0x25: {  	[simem:s6], [sflag:s4] =	dma.local [hbm:s3], $0xF7A  }
0x26: {  	[smem:$0x3F97] =	sst s1;
	(tag) =	ssettag s2;
	_ =	strace s9  }
0x27: {  	s1 =	sld [smem:$0x3FA7]  }
0x28: {  	s2 =	sld [smem:$0x3FA8]  }
0x29: {  	s4 =	sld [smem:$0x3FAA]  }
0x2a: {  	p0 =	seq.s32 s5, $0x0;
	s5 =	sld [smem:$0x3FAB]  }
0x2b: {  	s6 =	sld [smem:$0x3FAC]  }
0x2c: {  	s7 =	sld [smem:$0x3FAD]  }
0x2d: {  	s3 =	simm.s32 $0x108;
	s8 =	sld [smem:$0x3FAE]  }
0x2e: {  	s3 =	simm.s32 @!p0 $0x1082;
	s9 =	sld [smem:$0x3FAF]  }
0x2f: {  	lr =	sadd.s32 s0, s3;
	s0 =	sld [smem:$0x3FA6]  }
0x30: {  	s3 =	sld [smem:$0x3FA9]  }
0x31: {  	[smem:$0x3FB2] =	sst s10  }
0x32: {  	s10 =	sld [smem:$0x3FB0];
	_ =	sdelay $0x3  }
0x33: {  	p0 =	seq.s32 s10, $0x1;
	s10 =	sld [smem:$0x3FB2];
	_ =	sdelay $0x3  }
0x34: {  	[smem:$0x3FB2] =	sst s10  }
0x35: {  	s10 =	sld [smem:$0x3FB1];
	_ =	sdelay $0x3  }
0x36: {  	p1 =	seq.s32 s10, $0x1;
	s10 =	sld [smem:$0x3FB2];
	_ =	sdelay $0x3  }
0x37: {  	[smem:$0x3FB2] =	sst s10  }
0x38: {  	s10 =	sld [smem:$0x3FB3]  }
0x39: {  	_ = 	snop;
	(pc) =	sbr.ind lr, $3  }
0x3a: {  	_ = 	snop  }
0x3b: {  	_ = 	snop  }
0x3c: {  	p2 =	seq.s32 s10, $0x1;
	s10 =	sld [smem:$0x3FB2]  }
0x3d: {  	_ =	shalt  }
0x3e: {  	_ =	shalt  }
0x3f: {  	_ =	shalt  }
0x40: {  	_ =	shalt  }
0x41: {  	_ =	shalt  }
0x42: {  	_ =	shalt  }
0x43: {  	_ =	shalt  }
0x44: {  	_ =	shalt  }
0x45: {  	_ =	shalt  }
0x46: {  	_ =	shalt  }
0x47: {  	_ =	shalt  }
0x48: {  	_ =	shalt  }
0x49: {  	_ =	shalt  }
0x4a: {  	_ =	shalt  }
0x4b: {  	_ =	shalt  }
0x4c: {  	_ =	shalt  }
0x4d: {  	_ =	shalt  }
0x4e: {  	_ =	shalt  }
0x4f: {  	_ =	shalt  }
0x50: {  	_ =	shalt  }
0x51: {  	_ =	shalt  }
0x52: {  	_ =	shalt  }
0x53: {  	_ =	shalt  }
0x54: {  	_ =	shalt  }
0x55: {  	_ =	shalt  }
0x56: {  	_ =	shalt  }
0x57: {  	_ =	shalt  }
0x58: {  	_ =	shalt  }
0x59: {  	_ =	shalt  }
0x5a: {  	_ =	shalt  }
0x5b: {  	_ =	shalt  }
0x5c: {  	_ =	shalt  }
0x5d: {  	_ =	shalt  }
0x5e: {  	_ =	shalt  }
0x5f: {  	_ =	shalt  }
0x60: {  	_ =	shalt  }
0x61: {  	_ =	shalt  }
0x62: {  	_ =	shalt  }
0x63: {  	_ =	shalt  }
0x64: {  	_ =	shalt  }
0x65: {  	_ =	shalt  }
0x66: {  	_ =	shalt  }
0x67: {  	_ =	shalt  }
0x68: {  	_ =	shalt  }
0x69: {  	_ =	shalt  }
0x6a: {  	_ =	shalt  }
0x6b: {  	_ =	shalt  }
0x6c: {  	_ =	shalt  }
0x6d: {  	_ =	shalt  }
0x6e: {  	_ =	shalt  }
0x6f: {  	_ =	shalt  }
0x70: {  	_ =	shalt  }
0x71: {  	_ =	shalt  }
0x72: {  	_ =	shalt  }
0x73: {  	_ =	shalt  }
0x74: {  	_ =	shalt  }
0x75: {  	_ =	shalt  }
0x76: {  	_ =	shalt  }
0x77: {  	_ =	shalt  }
0x78: {  	_ =	shalt  }
0x79: {  	_ =	shalt  }
0x7a: {  	_ =	shalt  }
0x7b: {  	_ =	shalt  }
0x7c: {  	_ =	shalt  }
0x7d: {  	_ =	shalt  }
0x7e: {  	_ =	shalt  }
0x7f: {  	_ =	shalt  }
0x80: {  	_ =	shalt  }
0x81: {  	_ =	shalt  }
0x82: {  	_ =	shalt  }
0x83: {  	_ =	shalt  }
0x84: {  	_ =	shalt  }
0x85: {  	_ =	shalt  }
0x86: {  	_ =	shalt  }
0x87: {  	_ =	shalt  }
.Lfunc_end0:
.L_simem_size_0:
called_computation.1_lowered:
.L_overlay_start_0:
0x88: {  	s2 =	sld [smem:$0x3FD9]  }
0x89: {  	s3 =	sld [smem:$0x3FFE];
	_ =	sdelay $0x1  }
0x8a: {  	s1 =	srdreg.scid  }
0x8b: {  	s0 =	sand.u32 $0x1, s1  }
0x8c: {  	s14 =	sshll.u32 s0, $0xA;
	s2 =	sadd.s32 s3, s2  }
0x8d: {  	s2 =	sadd.s32 s2, s14  }
0x8e: {  	[smem:$0x3FBE] =	sst s2  }
0x8f: {  	_ = 	snop  }
0x90: {  	s2 =	sld [smem:$0x3FD0];
	_ =	sdelay $0x2  }
0x91: {  	s15 =	simm.s32 $0xA;
	s4 =	simm.s32 $0x10  }
0x92: {  	[smem:s4], [sflag:s15] =	dma.local [hbm:s2], $0x1  }
0x93: {  	_ =	swait.eq [sflag:s15], $0x1  }
0x94: {  	[sflag:s15] =	ssyncset.done $0x0  }
0x95: {  	s16 =	sld [smem:$0x10];
	[sflag:s15] =	ssyncadd.s32 $0xFFFFFFFF  }
0x96: {  	s17 =	sld [smem:$0x11];
	(tm) =	ssettm $0x1  }
0x97: {  	s18 =	sld [smem:$0x3FFB];
	_ =	sdelay $0x3  }
0x98: {  	_ =	strace s18  }
0x99: {  	s4 =	sld [smem:$0x3FFC];
	_ =	sdelay $0x3  }
0x9a: {  	_ =	strace s4  }
0x9b: {  	s4 =	sld [smem:$0x3FFD];
	_ =	sdelay $0x3  }
0x9c: {  	_ =	strace s4  }
0x9d: {  	_ =	strace $0x8FFFFFFF  }
0x9e: {  	s19 =	sld [smem:$0x3FDB];
	_ =	sdelay $0x1  }
0x9f: {  	s5 =	simm.s32 $_scs_section_size  }
0xa0: {  	s6 =	simm.s32 $_size__tile_overlayer_lowered;
	s7 =	simm.s32 $_tile_overlayer_lowered  }
0xa1: {  	s22 =	simm.s32 $0x1BFF;
	s21 =	sshll.u32 s7, $0x1;
	s4 =	sadd.s32 s5, s19  }
0xa2: {  	s8 =	simm.s32 $0x0;
	s20 =	sshll.u32 s6, $0x1;
	s6 =	sadd.s32 s21, s4  }
0xa3: {  	[timem:s8], [sflag:s22] =	dma.local [hbm:s6], s20  }
0xa4: {  	_ =	swait.ge [sflag:s22], s20  }
0xa5: {  	s5 =	ssub.s32 $0x0, s20;
	[sflag:s22] =	ssyncset.done $0x0  }
0xa6: {  	[sflag:s22] =	ssyncadd.s32 s5;
	_ =	sdelay $0x1  }
0xa7: {  	s23 =	simm.s32 $0x1B8B  }
0xa8: {  	_ =	swait.ge [sflag:s23], $0x1  }
0xa9: {  	[sflag:s23] =	ssyncset.done $0x0  }
0xaa: {  	s25 =	simm.s32 $0x1B8E;
	s24 =	sld [smem:$0x3FFE];
	[sflag:s23] =	ssyncadd.s32 $0xFFFFFFFF  }
0xab: {  	s26 =	simm.s32 $execute0_lowered;
	[smem:$0x3FD2] =	sst s25  }
0xac: {  	s6 =	sshll.u32 s26, $0x1;
	_ =	strace $0x80000049;
	[dreg:$0x1] =	wrdreg $0xFFFFFFFF  }
0xad: {  	s28 =	simm.s32 $_size_execute0_lowered;
	s4 =	sadd.s32 s4, s6;
	[dreg:$0x0] =	wrdreg $0x0  }
0xae: {  	s6 =	sshll.u32 s28, $0x1;
	[dreg:$0x2] =	wrdreg s4  }
0xaf: {  	[dreg:$0x3] =	wrdreg s6  }
0xb0: {  	[dreg:$0x4] =	wrdreg $0xC0  }
0xb1: {  	_ =	task [dreg:s8], $0x5FFFF  }
0xb2: {  	[dreg:$0x1] =	wrdreg $0xFFFFFFFF  }
0xb3: {  	[dreg:$0x0] =	wrdreg $0x60  }
0xb4: {  	[dreg:$0x2] =	wrdreg s24  }
0xb5: {  	[dreg:$0x3] =	wrdreg s17  }
0xb6: {  	[dreg:$0x4] =	wrdreg s16  }
0xb7: {  	[dreg:$0x5] =	wrdreg $0x0  }
0xb8: {  	[dreg:$0x6] =	wrdreg $0xA000  }
0xb9: {  	[dreg:$0x7] =	wrdreg $0x9  }
0xba: {  	_ =	task.clear_ibuf [dreg:s8], $0x8FFFF;
	_ =	strace $0x90000049  }
0xbb: {  	s29 =	simm.s32 $0x9;
	_ =	strace $0x8000004B  }
0xbc: {  	_ =	swait.ge [sflag:s29], $0x1  }
0xbd: {  	[sflag:s29] =	ssyncadd.s32 $0xFFFFFFFF  }
0xbe: {  	_ =	strace $0x9000004B  }
0xbf: {  	_ =	sfence  }
0xc0: {  	s30 =	sld [smem:$0x0];
	_ =	sdelay $0x2  }
0xc1: {  	s31 =	sshll.u32 s1, $0xD;
	s1 =	sshrl.u32 s1, $0x2  }
0xc2: {  	s3 =	sand.u32 $0x4000, s31;
	s1 =	sadd.s32 s1, s30  }
0xc3: {  	s0 =	sor.u32 s3, s0;
	s1 =	sshll.u32 s1, $0x11  }
0xc4: {  	s0 =	sor.u32 s1, s0  }
0xc5: {  	s0 =	sadd.s32 $0x8F2B, s0  }
0xc6: {  	[sflag:s0] =	ssyncadd.remote.s32 $0x1  }
0xc7: {  	_ =	sfence.sel $0xFFFF  }
0xc8: {  	[dreg:$0x0] =	wrdreg $0xFFFFFFFF;
	(pc) =	sbr.abs _section_cstart, $3  }
0xc9: {  	[dreg:$0x1] =	wrdreg $0xFFFFFFFF  }
0xca: {  	_ =	task.clear_ibuf [dreg:s8], $0x2FFFF;
	_ =	strace $0x9FFFFFFF  }
0xcb: {  	(tm) =	ssettm $0x7FFFFFFF  }
tec
execute0_lowered:
.L_overlay_start_1:
0x0: {  	(tag) =	ssettag $0x1  }
0x1: {  	s1 =	rddreg [dreg:$0x0]  }
0x2: {  	s2 =	rddreg [dreg:$0x1]  }
0x3: {  	s0 =	stileid.u32;
	s10 =	rddreg [dreg:$0x3]  }
0x4: {  	s3 =	srdreg.scid;
	s15 =	rddreg [dreg:$0x4];
	s5 =	simm.s32 $0x0  }
0x5: {  	s19 =	simm.f32 $1.000000000e+00;
	s17 =	simm.s32 $0x17B10;
	s18 =	simm.s32 $0x18510  }
0x6: {  	s21 =	simm.s32 $0x4;
	s22 =	simm.s32 $0x1;
	s4 =	smul.u32 $0x7, s0  }
0x7: {  	s23 =	simm.s32 $0x2;
	s24 =	simm.s32 $0x3;
	s6 =	smul.u32 $0xA00, s0  }
0x8: {  	s25 =	simm.s32 $0x19B90;
	s28 =	simm.s32 $0x6;
	s29 =	smul.u32 $0x280, s0  }
0x9: {  	s3 =	sand.u32 $0x1, s3;
	[smem:$0x7FF] =	sst s5;
	s14 =	smul.u32 $0xA0, s0  }
0xa: {  	p1 =	sgt.u32 s0, $0x7;
	s8 =	smul.u32 $0xA000, s3;
	_ =	strace $0x8000004A  }
0xb: {  	p0 =	seq.s32 s3, $0x1;
	s26 =	ssub.s32 $0x2, s3;
	s4 =	sadd.s32 s3, s4  }
0xc: {  	s7 =	sshrl.u32 s6, $0x3;
	s19 =	simm.s32 @!p0 $0x0;
	s9 =	sshrl.u32 s26, $0x1  }
0xd: {  	p0 =	seq.s32 s3, $0x0;
	s30 =	sshrl.u32 s29, $0x3;
	s31 =	sshrl.u32 s14, $0x2  }
0xe: {  	s4 =	smul.u32 $0x4E2, s4;
	s7 =	sadd.s32 s7, s1;
	s6 =	sadd.s32 s6, s8  }
0xf: {  	s19 =	simm.s32 @!p1 $0x0;
	s16 =	ssub.s32 s26, s9;
	p1 =	slt.u32 s0, $0x8  }
0x10: {  	s8 =	sadd.s32 s29, s10;
	s9 =	sadd.s32 s2, s30;
	s14 =	sadd.s32 s31, s15  }
0x11: {  	s26 =	simm.s32 $0x0;
	s6 =	sshrl.u32 s6, $0x3;
	s3 =	smov.u32 s19  }
0x12: {  	v0 =	vlaneseq.u32;
	s11 =	sadd.s32 $0x2800, s8;
	s12 =	sadd.s32 $0x5000, s8;
	s13 =	sadd.s32 $0x7800, s8  }
0x13: {  	v1 =	vmul.u32 $0xA0, v0;
	s16 =	smax.u32 s16, $0x1;
	s4 =	sadd.s32 s4, s1;
	s1 =	sadd.s32 s6, s1  }
0x14: {  	s3 =	simm.s32 @p0 $0x3F800000;
	s6 =	sadd.s32 $0xEE00, s7;
	s7 =	sadd.s32 $0x10200, s7  }
0x15: {  	v6 =	vimm.f32 $0.0e+00;
	vm0 =	vmmov $0xffff;
	v3 =	vadd.s32 $0x28, v1;
	s19 =	smov.u32 @p1 s3;
	s10 =	sadd.s32 $0x5000, s4;
	s15 =	sadd.s32 $0x17A00, s1  }
0x16: {  	v4 =	vadd.s32 $0x50, v1;
	v5 =	vadd.s32 $0x78, v1;
	s3 =	simm.s32 $0x1400;
	s4 =	simm.s32 $0x5;
	v2 =	vmov s19;
	s19 =	simm.s32 $0xB400  }
.LBB2_1:
0x17: {  	[tilespmem:s17], [sflag:$0x1] =	stream.linear.gather [hbm4b:s6+s5], $0xA00, $0x38;
	[tilespmem:$0x1A5D0] =	vst v63  }
0x18: {  	_ = 	snop  }
0x19: {  	[tilespmem:s18], [sflag:$0x2] =	stream.linear.gather [hbm4b:s7+s5], $0xA00, $0x38;
	[tilespmem:$0x1A5D0] =	vst v63  }
0x1a: {  	s29 =	simm.s32 $0x18F10  }
0x1b: {  	[tilespmem:s29], [sflag:$0x3] =	stream.linear.gather [hbm4b:s9+s5], $0x280, $0x38;
	[tilespmem:$0x1A5D0] =	vst v63  }
0x1c: {  	s1 =	rddreg [dreg:$0x2];
	s2 =	simm.s32 $0x1A590  }
0x1d: {  	[tilespmem:s2], [sflag:$0x4] =	stream.linear.gather [hbm4b:s1+s5], $0x40, $0x38;
	[tilespmem:$0x1A5D0] =	vst v63  }
0x1e: {  	s2 =	simm.s32 $0x15400  }
0x1f: {  	[tilespmem:s2], [sflag:$0x5] =	stream.linear.gather [hbm4b:s10+s5], $0x2710, $0x38;
	[tilespmem:$0x1A5D0] =	vst v63  }
0x20: {  	_ =	swait.ge [sflag:s21], $0x40  }
0x21: {  	[sflag:s21] =	ssyncset.done $0x0  }
0x22: {  	[sflag:s21] =	ssyncadd.s32 $0xFFFFFFC0  }
0x23: {  	v10 =	vld [tilespmem:$0x1A590]  }
0x24: {  	v32 =	vld [tilespmem:$0x1A5A0];
	_ =	swait.ge [sflag:s22], $0xA00  }
0x25: {  	[sflag:s22] =	ssyncset.done $0x0  }
0x26: {  	[sflag:s22] =	ssyncadd.s32 $0xFFFFF600  }
0x27: {  	v7 =	vmov s5;
	_ =	swait.ge [sflag:s23], $0xA00  }
0x28: {  	v7 =	vand.u32 $0x3F, v7;
	[sflag:s23] =	ssyncset.done $0x0  }
0x29: {  	v29 =	vadd.s32 v3, v7;
	[sflag:s23] =	ssyncadd.s32 $0xFFFFF600  }
0x2a: {  	_ =	swait.ge [sflag:s24], $0x280  }
0x2b: {  	v30 =	vadd.s32 v1, v7;
	[sflag:s24] =	ssyncset.done $0x0  }
0x2c: {  	[sflag:s24] =	ssyncadd.s32 $0xFFFFFD80  }
0x2d: {  	v31 =	vld [tilespmem:s29+$0x0]  }
0x2e: {  	v28 =	vadd.s32 v4, v7;
	v8 =	vld.idx.msk [tilespmem:v29+s18+$0x0], $0xffff  }
0x2f: {  	v27 =	vadd.s32 v5, v7;
	v7 =	vld.idx.msk [tilespmem:v29+s17+$0x0], $0xffff  }
0x30: {  	v9 =	vld.idx.msk [tilespmem:v30+s17+$0x0], $0xffff  }
0x31: {  	v11 =	vld.idx.msk [tilespmem:v30+s18+$0x0], $0xffff;
	_ =	sdelay $0x1  }
0x32: {  	v12 =	vld.idx.msk [tilespmem:v28+s17+$0x0], $0xffff  }
0x33: {  	v13 =	vld.idx.msk [tilespmem:v28+s18+$0x0], $0xffff;
	v7 =	vadd.f32 v8, v7  }
0x34: {  	v14 =	vld.idx.msk [tilespmem:v27+s18+$0x0], $0xffff  }
0x35: {  	v21 =	vbroadcast v10, $0x1;
	v8 =	vld.idx.msk [tilespmem:v27+s17+$0x0], $0xffff;
	v9 =	vadd.f32 v11, v9;
	v7 =	vmul.f32 v7, v31;
	_ =	sdelay $0x1  }
0x36: {  	v24 =	vbroadcast v10, $0x0;
	v9 =	vmul.f32 v9, v31;
	v7 =	vadd.f32 v7, v21  }
0x37: {  	v11 =	vadd.f32 v13, v12  }
0x38: {  	v9 =	vadd.f32 v9, v24;
	v7 =	vadd.f32 v7, v7  }
0x39: {  	v22 =	vbroadcast v10, $0x2;
	v11 =	vmul.f32 v11, v31;
	v8 =	vadd.f32 v14, v8  }
0x3a: {  	v9 =	vadd.f32 v9, v9;
	v7 =	vmul.f32 $1.442695020e+00, v7  }
0x3b: {  	v23 =	vbroadcast v10, $0x3;
	v11 =	vadd.f32 v11, v22;
	v8 =	vmul.f32 v8, v31  }
0x3c: {  	v9 =	vmul.f32 $1.442695020e+00, v9;
	(erf) = vpow2.f32 v7  }
0x3d: {  	v11 =	vadd.f32 v11, v11;
	v8 =	vadd.f32 v8, v23  }
0x3e: {  	(erf) = vpow2.f32 v9  }
0x3f: {  	v7 =	vmul.f32 $1.442695020e+00, v11;
	v8 =	vadd.f32 v8, v8;
	_ =	sdelay $0x1  }
0x40: {  	(erf) = vpow2.f32 v7;
	v7 =	vmul.f32 $1.442695020e+00, v8;
	_ =	sdelay $0x1  }
0x41: {  	(erf) = vpow2.f32 v7;
	_ =	sdelay $0x1  }
0x42: {  	v7 =	vpop (erf)  }
0x43: {  	v7 =	vadd.f32 $1.000000000e+00, v7  }
0x44: {  	v8 =	vpop (erf)  }
0x45: {  	v8 =	vadd.f32 $1.000000000e+00, v8;
	(erf) = vrcp.f32 v7;
	_ =	sdelay $0x1  }
0x46: {  	(erf) = vrcp.f32 v8;
	v7 =	vpop (erf)  }
0x47: {  	v7 =	vadd.f32 $1.000000000e+00, v7  }
0x48: {  	v8 =	vpop (erf)  }
0x49: {  	v15 =	vbroadcast v10, $0x4;
	(erf) = vrcp.f32 v7;
	v7 =	vadd.f32 $1.000000000e+00, v8  }
0x4a: {  	v20 =	vbroadcast v10, $0x8;
	v17 =	vbroadcast v10, $0x5  }
0x4b: {  	v18 =	vbroadcast v10, $0x9;
	(erf) = vrcp.f32 v7  }
0x4c: {  	v16 =	vbroadcast v10, $0x6;
	v26 =	vbroadcast v10, $0xA  }
0x4d: {  	v25 =	vbroadcast v10, $0x7;
	v19 =	vbroadcast v10, $0xB;
	v9 =	vpop (erf)  }
0x4e: {  	v12 =	vbroadcast v10, $0xD;
	v14 =	vbroadcast v10, $0xE;
	v33 =	vadd.f32 v9, v9  }
0x4f: {  	v11 =	vbroadcast v10, $0xC;
	v8 =	vbroadcast v32, $0x0;
	v13 =	vpop (erf)  }
0x50: {  	v7 =	vbroadcast v32, $0x1;
	v34 =	vadd.f32 v13, v13;
	v33 =	vsub.f32 $1.000000000e+00, v33  }
0x51: {  	v9 =	vbroadcast v32, $0x2;
	v13 =	vbroadcast v10, $0xF  }
0x52: {  	v10 =	vbroadcast v32, $0x3;
	v53 =	vsub.f32 $1.000000000e+00, v34;
	v35 =	vpop (erf);
	v55 =	vmul.f32 v33, v20  }
0x53: {  	v36 =	vmul.f32 v33, v26;
	v41 =	vmul.f32 v33, v18;
	v54 =	vadd.f32 v35, v35  }
0x54: {  	v38 =	vmul.f32 v53, v15;
	v40 =	vmul.f32 v53, v17;
	v37 =	vpop (erf)  }
0x55: {  	v33 =	vmul.f32 v33, v19;
	v34 =	vsub.f32 $1.000000000e+00, v54;
	v37 =	vadd.f32 v37, v37  }
0x56: {  	v39 =	vmul.f32 v53, v16;
	v35 =	vadd.f32 v55, v38;
	v40 =	vadd.f32 v41, v40  }
0x57: {  	v56 =	vmul.f32 v34, v11;
	v37 =	vsub.f32 $1.000000000e+00, v37;
	v57 =	vmul.f32 v34, v12  }
0x58: {  	v32 =	vmul.f32 v53, v25;
	v36 =	vadd.f32 v36, v39;
	v58 =	vmul.f32 v34, v14  }
0x59: {  	v35 =	vadd.f32 v56, v35;
	v59 =	vmul.f32 v37, v8;
	v40 =	vadd.f32 v57, v40  }
0x5a: {  	v60 =	vmul.f32 v37, v7;
	v36 =	vadd.f32 v58, v36;
	v61 =	vmul.f32 v37, v9  }
0x5b: {  	v32 =	vadd.f32 v33, v32;
	v35 =	vadd.f32 v59, v35  }
0x5c: {  	s20 =	simm.s32 $0x1;
	v62 =	vmul.f32 v34, v13;
	v63 =	vadd.f32 v60, v40;
	v38 =	vadd.f32 v61, v36  }
0x5d: {  	v36 =	vmul.f32 v37, v10;
	v37 =	vmov s20;
	v34 =	vmul.f32 v35, v31  }
0x5e: {  	s30 =	simm.s32 $0x19410;
	s31 =	simm.s32 $0x19410;
	s2 =	simm.s32 $0x2;
	v35 =	vadd.f32 v62, v32;
	v33 =	vmul.f32 v63, v31;
	v32 =	vmul.f32 v38, v31  }
.LBB2_2:
0x5f: {  	s29 =	sadd.s32 $0x10, s29  }
0x60: {  	v37 =	vand.u32 $0x3F, v37;
	v38 =	vmul.f32 v34, v2;
	s30 =	sadd.s32 $0x10, s30;
	s1 =	smov.u32 s2;
	s20 =	sadd.s32 $0x1, s2  }
0x61: {  	p0 =	sne.s32 s2, $0x27;
	v39 =	vadd.s32 v1, v37;
	v40 =	vadd.s32 v3, v37;
	[tilespmem:s31+$0xFFFFFD80] =	vst v34;
	v34 =	vadd.f32 v36, v35  }
0x62: {  	v35 =	vadd.s32 v5, v37;
	v36 =	vmul.f32 v33, v2;
	[tilespmem:v30+s25+$0x0] =	vst.idx.msk $0xffff, v38;
	v30 =	vmov v39  }
0x63: {  	[tilespmem:s31+$0x0] =	vst v33;
	v31 =	vmul.f32 v34, v31  }
0x64: {  	v33 =	vmul.f32 v32, v2;
	[tilespmem:v29+s25+$0x0] =	vst.idx.msk $0xffff, v36;
	v29 =	vmov v40  }
0x65: {  	[tilespmem:s31+$0x280] =	vst v32  }
0x66: {  	v32 =	vmul.f32 v31, v2;
	[tilespmem:v28+s25+$0x0] =	vst.idx.msk $0xffff, v33;
	v28 =	vadd.s32 v4, v37  }
0x67: {  	[tilespmem:s31+$0x500] =	vst v31;
	s31 =	smov.u32 s30  }
0x68: {  	[tilespmem:v27+s25+$0x0] =	vst.idx.msk $0xffff, v32;
	v27 =	vmov v35  }
0x69: {  	v31 =	vld [tilespmem:s29+$0x0]  }
0x6a: {  	v32 =	vld.idx.msk [tilespmem:v40+s18+$0x0], $0xffff  }
0x6b: {  	v33 =	vld.idx.msk [tilespmem:v39+s17+$0x0], $0xffff  }
0x6c: {  	v34 =	vld.idx.msk [tilespmem:v40+s17+$0x0], $0xffff  }
0x6d: {  	v35 =	vld.idx.msk [tilespmem:v39+s18+$0x0], $0xffff  }
0x6e: {  	v36 =	vld.idx.msk [tilespmem:v28+s17+$0x0], $0xffff  }
0x6f: {  	v37 =	vld.idx.msk [tilespmem:v28+s18+$0x0], $0xffff  }
0x70: {  	v38 =	vld.idx.msk [tilespmem:v27+s18+$0x0], $0xffff  }
0x71: {  	v39 =	vld.idx.msk [tilespmem:v27+s17+$0x0], $0xffff  }
0x72: {  	v32 =	vadd.f32 v32, v34  }
0x73: {  	v33 =	vadd.f32 v35, v33  }
0x74: {  	v32 =	vmul.f32 v32, v31  }
0x75: {  	v33 =	vmul.f32 v33, v31;
	v34 =	vadd.f32 v37, v36  }
0x76: {  	v32 =	vadd.f32 v32, v21  }
0x77: {  	v33 =	vadd.f32 v33, v24;
	v34 =	vmul.f32 v34, v31;
	v35 =	vadd.f32 v38, v39  }
0x78: {  	v32 =	vadd.f32 v32, v32  }
0x79: {  	v33 =	vadd.f32 v33, v33;
	v34 =	vadd.f32 v34, v22;
	v35 =	vmul.f32 v35, v31  }
0x7a: {  	v32 =	vmul.f32 $1.442695020e+00, v32  }
0x7b: {  	v33 =	vmul.f32 $1.442695020e+00, v33;
	v34 =	vadd.f32 v34, v34;
	v35 =	vadd.f32 v35, v23  }
0x7c: {  	(erf) = vpow2.f32 v32  }
0x7d: {  	v32 =	vmul.f32 $1.442695020e+00, v34;
	v34 =	vadd.f32 v35, v35;
	(erf) = vpow2.f32 v33;
	_ =	sdelay $0x1  }
0x7e: {  	v33 =	vmul.f32 $1.442695020e+00, v34;
	(erf) = vpow2.f32 v32;
	_ =	sdelay $0x1  }
0x7f: {  	(erf) = vpow2.f32 v33;
	_ =	sdelay $0x3  }
0x80: {  	v32 =	vpop (erf)  }
0x81: {  	v34 =	vadd.f32 $1.000000000e+00, v32;
	v33 =	vpop (erf)  }
0x82: {  	v35 =	vadd.f32 $1.000000000e+00, v33  }
0x83: {  	(erf) = vrcp.f32 v34;
	v32 =	vpop (erf)  }
0x84: {  	v32 =	vadd.f32 $1.000000000e+00, v32;
	(erf) = vrcp.f32 v35  }
0x85: {  	v33 =	vpop (erf)  }
0x86: {  	v33 =	vadd.f32 $1.000000000e+00, v33;
	(erf) = vrcp.f32 v32;
	_ =	sdelay $0x1  }
0x87: {  	(erf) = vrcp.f32 v33;
	_ =	sdelay $0x3  }
0x88: {  	v32 =	vpop (erf)  }
0x89: {  	v32 =	vadd.f32 v32, v32;
	v33 =	vpop (erf)  }
0x8a: {  	v33 =	vadd.f32 v33, v33  }
0x8b: {  	v32 =	vsub.f32 $1.000000000e+00, v32;
	v34 =	vpop (erf)  }
0x8c: {  	v33 =	vsub.f32 $1.000000000e+00, v33;
	v34 =	vadd.f32 v34, v34  }
0x8d: {  	v35 =	vmul.f32 v32, v20;
	v36 =	vmul.f32 v32, v26;
	v37 =	vpop (erf)  }
0x8e: {  	v34 =	vsub.f32 $1.000000000e+00, v34;
	v38 =	vmul.f32 v33, v15;
	v39 =	vmul.f32 v33, v16  }
0x8f: {  	v41 =	vmul.f32 v32, v18;
	v37 =	vadd.f32 v37, v37;
	v40 =	vmul.f32 v33, v17  }
0x90: {  	v33 =	vmul.f32 v33, v25;
	v35 =	vadd.f32 v35, v38;
	v38 =	vmul.f32 v34, v11  }
0x91: {  	v37 =	vsub.f32 $1.000000000e+00, v37;
	v40 =	vadd.f32 v41, v40;
	v41 =	vmul.f32 v34, v12  }
0x92: {  	v36 =	vadd.f32 v36, v39;
	v35 =	vadd.f32 v38, v35;
	v38 =	vmul.f32 v34, v14  }
0x93: {  	v32 =	vmul.f32 v32, v19;
	v39 =	vmul.f32 v37, v8;
	v40 =	vadd.f32 v41, v40  }
.Ltmp0:
0x94: {  	v41 =	vmul.f32 v37, v7;
	v36 =	vadd.f32 v38, v36;
	v38 =	vmul.f32 v37, v9;
	(pc) =	sbr.rel @p0 .LBB2_2-.Ltmp0, $4  }
0x95: {  	v32 =	vadd.f32 v32, v33;
	v33 =	vmul.f32 v34, v13;
	v35 =	vadd.f32 v39, v35  }
0x96: {  	v39 =	vadd.f32 v41, v40;
	v38 =	vadd.f32 v38, v36  }
0x97: {  	v34 =	vmul.f32 v35, v31;
	v35 =	vadd.f32 v33, v32;
	v36 =	vmul.f32 v37, v10  }
0x98: {  	s2 =	smov.u32 s20;
	v37 =	vmov s1;
	v33 =	vmul.f32 v39, v31;
	v32 =	vmul.f32 v38, v31  }
0x99: {  	_ =	sdelay $0x1  }
0x9a: {  	v38 =	vmul.f32 v34, v2  }
0x9b: {  	[tilespmem:s31+$0xFFFFFD80] =	vst v34  }
0x9c: {  	v54 =	vadd.f32 v36, v35;
	v55 =	vmul.f32 v33, v2;
	[tilespmem:v30+s25+$0x0] =	vst.idx.msk $0xffff, v38  }
0x9d: {  	[tilespmem:s31+$0x0] =	vst v33  }
0x9e: {  	v56 =	vand.u32 $0x3F, v37;
	v57 =	vmul.f32 v32, v2;
	v31 =	vmul.f32 v54, v31;
	[tilespmem:v29+s25+$0x0] =	vst.idx.msk $0xffff, v55  }
0x9f: {  	v30 =	vadd.s32 v3, v56;
	[tilespmem:s31+$0x280] =	vst v32  }
0xa0: {  	v58 =	vmul.f32 v31, v2;
	[tilespmem:v28+s25+$0x0] =	vst.idx.msk $0xffff, v57  }
0xa1: {  	v32 =	vadd.s32 v1, v56;
	[tilespmem:s31+$0x500] =	vst v31  }
0xa2: {  	s1 =	sadd.s32 $0x10, s29;
	[tilespmem:v27+s25+$0x0] =	vst.idx.msk $0xffff, v58  }
0xa3: {  	v27 =	vadd.s32 v4, v56;
	v28 =	vld [tilespmem:s1+$0x0]  }
0xa4: {  	v29 =	vld.idx.msk [tilespmem:v30+s18+$0x0], $0xffff  }
0xa5: {  	v31 =	vadd.s32 v5, v56;
	v60 =	vld.idx.msk [tilespmem:v30+s17+$0x0], $0xffff  }
0xa6: {  	v59 =	vld.idx.msk [tilespmem:v32+s17+$0x0], $0xffff  }
0xa7: {  	v61 =	vld.idx.msk [tilespmem:v32+s18+$0x0], $0xffff  }
0xa8: {  	v62 =	vld.idx.msk [tilespmem:v27+s17+$0x0], $0xffff  }
0xa9: {  	v63 =	vld.idx.msk [tilespmem:v27+s18+$0x0], $0xffff  }
0xaa: {  	v38 =	vld.idx.msk [tilespmem:v31+s18+$0x0], $0xffff  }
0xab: {  	v39 =	vld.idx.msk [tilespmem:v31+s17+$0x0], $0xffff;
	v29 =	vadd.f32 v29, v60  }
0xac: {  	v33 =	vadd.f32 v61, v59  }
0xad: {  	v29 =	vmul.f32 v29, v28  }
0xae: {  	v33 =	vmul.f32 v33, v28;
	v41 =	vadd.f32 v63, v62  }
0xaf: {  	v21 =	vadd.f32 v29, v21  }
0xb0: {  	v43 =	vadd.f32 v38, v39;
	v24 =	vadd.f32 v33, v24;
	v42 =	vmul.f32 v41, v28  }
0xb1: {  	v21 =	vadd.f32 v21, v21  }
0xb2: {  	v44 =	vmul.f32 v43, v28;
	v24 =	vadd.f32 v24, v24;
	v22 =	vadd.f32 v42, v22  }
0xb3: {  	v21 =	vmul.f32 $1.442695020e+00, v21  }
0xb4: {  	v23 =	vadd.f32 v44, v23;
	v24 =	vmul.f32 $1.442695020e+00, v24;
	v22 =	vadd.f32 v22, v22  }
0xb5: {  	(erf) = vpow2.f32 v21  }
0xb6: {  	v46 =	vadd.f32 v23, v23;
	(erf) = vpow2.f32 v24;
	v45 =	vmul.f32 $1.442695020e+00, v22;
	_ =	sdelay $0x1  }
0xb7: {  	v22 =	vmul.f32 $1.442695020e+00, v46;
	(erf) = vpow2.f32 v45;
	_ =	sdelay $0x1  }
0xb8: {  	(erf) = vpow2.f32 v22;
	_ =	sdelay $0x3  }
0xb9: {  	v47 =	vpop (erf)  }
0xba: {  	v21 =	vadd.f32 $1.000000000e+00, v47;
	v48 =	vpop (erf)  }
0xbb: {  	v22 =	vadd.f32 $1.000000000e+00, v48  }
0xbc: {  	(erf) = vrcp.f32 v21;
	v49 =	vpop (erf)  }
0xbd: {  	(erf) = vrcp.f32 v22;
	v21 =	vadd.f32 $1.000000000e+00, v49  }
0xbe: {  	v50 =	vpop (erf)  }
0xbf: {  	v22 =	vadd.f32 $1.000000000e+00, v50;
	(erf) = vrcp.f32 v21;
	_ =	sdelay $0x1  }
0xc0: {  	(erf) = vrcp.f32 v22;
	_ =	sdelay $0x3  }
0xc1: {  	v51 =	vpop (erf)  }
0xc2: {  	v21 =	vadd.f32 v51, v51;
	v52 =	vpop (erf)  }
0xc3: {  	v22 =	vadd.f32 v52, v52  }
0xc4: {  	v21 =	vsub.f32 $1.000000000e+00, v21;
	v53 =	vpop (erf)  }
0xc5: {  	v22 =	vsub.f32 $1.000000000e+00, v22;
	v23 =	vadd.f32 v53, v53  }
0xc6: {  	v20 =	vmul.f32 v21, v20;
	v54 =	vmul.f32 v21, v26;
	v55 =	vpop (erf)  }
0xc7: {  	v15 =	vmul.f32 v22, v15;
	v26 =	vadd.f32 v55, v55;
	v23 =	vsub.f32 $1.000000000e+00, v23  }
0xc8: {  	v18 =	vmul.f32 v21, v18;
	v17 =	vmul.f32 v22, v17  }
0xc9: {  	v15 =	vadd.f32 v20, v15;
	v56 =	vsub.f32 $1.000000000e+00, v26;
	v11 =	vmul.f32 v23, v11  }
0xca: {  	v58 =	vmul.f32 v21, v19;
	v16 =	vmul.f32 v22, v16;
	v17 =	vadd.f32 v18, v17  }
0xcb: {  	v12 =	vmul.f32 v23, v12;
	v8 =	vmul.f32 v56, v8;
	v11 =	vadd.f32 v11, v15  }
0xcc: {  	v22 =	vmul.f32 v22, v25;
	v57 =	vadd.f32 v54, v16;
	v14 =	vmul.f32 v23, v14  }
0xcd: {  	v7 =	vmul.f32 v56, v7;
	v12 =	vadd.f32 v12, v17;
	v8 =	vadd.f32 v8, v11  }
0xce: {  	v60 =	vadd.f32 v58, v22;
	v9 =	vmul.f32 v56, v9;
	v59 =	vadd.f32 v14, v57  }
0xcf: {  	v13 =	vmul.f32 v23, v13;
	v7 =	vadd.f32 v7, v12;
	v8 =	vmul.f32 v8, v28  }
0xd0: {  	v10 =	vmul.f32 v56, v10;
	v9 =	vadd.f32 v9, v59  }
0xd1: {  	s20 =	sadd.s32 $0x10, s30;
	v61 =	vadd.f32 v13, v60;
	v7 =	vmul.f32 v7, v28;
	v62 =	vmul.f32 v8, v2  }
0xd2: {  	v9 =	vmul.f32 v9, v28;
	[tilespmem:s20+$0xFFFFFD80] =	vst v8  }
0xd3: {  	v8 =	vadd.f32 v10, v61;
	v63 =	vmul.f32 v7, v2;
	[tilespmem:v32+s25+$0x0] =	vst.idx.msk $0xffff, v62  }
0xd4: {  	[tilespmem:s20+$0x0] =	vst v7  }
0xd5: {  	v7 =	vmul.f32 v8, v28;
	v8 =	vmul.f32 v9, v2;
	[tilespmem:v30+s25+$0x0] =	vst.idx.msk $0xffff, v63  }
0xd6: {  	[tilespmem:s20+$0x280] =	vst v9  }
0xd7: {  	[tilespmem:v27+s25+$0x0] =	vst.idx.msk $0xffff, v8;
	v8 =	vmul.f32 v7, v2  }
0xd8: {  	[tilespmem:s20+$0x500] =	vst v7  }
0xd9: {  	s30 =	simm.s32 $0x19190;
	[tilespmem:v31+s25+$0x0] =	vst.idx.msk $0xffff, v8  }
0xda: {  	[spmem:s8] =	stream.linear.scatter [tilespmem:s30], [sflag:$0x6], $0x280, $0x38;
	[tilespmem:$0x1A5D0] =	vst v63  }
0xdb: {  	_ =	swait.ge [sflag:s28], $0x280  }
0xdc: {  	[sflag:s28] =	ssyncset.done $0x0  }
0xdd: {  	s31 =	simm.s32 $0x19410;
	[sflag:s28] =	ssyncadd.s32 $0xFFFFFD80  }
0xde: {  	[spmem:s11] =	stream.linear.scatter [tilespmem:s31], [sflag:$0x6], $0x280, $0x38;
	[tilespmem:$0x1A5D0] =	vst v63  }
0xdf: {  	_ =	swait.ge [sflag:s28], $0x280  }
0xe0: {  	[sflag:s28] =	ssyncset.done $0x0  }
0xe1: {  	s2 =	simm.s32 $0x19690;
	[sflag:s28] =	ssyncadd.s32 $0xFFFFFD80  }
0xe2: {  	[spmem:s12] =	stream.linear.scatter [tilespmem:s2], [sflag:$0x6], $0x280, $0x38;
	[tilespmem:$0x1A5D0] =	vst v63  }
0xe3: {  	_ =	swait.ge [sflag:s28], $0x280  }
0xe4: {  	[sflag:s28] =	ssyncset.done $0x0  }
0xe5: {  	s20 =	simm.s32 $0x19910;
	[sflag:s28] =	ssyncadd.s32 $0xFFFFFD80  }
0xe6: {  	[spmem:s13] =	stream.linear.scatter [tilespmem:s20], [sflag:$0x6], $0x280, $0x38;
	[tilespmem:$0x1A5D0] =	vst v63  }
0xe7: {  	_ =	swait.ge [sflag:s28], $0x280  }
0xe8: {  	[sflag:s28] =	ssyncset.done $0x0  }
0xe9: {  	s30 =	simm.s32 $0x28;
	s2 =	simm.s32 $0x280;
	[sflag:s28] =	ssyncadd.s32 $0xFFFFFD80  }
0xea: {  	[spmem:s14] =	stream.strided.scatter [tilespmem:s25], [sflag:$0x6], $0xA00, s2, s30, $0x38;
	[tilespmem:$0x1A5D0] =	vst v63  }
0xeb: {  	_ =	swait.ge [sflag:s28], $0xA00  }
0xec: {  	[sflag:s28] =	ssyncset.done $0x0  }
0xed: {  	[sflag:s28] =	ssyncadd.s32 $0xFFFFF600  }
0xee: {  	[bflag:$0x0] =	sbarrier.arrive $0xFFFF  }
0xef: {  	[bflag:$0x0] =	sbarrier.arrive $0xFFFF  }
0xf0: {  	s29 =	simm.s32 $0x0;
	s1 =	simm.s32 $0x40;
	s31 =	rddreg [dreg:$0x3]  }
0xf1: {  	[tilespmem:s3], [sflag:$0x1] =	stream.linear.gather [spmem:s31], $0xA000, $0x38;
	[tilespmem:$0x1A5D0] =	vst v63  }
.LBB2_4:
0xf2: {  	p0 =	sne.s32 s1, $0x9C0;
	[tilespmem:s29+$0x15180] =	vst v6  }
0xf3: {  	[tilespmem:s29+$0xB400] =	vst v6  }
0xf4: {  	[tilespmem:s29+$0xB680] =	vst v6  }
0xf5: {  	[tilespmem:s29+$0xB900] =	vst v6  }
0xf6: {  	[tilespmem:s29+$0xBB80] =	vst v6  }
0xf7: {  	[tilespmem:s29+$0xBE00] =	vst v6  }
0xf8: {  	[tilespmem:s29+$0xC080] =	vst v6  }
0xf9: {  	[tilespmem:s29+$0xC300] =	vst v6  }
0xfa: {  	[tilespmem:s29+$0xC580] =	vst v6  }
0xfb: {  	[tilespmem:s29+$0xC800] =	vst v6  }
0xfc: {  	[tilespmem:s29+$0xCA80] =	vst v6  }
0xfd: {  	[tilespmem:s29+$0xCD00] =	vst v6  }
0xfe: {  	[tilespmem:s29+$0xCF80] =	vst v6  }
0xff: {  	[tilespmem:s29+$0xD200] =	vst v6  }
0x100: {  	[tilespmem:s29+$0xD480] =	vst v6  }
0x101: {  	[tilespmem:s29+$0xD700] =	vst v6  }
0x102: {  	[tilespmem:s29+$0xD980] =	vst v6  }
0x103: {  	[tilespmem:s29+$0xDC00] =	vst v6  }
0x104: {  	[tilespmem:s29+$0xDE80] =	vst v6  }
0x105: {  	[tilespmem:s29+$0xE100] =	vst v6  }
0x106: {  	[tilespmem:s29+$0xE380] =	vst v6  }
0x107: {  	[tilespmem:s29+$0xE600] =	vst v6  }
0x108: {  	[tilespmem:s29+$0xE880] =	vst v6  }
0x109: {  	[tilespmem:s29+$0xEB00] =	vst v6  }
0x10a: {  	[tilespmem:s29+$0xED80] =	vst v6  }
0x10b: {  	[tilespmem:s29+$0xF000] =	vst v6  }
0x10c: {  	[tilespmem:s29+$0xF280] =	vst v6  }
0x10d: {  	[tilespmem:s29+$0xF500] =	vst v6  }
0x10e: {  	[tilespmem:s29+$0xF780] =	vst v6  }
0x10f: {  	[tilespmem:s29+$0xFA00] =	vst v6  }
0x110: {  	[tilespmem:s29+$0xFC80] =	vst v6  }
0x111: {  	[tilespmem:s29+$0xFF00] =	vst v6  }
0x112: {  	[tilespmem:s29+$0x10180] =	vst v6  }
0x113: {  	[tilespmem:s29+$0x10400] =	vst v6  }
0x114: {  	[tilespmem:s29+$0x10680] =	vst v6  }
0x115: {  	[tilespmem:s29+$0x10900] =	vst v6  }
0x116: {  	[tilespmem:s29+$0x10B80] =	vst v6  }
0x117: {  	[tilespmem:s29+$0x10E00] =	vst v6  }
0x118: {  	[tilespmem:s29+$0x11080] =	vst v6  }
0x119: {  	[tilespmem:s29+$0x11300] =	vst v6  }
0x11a: {  	[tilespmem:s29+$0x11580] =	vst v6  }
0x11b: {  	[tilespmem:s29+$0x11800] =	vst v6  }
0x11c: {  	[tilespmem:s29+$0x11A80] =	vst v6  }
0x11d: {  	[tilespmem:s29+$0x11D00] =	vst v6  }
0x11e: {  	[tilespmem:s29+$0x11F80] =	vst v6  }
0x11f: {  	[tilespmem:s29+$0x12200] =	vst v6  }
0x120: {  	[tilespmem:s29+$0x12480] =	vst v6  }
0x121: {  	[tilespmem:s29+$0x12700] =	vst v6  }
0x122: {  	[tilespmem:s29+$0x12980] =	vst v6  }
0x123: {  	[tilespmem:s29+$0x12C00] =	vst v6  }
0x124: {  	[tilespmem:s29+$0x12E80] =	vst v6  }
0x125: {  	[tilespmem:s29+$0x13100] =	vst v6  }
0x126: {  	[tilespmem:s29+$0x13380] =	vst v6  }
0x127: {  	[tilespmem:s29+$0x13600] =	vst v6  }
0x128: {  	[tilespmem:s29+$0x13880] =	vst v6  }
0x129: {  	[tilespmem:s29+$0x13B00] =	vst v6  }
0x12a: {  	[tilespmem:s29+$0x13D80] =	vst v6  }
0x12b: {  	[tilespmem:s29+$0x14000] =	vst v6  }
0x12c: {  	[tilespmem:s29+$0x14280] =	vst v6  }
.Ltmp1:
0x12d: {  	[tilespmem:s29+$0x14500] =	vst v6;
	(pc) =	sbr.rel @p0 .LBB2_4-.Ltmp1, $4  }
0x12e: {  	[tilespmem:s29+$0x14780] =	vst v6  }
0x12f: {  	[tilespmem:s29+$0x14A00] =	vst v6  }
0x130: {  	[tilespmem:s29+$0x14C80] =	vst v6  }
0x131: {  	[tilespmem:s29+$0x14F00] =	vst v6;
	s29 =	sshra.s32 s1, $0x2;
	s1 =	sadd.s32 $0x40, s1  }
0x132: {  	[tilespmem:s29+$0x15180] =	vst v6  }
0x133: {  	[tilespmem:s29+$0xB400] =	vst v6  }
0x134: {  	[tilespmem:s29+$0xB680] =	vst v6  }
0x135: {  	[tilespmem:s29+$0xB900] =	vst v6  }
0x136: {  	[tilespmem:s29+$0xBB80] =	vst v6  }
0x137: {  	[tilespmem:s29+$0xBE00] =	vst v6  }
0x138: {  	[tilespmem:s29+$0xC080] =	vst v6  }
0x139: {  	[tilespmem:s29+$0xC300] =	vst v6  }
0x13a: {  	[tilespmem:s29+$0xC580] =	vst v6  }
0x13b: {  	[tilespmem:s29+$0xC800] =	vst v6  }
0x13c: {  	[tilespmem:s29+$0xCA80] =	vst v6  }
0x13d: {  	[tilespmem:s29+$0xCD00] =	vst v6  }
0x13e: {  	[tilespmem:s29+$0xCF80] =	vst v6  }
0x13f: {  	[tilespmem:s29+$0xD200] =	vst v6  }
0x140: {  	[tilespmem:s29+$0xD480] =	vst v6  }
0x141: {  	[tilespmem:s29+$0xD700] =	vst v6  }
0x142: {  	[tilespmem:s29+$0xD980] =	vst v6  }
0x143: {  	[tilespmem:s29+$0xDC00] =	vst v6  }
0x144: {  	[tilespmem:s29+$0xDE80] =	vst v6  }
0x145: {  	[tilespmem:s29+$0xE100] =	vst v6  }
0x146: {  	[tilespmem:s29+$0xE380] =	vst v6  }
0x147: {  	[tilespmem:s29+$0xE600] =	vst v6  }
0x148: {  	[tilespmem:s29+$0xE880] =	vst v6  }
0x149: {  	[tilespmem:s29+$0xEB00] =	vst v6  }
0x14a: {  	[tilespmem:s29+$0xED80] =	vst v6  }
0x14b: {  	[tilespmem:s29+$0xF000] =	vst v6  }
0x14c: {  	[tilespmem:s29+$0xF280] =	vst v6  }
0x14d: {  	[tilespmem:s29+$0xF500] =	vst v6  }
0x14e: {  	[tilespmem:s29+$0xF780] =	vst v6  }
0x14f: {  	[tilespmem:s29+$0xFA00] =	vst v6  }
0x150: {  	[tilespmem:s29+$0xFC80] =	vst v6  }
0x151: {  	[tilespmem:s29+$0xFF00] =	vst v6  }
0x152: {  	[tilespmem:s29+$0x10180] =	vst v6  }
0x153: {  	[tilespmem:s29+$0x10400] =	vst v6  }
0x154: {  	[tilespmem:s29+$0x10680] =	vst v6  }
0x155: {  	[tilespmem:s29+$0x10900] =	vst v6  }
0x156: {  	[tilespmem:s29+$0x10B80] =	vst v6  }
0x157: {  	[tilespmem:s29+$0x10E00] =	vst v6  }
0x158: {  	[tilespmem:s29+$0x11080] =	vst v6  }
0x159: {  	[tilespmem:s29+$0x11300] =	vst v6  }
0x15a: {  	[tilespmem:s29+$0x11580] =	vst v6  }
0x15b: {  	[tilespmem:s29+$0x11800] =	vst v6  }
0x15c: {  	[tilespmem:s29+$0x11A80] =	vst v6  }
0x15d: {  	[tilespmem:s29+$0x11D00] =	vst v6  }
0x15e: {  	[tilespmem:s29+$0x11F80] =	vst v6  }
0x15f: {  	[tilespmem:s29+$0x12200] =	vst v6  }
0x160: {  	[tilespmem:s29+$0x12480] =	vst v6  }
0x161: {  	[tilespmem:s29+$0x12700] =	vst v6  }
0x162: {  	[tilespmem:s29+$0x12980] =	vst v6  }
0x163: {  	[tilespmem:s29+$0x12C00] =	vst v6  }
0x164: {  	[tilespmem:s29+$0x12E80] =	vst v6  }
0x165: {  	[tilespmem:s29+$0x13100] =	vst v6  }
0x166: {  	[tilespmem:s29+$0x13380] =	vst v6  }
0x167: {  	[tilespmem:s29+$0x13600] =	vst v6  }
0x168: {  	[tilespmem:s29+$0x13880] =	vst v6  }
0x169: {  	[tilespmem:s29+$0x13B00] =	vst v6  }
0x16a: {  	[tilespmem:s29+$0x13D80] =	vst v6  }
0x16b: {  	[tilespmem:s29+$0x14000] =	vst v6  }
0x16c: {  	[tilespmem:s29+$0x14280] =	vst v6  }
0x16d: {  	[tilespmem:s29+$0x14500] =	vst v6  }
0x16e: {  	[tilespmem:s29+$0x14780] =	vst v6  }
0x16f: {  	[tilespmem:s29+$0x14A00] =	vst v6  }
0x170: {  	[tilespmem:s29+$0x14C80] =	vst v6  }
0x171: {  	[tilespmem:s29+$0x14F00] =	vst v6  }
0x172: {  	_ =	swait.ge [sflag:s22], $0xA000  }
0x173: {  	[sflag:s22] =	ssyncset.done $0x0  }
0x174: {  	[sflag:s22] =	ssyncadd.s32 $0xFFFF6000  }
0x175: {  	_ =	swait.ge [sflag:s4], $0x2710  }
0x176: {  	[sflag:s4] =	ssyncset.done $0x0  }
0x177: {  	s1 =	simm.s32 $0xFFFFFFFB;
	s2 =	simm.s32 $0x15420;
	[sflag:s4] =	ssyncadd.s32 $0xFFFFD8F0  }
.LBB2_6:
0x178: {  	v7 =	vld [tilespmem:s2+$0xFFFFFFE0];
	_ =	sdelay $0x4  }
0x179: {  	v8 =	vshrl.u32 v7, $0xE;
	v9 =	vand.u32 $0x3FFF, v7  }
0x17a: {  	v8 =	vand.u32 $0xF, v8;
	v10 =	vadd.s32 $0x2800, v9  }
0x17b: {  	v7 =	vshra.s32 v7, $0x12;
	v11 =	vadd.s32 $0x5000, v9;
	v8 =	vmul.u32 $0xA00, v8  }
0x17c: {  	v12 =	vadd.s32 $0x7800, v9;
	v13 =	vand.u32 $0xFFFFFFF8, v7  }
0x17d: {  	v7 =	vand.u32 $0x7, v7;
	v8 =	vadd.s32 v13, v8  }
0x17e: {  	v9 =	vld.idx.msk [tilespmem:v9+s3+$0x0], $0xffff;
	v7 =	vor.u32 v7, v8  }
0x17f: {  	v8 =	vld.idx.msk [tilespmem:v10+s3+$0x0], $0xffff;
	v30 =	vadd.s32 $0x280, v7  }
0x180: {  	v11 =	vld.idx.msk [tilespmem:v11+s3+$0x0], $0xffff;
	v31 =	vadd.s32 $0x500, v7  }
0x181: {  	v12 =	vld.idx.msk [tilespmem:v12+s3+$0x0], $0xffff;
	v14 =	vadd.s32 $0x780, v7;
	_ =	sdelay $0x1  }
0x182: {  	[tilespmem:v7+s19+$0x0] =	vst.idx.add.f32.msk $0xffff, v9  }
0x183: {  	[tilespmem:v30+s19+$0x0] =	vst.idx.add.f32.msk $0xffff, v8  }
0x184: {  	[tilespmem:v31+s19+$0x0] =	vst.idx.add.f32.msk $0xffff, v11  }
0x185: {  	[tilespmem:v14+s19+$0x0] =	vst.idx.add.f32.msk $0xffff, v12  }
0x186: {  	v7 =	vld [tilespmem:s2+$0xFFFFFFF0];
	_ =	sdelay $0x4  }
0x187: {  	v8 =	vshrl.u32 v7, $0xE;
	v32 =	vand.u32 $0x3FFF, v7  }
0x188: {  	v8 =	vand.u32 $0xF, v8;
	v33 =	vadd.s32 $0x2800, v32  }
0x189: {  	v7 =	vshra.s32 v7, $0x12;
	v34 =	vadd.s32 $0x5000, v32;
	v8 =	vmul.u32 $0xA00, v8  }
0x18a: {  	v35 =	vadd.s32 $0x7800, v32;
	v36 =	vand.u32 $0xFFFFFFF8, v7  }
0x18b: {  	v7 =	vand.u32 $0x7, v7;
	v8 =	vadd.s32 v36, v8  }
0x18c: {  	v9 =	vld.idx.msk [tilespmem:v32+s3+$0x0], $0xffff;
	v7 =	vor.u32 v7, v8  }
0x18d: {  	v8 =	vld.idx.msk [tilespmem:v33+s3+$0x0], $0xffff;
	v37 =	vadd.s32 $0x280, v7  }
0x18e: {  	v11 =	vld.idx.msk [tilespmem:v34+s3+$0x0], $0xffff;
	v38 =	vadd.s32 $0x500, v7  }
0x18f: {  	v12 =	vld.idx.msk [tilespmem:v35+s3+$0x0], $0xffff;
	v39 =	vadd.s32 $0x780, v7;
	_ =	sdelay $0x1  }
0x190: {  	[tilespmem:v7+s19+$0x0] =	vst.idx.add.f32.msk $0xffff, v9  }
0x191: {  	[tilespmem:v37+s19+$0x0] =	vst.idx.add.f32.msk $0xffff, v8  }
0x192: {  	[tilespmem:v38+s19+$0x0] =	vst.idx.add.f32.msk $0xffff, v11  }
0x193: {  	[tilespmem:v39+s19+$0x0] =	vst.idx.add.f32.msk $0xffff, v12  }
0x194: {  	v7 =	vld [tilespmem:s2+$0x0];
	_ =	sdelay $0x4  }
0x195: {  	v8 =	vshrl.u32 v7, $0xE;
	v40 =	vand.u32 $0x3FFF, v7  }
0x196: {  	v8 =	vand.u32 $0xF, v8;
	v41 =	vadd.s32 $0x2800, v40  }
0x197: {  	v7 =	vshra.s32 v7, $0x12;
	v42 =	vadd.s32 $0x5000, v40;
	v8 =	vmul.u32 $0xA00, v8  }
0x198: {  	v43 =	vadd.s32 $0x7800, v40;
	v44 =	vand.u32 $0xFFFFFFF8, v7  }
0x199: {  	v7 =	vand.u32 $0x7, v7;
	v8 =	vadd.s32 v44, v8  }
0x19a: {  	v9 =	vld.idx.msk [tilespmem:v40+s3+$0x0], $0xffff;
	v7 =	vor.u32 v7, v8  }
0x19b: {  	v8 =	vld.idx.msk [tilespmem:v41+s3+$0x0], $0xffff;
	v45 =	vadd.s32 $0x280, v7  }
0x19c: {  	v11 =	vld.idx.msk [tilespmem:v42+s3+$0x0], $0xffff;
	v46 =	vadd.s32 $0x500, v7  }
0x19d: {  	v12 =	vld.idx.msk [tilespmem:v43+s3+$0x0], $0xffff;
	v47 =	vadd.s32 $0x780, v7;
	_ =	sdelay $0x1  }
0x19e: {  	[tilespmem:v7+s19+$0x0] =	vst.idx.add.f32.msk $0xffff, v9  }
0x19f: {  	[tilespmem:v45+s19+$0x0] =	vst.idx.add.f32.msk $0xffff, v8  }
0x1a0: {  	[tilespmem:v46+s19+$0x0] =	vst.idx.add.f32.msk $0xffff, v11  }
0x1a1: {  	[tilespmem:v47+s19+$0x0] =	vst.idx.add.f32.msk $0xffff, v12  }
0x1a2: {  	v7 =	vld [tilespmem:s2+$0x10];
	_ =	sdelay $0x4  }
0x1a3: {  	v8 =	vshrl.u32 v7, $0xE;
	v48 =	vand.u32 $0x3FFF, v7  }
0x1a4: {  	v8 =	vand.u32 $0xF, v8;
	v49 =	vadd.s32 $0x2800, v48  }
0x1a5: {  	v7 =	vshra.s32 v7, $0x12;
	v50 =	vadd.s32 $0x5000, v48;
	v8 =	vmul.u32 $0xA00, v8  }
0x1a6: {  	v51 =	vadd.s32 $0x7800, v48;
	v52 =	vand.u32 $0xFFFFFFF8, v7  }
0x1a7: {  	v7 =	vand.u32 $0x7, v7;
	v8 =	vadd.s32 v52, v8  }
0x1a8: {  	v9 =	vld.idx.msk [tilespmem:v48+s3+$0x0], $0xffff;
	v7 =	vor.u32 v7, v8  }
0x1a9: {  	v8 =	vld.idx.msk [tilespmem:v49+s3+$0x0], $0xffff;
	v53 =	vadd.s32 $0x280, v7  }
0x1aa: {  	v11 =	vld.idx.msk [tilespmem:v50+s3+$0x0], $0xffff;
	v54 =	vadd.s32 $0x500, v7  }
0x1ab: {  	v12 =	vld.idx.msk [tilespmem:v51+s3+$0x0], $0xffff;
	v55 =	vadd.s32 $0x780, v7;
	_ =	sdelay $0x1  }
0x1ac: {  	[tilespmem:v7+s19+$0x0] =	vst.idx.add.f32.msk $0xffff, v9  }
0x1ad: {  	[tilespmem:v53+s19+$0x0] =	vst.idx.add.f32.msk $0xffff, v8  }
0x1ae: {  	[tilespmem:v54+s19+$0x0] =	vst.idx.add.f32.msk $0xffff, v11  }
0x1af: {  	[tilespmem:v55+s19+$0x0] =	vst.idx.add.f32.msk $0xffff, v12  }
0x1b0: {  	v7 =	vld [tilespmem:s2+$0x20];
	_ =	sdelay $0x4  }
0x1b1: {  	v8 =	vshrl.u32 v7, $0xE;
	v56 =	vand.u32 $0x3FFF, v7  }
0x1b2: {  	v8 =	vand.u32 $0xF, v8;
	v57 =	vadd.s32 $0x2800, v56  }
0x1b3: {  	v7 =	vshra.s32 v7, $0x12;
	v58 =	vadd.s32 $0x5000, v56;
	v8 =	vmul.u32 $0xA00, v8  }
0x1b4: {  	v59 =	vadd.s32 $0x7800, v56;
	v60 =	vand.u32 $0xFFFFFFF8, v7  }
0x1b5: {  	v7 =	vand.u32 $0x7, v7;
	v8 =	vadd.s32 v60, v8  }
0x1b6: {  	v9 =	vld.idx.msk [tilespmem:v56+s3+$0x0], $0xffff;
	v7 =	vor.u32 v7, v8  }
0x1b7: {  	v8 =	vld.idx.msk [tilespmem:v57+s3+$0x0], $0xffff;
	v61 =	vadd.s32 $0x280, v7  }
0x1b8: {  	s1 =	sadd.s32 $0x5, s1;
	v11 =	vld.idx.msk [tilespmem:v58+s3+$0x0], $0xffff;
	v62 =	vadd.s32 $0x500, v7  }
0x1b9: {  	p0 =	slt.u32 s1, $0x26C;
	v12 =	vld.idx.msk [tilespmem:v59+s3+$0x0], $0xffff;
	v63 =	vadd.s32 $0x780, v7  }
.Ltmp2:
0x1ba: {  	_ = 	snop;
	(pc) =	sbr.rel @p0 .LBB2_6-.Ltmp2, $4  }
0x1bb: {  	[tilespmem:v7+s19+$0x0] =	vst.idx.add.f32.msk $0xffff, v9  }
0x1bc: {  	[tilespmem:v61+s19+$0x0] =	vst.idx.add.f32.msk $0xffff, v8  }
0x1bd: {  	[tilespmem:v62+s19+$0x0] =	vst.idx.add.f32.msk $0xffff, v11  }
0x1be: {  	s2 =	sadd.s32 $0x50, s2;
	[tilespmem:v63+s19+$0x0] =	vst.idx.add.f32.msk $0xffff, v12  }
0x1bf: {  	_ =	sdelay $0x2  }
0x1c0: {  	s1 =	rddreg [dreg:$0x4]  }
0x1c1: {  	[spmem:s1] =	stream.indirect_vreg.scatter.add.f32 [tilespmem:s19], [sflag:$0x6], $0xA00, v0, vm0, $0xb8;
	[tilespmem:$0x1A5D0] =	vst v63  }
0x1c2: {  	_ =	swait.ge [sflag:s28], $0xA000  }
0x1c3: {  	s31 =	sshll.u32 s0, $0x6;
	[sflag:s28] =	ssyncset.done $0x0  }
0x1c4: {  	s2 =	sshrl.u32 s14, $0x3;
	s26 =	sadd.s32 $0x1, s26;
	[sflag:s28] =	ssyncadd.s32 $0xFFFF6000  }
0x1c5: {  	s20 =	simm.s32 $0x50;
	p0 =	sne.s32 s26, s16;
	[bflag:$0x0] =	sbarrier.arrive $0xFFFF  }
.Ltmp3:
0x1c6: {  	s1 =	sor.u32 $0x1C06, s31;
	[bflag:$0x0] =	sbarrier.arrive $0xFFFF;
	(pc) =	sbr.rel @p0 .LBB2_1-.Ltmp3, $4  }
0x1c7: {  	[hbm:s15@s4], [sflag:s1] =	dma.strided [spmem:s2@s20], $0x140, s22, $0x5   }
0x1c8: {  	_ =	swait.ge [sflag:s28], $0x140  }
0x1c9: {  	[sflag:s28] =	ssyncset.done $0x0  }
0x1ca: {  	[sflag:s28] =	ssyncadd.s32 $0xFFFFFEC0  }
0x1cb: {  	_ =	sfence.sel $0x180000  }
0x1cc: {  	[bflag:$0x0] =	sbarrier.arrive $0xFFFF  }
0x1cd: {  	_ =	strace $0x9000004A  }
0x1ce: {  	[bflag:$0x2] =	sbarrier.arrive $0xFFFF  }
0x1cf: {  	p0 =	sne.s32 s0, $0x0;
	s0 =	rddreg [dreg:$0x5]  }
0x1d0: {  	s0 =	sadd.s32 @!p0 $0x100000, s0  }
0x1d1: {  	[sflag:s0] =	ssyncadd.tile.s32 @!p0 $0x1;
	_ =	shalt  }
.Lfunc_end2:
_tile_overlayer_lowered:
.L_overlay_start_2:
0x1d2: {  	(tag) =	ssettag $0x2  }
0x1d3: {  	s0 =	rddreg [dreg:$0x0];
	s2 =	stileid.u32  }
0x1d4: {  	s1 =	rddreg [dreg:$0x1];
	p0 =	sne.s32 s2, $0x0  }
0x1d5: {  	s3 =	rddreg [dreg:$0x2];
	[bflag:$0x3] =	sbarrier.arrive $0xFFFF;
	s2 =	simm.s32 @!p0 $0x1C06  }
0x1d6: {  	[timem:s3], [sflag:s2] =	dma.local @!p0 [hbm:s0], s1  }
0x1d7: {  	s0 =	simm.s32 @!p0 $0x6  }
0x1d8: {  	_ =	swait.ge @!p0 [sflag:s0], s1  }
0x1d9: {  	s1 =	ssub.s32 @!p0 $0x0, s1;
	[sflag:s0] =	ssyncset.done @!p0 $0x0  }
0x1da: {  	[sflag:s0] =	ssyncadd.s32 @!p0 s1  }
0x1db: {  	[bflag:$0x3] =	sbarrier.arrive $0xFFFF  }
0x1dc: {  	_ =	shalt  }

// kernel: kernel.14.cloned.1.call-start
scs
__scs_entry_jumppad:
0x0: {  	(pc) =	sbr.rel $0x88, $3  }
0x1: {  	(tag) =	ssettag $0x0;
	lr =	simm.s32 $0x1  }
0x2: {  	[smem:$0x3F97] =	sst lr;
	_ =	strace $0xD0000000  }
0x3: {  	_ = 	snop  }
0x4: {  	_ = 	snop  }
0x5: {  	_ = 	snop  }
0x6: {  	_ = 	snop  }
0x7: {  	_ = 	snop  }
__scs_overlays_trampoline_lowered:
0x8: {  	[smem:$0x3FA6] =	sst s0  }
0x9: {  	[smem:$0x3FA7] =	sst s1  }
0xa: {  	[smem:$0x3FA8] =	sst s2  }
0xb: {  	[smem:$0x3FA9] =	sst s3  }
0xc: {  	[smem:$0x3FAA] =	sst s4  }
0xd: {  	[smem:$0x3FAB] =	sst s5  }
0xe: {  	[smem:$0x3FAC] =	sst s6  }
0xf: {  	[smem:$0x3FAD] =	sst s7  }
0x10: {  	[smem:$0x3FAE] =	sst s8  }
0x11: {  	[smem:$0x3FAF] =	sst s9;
	s0 =	simm.s32 @!p0 $0x0  }
0x12: {  	s1 =	sld [smem:$0x3F95];
	s0 =	simm.s32 @p0 $0x1  }
0x13: {  	[smem:$0x3FB0] =	sst s0;
	s0 =	simm.s32 @!p1 $0x0  }
0x14: {  	s2 =	sld [smem:$0x3F94];
	s0 =	simm.s32 @p1 $0x1  }
0x15: {  	[smem:$0x3FB1] =	sst s0;
	s0 =	simm.s32 @!p2 $0x0  }
0x16: {  	s3 =	sld [smem:$0x3FDB];
	s0 =	simm.s32 @p2 $0x1  }
0x17: {  	s4 =	simm.s32 $0x1BF5;
	[smem:$0x3FB3] =	sst s0  }
0x18: {  	s0 =	sld [smem:$0x3F96];
	_ =	swait.ge [sflag:s4], $0x0  }
0x19: {  	s7 =	sld [smem:$0x3F97]  }
0x1a: {  	s8 =	sadd.s32 $0xFFFFE003, lr  }
0x1b: {  	s9 =	sadd.s32 $0xFFFFFEF7, lr;
	s5 =	simm.s32 $0xFFFFFFFF;
	p2 =	slt.u32 s8, $0xFFFFF086  }
0x1c: {  	p1 =	slt.u32 s9, $0xF7A;
	s5 =	simm.s32 @!p2 $0x0  }
0x1d: {  	s5 =	simm.s32 @p1 $0x1;
	p0 =	seq.s32 s7, s2  }
0x1e: {  	s7 =	smul.u32 @!p0 $0xF7A, s2;
	p2 =	seq.s32 @!p0 s5, $0x0  }
0x1f: {  	s9 =	smul.u32 $0xF7A, s1;
	s8 =	simm.s32 @!p0 $0x1BF5;
	p2 =	por !p2, p0  }
0x20: {  	[sflag:s8] =	ssyncset.s32 @!p0 $0xFFFFF086;
	s6 =	sadd.s32 @!p0 s3, s7;
	s7 =	simm.s32 @!p0 $0x108  }
0x21: {  	s3 =	sadd.s32 s3, s9;
	s6 =	sadd.s32 @!p0 $0x88, s6;
	s7 =	simm.s32 @p2 $0x1082  }
0x22: {  	[simem:s7], [sflag:s8] =	dma.local @!p0 [hbm:s6], $0xF7A  }
0x23: {  	s9 =	sor.u32 $0xD0000000, s2;
	s6 =	simm.s32 $0x108;
	_ =	swait.ge @!p0 [sflag:s8], $0x0  }
0x24: {  	s3 =	sadd.s32 $0x88, s3;
	s6 =	simm.s32 @!p1 $0x1082;
	[sflag:s4] =	ssyncset.s32 $0xFFFFF086  }
0x25: {  	[simem:s6], [sflag:s4] =	dma.local [hbm:s3], $0xF7A  }
0x26: {  	[smem:$0x3F97] =	sst s1;
	(tag) =	ssettag s2;
	_ =	strace s9  }
0x27: {  	s1 =	sld [smem:$0x3FA7]  }
0x28: {  	s2 =	sld [smem:$0x3FA8]  }
0x29: {  	s4 =	sld [smem:$0x3FAA]  }
0x2a: {  	p0 =	seq.s32 s5, $0x0;
	s5 =	sld [smem:$0x3FAB]  }
0x2b: {  	s6 =	sld [smem:$0x3FAC]  }
0x2c: {  	s7 =	sld [smem:$0x3FAD]  }
0x2d: {  	s3 =	simm.s32 $0x108;
	s8 =	sld [smem:$0x3FAE]  }
0x2e: {  	s3 =	simm.s32 @!p0 $0x1082;
	s9 =	sld [smem:$0x3FAF]  }
0x2f: {  	lr =	sadd.s32 s0, s3;
	s0 =	sld [smem:$0x3FA6]  }
0x30: {  	s3 =	sld [smem:$0x3FA9]  }
0x31: {  	[smem:$0x3FB2] =	sst s10  }
0x32: {  	s10 =	sld [smem:$0x3FB0];
	_ =	sdelay $0x3  }
0x33: {  	p0 =	seq.s32 s10, $0x1;
	s10 =	sld [smem:$0x3FB2];
	_ =	sdelay $0x3  }
0x34: {  	[smem:$0x3FB2] =	sst s10  }
0x35: {  	s10 =	sld [smem:$0x3FB1];
	_ =	sdelay $0x3  }
0x36: {  	p1 =	seq.s32 s10, $0x1;
	s10 =	sld [smem:$0x3FB2];
	_ =	sdelay $0x3  }
0x37: {  	[smem:$0x3FB2] =	sst s10  }
0x38: {  	s10 =	sld [smem:$0x3FB3]  }
0x39: {  	_ = 	snop;
	(pc) =	sbr.ind lr, $3  }
0x3a: {  	_ = 	snop  }
0x3b: {  	_ = 	snop  }
0x3c: {  	p2 =	seq.s32 s10, $0x1;
	s10 =	sld [smem:$0x3FB2]  }
0x3d: {  	_ =	shalt  }
0x3e: {  	_ =	shalt  }
0x3f: {  	_ =	shalt  }
0x40: {  	_ =	shalt  }
0x41: {  	_ =	shalt  }
0x42: {  	_ =	shalt  }
0x43: {  	_ =	shalt  }
0x44: {  	_ =	shalt  }
0x45: {  	_ =	shalt  }
0x46: {  	_ =	shalt  }
0x47: {  	_ =	shalt  }
0x48: {  	_ =	shalt  }
0x49: {  	_ =	shalt  }
0x4a: {  	_ =	shalt  }
0x4b: {  	_ =	shalt  }
0x4c: {  	_ =	shalt  }
0x4d: {  	_ =	shalt  }
0x4e: {  	_ =	shalt  }
0x4f: {  	_ =	shalt  }
0x50: {  	_ =	shalt  }
0x51: {  	_ =	shalt  }
0x52: {  	_ =	shalt  }
0x53: {  	_ =	shalt  }
0x54: {  	_ =	shalt  }
0x55: {  	_ =	shalt  }
0x56: {  	_ =	shalt  }
0x57: {  	_ =	shalt  }
0x58: {  	_ =	shalt  }
0x59: {  	_ =	shalt  }
0x5a: {  	_ =	shalt  }
0x5b: {  	_ =	shalt  }
0x5c: {  	_ =	shalt  }
0x5d: {  	_ =	shalt  }
0x5e: {  	_ =	shalt  }
0x5f: {  	_ =	shalt  }
0x60: {  	_ =	shalt  }
0x61: {  	_ =	shalt  }
0x62: {  	_ =	shalt  }
0x63: {  	_ =	shalt  }
0x64: {  	_ =	shalt  }
0x65: {  	_ =	shalt  }
0x66: {  	_ =	shalt  }
0x67: {  	_ =	shalt  }
0x68: {  	_ =	shalt  }
0x69: {  	_ =	shalt  }
0x6a: {  	_ =	shalt  }
0x6b: {  	_ =	shalt  }
0x6c: {  	_ =	shalt  }
0x6d: {  	_ =	shalt  }
0x6e: {  	_ =	shalt  }
0x6f: {  	_ =	shalt  }
0x70: {  	_ =	shalt  }
0x71: {  	_ =	shalt  }
0x72: {  	_ =	shalt  }
0x73: {  	_ =	shalt  }
0x74: {  	_ =	shalt  }
0x75: {  	_ =	shalt  }
0x76: {  	_ =	shalt  }
0x77: {  	_ =	shalt  }
0x78: {  	_ =	shalt  }
0x79: {  	_ =	shalt  }
0x7a: {  	_ =	shalt  }
0x7b: {  	_ =	shalt  }
0x7c: {  	_ =	shalt  }
0x7d: {  	_ =	shalt  }
0x7e: {  	_ =	shalt  }
0x7f: {  	_ =	shalt  }
0x80: {  	_ =	shalt  }
0x81: {  	_ =	shalt  }
0x82: {  	_ =	shalt  }
0x83: {  	_ =	shalt  }
0x84: {  	_ =	shalt  }
0x85: {  	_ =	shalt  }
0x86: {  	_ =	shalt  }
0x87: {  	_ =	shalt  }
.Lfunc_end0:
.L_simem_size_0:
called_computation.2_lowered:
.L_overlay_start_0:
0x88: {  	s2 =	sld [smem:$0x3FD9]  }
0x89: {  	s3 =	sld [smem:$0x3FFE];
	_ =	sdelay $0x1  }
0x8a: {  	s1 =	srdreg.scid  }
0x8b: {  	s0 =	sand.u32 $0x1, s1  }
0x8c: {  	s14 =	sshll.u32 s0, $0xA;
	s2 =	sadd.s32 s3, s2  }
0x8d: {  	s2 =	sadd.s32 s2, s14  }
0x8e: {  	[smem:$0x3FBE] =	sst s2  }
0x8f: {  	_ = 	snop  }
0x90: {  	s2 =	sld [smem:$0x3FD0];
	_ =	sdelay $0x2  }
0x91: {  	s15 =	simm.s32 $0xA;
	s4 =	simm.s32 $0x10  }
0x92: {  	[smem:s4], [sflag:s15] =	dma.local [hbm:s2], $0x1  }
0x93: {  	_ =	swait.eq [sflag:s15], $0x1  }
0x94: {  	[sflag:s15] =	ssyncset.done $0x0  }
0x95: {  	s16 =	sld [smem:$0x10];
	[sflag:s15] =	ssyncadd.s32 $0xFFFFFFFF  }
0x96: {  	s17 =	sld [smem:$0x11];
	(tm) =	ssettm $0x1  }
0x97: {  	s18 =	sld [smem:$0x3FFB];
	_ =	sdelay $0x3  }
0x98: {  	_ =	strace s18  }
0x99: {  	s4 =	sld [smem:$0x3FFC];
	_ =	sdelay $0x3  }
0x9a: {  	_ =	strace s4  }
0x9b: {  	s4 =	sld [smem:$0x3FFD];
	_ =	sdelay $0x3  }
0x9c: {  	_ =	strace s4  }
0x9d: {  	_ =	strace $0x8FFFFFFF  }
0x9e: {  	s19 =	sld [smem:$0x3FDB];
	_ =	sdelay $0x1  }
0x9f: {  	s5 =	simm.s32 $_scs_section_size  }
0xa0: {  	s6 =	simm.s32 $_size__tile_overlayer_lowered;
	s7 =	simm.s32 $_tile_overlayer_lowered  }
0xa1: {  	s22 =	simm.s32 $0x1BFF;
	s21 =	sshll.u32 s7, $0x1;
	s4 =	sadd.s32 s5, s19  }
0xa2: {  	s8 =	simm.s32 $0x0;
	s20 =	sshll.u32 s6, $0x1;
	s6 =	sadd.s32 s21, s4  }
0xa3: {  	[timem:s8], [sflag:s22] =	dma.local [hbm:s6], s20  }
0xa4: {  	_ =	swait.ge [sflag:s22], s20  }
0xa5: {  	s5 =	ssub.s32 $0x0, s20;
	[sflag:s22] =	ssyncset.done $0x0  }
0xa6: {  	[sflag:s22] =	ssyncadd.s32 s5;
	_ =	sdelay $0x1  }
0xa7: {  	s23 =	simm.s32 $0x1B8B  }
0xa8: {  	_ =	swait.ge [sflag:s23], $0x1  }
0xa9: {  	[sflag:s23] =	ssyncset.done $0x0  }
0xaa: {  	s25 =	simm.s32 $0x1B8E;
	s24 =	sld [smem:$0x3FFE];
	[sflag:s23] =	ssyncadd.s32 $0xFFFFFFFF  }
0xab: {  	s26 =	simm.s32 $execute0_lowered;
	[smem:$0x3FD2] =	sst s25  }
0xac: {  	s6 =	sshll.u32 s26, $0x1;
	_ =	strace $0x8000004C;
	[dreg:$0x1] =	wrdreg $0xFFFFFFFF  }
0xad: {  	s28 =	simm.s32 $_size_execute0_lowered;
	s4 =	sadd.s32 s4, s6;
	[dreg:$0x0] =	wrdreg $0x0  }
0xae: {  	s6 =	sshll.u32 s28, $0x1;
	[dreg:$0x2] =	wrdreg s4  }
0xaf: {  	[dreg:$0x3] =	wrdreg s6  }
0xb0: {  	[dreg:$0x4] =	wrdreg $0xC0  }
0xb1: {  	_ =	task [dreg:s8], $0x5FFFF  }
0xb2: {  	[dreg:$0x1] =	wrdreg $0xFFFFFFFF  }
0xb3: {  	[dreg:$0x0] =	wrdreg $0x60  }
0xb4: {  	[dreg:$0x2] =	wrdreg s24  }
0xb5: {  	[dreg:$0x3] =	wrdreg s17  }
0xb6: {  	[dreg:$0x4] =	wrdreg s16  }
0xb7: {  	[dreg:$0x5] =	wrdreg $0x0  }
0xb8: {  	[dreg:$0x6] =	wrdreg $0x5000  }
0xb9: {  	[dreg:$0x7] =	wrdreg $0x9  }
0xba: {  	_ =	task.clear_ibuf [dreg:s8], $0x8FFFF;
	_ =	strace $0x9000004C  }
0xbb: {  	s29 =	simm.s32 $0x9;
	_ =	strace $0x8000004E  }
0xbc: {  	_ =	swait.ge [sflag:s29], $0x1  }
0xbd: {  	[sflag:s29] =	ssyncadd.s32 $0xFFFFFFFF  }
0xbe: {  	_ =	strace $0x9000004E  }
0xbf: {  	_ =	sfence  }
0xc0: {  	s30 =	sld [smem:$0x0];
	_ =	sdelay $0x2  }
0xc1: {  	s31 =	sshll.u32 s1, $0xD;
	s1 =	sshrl.u32 s1, $0x2  }
0xc2: {  	s3 =	sand.u32 $0x4000, s31;
	s1 =	sadd.s32 s1, s30  }
0xc3: {  	s0 =	sor.u32 s3, s0;
	s1 =	sshll.u32 s1, $0x11  }
0xc4: {  	s0 =	sor.u32 s1, s0  }
0xc5: {  	s0 =	sadd.s32 $0x8F2B, s0  }
0xc6: {  	[sflag:s0] =	ssyncadd.remote.s32 $0x1  }
0xc7: {  	_ =	sfence.sel $0xFFFF  }
0xc8: {  	[dreg:$0x0] =	wrdreg $0xFFFFFFFF;
	(pc) =	sbr.abs _section_cstart, $3  }
0xc9: {  	[dreg:$0x1] =	wrdreg $0xFFFFFFFF  }
0xca: {  	_ =	task.clear_ibuf [dreg:s8], $0x2FFFF;
	_ =	strace $0x9FFFFFFF  }
0xcb: {  	(tm) =	ssettm $0x7FFFFFFF  }
tec
execute0_lowered:
.L_overlay_start_1:
0x0: {  	(tag) =	ssettag $0x1  }
0x1: {  	s1 =	rddreg [dreg:$0x0]  }
0x2: {  	s2 =	rddreg [dreg:$0x1];
	s0 =	stileid.u32  }
0x3: {  	s3 =	srdreg.scid;
	s10 =	rddreg [dreg:$0x3]  }
0x4: {  	s12 =	rddreg [dreg:$0x4];
	s5 =	simm.s32 $0x0;
	s17 =	simm.f32 $1.000000000e+00  }
0x5: {  	s15 =	simm.s32 $0xD110;
	s16 =	simm.s32 $0xDB10;
	s4 =	smul.u32 $0x7, s0  }
0x6: {  	s19 =	simm.s32 $0x4;
	s20 =	simm.s32 $0x1;
	s6 =	smul.u32 $0xA00, s0  }
0x7: {  	s21 =	simm.s32 $0x2;
	s29 =	simm.s32 $0x280;
	s22 =	smul.u32 $0x500, s0  }
0x8: {  	s30 =	simm.s32 $0xA00;
	s31 =	simm.s32 $0x5;
	s9 =	smul.u32 $0x280, s0  }
0x9: {  	s3 =	sand.u32 $0x1, s3;
	[smem:$0x7FF] =	sst s5;
	s25 =	smul.u32 $0xA0, s0  }
0xa: {  	p1 =	sgt.u32 s0, $0x7;
	s7 =	smul.u32 $0x5000, s3;
	_ =	strace $0x8000004D  }
0xb: {  	p0 =	seq.s32 s3, $0x1;
	s23 =	ssub.s32 $0x2, s3;
	s4 =	sadd.s32 s3, s4  }
0xc: {  	s6 =	sshrl.u32 s6, $0x3;
	s17 =	simm.s32 @!p0 $0x0;
	s24 =	sshrl.u32 s23, $0x1  }
0xd: {  	p0 =	seq.s32 s3, $0x0;
	s26 =	sshrl.u32 s9, $0x3;
	s9 =	sadd.s32 s9, s10  }
0xe: {  	s28 =	sshrl.u32 s25, $0x2;
	s25 =	simm.s32 $0x6;
	s4 =	smul.u32 $0x4E2, s4  }
0xf: {  	s8 =	sadd.s32 s6, s1;
	s6 =	sadd.s32 s22, s7;
	s17 =	simm.s32 @!p1 $0x0  }
0x10: {  	p1 =	slt.u32 s0, $0x8;
	s14 =	ssub.s32 s23, s24;
	s11 =	sadd.s32 $0x2800, s9  }
0x11: {  	s12 =	sadd.s32 s28, s12;
	s22 =	simm.s32 $0x3;
	s23 =	simm.s32 $0xEC90  }
0x12: {  	v0 =	vlaneseq.u32;
	s6 =	sshrl.u32 s6, $0x3;
	s3 =	smov.u32 s17;
	s7 =	sadd.s32 $0x18E00, s8  }
0x13: {  	v1 =	vmul.u32 $0xA0, v0;
	s14 =	smax.u32 s14, $0x1;
	s4 =	sadd.s32 s4, s1;
	s1 =	sadd.s32 s6, s1  }
0x14: {  	v8 =	vimm.f32 $0.0e+00;
	v3 =	vmul.u32 $0x50, v0;
	s3 =	simm.s32 @p0 $0x3F800000;
	s6 =	sadd.s32 $0x17A00, s8;
	s8 =	sadd.s32 s2, s26  }
0x15: {  	vm0 =	vmmov $0xffff;
	v4 =	vadd.s32 $0x28, v1;
	v5 =	vadd.s32 $0x50, v1;
	s2 =	simm.s32 $0x5A00;
	s17 =	smov.u32 @p1 s3;
	s10 =	sadd.s32 $0x5000, s4  }
0x16: {  	v6 =	vadd.s32 $0x78, v1;
	v7 =	vadd.s32 $0x28, v3;
	s13 =	sadd.s32 $0xEE00, s1;
	s1 =	simm.s32 $0x50;
	s3 =	simm.s32 $0x0;
	v2 =	vmov s17  }
.LBB2_1:
0x17: {  	[tilespmem:s15], [sflag:$0x1] =	stream.linear.gather [hbm4b:s6+s5], $0xA00, $0x38;
	[tilespmem:$0xF1D0] =	vst v63  }
0x18: {  	_ = 	snop  }
0x19: {  	[tilespmem:s16], [sflag:$0x2] =	stream.linear.gather [hbm4b:s7+s5], $0xA00, $0x38;
	[tilespmem:$0xF1D0] =	vst v63  }
0x1a: {  	s4 =	simm.s32 $0xE510  }
0x1b: {  	[tilespmem:s4], [sflag:$0x3] =	stream.linear.gather [hbm4b:s8+s5], $0x280, $0x38;
	[tilespmem:$0xF1D0] =	vst v63  }
0x1c: {  	s17 =	rddreg [dreg:$0x2];
	s18 =	simm.s32 $0xF190  }
0x1d: {  	[tilespmem:s18], [sflag:$0x4] =	stream.linear.gather [hbm4b:s17+s5], $0x40, $0x38;
	[tilespmem:$0xF1D0] =	vst v63  }
0x1e: {  	s26 =	simm.s32 $0xAA00  }
0x1f: {  	[tilespmem:s26], [sflag:$0x5] =	stream.linear.gather [hbm4b:s10+s5], $0x2710, $0x38;
	[tilespmem:$0xF1D0] =	vst v63  }
0x20: {  	_ =	swait.ge [sflag:s19], $0x40  }
0x21: {  	[sflag:s19] =	ssyncset.done $0x0  }
0x22: {  	[sflag:s19] =	ssyncadd.s32 $0xFFFFFFC0  }
0x23: {  	v20 =	vld [tilespmem:$0xF1A0];
	_ =	swait.ge [sflag:s20], $0xA00  }
0x24: {  	[sflag:s20] =	ssyncset.done $0x0  }
0x25: {  	v9 =	vmov s5;
	[sflag:s20] =	ssyncadd.s32 $0xFFFFF600  }
0x26: {  	v23 =	vand.u32 $0x3F, v9;
	_ =	swait.ge [sflag:s21], $0xA00  }
0x27: {  	v9 =	vadd.s32 v4, v23;
	[sflag:s21] =	ssyncset.done $0x0  }
0x28: {  	v10 =	vadd.s32 v1, v23;
	[sflag:s21] =	ssyncadd.s32 $0xFFFFF600  }
0x29: {  	_ =	swait.ge [sflag:s22], $0x280  }
0x2a: {  	[sflag:s22] =	ssyncset.done $0x0  }
0x2b: {  	[sflag:s22] =	ssyncadd.s32 $0xFFFFFD80  }
0x2c: {  	v11 =	vld.idx.msk [tilespmem:v9+s16+$0x0], $0xffff  }
0x2d: {  	v13 =	vld.idx.msk [tilespmem:v10+s15+$0x0], $0xffff  }
0x2e: {  	v12 =	vadd.s32 v5, v23;
	v9 =	vld.idx.msk [tilespmem:v9+s15+$0x0], $0xffff  }
0x2f: {  	v10 =	vld.idx.msk [tilespmem:v10+s16+$0x0], $0xffff  }
0x30: {  	v14 =	vadd.s32 v6, v23;
	v24 =	vld [tilespmem:s4+$0x0];
	_ =	sdelay $0x2  }
0x31: {  	v16 =	vld.idx.msk [tilespmem:v12+s15+$0x0], $0xffff;
	v9 =	vadd.f32 v11, v9  }
0x32: {  	v12 =	vld.idx.msk [tilespmem:v12+s16+$0x0], $0xffff;
	v10 =	vadd.f32 v10, v13  }
0x33: {  	v15 =	vbroadcast v20, $0x5;
	v17 =	vld.idx.msk [tilespmem:v14+s15+$0x0], $0xffff;
	v9 =	vmul.f32 v9, v24  }
0x34: {  	v18 =	vld.idx.msk [tilespmem:v14+s16+$0x0], $0xffff;
	v14 =	vbroadcast v20, $0x4;
	v10 =	vmul.f32 v10, v24  }
0x35: {  	v9 =	vadd.f32 v9, v15  }
0x36: {  	v10 =	vadd.f32 v10, v14  }
0x37: {  	v12 =	vadd.f32 v12, v16;
	v9 =	vadd.f32 v9, v9  }
0x38: {  	v11 =	vbroadcast v20, $0x6;
	v10 =	vadd.f32 v10, v10  }
0x39: {  	v16 =	vadd.f32 v18, v17;
	v12 =	vmul.f32 v12, v24;
	v9 =	vmul.f32 $1.442695020e+00, v9  }
0x3a: {  	v13 =	vbroadcast v20, $0x7;
	v10 =	vmul.f32 $1.442695020e+00, v10  }
0x3b: {  	v16 =	vmul.f32 v16, v24;
	v12 =	vadd.f32 v12, v11;
	(erf) = vpow2.f32 v9  }
0x3c: {  	(erf) = vpow2.f32 v10  }
0x3d: {  	v16 =	vadd.f32 v16, v13;
	v12 =	vadd.f32 v12, v12;
	_ =	sdelay $0x1  }
0x3e: {  	v9 =	vmul.f32 $1.442695020e+00, v12;
	v10 =	vadd.f32 v16, v16;
	_ =	sdelay $0x1  }
0x3f: {  	(erf) = vpow2.f32 v9;
	v10 =	vmul.f32 $1.442695020e+00, v10;
	_ =	sdelay $0x1  }
0x40: {  	(erf) = vpow2.f32 v10  }
0x41: {  	v9 =	vpop (erf)  }
0x42: {  	v9 =	vadd.f32 $1.000000000e+00, v9;
	v10 =	vpop (erf)  }
0x43: {  	v10 =	vadd.f32 $1.000000000e+00, v10  }
0x44: {  	(erf) = vrcp.f32 v9  }
0x45: {  	(erf) = vrcp.f32 v10;
	_ =	sdelay $0x1  }
0x46: {  	v9 =	vpop (erf)  }
0x47: {  	v9 =	vadd.f32 $1.000000000e+00, v9  }
0x48: {  	v10 =	vpop (erf)  }
0x49: {  	v10 =	vadd.f32 $1.000000000e+00, v10;
	(erf) = vrcp.f32 v9;
	_ =	sdelay $0x2  }
0x4a: {  	(erf) = vrcp.f32 v10;
	v9 =	vpop (erf)  }
0x4b: {  	v10 =	vpop (erf)  }
0x4c: {  	v18 =	vadd.f32 v10, v10;
	_ =	sdelay $0x1  }
0x4d: {  	v21 =	vadd.f32 v9, v9  }
0x4e: {  	v19 =	vbroadcast v20, $0xB;
	v17 =	vbroadcast v20, $0x9  }
0x4f: {  	v12 =	vbroadcast v20, $0xA;
	v21 =	vsub.f32 $1.000000000e+00, v21;
	v22 =	vsub.f32 $1.000000000e+00, v18;
	v18 =	vpop (erf)  }
0x50: {  	v16 =	vbroadcast v20, $0x8;
	v9 =	vbroadcast v20, $0xE;
	v25 =	vadd.f32 v18, v18  }
0x51: {  	v10 =	vbroadcast v20, $0xC;
	v28 =	vmul.f32 v21, v12  }
0x52: {  	v21 =	vmul.f32 v21, v19;
	v26 =	vmul.f32 v22, v16;
	v27 =	vpop (erf);
	v25 =	vsub.f32 $1.000000000e+00, v25  }
0x53: {  	v22 =	vmul.f32 v22, v17;
	v18 =	vbroadcast v20, $0xD;
	v27 =	vadd.f32 v27, v27  }
0x54: {  	v20 =	vbroadcast v20, $0xF;
	v26 =	vadd.f32 v28, v26;
	v63 =	vmul.f32 v25, v10  }
0x55: {  	v21 =	vadd.f32 v21, v22;
	v27 =	vsub.f32 $1.000000000e+00, v27;
	v22 =	vmul.f32 v25, v18  }
0x56: {  	v25 =	vadd.f32 v63, v26  }
0x57: {  	v26 =	vmul.f32 v27, v9;
	v21 =	vadd.f32 v22, v21;
	v22 =	vmul.f32 v27, v20;
	_ =	sdelay $0x1  }
0x58: {  	s28 =	simm.s32 $0x1;
	v25 =	vadd.f32 v26, v25;
	v26 =	vadd.f32 v22, v21  }
0x59: {  	v22 =	vadd.s32 v3, v23;
	v21 =	vmov s28;
	v23 =	vadd.s32 v7, v23  }
0x5a: {  	s24 =	simm.s32 $0x2;
	s17 =	simm.s32 $0xEA10;
	s18 =	simm.s32 $0xEA10;
	v21 =	vand.u32 $0x3F, v21;
	v25 =	vmul.f32 v25, v24;
	v24 =	vmul.f32 v26, v24  }
.LBB2_2:
0x5b: {  	s4 =	sadd.s32 $0x10, s4  }
0x5c: {  	v26 =	vadd.s32 v1, v21;
	v27 =	vadd.s32 v4, v21;
	v28 =	vmul.f32 v25, v2;
	s17 =	sadd.s32 $0x10, s17;
	s26 =	smov.u32 s24;
	s28 =	sadd.s32 $0x1, s24  }
0x5d: {  	p0 =	sne.s32 s24, $0x27;
	[tilespmem:s18+$0xFFFFFD80] =	vst v25  }
0x5e: {  	[tilespmem:v22+s23+$0x0] =	vst.idx.msk $0xffff, v28;
	v22 =	vmul.f32 v24, v2  }
0x5f: {  	[tilespmem:s18+$0x0] =	vst v24;
	s18 =	smov.u32 s17  }
0x60: {  	[tilespmem:v23+s23+$0x0] =	vst.idx.msk $0xffff, v22  }
0x61: {  	v23 =	vadd.s32 v5, v21;
	v22 =	vld.idx.msk [tilespmem:v27+s16+$0x0], $0xffff  }
0x62: {  	v24 =	vld.idx.msk [tilespmem:v26+s15+$0x0], $0xffff  }
0x63: {  	v25 =	vld.idx.msk [tilespmem:v27+s15+$0x0], $0xffff;
	v27 =	vadd.s32 v6, v21  }
0x64: {  	v26 =	vld.idx.msk [tilespmem:v26+s16+$0x0], $0xffff  }
0x65: {  	v28 =	vld [tilespmem:s4+$0x0]  }
0x66: {  	v29 =	vld.idx.msk [tilespmem:v23+s15+$0x0], $0xffff  }
0x67: {  	v23 =	vld.idx.msk [tilespmem:v23+s16+$0x0], $0xffff  }
0x68: {  	v30 =	vld.idx.msk [tilespmem:v27+s15+$0x0], $0xffff  }
0x69: {  	v22 =	vadd.f32 v22, v25;
	v25 =	vld.idx.msk [tilespmem:v27+s16+$0x0], $0xffff  }
0x6a: {  	v24 =	vadd.f32 v26, v24  }
0x6b: {  	v22 =	vmul.f32 v22, v28  }
0x6c: {  	v24 =	vmul.f32 v24, v28  }
0x6d: {  	v22 =	vadd.f32 v22, v15;
	v23 =	vadd.f32 v23, v29  }
0x6e: {  	v24 =	vadd.f32 v24, v14  }
0x6f: {  	v22 =	vadd.f32 v22, v22;
	v23 =	vmul.f32 v23, v28;
	v25 =	vadd.f32 v25, v30  }
0x70: {  	v24 =	vadd.f32 v24, v24  }
0x71: {  	v22 =	vmul.f32 $1.442695020e+00, v22;
	v23 =	vadd.f32 v23, v11;
	v25 =	vmul.f32 v25, v28  }
0x72: {  	v24 =	vmul.f32 $1.442695020e+00, v24  }
0x73: {  	v23 =	vadd.f32 v23, v23;
	v25 =	vadd.f32 v25, v13;
	(erf) = vpow2.f32 v22  }
0x74: {  	(erf) = vpow2.f32 v24  }
0x75: {  	v22 =	vmul.f32 $1.442695020e+00, v23;
	v23 =	vadd.f32 v25, v25;
	_ =	sdelay $0x1  }
0x76: {  	v23 =	vmul.f32 $1.442695020e+00, v23;
	(erf) = vpow2.f32 v22;
	_ =	sdelay $0x1  }
0x77: {  	(erf) = vpow2.f32 v23;
	_ =	sdelay $0x2  }
0x78: {  	v22 =	vpop (erf)  }
0x79: {  	v24 =	vadd.f32 $1.000000000e+00, v22;
	v23 =	vpop (erf)  }
0x7a: {  	v23 =	vadd.f32 $1.000000000e+00, v23  }
0x7b: {  	(erf) = vrcp.f32 v24  }
0x7c: {  	(erf) = vrcp.f32 v23;
	v22 =	vpop (erf)  }
0x7d: {  	v22 =	vadd.f32 $1.000000000e+00, v22  }
0x7e: {  	v23 =	vpop (erf)  }
0x7f: {  	v23 =	vadd.f32 $1.000000000e+00, v23;
	(erf) = vrcp.f32 v22;
	_ =	sdelay $0x1  }
0x80: {  	(erf) = vrcp.f32 v23;
	_ =	sdelay $0x2  }
0x81: {  	v22 =	vpop (erf)  }
0x82: {  	v22 =	vadd.f32 v22, v22;
	v23 =	vpop (erf)  }
0x83: {  	v23 =	vadd.f32 v23, v23  }
0x84: {  	v22 =	vsub.f32 $1.000000000e+00, v22  }
0x85: {  	v23 =	vsub.f32 $1.000000000e+00, v23;
	v24 =	vpop (erf)  }
0x86: {  	v24 =	vadd.f32 v24, v24  }
0x87: {  	v25 =	vmul.f32 v23, v16;
	v23 =	vmul.f32 v23, v17;
	v26 =	vpop (erf)  }
0x88: {  	v27 =	vmul.f32 v22, v12;
	v24 =	vsub.f32 $1.000000000e+00, v24;
	v26 =	vadd.f32 v26, v26  }
0x89: {  	v22 =	vmul.f32 v22, v19  }
0x8a: {  	v25 =	vadd.f32 v27, v25;
	v26 =	vsub.f32 $1.000000000e+00, v26;
	v27 =	vmul.f32 v24, v10  }
0x8b: {  	v22 =	vadd.f32 v22, v23;
	v23 =	vmul.f32 v24, v18  }
0x8c: {  	v24 =	vadd.f32 v27, v25;
	v25 =	vmul.f32 v26, v9  }
.Ltmp0:
0x8d: {  	v23 =	vadd.f32 v23, v22;
	v26 =	vmul.f32 v26, v20;
	(pc) =	sbr.rel @p0 .LBB2_2-.Ltmp0, $4  }
0x8e: {  	v24 =	vadd.f32 v25, v24  }
0x8f: {  	v22 =	vadd.s32 v3, v21;
	v23 =	vadd.f32 v26, v23  }
0x90: {  	v26 =	vmov s26;
	v25 =	vmul.f32 v24, v28  }
0x91: {  	s24 =	smov.u32 s28;
	v24 =	vmul.f32 v23, v28;
	v23 =	vadd.s32 v7, v21;
	v21 =	vand.u32 $0x3F, v26  }
0x92: {  	_ =	sdelay $0x1  }
0x93: {  	v26 =	vadd.s32 v4, v21;
	v27 =	vmul.f32 v25, v2  }
0x94: {  	[tilespmem:s18+$0xFFFFFD80] =	vst v25  }
0x95: {  	v28 =	vadd.s32 v1, v21;
	v46 =	vmul.f32 v24, v2;
	[tilespmem:v22+s23+$0x0] =	vst.idx.msk $0xffff, v27  }
0x96: {  	[tilespmem:s18+$0x0] =	vst v24  }
0x97: {  	[tilespmem:v23+s23+$0x0] =	vst.idx.msk $0xffff, v46  }
0x98: {  	v47 =	vadd.s32 v5, v21;
	v22 =	vld.idx.msk [tilespmem:v26+s16+$0x0], $0xffff  }
0x99: {  	v25 =	vld.idx.msk [tilespmem:v26+s15+$0x0], $0xffff  }
0x9a: {  	v48 =	vadd.s32 v6, v21;
	s4 =	sadd.s32 $0x10, s4;
	v24 =	vld.idx.msk [tilespmem:v28+s15+$0x0], $0xffff  }
0x9b: {  	v49 =	vld [tilespmem:s4+$0x0]  }
0x9c: {  	v27 =	vld.idx.msk [tilespmem:v28+s16+$0x0], $0xffff  }
0x9d: {  	v29 =	vld.idx.msk [tilespmem:v47+s15+$0x0], $0xffff  }
0x9e: {  	v23 =	vld.idx.msk [tilespmem:v47+s16+$0x0], $0xffff;
	v22 =	vadd.f32 v22, v25  }
0x9f: {  	v30 =	vld.idx.msk [tilespmem:v48+s15+$0x0], $0xffff  }
0xa0: {  	v50 =	vld.idx.msk [tilespmem:v48+s16+$0x0], $0xffff;
	v22 =	vmul.f32 v22, v49  }
0xa1: {  	v24 =	vadd.f32 v27, v24  }
0xa2: {  	v15 =	vadd.f32 v22, v15  }
0xa3: {  	v51 =	vadd.f32 v23, v29;
	v24 =	vmul.f32 v24, v49  }
0xa4: {  	v15 =	vadd.f32 v15, v15  }
0xa5: {  	v52 =	vadd.f32 v50, v30;
	v14 =	vadd.f32 v24, v14;
	v22 =	vmul.f32 v51, v49  }
0xa6: {  	v15 =	vmul.f32 $1.442695020e+00, v15  }
0xa7: {  	v53 =	vmul.f32 v52, v49;
	v14 =	vadd.f32 v14, v14;
	v11 =	vadd.f32 v22, v11  }
0xa8: {  	(erf) = vpow2.f32 v15  }
0xa9: {  	v13 =	vadd.f32 v53, v13;
	v14 =	vmul.f32 $1.442695020e+00, v14;
	v11 =	vadd.f32 v11, v11;
	_ =	sdelay $0x1  }
0xaa: {  	v13 =	vadd.f32 v13, v13;
	v11 =	vmul.f32 $1.442695020e+00, v11;
	(erf) = vpow2.f32 v14;
	_ =	sdelay $0x1  }
0xab: {  	v13 =	vmul.f32 $1.442695020e+00, v13;
	(erf) = vpow2.f32 v11;
	_ =	sdelay $0x1  }
0xac: {  	(erf) = vpow2.f32 v13;
	_ =	sdelay $0x1  }
0xad: {  	v11 =	vpop (erf)  }
0xae: {  	v11 =	vadd.f32 $1.000000000e+00, v11;
	_ =	sdelay $0x1  }
0xaf: {  	v54 =	vpop (erf)  }
0xb0: {  	v13 =	vadd.f32 $1.000000000e+00, v54  }
0xb1: {  	(erf) = vrcp.f32 v11;
	v11 =	vpop (erf)  }
0xb2: {  	(erf) = vrcp.f32 v13;
	v11 =	vadd.f32 $1.000000000e+00, v11  }
0xb3: {  	v55 =	vpop (erf)  }
0xb4: {  	v13 =	vadd.f32 $1.000000000e+00, v55;
	(erf) = vrcp.f32 v11;
	_ =	sdelay $0x1  }
0xb5: {  	(erf) = vrcp.f32 v13;
	_ =	sdelay $0x3  }
0xb6: {  	v11 =	vpop (erf)  }
0xb7: {  	v56 =	vpop (erf);
	v11 =	vadd.f32 v11, v11  }
0xb8: {  	v13 =	vadd.f32 v56, v56  }
0xb9: {  	v11 =	vsub.f32 $1.000000000e+00, v11;
	v57 =	vpop (erf)  }
0xba: {  	v13 =	vsub.f32 $1.000000000e+00, v13;
	v14 =	vadd.f32 v57, v57  }
0xbb: {  	v12 =	vmul.f32 v11, v12;
	v59 =	vpop (erf)  }
0xbc: {  	v58 =	vmul.f32 v13, v16;
	v16 =	vadd.f32 v59, v59;
	v14 =	vsub.f32 $1.000000000e+00, v14  }
0xbd: {  	v11 =	vmul.f32 v11, v19;
	v13 =	vmul.f32 v13, v17  }
0xbe: {  	v12 =	vadd.f32 v12, v58;
	v16 =	vsub.f32 $1.000000000e+00, v16;
	v10 =	vmul.f32 v14, v10  }
0xbf: {  	v11 =	vadd.f32 v11, v13  }
0xc0: {  	v60 =	vmul.f32 v14, v18;
	v9 =	vmul.f32 v16, v9;
	v10 =	vadd.f32 v10, v12;
	_ =	sdelay $0x1  }
0xc1: {  	v61 =	vmul.f32 v16, v20;
	v11 =	vadd.f32 v60, v11;
	v9 =	vadd.f32 v9, v10  }
0xc2: {  	v10 =	vadd.s32 v3, v21  }
0xc3: {  	v11 =	vadd.f32 v61, v11;
	v9 =	vmul.f32 v9, v49  }
0xc4: {  	v62 =	vadd.s32 v7, v21  }
0xc5: {  	s17 =	sadd.s32 $0x10, s17;
	v11 =	vmul.f32 v11, v49;
	v63 =	vmul.f32 v9, v2  }
0xc6: {  	[tilespmem:s17+$0xFFFFFD80] =	vst v9  }
0xc7: {  	v9 =	vmul.f32 v11, v2;
	[tilespmem:v10+s23+$0x0] =	vst.idx.msk $0xffff, v63  }
0xc8: {  	[tilespmem:s17+$0x0] =	vst v11  }
0xc9: {  	s18 =	simm.s32 $0xE790;
	[tilespmem:v62+s23+$0x0] =	vst.idx.msk $0xffff, v9  }
0xca: {  	[spmem:s9] =	stream.linear.scatter [tilespmem:s18], [sflag:$0x6], $0x280, $0x38;
	[tilespmem:$0xF1D0] =	vst v63  }
0xcb: {  	_ =	swait.ge [sflag:s25], $0x280  }
0xcc: {  	[sflag:s25] =	ssyncset.done $0x0  }
0xcd: {  	s24 =	simm.s32 $0xEA10;
	[sflag:s25] =	ssyncadd.s32 $0xFFFFFD80  }
0xce: {  	[spmem:s11] =	stream.linear.scatter [tilespmem:s24], [sflag:$0x6], $0x280, $0x38;
	[tilespmem:$0xF1D0] =	vst v63  }
0xcf: {  	_ =	swait.ge [sflag:s25], $0x280  }
0xd0: {  	[sflag:s25] =	ssyncset.done $0x0  }
0xd1: {  	s26 =	simm.s32 $0x28;
	[sflag:s25] =	ssyncadd.s32 $0xFFFFFD80  }
0xd2: {  	[spmem:s12] =	stream.strided.scatter [tilespmem:s23], [sflag:$0x6], $0x500, s29, s26, $0x38;
	[tilespmem:$0xF1D0] =	vst v63  }
0xd3: {  	_ =	swait.ge [sflag:s25], $0x500  }
0xd4: {  	[sflag:s25] =	ssyncset.done $0x0  }
0xd5: {  	[sflag:s25] =	ssyncadd.s32 $0xFFFFFB00  }
0xd6: {  	[bflag:$0x0] =	sbarrier.arrive $0xFFFF  }
0xd7: {  	[bflag:$0x0] =	sbarrier.arrive $0xFFFF  }
0xd8: {  	s4 =	simm.s32 $0x0;
	s17 =	simm.s32 $0x40;
	s28 =	rddreg [dreg:$0x3]  }
0xd9: {  	[tilespmem:s30], [sflag:$0x1] =	stream.linear.gather [spmem:s28], $0x5000, $0x38;
	[tilespmem:$0xF1D0] =	vst v63  }
.LBB2_4:
0xda: {  	p0 =	sne.s32 s17, $0x9C0;
	[tilespmem:s4+$0xA780] =	vst v8  }
0xdb: {  	[tilespmem:s4+$0x5A00] =	vst v8  }
0xdc: {  	[tilespmem:s4+$0x5C80] =	vst v8  }
0xdd: {  	[tilespmem:s4+$0x5F00] =	vst v8  }
0xde: {  	[tilespmem:s4+$0x6180] =	vst v8  }
0xdf: {  	[tilespmem:s4+$0x6400] =	vst v8  }
0xe0: {  	[tilespmem:s4+$0x6680] =	vst v8  }
0xe1: {  	[tilespmem:s4+$0x6900] =	vst v8  }
0xe2: {  	[tilespmem:s4+$0x6B80] =	vst v8  }
0xe3: {  	[tilespmem:s4+$0x6E00] =	vst v8  }
0xe4: {  	[tilespmem:s4+$0x7080] =	vst v8  }
0xe5: {  	[tilespmem:s4+$0x7300] =	vst v8  }
0xe6: {  	[tilespmem:s4+$0x7580] =	vst v8  }
0xe7: {  	[tilespmem:s4+$0x7800] =	vst v8  }
0xe8: {  	[tilespmem:s4+$0x7A80] =	vst v8  }
0xe9: {  	[tilespmem:s4+$0x7D00] =	vst v8  }
0xea: {  	[tilespmem:s4+$0x7F80] =	vst v8  }
0xeb: {  	[tilespmem:s4+$0x8200] =	vst v8  }
0xec: {  	[tilespmem:s4+$0x8480] =	vst v8  }
0xed: {  	[tilespmem:s4+$0x8700] =	vst v8  }
0xee: {  	[tilespmem:s4+$0x8980] =	vst v8  }
0xef: {  	[tilespmem:s4+$0x8C00] =	vst v8  }
0xf0: {  	[tilespmem:s4+$0x8E80] =	vst v8  }
0xf1: {  	[tilespmem:s4+$0x9100] =	vst v8  }
0xf2: {  	[tilespmem:s4+$0x9380] =	vst v8  }
0xf3: {  	[tilespmem:s4+$0x9600] =	vst v8  }
0xf4: {  	[tilespmem:s4+$0x9880] =	vst v8  }
.Ltmp1:
0xf5: {  	[tilespmem:s4+$0x9B00] =	vst v8;
	(pc) =	sbr.rel @p0 .LBB2_4-.Ltmp1, $4  }
0xf6: {  	[tilespmem:s4+$0x9D80] =	vst v8  }
0xf7: {  	[tilespmem:s4+$0xA000] =	vst v8  }
0xf8: {  	[tilespmem:s4+$0xA280] =	vst v8  }
0xf9: {  	[tilespmem:s4+$0xA500] =	vst v8;
	s4 =	sshra.s32 s17, $0x2;
	s17 =	sadd.s32 $0x40, s17  }
0xfa: {  	[tilespmem:s4+$0xA780] =	vst v8  }
0xfb: {  	[tilespmem:s4+$0x5A00] =	vst v8  }
0xfc: {  	[tilespmem:s4+$0x5C80] =	vst v8  }
0xfd: {  	[tilespmem:s4+$0x5F00] =	vst v8  }
0xfe: {  	[tilespmem:s4+$0x6180] =	vst v8  }
0xff: {  	[tilespmem:s4+$0x6400] =	vst v8  }
0x100: {  	[tilespmem:s4+$0x6680] =	vst v8  }
0x101: {  	[tilespmem:s4+$0x6900] =	vst v8  }
0x102: {  	[tilespmem:s4+$0x6B80] =	vst v8  }
0x103: {  	[tilespmem:s4+$0x6E00] =	vst v8  }
0x104: {  	[tilespmem:s4+$0x7080] =	vst v8  }
0x105: {  	[tilespmem:s4+$0x7300] =	vst v8  }
0x106: {  	[tilespmem:s4+$0x7580] =	vst v8  }
0x107: {  	[tilespmem:s4+$0x7800] =	vst v8  }
0x108: {  	[tilespmem:s4+$0x7A80] =	vst v8  }
0x109: {  	[tilespmem:s4+$0x7D00] =	vst v8  }
0x10a: {  	[tilespmem:s4+$0x7F80] =	vst v8  }
0x10b: {  	[tilespmem:s4+$0x8200] =	vst v8  }
0x10c: {  	[tilespmem:s4+$0x8480] =	vst v8  }
0x10d: {  	[tilespmem:s4+$0x8700] =	vst v8  }
0x10e: {  	[tilespmem:s4+$0x8980] =	vst v8  }
0x10f: {  	[tilespmem:s4+$0x8C00] =	vst v8  }
0x110: {  	[tilespmem:s4+$0x8E80] =	vst v8  }
0x111: {  	[tilespmem:s4+$0x9100] =	vst v8  }
0x112: {  	[tilespmem:s4+$0x9380] =	vst v8  }
0x113: {  	[tilespmem:s4+$0x9600] =	vst v8  }
0x114: {  	[tilespmem:s4+$0x9880] =	vst v8  }
0x115: {  	[tilespmem:s4+$0x9B00] =	vst v8  }
0x116: {  	[tilespmem:s4+$0x9D80] =	vst v8  }
0x117: {  	[tilespmem:s4+$0xA000] =	vst v8  }
0x118: {  	[tilespmem:s4+$0xA280] =	vst v8  }
0x119: {  	[tilespmem:s4+$0xA500] =	vst v8  }
0x11a: {  	_ =	swait.ge [sflag:s20], $0x5000  }
0x11b: {  	[sflag:s20] =	ssyncset.done $0x0  }
0x11c: {  	[sflag:s20] =	ssyncadd.s32 $0xFFFFB000  }
0x11d: {  	_ =	swait.ge [sflag:s31], $0x2710  }
0x11e: {  	[sflag:s31] =	ssyncset.done $0x0  }
0x11f: {  	s4 =	simm.s32 $0xFFFFFFFB;
	s17 =	simm.s32 $0xAA20;
	[sflag:s31] =	ssyncadd.s32 $0xFFFFD8F0  }
.LBB2_6:
0x120: {  	v9 =	vld [tilespmem:s17+$0xFFFFFFE0];
	_ =	sdelay $0x4  }
0x121: {  	v10 =	vshrl.u32 v9, $0xE;
	v11 =	vand.u32 $0x3FFF, v9  }
0x122: {  	v10 =	vand.u32 $0xF, v10;
	v12 =	vadd.s32 $0x2800, v11  }
0x123: {  	v9 =	vshra.s32 v9, $0x12;
	v10 =	vmul.u32 $0x500, v10  }
0x124: {  	v13 =	vand.u32 $0xFFFFFFF8, v9  }
0x125: {  	v9 =	vand.u32 $0x7, v9;
	v10 =	vadd.s32 v13, v10  }
0x126: {  	v11 =	vld.idx.msk [tilespmem:v11+s30+$0x0], $0xffff;
	v9 =	vor.u32 v9, v10  }
0x127: {  	v10 =	vld.idx.msk [tilespmem:v12+s30+$0x0], $0xffff;
	v51 =	vadd.s32 $0x280, v9;
	_ =	sdelay $0x3  }
0x128: {  	[tilespmem:v9+s2+$0x0] =	vst.idx.add.f32.msk $0xffff, v11  }
0x129: {  	[tilespmem:v51+s2+$0x0] =	vst.idx.add.f32.msk $0xffff, v10  }
0x12a: {  	v9 =	vld [tilespmem:s17+$0xFFFFFFF0];
	_ =	sdelay $0x4  }
0x12b: {  	v10 =	vshrl.u32 v9, $0xE;
	v11 =	vand.u32 $0x3FFF, v9  }
0x12c: {  	v10 =	vand.u32 $0xF, v10;
	v52 =	vadd.s32 $0x2800, v11  }
0x12d: {  	v9 =	vshra.s32 v9, $0x12;
	v10 =	vmul.u32 $0x500, v10  }
0x12e: {  	v53 =	vand.u32 $0xFFFFFFF8, v9  }
0x12f: {  	v9 =	vand.u32 $0x7, v9;
	v10 =	vadd.s32 v53, v10  }
0x130: {  	v11 =	vld.idx.msk [tilespmem:v11+s30+$0x0], $0xffff;
	v9 =	vor.u32 v9, v10  }
0x131: {  	v10 =	vld.idx.msk [tilespmem:v52+s30+$0x0], $0xffff;
	v54 =	vadd.s32 $0x280, v9;
	_ =	sdelay $0x3  }
0x132: {  	[tilespmem:v9+s2+$0x0] =	vst.idx.add.f32.msk $0xffff, v11  }
0x133: {  	[tilespmem:v54+s2+$0x0] =	vst.idx.add.f32.msk $0xffff, v10  }
0x134: {  	v9 =	vld [tilespmem:s17+$0x0];
	_ =	sdelay $0x4  }
0x135: {  	v10 =	vshrl.u32 v9, $0xE;
	v11 =	vand.u32 $0x3FFF, v9  }
0x136: {  	v10 =	vand.u32 $0xF, v10;
	v55 =	vadd.s32 $0x2800, v11  }
0x137: {  	v9 =	vshra.s32 v9, $0x12;
	v10 =	vmul.u32 $0x500, v10  }
0x138: {  	v56 =	vand.u32 $0xFFFFFFF8, v9  }
0x139: {  	v9 =	vand.u32 $0x7, v9;
	v10 =	vadd.s32 v56, v10  }
0x13a: {  	v11 =	vld.idx.msk [tilespmem:v11+s30+$0x0], $0xffff;
	v9 =	vor.u32 v9, v10  }
0x13b: {  	v10 =	vld.idx.msk [tilespmem:v55+s30+$0x0], $0xffff;
	v57 =	vadd.s32 $0x280, v9;
	_ =	sdelay $0x3  }
0x13c: {  	[tilespmem:v9+s2+$0x0] =	vst.idx.add.f32.msk $0xffff, v11  }
0x13d: {  	[tilespmem:v57+s2+$0x0] =	vst.idx.add.f32.msk $0xffff, v10  }
0x13e: {  	v9 =	vld [tilespmem:s17+$0x10];
	_ =	sdelay $0x4  }
0x13f: {  	v10 =	vshrl.u32 v9, $0xE;
	v11 =	vand.u32 $0x3FFF, v9  }
0x140: {  	v10 =	vand.u32 $0xF, v10;
	v58 =	vadd.s32 $0x2800, v11  }
0x141: {  	v9 =	vshra.s32 v9, $0x12;
	v10 =	vmul.u32 $0x500, v10  }
0x142: {  	v59 =	vand.u32 $0xFFFFFFF8, v9  }
0x143: {  	v9 =	vand.u32 $0x7, v9;
	v10 =	vadd.s32 v59, v10  }
0x144: {  	v11 =	vld.idx.msk [tilespmem:v11+s30+$0x0], $0xffff;
	v9 =	vor.u32 v9, v10  }
0x145: {  	v10 =	vld.idx.msk [tilespmem:v58+s30+$0x0], $0xffff;
	v60 =	vadd.s32 $0x280, v9;
	_ =	sdelay $0x3  }
0x146: {  	[tilespmem:v9+s2+$0x0] =	vst.idx.add.f32.msk $0xffff, v11  }
0x147: {  	[tilespmem:v60+s2+$0x0] =	vst.idx.add.f32.msk $0xffff, v10  }
0x148: {  	v9 =	vld [tilespmem:s17+$0x20];
	_ =	sdelay $0x4  }
0x149: {  	v10 =	vshrl.u32 v9, $0xE;
	v11 =	vand.u32 $0x3FFF, v9  }
0x14a: {  	v10 =	vand.u32 $0xF, v10;
	v61 =	vadd.s32 $0x2800, v11  }
0x14b: {  	v9 =	vshra.s32 v9, $0x12;
	v10 =	vmul.u32 $0x500, v10  }
0x14c: {  	v62 =	vand.u32 $0xFFFFFFF8, v9  }
0x14d: {  	v9 =	vand.u32 $0x7, v9;
	v10 =	vadd.s32 v62, v10  }
0x14e: {  	s4 =	sadd.s32 $0x5, s4;
	v11 =	vld.idx.msk [tilespmem:v11+s30+$0x0], $0xffff;
	v9 =	vor.u32 v9, v10  }
0x14f: {  	p0 =	slt.u32 s4, $0x26C;
	v10 =	vld.idx.msk [tilespmem:v61+s30+$0x0], $0xffff;
	v63 =	vadd.s32 $0x280, v9  }
.Ltmp2:
0x150: {  	_ = 	snop;
	(pc) =	sbr.rel @p0 .LBB2_6-.Ltmp2, $3  }
0x151: {  	_ =	sdelay $0x1  }
0x152: {  	[tilespmem:v9+s2+$0x0] =	vst.idx.add.f32.msk $0xffff, v11  }
0x153: {  	s17 =	sadd.s32 $0x50, s17;
	[tilespmem:v63+s2+$0x0] =	vst.idx.add.f32.msk $0xffff, v10  }
0x154: {  	_ =	sdelay $0x2  }
0x155: {  	s4 =	rddreg [dreg:$0x4]  }
0x156: {  	[spmem:s4] =	stream.indirect_vreg.scatter.add.f32 [tilespmem:s2], [sflag:$0x6], $0x500, v0, vm0, $0xb8;
	[tilespmem:$0xF1D0] =	vst v63  }
0x157: {  	_ =	swait.ge [sflag:s25], $0x5000  }
0x158: {  	[sflag:s25] =	ssyncset.done $0x0  }
0x159: {  	s28 =	sshll.u32 s0, $0x6;
	s3 =	sadd.s32 $0x1, s3;
	[sflag:s25] =	ssyncadd.s32 $0xFFFFB000  }
0x15a: {  	s17 =	sshrl.u32 s12, $0x3;
	p0 =	sne.s32 s3, s14;
	[bflag:$0x0] =	sbarrier.arrive $0xFFFF  }
.Ltmp3:
0x15b: {  	s4 =	sor.u32 $0x1C06, s28;
	[bflag:$0x0] =	sbarrier.arrive $0xFFFF;
	(pc) =	sbr.rel @p0 .LBB2_1-.Ltmp3, $4  }
0x15c: {  	[hbm:s13@s31], [sflag:s4] =	dma.strided [spmem:s17@s1], $0xA0, s20, $0x5   }
0x15d: {  	_ =	swait.ge [sflag:s25], $0xA0  }
0x15e: {  	[sflag:s25] =	ssyncset.done $0x0  }
0x15f: {  	[sflag:s25] =	ssyncadd.s32 $0xFFFFFF60  }
0x160: {  	_ =	sfence.sel $0x180000  }
0x161: {  	[bflag:$0x0] =	sbarrier.arrive $0xFFFF  }
0x162: {  	_ =	strace $0x9000004D  }
0x163: {  	[bflag:$0x2] =	sbarrier.arrive $0xFFFF  }
0x164: {  	p0 =	sne.s32 s0, $0x0;
	s0 =	rddreg [dreg:$0x5]  }
0x165: {  	s0 =	sadd.s32 @!p0 $0x100000, s0  }
0x166: {  	[sflag:s0] =	ssyncadd.tile.s32 @!p0 $0x1;
	_ =	shalt  }
.Lfunc_end2:
_tile_overlayer_lowered:
.L_overlay_start_2:
0x167: {  	(tag) =	ssettag $0x2  }
0x168: {  	s0 =	rddreg [dreg:$0x0];
	s2 =	stileid.u32  }
0x169: {  	s1 =	rddreg [dreg:$0x1];
	p0 =	sne.s32 s2, $0x0  }
0x16a: {  	s3 =	rddreg [dreg:$0x2];
	[bflag:$0x3] =	sbarrier.arrive $0xFFFF;
	s2 =	simm.s32 @!p0 $0x1C06  }
0x16b: {  	[timem:s3], [sflag:s2] =	dma.local @!p0 [hbm:s0], s1  }
0x16c: {  	s0 =	simm.s32 @!p0 $0x6  }
0x16d: {  	_ =	swait.ge @!p0 [sflag:s0], s1  }
0x16e: {  	s1 =	ssub.s32 @!p0 $0x0, s1;
	[sflag:s0] =	ssyncset.done @!p0 $0x0  }
0x16f: {  	[sflag:s0] =	ssyncadd.s32 @!p0 s1  }
0x170: {  	[bflag:$0x3] =	sbarrier.arrive $0xFFFF  }
0x171: {  	_ =	shalt  }

// kernel: kernel.8.cloned.1.call-start
scs
__scs_entry_jumppad:
0x0: {  	(pc) =	sbr.rel $0x88, $3  }
0x1: {  	(tag) =	ssettag $0x0;
	lr =	simm.s32 $0x1  }
0x2: {  	[smem:$0x3F97] =	sst lr;
	_ =	strace $0xD0000000  }
0x3: {  	_ = 	snop  }
0x4: {  	_ = 	snop  }
0x5: {  	_ = 	snop  }
0x6: {  	_ = 	snop  }
0x7: {  	_ = 	snop  }
__scs_overlays_trampoline_lowered:
0x8: {  	[smem:$0x3FA6] =	sst s0  }
0x9: {  	[smem:$0x3FA7] =	sst s1  }
0xa: {  	[smem:$0x3FA8] =	sst s2  }
0xb: {  	[smem:$0x3FA9] =	sst s3  }
0xc: {  	[smem:$0x3FAA] =	sst s4  }
0xd: {  	[smem:$0x3FAB] =	sst s5  }
0xe: {  	[smem:$0x3FAC] =	sst s6  }
0xf: {  	[smem:$0x3FAD] =	sst s7  }
0x10: {  	[smem:$0x3FAE] =	sst s8  }
0x11: {  	[smem:$0x3FAF] =	sst s9;
	s0 =	simm.s32 @!p0 $0x0  }
0x12: {  	s1 =	sld [smem:$0x3F95];
	s0 =	simm.s32 @p0 $0x1  }
0x13: {  	[smem:$0x3FB0] =	sst s0;
	s0 =	simm.s32 @!p1 $0x0  }
0x14: {  	s2 =	sld [smem:$0x3F94];
	s0 =	simm.s32 @p1 $0x1  }
0x15: {  	[smem:$0x3FB1] =	sst s0;
	s0 =	simm.s32 @!p2 $0x0  }
0x16: {  	s3 =	sld [smem:$0x3FDB];
	s0 =	simm.s32 @p2 $0x1  }
0x17: {  	s4 =	simm.s32 $0x1BF5;
	[smem:$0x3FB3] =	sst s0  }
0x18: {  	s0 =	sld [smem:$0x3F96];
	_ =	swait.ge [sflag:s4], $0x0  }
0x19: {  	s7 =	sld [smem:$0x3F97]  }
0x1a: {  	s8 =	sadd.s32 $0xFFFFE003, lr  }
0x1b: {  	s9 =	sadd.s32 $0xFFFFFEF7, lr;
	s5 =	simm.s32 $0xFFFFFFFF;
	p2 =	slt.u32 s8, $0xFFFFF086  }
0x1c: {  	p1 =	slt.u32 s9, $0xF7A;
	s5 =	simm.s32 @!p2 $0x0  }
0x1d: {  	s5 =	simm.s32 @p1 $0x1;
	p0 =	seq.s32 s7, s2  }
0x1e: {  	s7 =	smul.u32 @!p0 $0xF7A, s2;
	p2 =	seq.s32 @!p0 s5, $0x0  }
0x1f: {  	s9 =	smul.u32 $0xF7A, s1;
	s8 =	simm.s32 @!p0 $0x1BF5;
	p2 =	por !p2, p0  }
0x20: {  	[sflag:s8] =	ssyncset.s32 @!p0 $0xFFFFF086;
	s6 =	sadd.s32 @!p0 s3, s7;
	s7 =	simm.s32 @!p0 $0x108  }
0x21: {  	s3 =	sadd.s32 s3, s9;
	s6 =	sadd.s32 @!p0 $0x88, s6;
	s7 =	simm.s32 @p2 $0x1082  }
0x22: {  	[simem:s7], [sflag:s8] =	dma.local @!p0 [hbm:s6], $0xF7A  }
0x23: {  	s9 =	sor.u32 $0xD0000000, s2;
	s6 =	simm.s32 $0x108;
	_ =	swait.ge @!p0 [sflag:s8], $0x0  }
0x24: {  	s3 =	sadd.s32 $0x88, s3;
	s6 =	simm.s32 @!p1 $0x1082;
	[sflag:s4] =	ssyncset.s32 $0xFFFFF086  }
0x25: {  	[simem:s6], [sflag:s4] =	dma.local [hbm:s3], $0xF7A  }
0x26: {  	[smem:$0x3F97] =	sst s1;
	(tag) =	ssettag s2;
	_ =	strace s9  }
0x27: {  	s1 =	sld [smem:$0x3FA7]  }
0x28: {  	s2 =	sld [smem:$0x3FA8]  }
0x29: {  	s4 =	sld [smem:$0x3FAA]  }
0x2a: {  	p0 =	seq.s32 s5, $0x0;
	s5 =	sld [smem:$0x3FAB]  }
0x2b: {  	s6 =	sld [smem:$0x3FAC]  }
0x2c: {  	s7 =	sld [smem:$0x3FAD]  }
0x2d: {  	s3 =	simm.s32 $0x108;
	s8 =	sld [smem:$0x3FAE]  }
0x2e: {  	s3 =	simm.s32 @!p0 $0x1082;
	s9 =	sld [smem:$0x3FAF]  }
0x2f: {  	lr =	sadd.s32 s0, s3;
	s0 =	sld [smem:$0x3FA6]  }
0x30: {  	s3 =	sld [smem:$0x3FA9]  }
0x31: {  	[smem:$0x3FB2] =	sst s10  }
0x32: {  	s10 =	sld [smem:$0x3FB0];
	_ =	sdelay $0x3  }
0x33: {  	p0 =	seq.s32 s10, $0x1;
	s10 =	sld [smem:$0x3FB2];
	_ =	sdelay $0x3  }
0x34: {  	[smem:$0x3FB2] =	sst s10  }
0x35: {  	s10 =	sld [smem:$0x3FB1];
	_ =	sdelay $0x3  }
0x36: {  	p1 =	seq.s32 s10, $0x1;
	s10 =	sld [smem:$0x3FB2];
	_ =	sdelay $0x3  }
0x37: {  	[smem:$0x3FB2] =	sst s10  }
0x38: {  	s10 =	sld [smem:$0x3FB3]  }
0x39: {  	_ = 	snop;
	(pc) =	sbr.ind lr, $3  }
0x3a: {  	_ = 	snop  }
0x3b: {  	_ = 	snop  }
0x3c: {  	p2 =	seq.s32 s10, $0x1;
	s10 =	sld [smem:$0x3FB2]  }
0x3d: {  	_ =	shalt  }
0x3e: {  	_ =	shalt  }
0x3f: {  	_ =	shalt  }
0x40: {  	_ =	shalt  }
0x41: {  	_ =	shalt  }
0x42: {  	_ =	shalt  }
0x43: {  	_ =	shalt  }
0x44: {  	_ =	shalt  }
0x45: {  	_ =	shalt  }
0x46: {  	_ =	shalt  }
0x47: {  	_ =	shalt  }
0x48: {  	_ =	shalt  }
0x49: {  	_ =	shalt  }
0x4a: {  	_ =	shalt  }
0x4b: {  	_ =	shalt  }
0x4c: {  	_ =	shalt  }
0x4d: {  	_ =	shalt  }
0x4e: {  	_ =	shalt  }
0x4f: {  	_ =	shalt  }
0x50: {  	_ =	shalt  }
0x51: {  	_ =	shalt  }
0x52: {  	_ =	shalt  }
0x53: {  	_ =	shalt  }
0x54: {  	_ =	shalt  }
0x55: {  	_ =	shalt  }
0x56: {  	_ =	shalt  }
0x57: {  	_ =	shalt  }
0x58: {  	_ =	shalt  }
0x59: {  	_ =	shalt  }
0x5a: {  	_ =	shalt  }
0x5b: {  	_ =	shalt  }
0x5c: {  	_ =	shalt  }
0x5d: {  	_ =	shalt  }
0x5e: {  	_ =	shalt  }
0x5f: {  	_ =	shalt  }
0x60: {  	_ =	shalt  }
0x61: {  	_ =	shalt  }
0x62: {  	_ =	shalt  }
0x63: {  	_ =	shalt  }
0x64: {  	_ =	shalt  }
0x65: {  	_ =	shalt  }
0x66: {  	_ =	shalt  }
0x67: {  	_ =	shalt  }
0x68: {  	_ =	shalt  }
0x69: {  	_ =	shalt  }
0x6a: {  	_ =	shalt  }
0x6b: {  	_ =	shalt  }
0x6c: {  	_ =	shalt  }
0x6d: {  	_ =	shalt  }
0x6e: {  	_ =	shalt  }
0x6f: {  	_ =	shalt  }
0x70: {  	_ =	shalt  }
0x71: {  	_ =	shalt  }
0x72: {  	_ =	shalt  }
0x73: {  	_ =	shalt  }
0x74: {  	_ =	shalt  }
0x75: {  	_ =	shalt  }
0x76: {  	_ =	shalt  }
0x77: {  	_ =	shalt  }
0x78: {  	_ =	shalt  }
0x79: {  	_ =	shalt  }
0x7a: {  	_ =	shalt  }
0x7b: {  	_ =	shalt  }
0x7c: {  	_ =	shalt  }
0x7d: {  	_ =	shalt  }
0x7e: {  	_ =	shalt  }
0x7f: {  	_ =	shalt  }
0x80: {  	_ =	shalt  }
0x81: {  	_ =	shalt  }
0x82: {  	_ =	shalt  }
0x83: {  	_ =	shalt  }
0x84: {  	_ =	shalt  }
0x85: {  	_ =	shalt  }
0x86: {  	_ =	shalt  }
0x87: {  	_ =	shalt  }
.Lfunc_end0:
.L_simem_size_0:
called_computation_lowered:
.L_overlay_start_0:
0x88: {  	s2 =	sld [smem:$0x3FD9]  }
0x89: {  	s3 =	sld [smem:$0x3FFE];
	_ =	sdelay $0x1  }
0x8a: {  	s1 =	srdreg.scid  }
0x8b: {  	s0 =	sand.u32 $0x1, s1  }
0x8c: {  	s14 =	sshll.u32 s0, $0xA;
	s2 =	sadd.s32 s3, s2  }
0x8d: {  	s2 =	sadd.s32 s2, s14  }
0x8e: {  	[smem:$0x3FBE] =	sst s2  }
0x8f: {  	_ = 	snop  }
0x90: {  	s2 =	sld [smem:$0x3FD0];
	_ =	sdelay $0x2  }
0x91: {  	s15 =	simm.s32 $0xA;
	s4 =	simm.s32 $0x10  }
0x92: {  	[smem:s4], [sflag:s15] =	dma.local [hbm:s2], $0x1  }
0x93: {  	_ =	swait.eq [sflag:s15], $0x1  }
0x94: {  	[sflag:s15] =	ssyncset.done $0x0  }
0x95: {  	[sflag:s15] =	ssyncadd.s32 $0xFFFFFFFF  }
0x96: {  	s16 =	sld [smem:$0x11];
	(tm) =	ssettm $0x1  }
0x97: {  	s17 =	sld [smem:$0x3FFB];
	_ =	sdelay $0x3  }
0x98: {  	_ =	strace s17  }
0x99: {  	s3 =	sld [smem:$0x3FFC];
	_ =	sdelay $0x3  }
0x9a: {  	_ =	strace s3  }
0x9b: {  	s3 =	sld [smem:$0x3FFD];
	_ =	sdelay $0x3  }
0x9c: {  	_ =	strace s3  }
0x9d: {  	_ =	strace $0x8FFFFFFF  }
0x9e: {  	s18 =	sld [smem:$0x3FDB];
	_ =	sdelay $0x1  }
0x9f: {  	s19 =	simm.s32 $_scs_section_size  }
0xa0: {  	s5 =	simm.s32 $_size__tile_overlayer_lowered;
	s6 =	simm.s32 $_tile_overlayer_lowered  }
0xa1: {  	s22 =	simm.s32 $0x1BFF;
	s21 =	sshll.u32 s6, $0x1;
	s3 =	sadd.s32 s19, s18  }
0xa2: {  	s7 =	simm.s32 $0x0;
	s20 =	sshll.u32 s5, $0x1;
	s5 =	sadd.s32 s21, s3  }
0xa3: {  	[timem:s7], [sflag:s22] =	dma.local [hbm:s5], s20  }
0xa4: {  	_ =	swait.ge [sflag:s22], s20  }
0xa5: {  	s4 =	ssub.s32 $0x0, s20;
	[sflag:s22] =	ssyncset.done $0x0  }
0xa6: {  	[sflag:s22] =	ssyncadd.s32 s4;
	_ =	sdelay $0x1  }
0xa7: {  	s23 =	simm.s32 $0x1B8B  }
0xa8: {  	_ =	swait.ge [sflag:s23], $0x1  }
0xa9: {  	[sflag:s23] =	ssyncset.done $0x0  }
0xaa: {  	s25 =	simm.s32 $0x1B8E;
	s24 =	sld [smem:$0x3FFE];
	[sflag:s23] =	ssyncadd.s32 $0xFFFFFFFF  }
0xab: {  	s26 =	simm.s32 $execute0_lowered;
	[smem:$0x3FD2] =	sst s25  }
0xac: {  	s5 =	sshll.u32 s26, $0x1;
	_ =	strace $0x80000046;
	[dreg:$0x1] =	wrdreg $0xFFFFFFFF  }
0xad: {  	s28 =	simm.s32 $_size_execute0_lowered;
	s3 =	sadd.s32 s3, s5;
	[dreg:$0x0] =	wrdreg $0x0  }
0xae: {  	s5 =	sshll.u32 s28, $0x1;
	[dreg:$0x2] =	wrdreg s3  }
0xaf: {  	[dreg:$0x3] =	wrdreg s5  }
0xb0: {  	[dreg:$0x4] =	wrdreg $0xC0  }
0xb1: {  	_ =	task [dreg:s7], $0x5FFFF  }
0xb2: {  	[dreg:$0x1] =	wrdreg $0xFFFFFFFF  }
0xb3: {  	[dreg:$0x0] =	wrdreg $0x60  }
0xb4: {  	[dreg:$0x2] =	wrdreg s24  }
0xb5: {  	[dreg:$0x3] =	wrdreg s16  }
0xb6: {  	[dreg:$0x4] =	wrdreg $0x14000  }
0xb7: {  	[dreg:$0x5] =	wrdreg $0x0  }
0xb8: {  	[dreg:$0x6] =	wrdreg $0xA000  }
0xb9: {  	[dreg:$0x7] =	wrdreg $0x9  }
0xba: {  	_ =	task.clear_ibuf [dreg:s7], $0x8FFFF;
	_ =	strace $0x90000046  }
0xbb: {  	s29 =	simm.s32 $0x9;
	_ =	strace $0x80000048  }
0xbc: {  	_ =	swait.ge [sflag:s29], $0x1  }
0xbd: {  	[sflag:s29] =	ssyncadd.s32 $0xFFFFFFFF  }
0xbe: {  	_ =	strace $0x90000048  }
0xbf: {  	_ =	sfence  }
0xc0: {  	s30 =	sld [smem:$0x0];
	_ =	sdelay $0x2  }
0xc1: {  	s31 =	sshll.u32 s1, $0xD;
	s1 =	sshrl.u32 s1, $0x2  }
0xc2: {  	s3 =	sand.u32 $0x4000, s31;
	s1 =	sadd.s32 s1, s30  }
0xc3: {  	s0 =	sor.u32 s3, s0;
	s1 =	sshll.u32 s1, $0x11  }
0xc4: {  	s0 =	sor.u32 s1, s0  }
0xc5: {  	s0 =	sadd.s32 $0x8F2B, s0  }
0xc6: {  	[sflag:s0] =	ssyncadd.remote.s32 $0x1  }
0xc7: {  	_ =	sfence.sel $0xFFFF  }
0xc8: {  	[dreg:$0x0] =	wrdreg $0xFFFFFFFF;
	(pc) =	sbr.abs _section_cstart, $3  }
0xc9: {  	[dreg:$0x1] =	wrdreg $0xFFFFFFFF  }
0xca: {  	_ =	task.clear_ibuf [dreg:s7], $0x2FFFF;
	_ =	strace $0x9FFFFFFF  }
0xcb: {  	(tm) =	ssettm $0x7FFFFFFF  }
tec
execute0_lowered:
.L_overlay_start_1:
0x0: {  	(tag) =	ssettag $0x1  }
0x1: {  	s0 =	rddreg [dreg:$0x0]  }
0x2: {  	s2 =	rddreg [dreg:$0x1]  }
0x3: {  	s13 =	rddreg [dreg:$0x2];
	s1 =	srdreg.scid  }
0x4: {  	s14 =	rddreg [dreg:$0x3];
	s12 =	stileid.u32  }
0x5: {  	s15 =	rddreg [dreg:$0x4];
	s4 =	smul.u32 $0xA00, s12  }
0x6: {  	s23 =	simm.s32 $0x0;
	s3 =	sand.u32 $0x1, s1;
	s5 =	smul.u32 $0x280, s12  }
0x7: {  	[smem:$0x7FF] =	sst s23;
	s6 =	sadd.s32 $0x5000, s0;
	s9 =	smul.u32 $0x4E20, s12  }
0x8: {  	p1 =	sgt.u32 s12, $0x7;
	s1 =	smul.u32 $0xA000, s3;
	_ =	strace $0x80000047  }
0x9: {  	s7 =	ssub.s32 $0x2, s3;
	p0 =	seq.s32 s3, $0x1;
	s10 =	sxor.u32 $0x1, s3  }
0xa: {  	s11 =	smul.u32 $0x2710, s3;
	s19 =	sadd.s32 s5, s0;
	s8 =	sshrl.u32 s7, $0x1  }
0xb: {  	s10 =	smul.u32 $0x2710, s10;
	s25 =	sshrl.u32 s5, $0x3;
	s5 =	sadd.s32 s5, s14  }
0xc: {  	s1 =	sadd.s32 s4, s1;
	s7 =	ssub.s32 s7, s8;
	s4 =	sadd.s32 $0x2800, s19  }
0xd: {  	s2 =	sadd.s32 s2, s25;
	[dreg:$0xa] =	wrdreg s5;
	s25 =	sadd.s32 $0x7800, s5  }
0xe: {  	s1 =	sshrl.u32 s1, $0x3;
	s20 =	sadd.s32 s9, s10;
	[dreg:$0x6] =	wrdreg s4  }
0xf: {  	s9 =	sadd.s32 s11, s9;
	[dreg:$0xb] =	wrdreg s2;
	s26 =	smax.u32 s7, $0x1  }
0x10: {  	[dreg:$0x1f] =	wrdreg s25;
	s0 =	sadd.s32 s1, s0;
	s1 =	simm.f32 $1.000000000e+00  }
0x11: {  	s21 =	sshrl.u32 s20, $0x3;
	s22 =	sshrl.u32 s9, $0x3;
	[dreg:$0xd] =	wrdreg s26  }
0x12: {  	s1 =	simm.s32 @!p0 $0x0;
	s4 =	sadd.s32 s6, s21;
	s0 =	sadd.s32 $0xEE00, s0  }
0x13: {  	s1 =	simm.s32 @!p1 $0x0;
	p1 =	slt.u32 s12, $0x8;
	[dreg:$0x7] =	wrdreg s4  }
0x14: {  	s12 =	smul.u32 $0x28, s12;
	s4 =	sadd.s32 s6, s22;
	[dreg:$0xc] =	wrdreg s0  }
0x15: {  	s22 =	sadd.s32 $0x2800, s5;
	[dreg:$0x9] =	wrdreg s4  }
0x16: {  	[dreg:$0x1d] =	wrdreg s22;
	s24 =	sadd.s32 $0x15680, s12  }
0x17: {  	s2 =	sadd.s32 $0x15900, s12;
	[dreg:$0x8] =	wrdreg s24  }
0x18: {  	s4 =	sadd.s32 $0x15B80, s12;
	[dreg:$0xe] =	wrdreg s2  }
0x19: {  	s6 =	sadd.s32 $0x15E00, s12;
	[dreg:$0xf] =	wrdreg s4  }
0x1a: {  	s28 =	simm.s32 $0x1;
	s7 =	sadd.s32 $0x16080, s12;
	[dreg:$0x10] =	wrdreg s6  }
0x1b: {  	s29 =	simm.s32 $0x1C610;
	s9 =	sadd.s32 $0x16300, s12;
	[dreg:$0x11] =	wrdreg s7  }
0x1c: {  	s30 =	simm.s32 $0x1680;
	s10 =	sadd.s32 $0x16580, s12;
	[dreg:$0x12] =	wrdreg s9  }
0x1d: {  	s31 =	simm.s32 $0xB680;
	s14 =	sadd.s32 $0x16A80, s12;
	[dreg:$0x13] =	wrdreg s10  }
0x1e: {  	s11 =	sadd.s32 s12, s15;
	s15 =	sadd.s32 $0x16D00, s12;
	[dreg:$0x15] =	wrdreg s14  }
0x1f: {  	s25 =	simm.s32 $0x2;
	s16 =	sadd.s32 $0x16F80, s12;
	[dreg:$0x16] =	wrdreg s15  }
0x20: {  	p0 =	seq.s32 s3, $0x0;
	s17 =	sadd.s32 $0x17200, s12;
	[dreg:$0x17] =	wrdreg s16  }
0x21: {  	s8 =	smov.u32 s1;
	s18 =	sadd.s32 $0x17480, s12;
	[dreg:$0x18] =	wrdreg s17  }
0x22: {  	s22 =	simm.s32 $0x1A590;
	s19 =	sadd.s32 $0x17700, s12;
	[dreg:$0x19] =	wrdreg s18  }
0x23: {  	s8 =	simm.s32 @p0 $0x3F800000;
	s20 =	sadd.s32 $0x17980, s12;
	[dreg:$0x1a] =	wrdreg s19  }
0x24: {  	s21 =	sor.u32 $0x17C00, s12;
	s1 =	smov.u32 @p1 s8;
	[dreg:$0x1b] =	wrdreg s20  }
0x25: {  	s8 =	sadd.s32 s12, s13;
	s13 =	sor.u32 $0x16800, s12;
	[dreg:$0x1c] =	wrdreg s21  }
0x26: {  	p0 =	sne.s32 s3, $0x0;
	s24 =	sadd.s32 $0x5000, s5;
	[dreg:$0x14] =	wrdreg s13  }
0x27: {  	s6 =	simm.s32 $0x17E80;
	s2 =	simm.s32 $0x0;
	[dreg:$0x1e] =	wrdreg s24  }
0x28: {  	s5 =	sadd.s32 $0x280, s8;
	s12 =	sadd.s32 $0x500, s8;
	s26 =	sadd.s32 $0x780, s8  }
0x29: {  	v1 =	vlaneseq.u32;
	s7 =	sadd.s32 $0xA00, s8;
	s9 =	sadd.s32 $0xC80, s8;
	s10 =	sadd.s32 $0xF00, s8  }
0x2a: {  	v4 =	vmul.u32 $0xA0, v1;
	s13 =	sadd.s32 $0x1180, s8;
	s14 =	sadd.s32 $0x1400, s8;
	s15 =	sadd.s32 $0x1680, s8  }
0x2b: {  	v2 =	vimm.f32 $0.0e+00;
	v3 =	vimm.f32 $1.000000000e+00;
	vm0 =	vmmov $0xffff;
	s16 =	sadd.s32 $0x1900, s8;
	s17 =	sadd.s32 $0x1B80, s8;
	s18 =	sadd.s32 $0x1E00, s8  }
0x2c: {  	v5 =	vmul.u32 $0x280, v1;
	v6 =	vmul.u32 $0x8, v1;
	v7 =	vadd.s32 $0x28, v4;
	s19 =	sadd.s32 $0x2080, s8;
	s20 =	sadd.s32 $0x2300, s8;
	s21 =	sadd.s32 $0x2580, s8  }
0x2d: {  	v8 =	vadd.s32 $0x50, v4;
	v9 =	vadd.s32 $0x78, v4;
	s24 =	simm.s32 $0x3;
	v0 =	vmov s1;
	[smem:$0x7FD] =	sst s26;
	s26 =	simm.s32 $0x15680  }
.LBB2_1:
0x2e: {  	s1 =	rddreg [dreg:$0x6]  }
0x2f: {  	[tilespmem:s22], [sflag:$0x1] =	stream.linear.gather [hbm4b:s1+s23], $0x1400, $0x38;
	[tilespmem:$0x1D010] =	vst v63  }
0x30: {  	s4 =	rddreg [dreg:$0x7];
	s3 =	simm.s32 $0xFFFFF640;
	s1 =	simm.s32 $0xFFFFFD80  }
0x31: {  	[tilespmem:s6], [sflag:$0x2] =	stream.linear.gather [hbm4b:s4+s23], $0x2710, $0x38;
	[tilespmem:$0x1D010] =	vst v63  }
.LBB2_2:
0x32: {  	p1 =	sne.s32 s3, $0xFFFFFFC0;
	[tilespmem:s1+$0x17E80] =	vst v2  }
0x33: {  	[tilespmem:s1+$0x15900] =	vst v2  }
0x34: {  	[tilespmem:s1+$0x15B80] =	vst v2  }
0x35: {  	[tilespmem:s1+$0x15E00] =	vst v2  }
0x36: {  	[tilespmem:s1+$0x16080] =	vst v2  }
0x37: {  	[tilespmem:s1+$0x16300] =	vst v2  }
0x38: {  	[tilespmem:s1+$0x16580] =	vst v2  }
0x39: {  	[tilespmem:s1+$0x16800] =	vst v2  }
0x3a: {  	[tilespmem:s1+$0x16A80] =	vst v2  }
0x3b: {  	[tilespmem:s1+$0x16D00] =	vst v2  }
0x3c: {  	[tilespmem:s1+$0x16F80] =	vst v2  }
.Ltmp0:
0x3d: {  	[tilespmem:s1+$0x17200] =	vst v2;
	(pc) =	sbr.rel @p1 .LBB2_2-.Ltmp0, $4  }
0x3e: {  	[tilespmem:s1+$0x17480] =	vst v2  }
0x3f: {  	[tilespmem:s1+$0x17700] =	vst v2  }
0x40: {  	[tilespmem:s1+$0x17980] =	vst v2  }
0x41: {  	[tilespmem:s1+$0x17C00] =	vst v2;
	s1 =	sshra.s32 s3, $0x2;
	s3 =	sadd.s32 $0x40, s3  }
0x42: {  	[tilespmem:s1+$0x17E80] =	vst v2  }
0x43: {  	[tilespmem:s1+$0x15900] =	vst v2  }
0x44: {  	[tilespmem:s1+$0x15B80] =	vst v2  }
0x45: {  	[tilespmem:s1+$0x15E00] =	vst v2  }
0x46: {  	[tilespmem:s1+$0x16080] =	vst v2  }
0x47: {  	[tilespmem:s1+$0x16300] =	vst v2  }
0x48: {  	[tilespmem:s1+$0x16580] =	vst v2  }
0x49: {  	[tilespmem:s1+$0x16800] =	vst v2  }
0x4a: {  	[tilespmem:s1+$0x16A80] =	vst v2  }
0x4b: {  	[tilespmem:s1+$0x16D00] =	vst v2  }
0x4c: {  	[tilespmem:s1+$0x16F80] =	vst v2  }
0x4d: {  	[tilespmem:s1+$0x17200] =	vst v2  }
0x4e: {  	[tilespmem:s1+$0x17480] =	vst v2  }
0x4f: {  	[tilespmem:s1+$0x17700] =	vst v2  }
0x50: {  	[tilespmem:s1+$0x17980] =	vst v2;
	s4 =	rddreg [dreg:$0x8]  }
0x51: {  	[tilespmem:s1+$0x17C00] =	vst v2;
	s0 =	rddreg [dreg:$0xe]  }
0x52: {  	[spmem:s8] =	stream.linear.scatter [tilespmem:s4], [sflag:$0x3], $0x28, $0x38;
	[tilespmem:$0x1D010] =	vst v63  }
0x53: {  	s3 =	rddreg [dreg:$0xf]  }
0x54: {  	[spmem:s5] =	stream.linear.scatter [tilespmem:s0], [sflag:$0x3], $0x28, $0x38;
	[tilespmem:$0x1D010] =	vst v63  }
0x55: {  	s0 =	sld [smem:$0x7FD]  }
0x56: {  	[spmem:s12] =	stream.linear.scatter [tilespmem:s3], [sflag:$0x3], $0x28, $0x38;
	[tilespmem:$0x1D010] =	vst v63  }
0x57: {  	s4 =	rddreg [dreg:$0x10]  }
0x58: {  	[spmem:s0] =	stream.linear.scatter [tilespmem:s4], [sflag:$0x3], $0x28, $0x38;
	[tilespmem:$0x1D010] =	vst v63  }
0x59: {  	s0 =	rddreg [dreg:$0x11]  }
0x5a: {  	[spmem:s7] =	stream.linear.scatter [tilespmem:s0], [sflag:$0x3], $0x28, $0x38;
	[tilespmem:$0x1D010] =	vst v63  }
0x5b: {  	s3 =	rddreg [dreg:$0x12]  }
0x5c: {  	[spmem:s9] =	stream.linear.scatter [tilespmem:s3], [sflag:$0x3], $0x28, $0x38;
	[tilespmem:$0x1D010] =	vst v63  }
0x5d: {  	s4 =	rddreg [dreg:$0x13]  }
0x5e: {  	[spmem:s10] =	stream.linear.scatter [tilespmem:s4], [sflag:$0x3], $0x28, $0x38;
	[tilespmem:$0x1D010] =	vst v63  }
0x5f: {  	s0 =	rddreg [dreg:$0x14]  }
0x60: {  	[spmem:s13] =	stream.linear.scatter [tilespmem:s0], [sflag:$0x3], $0x28, $0x38;
	[tilespmem:$0x1D010] =	vst v63  }
0x61: {  	s3 =	rddreg [dreg:$0x15]  }
0x62: {  	[spmem:s14] =	stream.linear.scatter [tilespmem:s3], [sflag:$0x3], $0x28, $0x38;
	[tilespmem:$0x1D010] =	vst v63  }
0x63: {  	s4 =	rddreg [dreg:$0x16]  }
0x64: {  	[spmem:s15] =	stream.linear.scatter [tilespmem:s4], [sflag:$0x3], $0x28, $0x38;
	[tilespmem:$0x1D010] =	vst v63  }
0x65: {  	s0 =	rddreg [dreg:$0x17]  }
0x66: {  	[spmem:s16] =	stream.linear.scatter [tilespmem:s0], [sflag:$0x3], $0x28, $0x38;
	[tilespmem:$0x1D010] =	vst v63  }
0x67: {  	s3 =	rddreg [dreg:$0x18]  }
0x68: {  	[spmem:s17] =	stream.linear.scatter [tilespmem:s3], [sflag:$0x3], $0x28, $0x38;
	[tilespmem:$0x1D010] =	vst v63  }
0x69: {  	s4 =	rddreg [dreg:$0x19]  }
0x6a: {  	[spmem:s18] =	stream.linear.scatter [tilespmem:s4], [sflag:$0x3], $0x28, $0x38;
	[tilespmem:$0x1D010] =	vst v63  }
0x6b: {  	s0 =	rddreg [dreg:$0x1a]  }
0x6c: {  	[spmem:s19] =	stream.linear.scatter [tilespmem:s0], [sflag:$0x3], $0x28, $0x38;
	[tilespmem:$0x1D010] =	vst v63  }
0x6d: {  	s3 =	rddreg [dreg:$0x1b]  }
0x6e: {  	[spmem:s20] =	stream.linear.scatter [tilespmem:s3], [sflag:$0x3], $0x28, $0x38;
	[tilespmem:$0x1D010] =	vst v63  }
0x6f: {  	s4 =	rddreg [dreg:$0x1c]  }
0x70: {  	[spmem:s21] =	stream.linear.scatter [tilespmem:s4], [sflag:$0x3], $0x28, $0x38;
	[tilespmem:$0x1D010] =	vst v63  }
0x71: {  	_ =	swait.ge [sflag:s24], $0x280  }
0x72: {  	[sflag:s24] =	ssyncset.done $0x0  }
0x73: {  	[sflag:s24] =	ssyncadd.s32 $0xFFFFFD80  }
0x74: {  	[bflag:$0x0] =	sbarrier.arrive $0xFFFF  }
0x75: {  	_ =	swait.ge [sflag:s25], $0x2710  }
0x76: {  	[sflag:s25] =	ssyncset.done $0x0  }
0x77: {  	s1 =	simm.s32 $0xFFFFFFFB;
	s3 =	simm.s32 $0x17EA0;
	[sflag:s25] =	ssyncadd.s32 $0xFFFFD8F0  }
.LBB2_4:
0x78: {  	v10 =	vld [tilespmem:s3+$0xFFFFFFE0];
	_ =	sdelay $0x4  }
0x79: {  	v11 =	vshrl.u32 v10, $0xE  }
0x7a: {  	v11 =	vand.u32 $0xF, v11  }
0x7b: {  	v10 =	vshra.s32 v10, $0x12;
	v11 =	vmul.u32 $0x280, v11  }
0x7c: {  	v12 =	vand.u32 $0xFFFFFFF8, v10  }
0x7d: {  	v10 =	vand.u32 $0x7, v10;
	v11 =	vadd.s32 v12, v11  }
0x7e: {  	v10 =	vor.u32 v10, v11;
	_ =	sdelay $0x4  }
0x7f: {  	[tilespmem:v10+s26+$0x0] =	vst.idx.add.f32.msk $0xffff, v3  }
0x80: {  	v10 =	vld [tilespmem:s3+$0xFFFFFFF0];
	_ =	sdelay $0x4  }
0x81: {  	v11 =	vshrl.u32 v10, $0xE  }
0x82: {  	v11 =	vand.u32 $0xF, v11  }
0x83: {  	v10 =	vshra.s32 v10, $0x12;
	v11 =	vmul.u32 $0x280, v11  }
0x84: {  	v60 =	vand.u32 $0xFFFFFFF8, v10  }
0x85: {  	v10 =	vand.u32 $0x7, v10;
	v11 =	vadd.s32 v60, v11  }
0x86: {  	v10 =	vor.u32 v10, v11;
	_ =	sdelay $0x4  }
0x87: {  	[tilespmem:v10+s26+$0x0] =	vst.idx.add.f32.msk $0xffff, v3  }
0x88: {  	v10 =	vld [tilespmem:s3+$0x0];
	_ =	sdelay $0x4  }
0x89: {  	v11 =	vshrl.u32 v10, $0xE  }
0x8a: {  	v11 =	vand.u32 $0xF, v11  }
0x8b: {  	v10 =	vshra.s32 v10, $0x12;
	v11 =	vmul.u32 $0x280, v11  }
0x8c: {  	v61 =	vand.u32 $0xFFFFFFF8, v10  }
0x8d: {  	v10 =	vand.u32 $0x7, v10;
	v11 =	vadd.s32 v61, v11  }
0x8e: {  	v10 =	vor.u32 v10, v11;
	_ =	sdelay $0x4  }
0x8f: {  	[tilespmem:v10+s26+$0x0] =	vst.idx.add.f32.msk $0xffff, v3  }
0x90: {  	v10 =	vld [tilespmem:s3+$0x10];
	_ =	sdelay $0x4  }
0x91: {  	v11 =	vshrl.u32 v10, $0xE  }
0x92: {  	v11 =	vand.u32 $0xF, v11  }
0x93: {  	v10 =	vshra.s32 v10, $0x12;
	v11 =	vmul.u32 $0x280, v11  }
0x94: {  	v62 =	vand.u32 $0xFFFFFFF8, v10  }
0x95: {  	v10 =	vand.u32 $0x7, v10;
	v11 =	vadd.s32 v62, v11  }
0x96: {  	v10 =	vor.u32 v10, v11;
	_ =	sdelay $0x4  }
0x97: {  	[tilespmem:v10+s26+$0x0] =	vst.idx.add.f32.msk $0xffff, v3  }
0x98: {  	v10 =	vld [tilespmem:s3+$0x20];
	_ =	sdelay $0x4  }
0x99: {  	v11 =	vshrl.u32 v10, $0xE  }
0x9a: {  	v11 =	vand.u32 $0xF, v11  }
0x9b: {  	v10 =	vshra.s32 v10, $0x12;
	v11 =	vmul.u32 $0x280, v11  }
0x9c: {  	v63 =	vand.u32 $0xFFFFFFF8, v10  }
0x9d: {  	s1 =	sadd.s32 $0x5, s1;
	v10 =	vand.u32 $0x7, v10;
	v11 =	vadd.s32 v63, v11  }
0x9e: {  	p1 =	slt.u32 s1, $0x26C;
	v10 =	vor.u32 v10, v11  }
.Ltmp1:
0x9f: {  	_ = 	snop;
	(pc) =	sbr.rel @p1 .LBB2_4-.Ltmp1, $2  }
0xa0: {  	_ =	sdelay $0x2  }
0xa1: {  	s3 =	sadd.s32 $0x50, s3;
	[tilespmem:v10+s26+$0x0] =	vst.idx.add.f32.msk $0xffff, v3  }
0xa2: {  	s1 =	rddreg [dreg:$0x9]  }
0xa3: {  	[tilespmem:s6], [sflag:$0x2] =	stream.linear.gather [hbm4b:s1+s23], $0x2710, $0x38;
	[tilespmem:$0x1D010] =	vst v63  }
0xa4: {  	_ =	swait.ge [sflag:s25], $0x2710  }
0xa5: {  	s4 =	smov.u32 s11;
	[sflag:s25] =	ssyncset.done $0x0  }
0xa6: {  	s3 =	simm.s32 $0x17EA0;
	s1 =	simm.s32 $0xFFFFFFFB;
	[sflag:s25] =	ssyncadd.s32 $0xFFFFD8F0  }
.LBB2_6:
0xa7: {  	v10 =	vld [tilespmem:s3+$0xFFFFFFE0];
	_ =	sdelay $0x4  }
0xa8: {  	v11 =	vshrl.u32 v10, $0xE  }
0xa9: {  	v11 =	vand.u32 $0xF, v11  }
0xaa: {  	v10 =	vshra.s32 v10, $0x12;
	v11 =	vmul.u32 $0x280, v11  }
0xab: {  	v12 =	vand.u32 $0xFFFFFFF8, v10  }
0xac: {  	v10 =	vand.u32 $0x7, v10;
	v11 =	vadd.s32 v12, v11  }
0xad: {  	v10 =	vor.u32 v10, v11;
	_ =	sdelay $0x4  }
0xae: {  	[tilespmem:v10+s26+$0x0] =	vst.idx.add.f32.msk $0xffff, v3  }
0xaf: {  	v10 =	vld [tilespmem:s3+$0xFFFFFFF0];
	_ =	sdelay $0x4  }
0xb0: {  	v11 =	vshrl.u32 v10, $0xE  }
0xb1: {  	v11 =	vand.u32 $0xF, v11  }
0xb2: {  	v10 =	vshra.s32 v10, $0x12;
	v11 =	vmul.u32 $0x280, v11  }
0xb3: {  	v60 =	vand.u32 $0xFFFFFFF8, v10  }
0xb4: {  	v10 =	vand.u32 $0x7, v10;
	v11 =	vadd.s32 v60, v11  }
0xb5: {  	v10 =	vor.u32 v10, v11;
	_ =	sdelay $0x4  }
0xb6: {  	[tilespmem:v10+s26+$0x0] =	vst.idx.add.f32.msk $0xffff, v3  }
0xb7: {  	v10 =	vld [tilespmem:s3+$0x0];
	_ =	sdelay $0x4  }
0xb8: {  	v11 =	vshrl.u32 v10, $0xE  }
0xb9: {  	v11 =	vand.u32 $0xF, v11  }
0xba: {  	v10 =	vshra.s32 v10, $0x12;
	v11 =	vmul.u32 $0x280, v11  }
0xbb: {  	v61 =	vand.u32 $0xFFFFFFF8, v10  }
0xbc: {  	v10 =	vand.u32 $0x7, v10;
	v11 =	vadd.s32 v61, v11  }
0xbd: {  	v10 =	vor.u32 v10, v11;
	_ =	sdelay $0x4  }
0xbe: {  	[tilespmem:v10+s26+$0x0] =	vst.idx.add.f32.msk $0xffff, v3  }
0xbf: {  	v10 =	vld [tilespmem:s3+$0x10];
	_ =	sdelay $0x4  }
0xc0: {  	v11 =	vshrl.u32 v10, $0xE  }
0xc1: {  	v11 =	vand.u32 $0xF, v11  }
0xc2: {  	v10 =	vshra.s32 v10, $0x12;
	v11 =	vmul.u32 $0x280, v11  }
0xc3: {  	v62 =	vand.u32 $0xFFFFFFF8, v10  }
0xc4: {  	v10 =	vand.u32 $0x7, v10;
	v11 =	vadd.s32 v62, v11  }
0xc5: {  	v10 =	vor.u32 v10, v11;
	_ =	sdelay $0x4  }
0xc6: {  	[tilespmem:v10+s26+$0x0] =	vst.idx.add.f32.msk $0xffff, v3  }
0xc7: {  	v10 =	vld [tilespmem:s3+$0x20];
	_ =	sdelay $0x4  }
0xc8: {  	v11 =	vshrl.u32 v10, $0xE  }
0xc9: {  	v11 =	vand.u32 $0xF, v11  }
0xca: {  	v10 =	vshra.s32 v10, $0x12;
	v11 =	vmul.u32 $0x280, v11  }
0xcb: {  	v63 =	vand.u32 $0xFFFFFFF8, v10  }
0xcc: {  	s1 =	sadd.s32 $0x5, s1;
	v10 =	vand.u32 $0x7, v10;
	v11 =	vadd.s32 v63, v11  }
0xcd: {  	p1 =	slt.u32 s1, $0x26C;
	v10 =	vor.u32 v10, v11  }
.Ltmp2:
0xce: {  	_ = 	snop;
	(pc) =	sbr.rel @p1 .LBB2_6-.Ltmp2, $2  }
0xcf: {  	_ =	sdelay $0x2  }
0xd0: {  	s3 =	sadd.s32 $0x50, s3;
	[tilespmem:v10+s26+$0x0] =	vst.idx.add.f32.msk $0xffff, v3  }
0xd1: {  	_ =	sdelay $0x2  }
0xd2: {  	s1 =	rddreg [dreg:$0x2]  }
0xd3: {  	[spmem:s1] =	stream.indirect_vreg.scatter.add.f32 [tilespmem:s26], [sflag:$0x3], $0x280, v1, vm0, $0xb8;
	[tilespmem:$0x1D010] =	vst v63  }
0xd4: {  	_ =	swait.ge [sflag:s24], $0x2800  }
0xd5: {  	[sflag:s24] =	ssyncset.done $0x0  }
0xd6: {  	[sflag:s24] =	ssyncadd.s32 $0xFFFFD800  }
0xd7: {  	[bflag:$0x0] =	sbarrier.arrive $0xFFFF  }
0xd8: {  	[bflag:$0x0] =	sbarrier.arrive $0xFFFF  }
0xd9: {  	[tilespmem:s26], [sflag:$0x3] =	stream.linear.gather [spmem:s8], $0x28, $0x38;
	[tilespmem:$0x1D010] =	vst v63  }
0xda: {  	s23 =	simm.s32 $0x15900  }
0xdb: {  	[tilespmem:s23], [sflag:$0x3] =	stream.linear.gather [spmem:s5], $0x28, $0x38;
	[tilespmem:$0x1D010] =	vst v63  }
0xdc: {  	s0 =	smov.u32 s5;
	s3 =	simm.s32 $0x15B80;
	s5 =	sld [smem:$0x7FD]  }
0xdd: {  	[tilespmem:s3], [sflag:$0x3] =	stream.linear.gather [spmem:s12], $0x28, $0x38;
	[tilespmem:$0x1D010] =	vst v63  }
0xde: {  	s3 =	simm.s32 $0x15E00  }
0xdf: {  	[tilespmem:s3], [sflag:$0x3] =	stream.linear.gather [spmem:s5], $0x28, $0x38;
	[tilespmem:$0x1D010] =	vst v63  }
0xe0: {  	s11 =	simm.s32 $0x16080  }
0xe1: {  	[tilespmem:s11], [sflag:$0x3] =	stream.linear.gather [spmem:s7], $0x28, $0x38;
	[tilespmem:$0x1D010] =	vst v63  }
0xe2: {  	s6 =	smov.u32 s12;
	s12 =	simm.s32 $0x16300  }
0xe3: {  	[tilespmem:s12], [sflag:$0x3] =	stream.linear.gather [spmem:s9], $0x28, $0x38;
	[tilespmem:$0x1D010] =	vst v63  }
0xe4: {  	s23 =	simm.s32 $0x16580  }
0xe5: {  	[tilespmem:s23], [sflag:$0x3] =	stream.linear.gather [spmem:s10], $0x28, $0x38;
	[tilespmem:$0x1D010] =	vst v63  }
0xe6: {  	s3 =	simm.s32 $0x16800  }
0xe7: {  	[tilespmem:s3], [sflag:$0x3] =	stream.linear.gather [spmem:s13], $0x28, $0x38;
	[tilespmem:$0x1D010] =	vst v63  }
0xe8: {  	s5 =	simm.s32 $0x16A80  }
0xe9: {  	[tilespmem:s5], [sflag:$0x3] =	stream.linear.gather [spmem:s14], $0x28, $0x38;
	[tilespmem:$0x1D010] =	vst v63  }
0xea: {  	s11 =	simm.s32 $0x16D00  }
0xeb: {  	[tilespmem:s11], [sflag:$0x3] =	stream.linear.gather [spmem:s15], $0x28, $0x38;
	[tilespmem:$0x1D010] =	vst v63  }
0xec: {  	s12 =	simm.s32 $0x16F80  }
0xed: {  	[tilespmem:s12], [sflag:$0x3] =	stream.linear.gather [spmem:s16], $0x28, $0x38;
	[tilespmem:$0x1D010] =	vst v63  }
0xee: {  	s23 =	simm.s32 $0x17200  }
0xef: {  	[tilespmem:s23], [sflag:$0x3] =	stream.linear.gather [spmem:s17], $0x28, $0x38;
	[tilespmem:$0x1D010] =	vst v63  }
0xf0: {  	s3 =	simm.s32 $0x17480  }
0xf1: {  	[tilespmem:s3], [sflag:$0x3] =	stream.linear.gather [spmem:s18], $0x28, $0x38;
	[tilespmem:$0x1D010] =	vst v63  }
0xf2: {  	s5 =	simm.s32 $0x17700  }
0xf3: {  	[tilespmem:s5], [sflag:$0x3] =	stream.linear.gather [spmem:s19], $0x28, $0x38;
	[tilespmem:$0x1D010] =	vst v63  }
0xf4: {  	s11 =	simm.s32 $0x17980  }
0xf5: {  	[tilespmem:s11], [sflag:$0x3] =	stream.linear.gather [spmem:s20], $0x28, $0x38;
	[tilespmem:$0x1D010] =	vst v63  }
0xf6: {  	s1 =	simm.s32 $0x0;
	s12 =	simm.s32 $0x17C00  }
0xf7: {  	v10 =	vmov s1;
	[tilespmem:s12], [sflag:$0x3] =	stream.linear.gather [spmem:s21], $0x28, $0x38;
	[tilespmem:$0x1D010] =	vst v63  }
0xf8: {  	v11 =	vand.u32 $0x3F, v10;
	_ =	swait.ge [sflag:s24], $0x280  }
0xf9: {  	v10 =	vor.u32 v5, v11;
	[sflag:s24] =	ssyncset.done $0x0  }
0xfa: {  	[sflag:s24] =	ssyncadd.s32 $0xFFFFFD80  }
0xfb: {  	_ =	swait.ge [sflag:s28], $0x1400  }
0xfc: {  	[sflag:s28] =	ssyncset.done $0x0  }
0xfd: {  	[sflag:s28] =	ssyncadd.s32 $0xFFFFEC00  }
0xfe: {  	v10 =	vld.idx.msk [tilespmem:v10+s26+$0x0], $0xffff;
	_ =	sdelay $0x4  }
0xff: {  	v10 =	vadd.f32 $1.000000000e+00, v10;
	_ =	sdelay $0x1  }
0x100: {  	v12 =	vshra.s32 v10, $0x1;
	v10 =	vmul.f32 $5.000000000e-01, v10  }
0x101: {  	v12 =	vsub.s32 $0x5F3759DF, v12  }
0x102: {  	v13 =	vmul.f32 v12, v10;
	_ =	sdelay $0x1  }
0x103: {  	v13 =	vmul.f32 v12, v13;
	_ =	sdelay $0x1  }
0x104: {  	v13 =	vsub.f32 $1.500000000e+00, v13;
	_ =	sdelay $0x1  }
0x105: {  	v12 =	vmul.f32 v12, v13;
	_ =	sdelay $0x1  }
0x106: {  	v13 =	vmul.f32 v12, v10;
	_ =	sdelay $0x1  }
0x107: {  	v13 =	vmul.f32 v13, v12;
	_ =	sdelay $0x1  }
0x108: {  	v13 =	vsub.f32 $1.500000000e+00, v13;
	_ =	sdelay $0x1  }
0x109: {  	v12 =	vmul.f32 v13, v12;
	_ =	sdelay $0x1  }
0x10a: {  	v10 =	vmul.f32 v12, v10;
	_ =	sdelay $0x1  }
0x10b: {  	v13 =	vmov s1;
	v10 =	vmul.f32 v10, v12  }
0x10c: {  	v13 =	vshll.u32 v13, $0x3  }
0x10d: {  	v13 =	vor.u32 v6, v13;
	v10 =	vsub.f32 $1.500000000e+00, v10;
	_ =	sdelay $0x1  }
0x10e: {  	v10 =	vmul.f32 v10, v12  }
0x10f: {  	s3 =	simm.s32 $0x1B990  }
0x110: {  	[tilespmem:s3+$0x0] =	vst v10  }
0x111: {  	v12 =	vld.idx.msk [tilespmem:v13+s22+$0x0], $0xffff;
	_ =	sdelay $0x3  }
0x112: {  	v14 =	vadd.s32 v4, v11  }
0x113: {  	v15 =	vor.u32 $0x1, v13;
	v12 =	vmul.f32 v10, v12;
	_ =	sdelay $0x1  }
0x114: {  	s23 =	simm.s32 $0x1BE90;
	v16 =	vmul.f32 v12, v0  }
0x115: {  	[tilespmem:s23+$0xFFFFFD80] =	vst v12  }
0x116: {  	[tilespmem:v14+s29+$0x0] =	vst.idx.msk $0xffff, v16  }
0x117: {  	v12 =	vld.idx.msk [tilespmem:v15+s22+$0x0], $0xffff;
	_ =	sdelay $0x3  }
0x118: {  	v14 =	vadd.s32 v7, v11  }
0x119: {  	v15 =	vor.u32 $0x2, v13;
	v12 =	vmul.f32 v10, v12;
	_ =	sdelay $0x1  }
0x11a: {  	v63 =	vmul.f32 v12, v0  }
0x11b: {  	[tilespmem:s23+$0x0] =	vst v12  }
0x11c: {  	[tilespmem:v14+s29+$0x0] =	vst.idx.msk $0xffff, v63  }
0x11d: {  	v12 =	vld.idx.msk [tilespmem:v15+s22+$0x0], $0xffff;
	_ =	sdelay $0x3  }
0x11e: {  	v14 =	vadd.s32 v8, v11  }
0x11f: {  	v13 =	vor.u32 $0x3, v13;
	v12 =	vmul.f32 v10, v12;
	_ =	sdelay $0x1  }
0x120: {  	v15 =	vmul.f32 v12, v0  }
0x121: {  	[tilespmem:s23+$0x280] =	vst v12  }
0x122: {  	[tilespmem:v14+s29+$0x0] =	vst.idx.msk $0xffff, v15  }
0x123: {  	v12 =	vld.idx.msk [tilespmem:v13+s22+$0x0], $0xffff;
	_ =	sdelay $0x2  }
0x124: {  	s11 =	simm.s32 $0x1  }
0x125: {  	v13 =	vmov s11  }
0x126: {  	v14 =	vmul.f32 v10, v12;
	v10 =	vand.u32 $0x3F, v13;
	v12 =	vadd.s32 v9, v11  }
0x127: {  	v11 =	vor.u32 v5, v10;
	_ =	sdelay $0x1  }
0x128: {  	s11 =	simm.s32 $0x2;
	[tilespmem:s23+$0x500] =	vst v14;
	v13 =	vmul.f32 v14, v0;
	s23 =	simm.s32 $0x1BEA0  }
.LBB2_8:
0x129: {  	s3 =	sadd.s32 $0x10, s3  }
0x12a: {  	[tilespmem:v12+s29+$0x0] =	vst.idx.msk $0xffff, v13;
	s1 =	sadd.s32 $0x10, s1;
	s5 =	smov.u32 s11;
	s12 =	sadd.s32 $0x1, s11  }
0x12b: {  	p1 =	sne.s32 s11, $0x27;
	v11 =	vld.idx.msk [tilespmem:v11+s26+$0x0], $0xffff;
	_ =	sdelay $0x5  }
0x12c: {  	v11 =	vadd.f32 $1.000000000e+00, v11;
	_ =	sdelay $0x1  }
0x12d: {  	v12 =	vshra.s32 v11, $0x1;
	v11 =	vmul.f32 $5.000000000e-01, v11  }
0x12e: {  	v12 =	vsub.s32 $0x5F3759DF, v12  }
0x12f: {  	v13 =	vmul.f32 v12, v11;
	_ =	sdelay $0x1  }
0x130: {  	v13 =	vmul.f32 v12, v13;
	_ =	sdelay $0x1  }
0x131: {  	v13 =	vsub.f32 $1.500000000e+00, v13;
	_ =	sdelay $0x1  }
0x132: {  	v12 =	vmul.f32 v12, v13;
	_ =	sdelay $0x1  }
0x133: {  	v13 =	vmul.f32 v12, v11;
	_ =	sdelay $0x1  }
0x134: {  	v13 =	vmul.f32 v13, v12;
	_ =	sdelay $0x1  }
0x135: {  	v13 =	vsub.f32 $1.500000000e+00, v13;
	_ =	sdelay $0x1  }
0x136: {  	v12 =	vmul.f32 v13, v12;
	_ =	sdelay $0x1  }
0x137: {  	v11 =	vmul.f32 v12, v11;
	_ =	sdelay $0x1  }
0x138: {  	v13 =	vmov s1;
	v11 =	vmul.f32 v11, v12  }
0x139: {  	v13 =	vshll.u32 v13, $0x3  }
0x13a: {  	v13 =	vor.u32 v6, v13;
	v11 =	vsub.f32 $1.500000000e+00, v11;
	_ =	sdelay $0x1  }
0x13b: {  	v14 =	vmul.f32 v11, v12;
	_ =	sdelay $0x1  }
0x13c: {  	[tilespmem:s3+$0x0] =	vst v14  }
0x13d: {  	v11 =	vld.idx.msk [tilespmem:v13+s22+$0x0], $0xffff;
	_ =	sdelay $0x4  }
0x13e: {  	v12 =	vadd.s32 v4, v10  }
0x13f: {  	v15 =	vor.u32 $0x1, v13;
	v11 =	vmul.f32 v14, v11;
	_ =	sdelay $0x1  }
0x140: {  	v16 =	vmul.f32 v11, v0  }
0x141: {  	[tilespmem:s23+$0xFFFFFD80] =	vst v11  }
0x142: {  	[tilespmem:v12+s29+$0x0] =	vst.idx.msk $0xffff, v16  }
0x143: {  	v11 =	vld.idx.msk [tilespmem:v15+s22+$0x0], $0xffff;
	_ =	sdelay $0x4  }
0x144: {  	v12 =	vadd.s32 v7, v10  }
0x145: {  	v15 =	vor.u32 $0x2, v13;
	v11 =	vmul.f32 v14, v11;
	_ =	sdelay $0x1  }
0x146: {  	[tilespmem:s23+$0x0] =	vst v11;
	v11 =	vmul.f32 v11, v0;
	_ =	sdelay $0x1  }
0x147: {  	[tilespmem:v12+s29+$0x0] =	vst.idx.msk $0xffff, v11  }
0x148: {  	v11 =	vld.idx.msk [tilespmem:v15+s22+$0x0], $0xffff;
	_ =	sdelay $0x4  }
0x149: {  	v12 =	vadd.s32 v8, v10  }
0x14a: {  	v13 =	vor.u32 $0x3, v13;
	v11 =	vmul.f32 v14, v11;
	_ =	sdelay $0x1  }
0x14b: {  	[tilespmem:s23+$0x280] =	vst v11;
	v11 =	vmul.f32 v11, v0;
	_ =	sdelay $0x1  }
0x14c: {  	[tilespmem:v12+s29+$0x0] =	vst.idx.msk $0xffff, v11  }
0x14d: {  	v13 =	vld.idx.msk [tilespmem:v13+s22+$0x0], $0xffff;
	_ =	sdelay $0x3  }
0x14e: {  	v11 =	vmov s5  }
.Ltmp3:
0x14f: {  	v12 =	vadd.s32 v9, v10;
	v10 =	vand.u32 $0x3F, v11;
	(pc) =	sbr.rel @p1 .LBB2_8-.Ltmp3, $3  }
0x150: {  	v11 =	vor.u32 v5, v10;
	v13 =	vmul.f32 v14, v13;
	_ =	sdelay $0x1  }
0x151: {  	[tilespmem:s23+$0x500] =	vst v13;
	v13 =	vmul.f32 v13, v0  }
0x152: {  	s11 =	smov.u32 s12;
	s23 =	sadd.s32 $0x10, s23  }
0x153: {  	_ =	sdelay $0x3  }
0x154: {  	[tilespmem:v12+s29+$0x0] =	vst.idx.msk $0xffff, v13  }
0x155: {  	v11 =	vld.idx.msk [tilespmem:v11+s26+$0x0], $0xffff;
	_ =	sdelay $0x4  }
0x156: {  	v11 =	vadd.f32 $1.000000000e+00, v11;
	_ =	sdelay $0x1  }
0x157: {  	v55 =	vshra.s32 v11, $0x1;
	v11 =	vmul.f32 $5.000000000e-01, v11  }
0x158: {  	v12 =	vsub.s32 $0x5F3759DF, v55  }
0x159: {  	v56 =	vmul.f32 v12, v11;
	_ =	sdelay $0x1  }
0x15a: {  	v13 =	vmul.f32 v12, v56;
	_ =	sdelay $0x1  }
0x15b: {  	v13 =	vsub.f32 $1.500000000e+00, v13;
	_ =	sdelay $0x1  }
0x15c: {  	v12 =	vmul.f32 v12, v13;
	_ =	sdelay $0x1  }
0x15d: {  	v13 =	vmul.f32 v12, v11;
	_ =	sdelay $0x1  }
0x15e: {  	v13 =	vmul.f32 v13, v12;
	_ =	sdelay $0x1  }
0x15f: {  	v13 =	vsub.f32 $1.500000000e+00, v13;
	_ =	sdelay $0x1  }
0x160: {  	v12 =	vmul.f32 v13, v12;
	_ =	sdelay $0x1  }
0x161: {  	v11 =	vmul.f32 v12, v11  }
0x162: {  	s1 =	sadd.s32 $0x10, s1  }
0x163: {  	v57 =	vmov s1;
	v11 =	vmul.f32 v11, v12  }
0x164: {  	v13 =	vshll.u32 v57, $0x3  }
0x165: {  	v13 =	vor.u32 v6, v13;
	v11 =	vsub.f32 $1.500000000e+00, v11;
	_ =	sdelay $0x1  }
0x166: {  	v11 =	vmul.f32 v11, v12  }
0x167: {  	s3 =	sadd.s32 $0x10, s3  }
0x168: {  	[tilespmem:s3+$0x0] =	vst v11  }
0x169: {  	v58 =	vld.idx.msk [tilespmem:v13+s22+$0x0], $0xffff;
	_ =	sdelay $0x3  }
0x16a: {  	v14 =	vadd.s32 v4, v10  }
0x16b: {  	v15 =	vor.u32 $0x1, v13;
	v12 =	vmul.f32 v11, v58;
	_ =	sdelay $0x1  }
0x16c: {  	v16 =	vmul.f32 v12, v0  }
0x16d: {  	[tilespmem:s23+$0xFFFFFD80] =	vst v12  }
0x16e: {  	[tilespmem:v14+s29+$0x0] =	vst.idx.msk $0xffff, v16  }
0x16f: {  	v12 =	vld.idx.msk [tilespmem:v15+s22+$0x0], $0xffff;
	_ =	sdelay $0x3  }
0x170: {  	v59 =	vadd.s32 v7, v10  }
0x171: {  	v60 =	vor.u32 $0x2, v13;
	v12 =	vmul.f32 v11, v12;
	_ =	sdelay $0x1  }
0x172: {  	v61 =	vmul.f32 v12, v0  }
0x173: {  	[tilespmem:s23+$0x0] =	vst v12  }
0x174: {  	[tilespmem:v59+s29+$0x0] =	vst.idx.msk $0xffff, v61  }
0x175: {  	v12 =	vld.idx.msk [tilespmem:v60+s22+$0x0], $0xffff;
	_ =	sdelay $0x3  }
0x176: {  	v62 =	vadd.s32 v8, v10  }
0x177: {  	v13 =	vor.u32 $0x3, v13;
	v12 =	vmul.f32 v11, v12;
	_ =	sdelay $0x1  }
0x178: {  	v63 =	vmul.f32 v12, v0  }
0x179: {  	[tilespmem:s23+$0x280] =	vst v12  }
0x17a: {  	[tilespmem:v62+s29+$0x0] =	vst.idx.msk $0xffff, v63  }
0x17b: {  	v12 =	vld.idx.msk [tilespmem:v13+s22+$0x0], $0xffff;
	_ =	sdelay $0x3  }
0x17c: {  	v10 =	vadd.s32 v9, v10  }
0x17d: {  	v11 =	vmul.f32 v11, v12;
	_ =	sdelay $0x1  }
0x17e: {  	v12 =	vmul.f32 v11, v0  }
0x17f: {  	[tilespmem:s23+$0x500] =	vst v11  }
0x180: {  	s5 =	rddreg [dreg:$0xa];
	s11 =	simm.s32 $0x1BC10;
	[tilespmem:v10+s29+$0x0] =	vst.idx.msk $0xffff, v12  }
0x181: {  	[spmem:s5] =	stream.linear.scatter [tilespmem:s11], [sflag:$0x3], $0x280, $0x38;
	[tilespmem:$0x1D010] =	vst v63  }
0x182: {  	_ =	swait.ge [sflag:s24], $0x280  }
0x183: {  	[sflag:s24] =	ssyncset.done $0x0  }
0x184: {  	s23 =	simm.s32 $0x1BE90;
	s12 =	rddreg [dreg:$0x1d];
	[sflag:s24] =	ssyncadd.s32 $0xFFFFFD80  }
0x185: {  	[spmem:s12] =	stream.linear.scatter [tilespmem:s23], [sflag:$0x3], $0x280, $0x38;
	[tilespmem:$0x1D010] =	vst v63  }
0x186: {  	_ =	swait.ge [sflag:s24], $0x280  }
0x187: {  	[sflag:s24] =	ssyncset.done $0x0  }
0x188: {  	s11 =	simm.s32 $0x1C110;
	s5 =	rddreg [dreg:$0x1e];
	[sflag:s24] =	ssyncadd.s32 $0xFFFFFD80  }
0x189: {  	[spmem:s5] =	stream.linear.scatter [tilespmem:s11], [sflag:$0x3], $0x280, $0x38;
	[tilespmem:$0x1D010] =	vst v63  }
0x18a: {  	_ =	swait.ge [sflag:s24], $0x280  }
0x18b: {  	[sflag:s24] =	ssyncset.done $0x0  }
0x18c: {  	s23 =	simm.s32 $0x1C390;
	s12 =	rddreg [dreg:$0x1f];
	[sflag:s24] =	ssyncadd.s32 $0xFFFFFD80  }
0x18d: {  	[spmem:s12] =	stream.linear.scatter [tilespmem:s23], [sflag:$0x3], $0x280, $0x38;
	[tilespmem:$0x1D010] =	vst v63  }
0x18e: {  	_ =	swait.ge [sflag:s24], $0x280  }
0x18f: {  	[sflag:s24] =	ssyncset.done $0x0  }
0x190: {  	s5 =	simm.s32 $0x28;
	s12 =	simm.s32 $0x280;
	[sflag:s24] =	ssyncadd.s32 $0xFFFFFD80  }
0x191: {  	[spmem:s4] =	stream.strided.scatter [tilespmem:s29], [sflag:$0x3], $0xA00, s12, s5, $0x38;
	[tilespmem:$0x1D010] =	vst v63  }
0x192: {  	_ =	swait.ge [sflag:s24], $0xA00  }
0x193: {  	s1 =	simm.s32 @!p0 $0x0;
	s3 =	simm.s32 @!p0 $0x1B990;
	[sflag:s24] =	ssyncset.done $0x0  }
0x194: {  	s11 =	smov.u32 s4;
	s4 =	rddreg [dreg:$0xb];
	[sflag:s24] =	ssyncadd.s32 $0xFFFFF600  }
0x195: {  	[hbm4b:s4+s1] =	stream.linear.scatter @!p0 [tilespmem:s3], [sflag:$0x3], $0x280, $0x38;
	[tilespmem:$0x1D010] =	vst v63  }
0x196: {  	s1 =	simm.s32 @!p0 $0x3  }
0x197: {  	_ =	swait.ge @!p0 [sflag:s1], $0x280  }
0x198: {  	[sflag:s1] =	ssyncset.done @!p0 $0x0  }
0x199: {  	[sflag:s1] =	ssyncadd.s32 @!p0 $0xFFFFFD80  }
0x19a: {  	[bflag:$0x0] =	sbarrier.arrive $0xFFFF  }
0x19b: {  	[bflag:$0x0] =	sbarrier.arrive $0xFFFF  }
0x19c: {  	s3 =	simm.s32 $0x40;
	s1 =	simm.s32 $0x0;
	s23 =	rddreg [dreg:$0x3]  }
0x19d: {  	[tilespmem:s30], [sflag:$0x1] =	stream.linear.gather [spmem:s23], $0xA000, $0x38;
	[tilespmem:$0x1D010] =	vst v63  }
.LBB2_10:
0x19e: {  	p1 =	sne.s32 s3, $0x9C0;
	[tilespmem:s1+$0x15400] =	vst v2  }
0x19f: {  	[tilespmem:s1+$0xB680] =	vst v2  }
0x1a0: {  	[tilespmem:s1+$0xB900] =	vst v2  }
0x1a1: {  	[tilespmem:s1+$0xBB80] =	vst v2  }
0x1a2: {  	[tilespmem:s1+$0xBE00] =	vst v2  }
0x1a3: {  	[tilespmem:s1+$0xC080] =	vst v2  }
0x1a4: {  	[tilespmem:s1+$0xC300] =	vst v2  }
0x1a5: {  	[tilespmem:s1+$0xC580] =	vst v2  }
0x1a6: {  	[tilespmem:s1+$0xC800] =	vst v2  }
0x1a7: {  	[tilespmem:s1+$0xCA80] =	vst v2  }
0x1a8: {  	[tilespmem:s1+$0xCD00] =	vst v2  }
0x1a9: {  	[tilespmem:s1+$0xCF80] =	vst v2  }
0x1aa: {  	[tilespmem:s1+$0xD200] =	vst v2  }
0x1ab: {  	[tilespmem:s1+$0xD480] =	vst v2  }
0x1ac: {  	[tilespmem:s1+$0xD700] =	vst v2  }
0x1ad: {  	[tilespmem:s1+$0xD980] =	vst v2  }
0x1ae: {  	[tilespmem:s1+$0xDC00] =	vst v2  }
0x1af: {  	[tilespmem:s1+$0xDE80] =	vst v2  }
0x1b0: {  	[tilespmem:s1+$0xE100] =	vst v2  }
0x1b1: {  	[tilespmem:s1+$0xE380] =	vst v2  }
0x1b2: {  	[tilespmem:s1+$0xE600] =	vst v2  }
0x1b3: {  	[tilespmem:s1+$0xE880] =	vst v2  }
0x1b4: {  	[tilespmem:s1+$0xEB00] =	vst v2  }
0x1b5: {  	[tilespmem:s1+$0xED80] =	vst v2  }
0x1b6: {  	[tilespmem:s1+$0xF000] =	vst v2  }
0x1b7: {  	[tilespmem:s1+$0xF280] =	vst v2  }
0x1b8: {  	[tilespmem:s1+$0xF500] =	vst v2  }
0x1b9: {  	[tilespmem:s1+$0xF780] =	vst v2  }
0x1ba: {  	[tilespmem:s1+$0xFA00] =	vst v2  }
0x1bb: {  	[tilespmem:s1+$0xFC80] =	vst v2  }
0x1bc: {  	[tilespmem:s1+$0xFF00] =	vst v2  }
0x1bd: {  	[tilespmem:s1+$0x10180] =	vst v2  }
0x1be: {  	[tilespmem:s1+$0x10400] =	vst v2  }
0x1bf: {  	[tilespmem:s1+$0x10680] =	vst v2  }
0x1c0: {  	[tilespmem:s1+$0x10900] =	vst v2  }
0x1c1: {  	[tilespmem:s1+$0x10B80] =	vst v2  }
0x1c2: {  	[tilespmem:s1+$0x10E00] =	vst v2  }
0x1c3: {  	[tilespmem:s1+$0x11080] =	vst v2  }
0x1c4: {  	[tilespmem:s1+$0x11300] =	vst v2  }
0x1c5: {  	[tilespmem:s1+$0x11580] =	vst v2  }
0x1c6: {  	[tilespmem:s1+$0x11800] =	vst v2  }
0x1c7: {  	[tilespmem:s1+$0x11A80] =	vst v2  }
0x1c8: {  	[tilespmem:s1+$0x11D00] =	vst v2  }
0x1c9: {  	[tilespmem:s1+$0x11F80] =	vst v2  }
0x1ca: {  	[tilespmem:s1+$0x12200] =	vst v2  }
0x1cb: {  	[tilespmem:s1+$0x12480] =	vst v2  }
0x1cc: {  	[tilespmem:s1+$0x12700] =	vst v2  }
0x1cd: {  	[tilespmem:s1+$0x12980] =	vst v2  }
0x1ce: {  	[tilespmem:s1+$0x12C00] =	vst v2  }
0x1cf: {  	[tilespmem:s1+$0x12E80] =	vst v2  }
0x1d0: {  	[tilespmem:s1+$0x13100] =	vst v2  }
0x1d1: {  	[tilespmem:s1+$0x13380] =	vst v2  }
0x1d2: {  	[tilespmem:s1+$0x13600] =	vst v2  }
0x1d3: {  	[tilespmem:s1+$0x13880] =	vst v2  }
0x1d4: {  	[tilespmem:s1+$0x13B00] =	vst v2  }
0x1d5: {  	[tilespmem:s1+$0x13D80] =	vst v2  }
0x1d6: {  	[tilespmem:s1+$0x14000] =	vst v2  }
0x1d7: {  	[tilespmem:s1+$0x14280] =	vst v2  }
0x1d8: {  	[tilespmem:s1+$0x14500] =	vst v2  }
.Ltmp4:
0x1d9: {  	[tilespmem:s1+$0x14780] =	vst v2;
	(pc) =	sbr.rel @p1 .LBB2_10-.Ltmp4, $4  }
0x1da: {  	[tilespmem:s1+$0x14A00] =	vst v2  }
0x1db: {  	[tilespmem:s1+$0x14C80] =	vst v2  }
0x1dc: {  	[tilespmem:s1+$0x14F00] =	vst v2  }
0x1dd: {  	[tilespmem:s1+$0x15180] =	vst v2;
	s1 =	sshra.s32 s3, $0x2;
	s3 =	sadd.s32 $0x40, s3  }
0x1de: {  	[tilespmem:s1+$0x15400] =	vst v2  }
0x1df: {  	[tilespmem:s1+$0xB680] =	vst v2  }
0x1e0: {  	[tilespmem:s1+$0xB900] =	vst v2  }
0x1e1: {  	[tilespmem:s1+$0xBB80] =	vst v2  }
0x1e2: {  	[tilespmem:s1+$0xBE00] =	vst v2  }
0x1e3: {  	[tilespmem:s1+$0xC080] =	vst v2  }
0x1e4: {  	[tilespmem:s1+$0xC300] =	vst v2  }
0x1e5: {  	[tilespmem:s1+$0xC580] =	vst v2  }
0x1e6: {  	[tilespmem:s1+$0xC800] =	vst v2  }
0x1e7: {  	[tilespmem:s1+$0xCA80] =	vst v2  }
0x1e8: {  	[tilespmem:s1+$0xCD00] =	vst v2  }
0x1e9: {  	[tilespmem:s1+$0xCF80] =	vst v2  }
0x1ea: {  	[tilespmem:s1+$0xD200] =	vst v2  }
0x1eb: {  	[tilespmem:s1+$0xD480] =	vst v2  }
0x1ec: {  	[tilespmem:s1+$0xD700] =	vst v2  }
0x1ed: {  	[tilespmem:s1+$0xD980] =	vst v2  }
0x1ee: {  	[tilespmem:s1+$0xDC00] =	vst v2  }
0x1ef: {  	[tilespmem:s1+$0xDE80] =	vst v2  }
0x1f0: {  	[tilespmem:s1+$0xE100] =	vst v2  }
0x1f1: {  	[tilespmem:s1+$0xE380] =	vst v2  }
0x1f2: {  	[tilespmem:s1+$0xE600] =	vst v2  }
0x1f3: {  	[tilespmem:s1+$0xE880] =	vst v2  }
0x1f4: {  	[tilespmem:s1+$0xEB00] =	vst v2  }
0x1f5: {  	[tilespmem:s1+$0xED80] =	vst v2  }
0x1f6: {  	[tilespmem:s1+$0xF000] =	vst v2  }
0x1f7: {  	[tilespmem:s1+$0xF280] =	vst v2  }
0x1f8: {  	[tilespmem:s1+$0xF500] =	vst v2  }
0x1f9: {  	[tilespmem:s1+$0xF780] =	vst v2  }
0x1fa: {  	[tilespmem:s1+$0xFA00] =	vst v2  }
0x1fb: {  	[tilespmem:s1+$0xFC80] =	vst v2  }
0x1fc: {  	[tilespmem:s1+$0xFF00] =	vst v2  }
0x1fd: {  	[tilespmem:s1+$0x10180] =	vst v2  }
0x1fe: {  	[tilespmem:s1+$0x10400] =	vst v2  }
0x1ff: {  	[tilespmem:s1+$0x10680] =	vst v2  }
0x200: {  	[tilespmem:s1+$0x10900] =	vst v2  }
0x201: {  	[tilespmem:s1+$0x10B80] =	vst v2  }
0x202: {  	[tilespmem:s1+$0x10E00] =	vst v2  }
0x203: {  	[tilespmem:s1+$0x11080] =	vst v2  }
0x204: {  	[tilespmem:s1+$0x11300] =	vst v2  }
0x205: {  	[tilespmem:s1+$0x11580] =	vst v2  }
0x206: {  	[tilespmem:s1+$0x11800] =	vst v2  }
0x207: {  	[tilespmem:s1+$0x11A80] =	vst v2  }
0x208: {  	[tilespmem:s1+$0x11D00] =	vst v2  }
0x209: {  	[tilespmem:s1+$0x11F80] =	vst v2  }
0x20a: {  	[tilespmem:s1+$0x12200] =	vst v2  }
0x20b: {  	[tilespmem:s1+$0x12480] =	vst v2  }
0x20c: {  	[tilespmem:s1+$0x12700] =	vst v2  }
0x20d: {  	[tilespmem:s1+$0x12980] =	vst v2  }
0x20e: {  	[tilespmem:s1+$0x12C00] =	vst v2  }
0x20f: {  	[tilespmem:s1+$0x12E80] =	vst v2  }
0x210: {  	[tilespmem:s1+$0x13100] =	vst v2  }
0x211: {  	[tilespmem:s1+$0x13380] =	vst v2  }
0x212: {  	[tilespmem:s1+$0x13600] =	vst v2  }
0x213: {  	[tilespmem:s1+$0x13880] =	vst v2  }
0x214: {  	[tilespmem:s1+$0x13B00] =	vst v2  }
0x215: {  	[tilespmem:s1+$0x13D80] =	vst v2  }
0x216: {  	[tilespmem:s1+$0x14000] =	vst v2  }
0x217: {  	[tilespmem:s1+$0x14280] =	vst v2  }
0x218: {  	[tilespmem:s1+$0x14500] =	vst v2  }
0x219: {  	[tilespmem:s1+$0x14780] =	vst v2  }
0x21a: {  	[tilespmem:s1+$0x14A00] =	vst v2  }
0x21b: {  	[tilespmem:s1+$0x14C80] =	vst v2  }
0x21c: {  	[tilespmem:s1+$0x14F00] =	vst v2  }
0x21d: {  	[tilespmem:s1+$0x15180] =	vst v2  }
0x21e: {  	_ =	swait.ge [sflag:s28], $0xA000  }
0x21f: {  	s1 =	simm.s32 $0xFFFFFFFB;
	s3 =	simm.s32 $0x17EA0;
	[sflag:s28] =	ssyncset.done $0x0  }
0x220: {  	s23 =	simm.s32 $0x0;
	s5 =	smov.u32 s0;
	[sflag:s28] =	ssyncadd.s32 $0xFFFF6000  }
.LBB2_12:
0x221: {  	v10 =	vld [tilespmem:s3+$0xFFFFFFE0];
	_ =	sdelay $0x4  }
0x222: {  	v11 =	vshrl.u32 v10, $0xE;
	v12 =	vand.u32 $0x3FFF, v10  }
0x223: {  	v11 =	vand.u32 $0xF, v11;
	v13 =	vadd.s32 $0x2800, v12  }
0x224: {  	v10 =	vshra.s32 v10, $0x12;
	v14 =	vadd.s32 $0x5000, v12;
	v11 =	vmul.u32 $0xA00, v11  }
0x225: {  	v15 =	vadd.s32 $0x7800, v12;
	v16 =	vand.u32 $0xFFFFFFF8, v10  }
0x226: {  	v10 =	vand.u32 $0x7, v10;
	v11 =	vadd.s32 v16, v11  }
0x227: {  	v12 =	vld.idx.msk [tilespmem:v12+s30+$0x0], $0xffff;
	v10 =	vor.u32 v10, v11  }
0x228: {  	v11 =	vld.idx.msk [tilespmem:v13+s30+$0x0], $0xffff;
	v30 =	vadd.s32 $0x280, v10  }
0x229: {  	v14 =	vld.idx.msk [tilespmem:v14+s30+$0x0], $0xffff;
	v31 =	vadd.s32 $0x500, v10  }
0x22a: {  	v15 =	vld.idx.msk [tilespmem:v15+s30+$0x0], $0xffff;
	v17 =	vadd.s32 $0x780, v10;
	_ =	sdelay $0x1  }
0x22b: {  	[tilespmem:v10+s31+$0x0] =	vst.idx.add.f32.msk $0xffff, v12  }
0x22c: {  	[tilespmem:v30+s31+$0x0] =	vst.idx.add.f32.msk $0xffff, v11  }
0x22d: {  	[tilespmem:v31+s31+$0x0] =	vst.idx.add.f32.msk $0xffff, v14  }
0x22e: {  	[tilespmem:v17+s31+$0x0] =	vst.idx.add.f32.msk $0xffff, v15  }
0x22f: {  	v10 =	vld [tilespmem:s3+$0xFFFFFFF0];
	_ =	sdelay $0x4  }
0x230: {  	v11 =	vshrl.u32 v10, $0xE;
	v32 =	vand.u32 $0x3FFF, v10  }
0x231: {  	v11 =	vand.u32 $0xF, v11;
	v33 =	vadd.s32 $0x2800, v32  }
0x232: {  	v10 =	vshra.s32 v10, $0x12;
	v34 =	vadd.s32 $0x5000, v32;
	v11 =	vmul.u32 $0xA00, v11  }
0x233: {  	v35 =	vadd.s32 $0x7800, v32;
	v36 =	vand.u32 $0xFFFFFFF8, v10  }
0x234: {  	v10 =	vand.u32 $0x7, v10;
	v11 =	vadd.s32 v36, v11  }
0x235: {  	v12 =	vld.idx.msk [tilespmem:v32+s30+$0x0], $0xffff;
	v10 =	vor.u32 v10, v11  }
0x236: {  	v11 =	vld.idx.msk [tilespmem:v33+s30+$0x0], $0xffff;
	v37 =	vadd.s32 $0x280, v10  }
0x237: {  	v14 =	vld.idx.msk [tilespmem:v34+s30+$0x0], $0xffff;
	v38 =	vadd.s32 $0x500, v10  }
0x238: {  	v15 =	vld.idx.msk [tilespmem:v35+s30+$0x0], $0xffff;
	v39 =	vadd.s32 $0x780, v10;
	_ =	sdelay $0x1  }
0x239: {  	[tilespmem:v10+s31+$0x0] =	vst.idx.add.f32.msk $0xffff, v12  }
0x23a: {  	[tilespmem:v37+s31+$0x0] =	vst.idx.add.f32.msk $0xffff, v11  }
0x23b: {  	[tilespmem:v38+s31+$0x0] =	vst.idx.add.f32.msk $0xffff, v14  }
0x23c: {  	[tilespmem:v39+s31+$0x0] =	vst.idx.add.f32.msk $0xffff, v15  }
0x23d: {  	v10 =	vld [tilespmem:s3+$0x0];
	_ =	sdelay $0x4  }
0x23e: {  	v11 =	vshrl.u32 v10, $0xE;
	v40 =	vand.u32 $0x3FFF, v10  }
0x23f: {  	v11 =	vand.u32 $0xF, v11;
	v41 =	vadd.s32 $0x2800, v40  }
0x240: {  	v10 =	vshra.s32 v10, $0x12;
	v42 =	vadd.s32 $0x5000, v40;
	v11 =	vmul.u32 $0xA00, v11  }
0x241: {  	v43 =	vadd.s32 $0x7800, v40;
	v44 =	vand.u32 $0xFFFFFFF8, v10  }
0x242: {  	v10 =	vand.u32 $0x7, v10;
	v11 =	vadd.s32 v44, v11  }
0x243: {  	v12 =	vld.idx.msk [tilespmem:v40+s30+$0x0], $0xffff;
	v10 =	vor.u32 v10, v11  }
0x244: {  	v11 =	vld.idx.msk [tilespmem:v41+s30+$0x0], $0xffff;
	v45 =	vadd.s32 $0x280, v10  }
0x245: {  	v14 =	vld.idx.msk [tilespmem:v42+s30+$0x0], $0xffff;
	v46 =	vadd.s32 $0x500, v10  }
0x246: {  	v15 =	vld.idx.msk [tilespmem:v43+s30+$0x0], $0xffff;
	v47 =	vadd.s32 $0x780, v10;
	_ =	sdelay $0x1  }
0x247: {  	[tilespmem:v10+s31+$0x0] =	vst.idx.add.f32.msk $0xffff, v12  }
0x248: {  	[tilespmem:v45+s31+$0x0] =	vst.idx.add.f32.msk $0xffff, v11  }
0x249: {  	[tilespmem:v46+s31+$0x0] =	vst.idx.add.f32.msk $0xffff, v14  }
0x24a: {  	[tilespmem:v47+s31+$0x0] =	vst.idx.add.f32.msk $0xffff, v15  }
0x24b: {  	v10 =	vld [tilespmem:s3+$0x10];
	_ =	sdelay $0x4  }
0x24c: {  	v11 =	vshrl.u32 v10, $0xE;
	v48 =	vand.u32 $0x3FFF, v10  }
0x24d: {  	v11 =	vand.u32 $0xF, v11;
	v49 =	vadd.s32 $0x2800, v48  }
0x24e: {  	v10 =	vshra.s32 v10, $0x12;
	v50 =	vadd.s32 $0x5000, v48;
	v11 =	vmul.u32 $0xA00, v11  }
0x24f: {  	v51 =	vadd.s32 $0x7800, v48;
	v52 =	vand.u32 $0xFFFFFFF8, v10  }
0x250: {  	v10 =	vand.u32 $0x7, v10;
	v11 =	vadd.s32 v52, v11  }
0x251: {  	v12 =	vld.idx.msk [tilespmem:v48+s30+$0x0], $0xffff;
	v10 =	vor.u32 v10, v11  }
0x252: {  	v11 =	vld.idx.msk [tilespmem:v49+s30+$0x0], $0xffff;
	v53 =	vadd.s32 $0x280, v10  }
0x253: {  	v14 =	vld.idx.msk [tilespmem:v50+s30+$0x0], $0xffff;
	v54 =	vadd.s32 $0x500, v10  }
0x254: {  	v15 =	vld.idx.msk [tilespmem:v51+s30+$0x0], $0xffff;
	v55 =	vadd.s32 $0x780, v10;
	_ =	sdelay $0x1  }
0x255: {  	[tilespmem:v10+s31+$0x0] =	vst.idx.add.f32.msk $0xffff, v12  }
0x256: {  	[tilespmem:v53+s31+$0x0] =	vst.idx.add.f32.msk $0xffff, v11  }
0x257: {  	[tilespmem:v54+s31+$0x0] =	vst.idx.add.f32.msk $0xffff, v14  }
0x258: {  	[tilespmem:v55+s31+$0x0] =	vst.idx.add.f32.msk $0xffff, v15  }
0x259: {  	v10 =	vld [tilespmem:s3+$0x20];
	_ =	sdelay $0x4  }
0x25a: {  	v11 =	vshrl.u32 v10, $0xE;
	v56 =	vand.u32 $0x3FFF, v10  }
0x25b: {  	v11 =	vand.u32 $0xF, v11;
	v57 =	vadd.s32 $0x2800, v56  }
0x25c: {  	v10 =	vshra.s32 v10, $0x12;
	v58 =	vadd.s32 $0x5000, v56;
	v11 =	vmul.u32 $0xA00, v11  }
0x25d: {  	v59 =	vadd.s32 $0x7800, v56;
	v60 =	vand.u32 $0xFFFFFFF8, v10  }
0x25e: {  	v10 =	vand.u32 $0x7, v10;
	v11 =	vadd.s32 v60, v11  }
0x25f: {  	v12 =	vld.idx.msk [tilespmem:v56+s30+$0x0], $0xffff;
	v10 =	vor.u32 v10, v11  }
0x260: {  	v11 =	vld.idx.msk [tilespmem:v57+s30+$0x0], $0xffff;
	v61 =	vadd.s32 $0x280, v10  }
0x261: {  	s1 =	sadd.s32 $0x5, s1;
	v14 =	vld.idx.msk [tilespmem:v58+s30+$0x0], $0xffff;
	v62 =	vadd.s32 $0x500, v10  }
0x262: {  	p1 =	slt.u32 s1, $0x26C;
	v15 =	vld.idx.msk [tilespmem:v59+s30+$0x0], $0xffff;
	v63 =	vadd.s32 $0x780, v10  }
.Ltmp5:
0x263: {  	_ = 	snop;
	(pc) =	sbr.rel @p1 .LBB2_12-.Ltmp5, $4  }
0x264: {  	[tilespmem:v10+s31+$0x0] =	vst.idx.add.f32.msk $0xffff, v12  }
0x265: {  	[tilespmem:v61+s31+$0x0] =	vst.idx.add.f32.msk $0xffff, v11  }
0x266: {  	[tilespmem:v62+s31+$0x0] =	vst.idx.add.f32.msk $0xffff, v14  }
0x267: {  	s3 =	sadd.s32 $0x50, s3;
	[tilespmem:v63+s31+$0x0] =	vst.idx.add.f32.msk $0xffff, v15  }
0x268: {  	_ =	sdelay $0x2  }
0x269: {  	s1 =	rddreg [dreg:$0x4]  }
0x26a: {  	[spmem:s1] =	stream.indirect_vreg.scatter.add.f32 [tilespmem:s31], [sflag:$0x3], $0xA00, v1, vm0, $0xb8;
	[tilespmem:$0x1D010] =	vst v63  }
0x26b: {  	_ =	swait.ge [sflag:s24], $0xA000  }
0x26c: {  	[sflag:s24] =	ssyncset.done $0x0  }
0x26d: {  	[sflag:s24] =	ssyncadd.s32 $0xFFFF6000  }
0x26e: {  	s4 =	stileid.u32;
	s3 =	sshrl.u32 s11, $0x3;
	[bflag:$0x0] =	sbarrier.arrive $0xFFFF  }
0x26f: {  	s0 =	simm.s32 $0x5;
	s1 =	sshll.u32 s4, $0x6;
	[bflag:$0x0] =	sbarrier.arrive $0xFFFF  }
0x270: {  	s12 =	simm.s32 $0x50;
	s1 =	sor.u32 $0x1C03, s1;
	s4 =	rddreg [dreg:$0xc]  }
0x271: {  	[hbm:s4@s0], [sflag:s1] =	dma.strided [spmem:s3@s12], $0x140, s28, $0x5   }
0x272: {  	_ =	swait.ge [sflag:s24], $0x140  }
0x273: {  	s2 =	sadd.s32 $0x1, s2;
	s12 =	rddreg [dreg:$0xd]  }
0x274: {  	p1 =	sne.s32 s2, s12  }
.Ltmp6:
0x275: {  	_ = 	snop;
	(pc) =	sbr.rel @p1 .LBB2_1-.Ltmp6, $3  }
0x276: {  	_ =	sdelay $0x1  }
0x277: {  	[sflag:s24] =	ssyncset.done $0x0  }
0x278: {  	[sflag:s24] =	ssyncadd.s32 $0xFFFFFEC0;
	s12 =	smov.u32 s6;
	s6 =	simm.s32 $0x17E80  }
0x279: {  	_ =	sfence.sel $0x180000  }
0x27a: {  	[bflag:$0x0] =	sbarrier.arrive $0xFFFF  }
0x27b: {  	_ =	strace $0x90000047  }
0x27c: {  	s0 =	stileid.u32;
	[bflag:$0x2] =	sbarrier.arrive $0xFFFF  }
0x27d: {  	p0 =	sne.s32 s0, $0x0;
	s0 =	rddreg [dreg:$0x5]  }
0x27e: {  	s0 =	sadd.s32 @!p0 $0x100000, s0  }
0x27f: {  	[sflag:s0] =	ssyncadd.tile.s32 @!p0 $0x1;
	_ =	shalt  }
.Lfunc_end2:
_tile_overlayer_lowered:
.L_overlay_start_2:
0x280: {  	(tag) =	ssettag $0x2  }
0x281: {  	s0 =	rddreg [dreg:$0x0];
	s2 =	stileid.u32  }
0x282: {  	s1 =	rddreg [dreg:$0x1];
	p0 =	sne.s32 s2, $0x0  }
0x283: {  	s3 =	rddreg [dreg:$0x2];
	[bflag:$0x3] =	sbarrier.arrive $0xFFFF;
	s2 =	simm.s32 @!p0 $0x1C03  }
0x284: {  	[timem:s3], [sflag:s2] =	dma.local @!p0 [hbm:s0], s1  }
0x285: {  	s0 =	simm.s32 @!p0 $0x3  }
0x286: {  	_ =	swait.ge @!p0 [sflag:s0], s1  }
0x287: {  	s1 =	ssub.s32 @!p0 $0x0, s1;
	[sflag:s0] =	ssyncset.done @!p0 $0x0  }
0x288: {  	[sflag:s0] =	ssyncadd.s32 @!p0 s1  }
0x289: {  	[bflag:$0x3] =	sbarrier.arrive $0xFFFF  }
0x28a: {  	_ =	shalt  }

</sc_bundles>
